<compile_context>
chip_gen: v7x
topology: tpu7x:2x2x1
jax: 0.10.2.dev20260603
libtpu: 0.0.44.dev20260713+nightly
codegen_flags: <defaults>
</compile_context>

<pallas_src>
import jax
import jax.numpy as jnp
from jax import lax
from jax.experimental import pallas as pl
from jax.experimental.pallas import tpu as pltpu
from jax.experimental.pallas import tpu_sc as plsc

N = 1024
D = 64
D_USE = 48
M = 1000
EPS = 1e-8
NPAIRS = N * (N - 1) // 2

_NC = 2
_NS = 16
_NW = _NC * _NS
_ROWS = N // _NW
_L = 16


def _sc_affinity_body(yt_hbm, lut_hbm, a_hbm, yt_v, idx_v, sidx_v, rows_v,
                      out_v, sem, sem2):
    wid = lax.axis_index("s") * _NC + lax.axis_index("c")
    base = pl.multiple_of(wid * _ROWS, _ROWS)
    pltpu.sync_copy(yt_hbm, yt_v)
    pltpu.sync_copy(yt_hbm.at[pl.ds(base, _ROWS)], idx_v)
    lane = lax.iota(jnp.int32, _L)
    for v in range(_ROWS * 8 // _L):
        j = lane + (v * _L)
        yt16 = plsc.load_gather(idx_v, [j >> 3])
        sidx_v[v // 8, pl.ds((v % 8) * _L, _L)] = (yt16 << 3) + (j & 7)
    cp0 = pltpu.async_copy(
        lut_hbm.at[sidx_v.at[0]], rows_v.at[pl.ds(0, 128)], sem)
    cp1 = pltpu.async_copy(
        lut_hbm.at[sidx_v.at[1]], rows_v.at[pl.ds(128, 128)], sem)
    cp0.wait()
    cp1.wait()

    def oct_body(sub, _):
        gb = pl.multiple_of(sub * 128, 128)
        for gi in range(8):
            col16 = yt_v[pl.ds(gb + gi * _L, _L)]
            srow = col16 >> 7
            lcol = col16 & 127
            off = gi * _L
            for r0 in range(0, _ROWS, 8):
                vals = [
                    plsc.load_gather(rows_v, [srow + (r0 + k) * 8, lcol])
                    for k in range(8)
                ]
                for k in range(8):
                    out_v[(r0 + k) * 8 + sub, pl.ds(off, _L)] = vals[k]
        return 0

    lax.fori_loop(0, 8, oct_body, 0)
    pltpu.sync_copy(out_v, a_hbm.at[pl.ds(base * 8, _ROWS * 8), :])


def _sc_affinity(y_true, lut_sub):
    mesh = plsc.VectorSubcoreMesh(core_axis_name="c", subcore_axis_name="s")
    fn = pl.kernel(
        _sc_affinity_body,
        out_type=jax.ShapeDtypeStruct((N * 8, N // 8), jnp.float32),
        mesh=mesh,
        scratch_types=[
            pltpu.VMEM((N,), jnp.int32),
            pltpu.VMEM((_ROWS,), jnp.int32),
            pltpu.VMEM((2, 128), jnp.int32),
            pltpu.VMEM((_ROWS * 8, N // 8), jnp.float32),
            pltpu.VMEM((_ROWS * 8, N // 8), jnp.float32),
            pltpu.SemaphoreType.DMA,
            pltpu.SemaphoreType.DMA,
        ],
        compiler_params=pltpu.CompilerParams(
            use_tc_tiling_on_sc=False, needs_layout_passes=False
        ),
    )
    return fn(y_true, lut_sub)


_RB = 128
_LUTB = 200


def _tc_retile_body(lut_ref, out_ref):
    x = lut_ref[...]
    x = jnp.concatenate(
        [x, jnp.zeros((_LUTB, N - M), jnp.float32)], axis=1)
    out_ref[...] = jnp.reshape(x, (_LUTB * 8, N // 8))


def _tc_retile(lookup):
    grid = M // _LUTB
    return pl.pallas_call(
        _tc_retile_body,
        grid=(grid,),
        in_specs=[pl.BlockSpec((_LUTB, M), lambda i: (i, 0))],
        out_specs=pl.BlockSpec((_LUTB * 8, N // 8), lambda i: (i, 0)),
        out_shape=jax.ShapeDtypeStruct((M * 8, N // 8), jnp.float32),
        compiler_params=pltpu.CompilerParams(
            dimension_semantics=("parallel",),
        ),
    )(lookup)


def _norm_rows(yp):
    colmask = lax.broadcasted_iota(jnp.int32, yp.shape, 1) < D_USE
    ypm = jnp.where(colmask, yp, 0.0)
    sq = jnp.sum(ypm * ypm, axis=1, keepdims=True)
    inv = 1.0 / jnp.maximum(jnp.sqrt(sq), EPS)
    return ypm * inv


def _tc_gram_body(ypb_ref, ypf_ref, g_ref):
    ynb = _norm_rows(ypb_ref[...])
    ynf = _norm_rows(ypf_ref[...])
    g_ref[...] = lax.dot_general(
        ynb, ynf, (((1,), (1,)), ((), ())),
        preferred_element_type=jnp.float32,
        precision=lax.Precision.HIGHEST,
    ).astype(jnp.bfloat16)


def _tc_gram(y_pred):
    grid = N // _RB
    return pl.pallas_call(
        _tc_gram_body,
        grid=(grid,),
        in_specs=[
            pl.BlockSpec((_RB, D), lambda i: (i, 0)),
            pl.BlockSpec((N, D), lambda i: (0, 0)),
        ],
        out_specs=pl.BlockSpec((_RB, N), lambda i: (i, 0)),
        out_shape=jax.ShapeDtypeStruct((N, N), jnp.bfloat16),
        compiler_params=pltpu.CompilerParams(
            dimension_semantics=("parallel",),
        ),
    )(y_pred, y_pred)


_CB = 512


def _tc_combine_body(g_ref, a_ref, out_ref):
    i = pl.program_id(0)
    a = jnp.reshape(a_ref[...], (_CB, N))
    row = i * _CB + lax.broadcasted_iota(jnp.int32, (_CB, N), 0)
    col = lax.broadcasted_iota(jnp.int32, (_CB, N), 1)
    diff = jnp.where(col > row, jnp.abs(g_ref[...].astype(jnp.float32) - a), 0.0)
    s = jnp.sum(diff) * (1.0 / NPAIRS)

    @pl.when(i == 0)
    def _():
        out_ref[...] = jnp.zeros_like(out_ref)

    out_ref[...] += jnp.reshape(s, (1, 1))


def _tc_combine(g_mat, a_t):
    grid = N // _CB
    return pl.pallas_call(
        _tc_combine_body,
        grid=(grid,),
        in_specs=[
            pl.BlockSpec((_CB, N), lambda i: (i, 0)),
            pl.BlockSpec((_CB * 8, N // 8), lambda i: (i, 0)),
        ],
        out_specs=pl.BlockSpec((1, 1), lambda i: (0, 0)),
        out_shape=jax.ShapeDtypeStruct((1, 1), jnp.float32),
        compiler_params=pltpu.CompilerParams(
            dimension_semantics=("arbitrary",),
        ),
    )(g_mat, a_t)


@jax.jit
def kernel(y_true, y_pred, lookup):
    yt = y_true.astype(jnp.int32)
    lut_sub = _tc_retile(lookup)
    a_t = _sc_affinity(yt, lut_sub)
    g_mat = _tc_gram(y_pred)
    return _tc_combine(g_mat, a_t)[0, 0]

# --- scband reference (transcript-rebuilt; emitter-appended) ---
"""Pipeline reference for scband-affinity-cosine-loss-13142599926338 (READ-ONLY COPY).

The authoritative reference and input builder live on the scoring server;
editing this copy changes nothing except your own understanding.
"""

import jax, jax.numpy as jnp
import numpy as np

N = 1024
D = 64
M = 1000
LATENT_RATIO = 0.75
EPS = 1e-8


def setup_inputs(seed: int = 0) -> dict:
    key = jax.random.key(seed)
    k1, k2, k3 = jax.random.split(key, 3)
    y_true = jax.random.randint(k1, (N,), 0, M)
    y_pred = jax.random.normal(k2, (N, D), dtype=jnp.float32)
    lookup = jax.random.uniform(k3, (M, M), dtype=jnp.float32, minval=-1.0, maxval=1.0)
    lookup = 0.5 * (lookup + lookup.T)
    lookup = lookup.at[jnp.arange(M), jnp.arange(M)].set(1.0)
    return {"y_true": y_true, "y_pred": y_pred, "lookup": lookup}


def reference(y_true, y_pred, lookup):
    n = y_pred.shape[0]
    n_dims = y_pred.shape[1]
    n_dims_to_use = int(n_dims * LATENT_RATIO)
    yp = y_pred[:, :n_dims_to_use]
    # torch.combinations(v, r=2) enumerates pairs (i, j) with i < j in row-major order,
    # which matches np.triu_indices(n, k=1).
    ii_np, jj_np = np.triu_indices(n, k=1)
    ii = jnp.asarray(ii_np, dtype=jnp.int32)
    jj = jnp.asarray(jj_np, dtype=jnp.int32)
    # affinity = lookup[y_true[i], y_true[j]] (gather)
    affinity = lookup[y_true[ii], y_true[jj]]
    # cosine similarity between y_pred_partial[i] and y_pred_partial[j]
    a = jnp.take(yp, ii, axis=0)
    b = jnp.take(yp, jj, axis=0)
    na = jnp.maximum(jnp.linalg.norm(a, axis=1), EPS)
    nb = jnp.maximum(jnp.linalg.norm(b, axis=1), EPS)
    latent_similarity = jnp.sum(a * b, axis=1) / (na * nb)
    losses = jnp.abs(latent_similarity - affinity)  # L1Loss(reduction='none')
    return jnp.mean(losses)

if __name__ == "__main__":
    import jax
    _d = setup_inputs()
    print(jax.jit(kernel)(*tuple(_d.values())))

</pallas_src>

<mosaic_0001>
#map = affine_map<(d0, d1) -> (0)>
#map1 = affine_map<(d0, d1) -> (0, 0)>
module attributes {stable_mosaic.version = 14 : i64} {
  func.func @_sc_affinity_body(%arg0: i32, %arg1: i32, %arg2: memref<1024xi32, #tpu.memory_space<hbm>>, %arg3: memref<8000x128xf32, #tpu.memory_space<hbm>>, %arg4: memref<8192x128xf32, #tpu.memory_space<hbm>>, %arg5: memref<1024xi32, #tpu.memory_space<vmem>>, %arg6: memref<32xi32, #tpu.memory_space<vmem>>, %arg7: memref<2x128xi32, #tpu.memory_space<vmem>>, %arg8: memref<256x128xf32, #tpu.memory_space<vmem>>, %arg9: memref<256x128xf32, #tpu.memory_space<vmem>>, %arg10: memref<!tpu.dma_semaphore, #tpu.memory_space<semaphore_mem>>, %arg11: memref<!tpu.dma_semaphore, #tpu.memory_space<semaphore_mem>>) attributes {dimension_semantics = [#tpu.dimension_semantics<core_parallel>, #tpu.dimension_semantics<subcore_parallel>], iteration_bounds = array<i64: 2, 16>, scalar_prefetch = 0 : i64, scratch_operands = 7 : i64, tpu.core_type = #tpu.core_type<sc_vector_subcore>, window_params = [{transform_indices = #map}, {transform_indices = #map1}, {transform_indices = #map1}]} {
    %mul3A = arith.constant 2 : i32
    %mul3A_0 = arith.muli %arg1, %mul3A : i32
    %add3A = arith.addi %mul3A_0, %arg0 : i32
    %mul3A_1 = arith.constant 32 : i32
    %mul3A_2 = arith.muli %add3A, %mul3A_1 : i32
    %multiple_of3A = tpu.assume_multiple %mul3A_2, 32 : i32
    "tpu.region"() ({
      %run_scoped3A = tpu.sem_alloc : memref<!tpu.dma_semaphore, #tpu.memory_space<semaphore_mem>>
      tpu.enqueue_dma source(%arg2 : memref<1024xi32, #tpu.memory_space<hbm>>) target(%arg5 : memref<1024xi32, #tpu.memory_space<vmem>>) target_semaphore(%run_scoped3A : memref<!tpu.dma_semaphore, #tpu.memory_space<semaphore_mem>>)
      tpu.wait_dma2 semaphore(%run_scoped3A : memref<!tpu.dma_semaphore, #tpu.memory_space<semaphore_mem>>) src(%arg2 : memref<1024xi32, #tpu.memory_space<hbm>>) dst(%arg5 : memref<1024xi32, #tpu.memory_space<vmem>>)
      tpu.yield
    }) : () -> ()
    "tpu.region"() ({
      %run_scoped3A = tpu.sem_alloc : memref<!tpu.dma_semaphore, #tpu.memory_space<semaphore_mem>>
      %dma_start3A_332 = tpu.memref_slice %arg2[%multiple_of3A] : memref<1024xi32, #tpu.memory_space<hbm>> -> memref<32xi32, #tpu.memory_space<hbm>>
      %dma_start3A_333 = tpu.memref_slice %arg2[%multiple_of3A] : memref<1024xi32, #tpu.memory_space<hbm>> -> memref<32xi32, #tpu.memory_space<hbm>>
      tpu.enqueue_dma source(%dma_start3A_333 : memref<32xi32, #tpu.memory_space<hbm>>) target(%arg6 : memref<32xi32, #tpu.memory_space<vmem>>) target_semaphore(%run_scoped3A : memref<!tpu.dma_semaphore, #tpu.memory_space<semaphore_mem>>)
      %dma_wait3A_334 = tpu.memref_slice %arg2[%multiple_of3A] : memref<1024xi32, #tpu.memory_space<hbm>> -> memref<32xi32, #tpu.memory_space<hbm>>
      %dma_wait3A_335 = tpu.memref_slice %arg2[%multiple_of3A] : memref<1024xi32, #tpu.memory_space<hbm>> -> memref<32xi32, #tpu.memory_space<hbm>>
      tpu.wait_dma2 semaphore(%run_scoped3A : memref<!tpu.dma_semaphore, #tpu.memory_space<semaphore_mem>>) src(%dma_wait3A_335 : memref<32xi32, #tpu.memory_space<hbm>>) dst(%arg6 : memref<32xi32, #tpu.memory_space<vmem>>)
      tpu.yield
    }) : () -> ()
    %iota3A = tpu.iota {dimensions = array<i32: 0>} : vector<16xi32>
    %add3A_3 = arith.constant 0 : i32
    %add3A_4 = vector.broadcast %add3A_3 : i32 to vector<16xi32>
    %add3A_5 = arith.addi %iota3A, %add3A_4 : vector<16xi32>
    %shift_right_arithmetic3A = arith.constant 3 : i32
    %shift_right_arithmetic3A_6 = vector.broadcast %shift_right_arithmetic3A : i32 to vector<16xi32>
    %shift_right_arithmetic3A_7 = arith.shrsi %add3A_5, %shift_right_arithmetic3A_6 : vector<16xi32>
    %gather3A = tpu.vector_load_idx %arg6[%shift_right_arithmetic3A_7] : memref<32xi32, #tpu.memory_space<vmem>>[vector<16xi32>], vector<16xi32>,
    %shift_left3A = arith.constant 3 : i32
    %shift_left3A_8 = vector.broadcast %shift_left3A : i32 to vector<16xi32>
    %shift_left3A_9 = arith.shli %gather3A, %shift_left3A_8 : vector<16xi32>
    %and3A = arith.constant 7 : i32
    %and3A_10 = vector.broadcast %and3A : i32 to vector<16xi32>
    %and3A_11 = arith.andi %add3A_5, %and3A_10 : vector<16xi32>
    %add3A_12 = arith.addi %shift_left3A_9, %and3A_11 : vector<16xi32>
    %swap3A = arith.constant 0 : i32
    %swap3A_13 = arith.index_cast %swap3A : i32 to index
    %swap3A_14 = arith.constant 0 : index
    %swap3A_15 = tpu.vector_load %arg7[%swap3A_13, %swap3A_14] {strides = array<i32>} : memref<2x128xi32, #tpu.memory_space<vmem>>, vector<16xi32>,
    tpu.vector_store %arg7[%swap3A_13, %swap3A_14], %add3A_12 {strides = array<i32>} : memref<2x128xi32, #tpu.memory_space<vmem>>, vector<16xi32>,
    %add3A_16 = arith.constant 16 : i32
    %add3A_17 = vector.broadcast %add3A_16 : i32 to vector<16xi32>
    %add3A_18 = arith.addi %iota3A, %add3A_17 : vector<16xi32>
    %shift_right_arithmetic3A_19 = arith.constant 3 : i32
    %shift_right_arithmetic3A_20 = vector.broadcast %shift_right_arithmetic3A_19 : i32 to vector<16xi32>
    %shift_right_arithmetic3A_21 = arith.shrsi %add3A_18, %shift_right_arithmetic3A_20 : vector<16xi32>
    %gather3A_22 = tpu.vector_load_idx %arg6[%shift_right_arithmetic3A_21] : memref<32xi32, #tpu.memory_space<vmem>>[vector<16xi32>], vector<16xi32>,
    %shift_left3A_23 = arith.constant 3 : i32
    %shift_left3A_24 = vector.broadcast %shift_left3A_23 : i32 to vector<16xi32>
    %shift_left3A_25 = arith.shli %gather3A_22, %shift_left3A_24 : vector<16xi32>
    %and3A_26 = arith.constant 7 : i32
    %and3A_27 = vector.broadcast %and3A_26 : i32 to vector<16xi32>
    %and3A_28 = arith.andi %add3A_18, %and3A_27 : vector<16xi32>
    %add3A_29 = arith.addi %shift_left3A_25, %and3A_28 : vector<16xi32>
    %swap3A_30 = arith.constant 0 : i32
    %swap3A_31 = arith.index_cast %swap3A_30 : i32 to index
    %swap3A_32 = arith.constant 16 : index
    %swap3A_33 = tpu.vector_load %arg7[%swap3A_31, %swap3A_32] {strides = array<i32>} : memref<2x128xi32, #tpu.memory_space<vmem>>, vector<16xi32>,
    tpu.vector_store %arg7[%swap3A_31, %swap3A_32], %add3A_29 {strides = array<i32>} : memref<2x128xi32, #tpu.memory_space<vmem>>, vector<16xi32>,
    %add3A_34 = arith.constant 32 : i32
    %add3A_35 = vector.broadcast %add3A_34 : i32 to vector<16xi32>
    %add3A_36 = arith.addi %iota3A, %add3A_35 : vector<16xi32>
    %shift_right_arithmetic3A_37 = arith.constant 3 : i32
    %shift_right_arithmetic3A_38 = vector.broadcast %shift_right_arithmetic3A_37 : i32 to vector<16xi32>
    %shift_right_arithmetic3A_39 = arith.shrsi %add3A_36, %shift_right_arithmetic3A_38 : vector<16xi32>
    %gather3A_40 = tpu.vector_load_idx %arg6[%shift_right_arithmetic3A_39] : memref<32xi32, #tpu.memory_space<vmem>>[vector<16xi32>], vector<16xi32>,
    %shift_left3A_41 = arith.constant 3 : i32
    %shift_left3A_42 = vector.broadcast %shift_left3A_41 : i32 to vector<16xi32>
    %shift_left3A_43 = arith.shli %gather3A_40, %shift_left3A_42 : vector<16xi32>
    %and3A_44 = arith.constant 7 : i32
    %and3A_45 = vector.broadcast %and3A_44 : i32 to vector<16xi32>
    %and3A_46 = arith.andi %add3A_36, %and3A_45 : vector<16xi32>
    %add3A_47 = arith.addi %shift_left3A_43, %and3A_46 : vector<16xi32>
    %swap3A_48 = arith.constant 0 : i32
    %swap3A_49 = arith.index_cast %swap3A_48 : i32 to index
    %swap3A_50 = arith.constant 32 : index
    %swap3A_51 = tpu.vector_load %arg7[%swap3A_49, %swap3A_50] {strides = array<i32>} : memref<2x128xi32, #tpu.memory_space<vmem>>, vector<16xi32>,
    tpu.vector_store %arg7[%swap3A_49, %swap3A_50], %add3A_47 {strides = array<i32>} : memref<2x128xi32, #tpu.memory_space<vmem>>, vector<16xi32>,
    %add3A_52 = arith.constant 48 : i32
    %add3A_53 = vector.broadcast %add3A_52 : i32 to vector<16xi32>
    %add3A_54 = arith.addi %iota3A, %add3A_53 : vector<16xi32>
    %shift_right_arithmetic3A_55 = arith.constant 3 : i32
    %shift_right_arithmetic3A_56 = vector.broadcast %shift_right_arithmetic3A_55 : i32 to vector<16xi32>
    %shift_right_arithmetic3A_57 = arith.shrsi %add3A_54, %shift_right_arithmetic3A_56 : vector<16xi32>
    %gather3A_58 = tpu.vector_load_idx %arg6[%shift_right_arithmetic3A_57] : memref<32xi32, #tpu.memory_space<vmem>>[vector<16xi32>], vector<16xi32>,
    %shift_left3A_59 = arith.constant 3 : i32
    %shift_left3A_60 = vector.broadcast %shift_left3A_59 : i32 to vector<16xi32>
    %shift_left3A_61 = arith.shli %gather3A_58, %shift_left3A_60 : vector<16xi32>
    %and3A_62 = arith.constant 7 : i32
    %and3A_63 = vector.broadcast %and3A_62 : i32 to vector<16xi32>
    %and3A_64 = arith.andi %add3A_54, %and3A_63 : vector<16xi32>
    %add3A_65 = arith.addi %shift_left3A_61, %and3A_64 : vector<16xi32>
    %swap3A_66 = arith.constant 0 : i32
    %swap3A_67 = arith.index_cast %swap3A_66 : i32 to index
    %swap3A_68 = arith.constant 48 : index
    %swap3A_69 = tpu.vector_load %arg7[%swap3A_67, %swap3A_68] {strides = array<i32>} : memref<2x128xi32, #tpu.memory_space<vmem>>, vector<16xi32>,
    tpu.vector_store %arg7[%swap3A_67, %swap3A_68], %add3A_65 {strides = array<i32>} : memref<2x128xi32, #tpu.memory_space<vmem>>, vector<16xi32>,
    %add3A_70 = arith.constant 64 : i32
    %add3A_71 = vector.broadcast %add3A_70 : i32 to vector<16xi32>
    %add3A_72 = arith.addi %iota3A, %add3A_71 : vector<16xi32>
    %shift_right_arithmetic3A_73 = arith.constant 3 : i32
    %shift_right_arithmetic3A_74 = vector.broadcast %shift_right_arithmetic3A_73 : i32 to vector<16xi32>
    %shift_right_arithmetic3A_75 = arith.shrsi %add3A_72, %shift_right_arithmetic3A_74 : vector<16xi32>
    %gather3A_76 = tpu.vector_load_idx %arg6[%shift_right_arithmetic3A_75] : memref<32xi32, #tpu.memory_space<vmem>>[vector<16xi32>], vector<16xi32>,
    %shift_left3A_77 = arith.constant 3 : i32
    %shift_left3A_78 = vector.broadcast %shift_left3A_77 : i32 to vector<16xi32>
    %shift_left3A_79 = arith.shli %gather3A_76, %shift_left3A_78 : vector<16xi32>
    %and3A_80 = arith.constant 7 : i32
    %and3A_81 = vector.broadcast %and3A_80 : i32 to vector<16xi32>
    %and3A_82 = arith.andi %add3A_72, %and3A_81 : vector<16xi32>
    %add3A_83 = arith.addi %shift_left3A_79, %and3A_82 : vector<16xi32>
    %swap3A_84 = arith.constant 0 : i32
    %swap3A_85 = arith.index_cast %swap3A_84 : i32 to index
    %swap3A_86 = arith.constant 64 : index
    %swap3A_87 = tpu.vector_load %arg7[%swap3A_85, %swap3A_86] {strides = array<i32>} : memref<2x128xi32, #tpu.memory_space<vmem>>, vector<16xi32>,
    tpu.vector_store %arg7[%swap3A_85, %swap3A_86], %add3A_83 {strides = array<i32>} : memref<2x128xi32, #tpu.memory_space<vmem>>, vector<16xi32>,
    %add3A_88 = arith.constant 80 : i32
    %add3A_89 = vector.broadcast %add3A_88 : i32 to vector<16xi32>
    %add3A_90 = arith.addi %iota3A, %add3A_89 : vector<16xi32>
    %shift_right_arithmetic3A_91 = arith.constant 3 : i32
    %shift_right_arithmetic3A_92 = vector.broadcast %shift_right_arithmetic3A_91 : i32 to vector<16xi32>
    %shift_right_arithmetic3A_93 = arith.shrsi %add3A_90, %shift_right_arithmetic3A_92 : vector<16xi32>
    %gather3A_94 = tpu.vector_load_idx %arg6[%shift_right_arithmetic3A_93] : memref<32xi32, #tpu.memory_space<vmem>>[vector<16xi32>], vector<16xi32>,
    %shift_left3A_95 = arith.constant 3 : i32
    %shift_left3A_96 = vector.broadcast %shift_left3A_95 : i32 to vector<16xi32>
    %shift_left3A_97 = arith.shli %gather3A_94, %shift_left3A_96 : vector<16xi32>
    %and3A_98 = arith.constant 7 : i32
    %and3A_99 = vector.broadcast %and3A_98 : i32 to vector<16xi32>
    %and3A_100 = arith.andi %add3A_90, %and3A_99 : vector<16xi32>
    %add3A_101 = arith.addi %shift_left3A_97, %and3A_100 : vector<16xi32>
    %swap3A_102 = arith.constant 0 : i32
    %swap3A_103 = arith.index_cast %swap3A_102 : i32 to index
    %swap3A_104 = arith.constant 80 : index
    %swap3A_105 = tpu.vector_load %arg7[%swap3A_103, %swap3A_104] {strides = array<i32>} : memref<2x128xi32, #tpu.memory_space<vmem>>, vector<16xi32>,
    tpu.vector_store %arg7[%swap3A_103, %swap3A_104], %add3A_101 {strides = array<i32>} : memref<2x128xi32, #tpu.memory_space<vmem>>, vector<16xi32>,
    %add3A_106 = arith.constant 96 : i32
    %add3A_107 = vector.broadcast %add3A_106 : i32 to vector<16xi32>
    %add3A_108 = arith.addi %iota3A, %add3A_107 : vector<16xi32>
    %shift_right_arithmetic3A_109 = arith.constant 3 : i32
    %shift_right_arithmetic3A_110 = vector.broadcast %shift_right_arithmetic3A_109 : i32 to vector<16xi32>
    %shift_right_arithmetic3A_111 = arith.shrsi %add3A_108, %shift_right_arithmetic3A_110 : vector<16xi32>
    %gather3A_112 = tpu.vector_load_idx %arg6[%shift_right_arithmetic3A_111] : memref<32xi32, #tpu.memory_space<vmem>>[vector<16xi32>], vector<16xi32>,
    %shift_left3A_113 = arith.constant 3 : i32
    %shift_left3A_114 = vector.broadcast %shift_left3A_113 : i32 to vector<16xi32>
    %shift_left3A_115 = arith.shli %gather3A_112, %shift_left3A_114 : vector<16xi32>
    %and3A_116 = arith.constant 7 : i32
    %and3A_117 = vector.broadcast %and3A_116 : i32 to vector<16xi32>
    %and3A_118 = arith.andi %add3A_108, %and3A_117 : vector<16xi32>
    %add3A_119 = arith.addi %shift_left3A_115, %and3A_118 : vector<16xi32>
    %swap3A_120 = arith.constant 0 : i32
    %swap3A_121 = arith.index_cast %swap3A_120 : i32 to index
    %swap3A_122 = arith.constant 96 : index
    %swap3A_123 = tpu.vector_load %arg7[%swap3A_121, %swap3A_122] {strides = array<i32>} : memref<2x128xi32, #tpu.memory_space<vmem>>, vector<16xi32>,
    tpu.vector_store %arg7[%swap3A_121, %swap3A_122], %add3A_119 {strides = array<i32>} : memref<2x128xi32, #tpu.memory_space<vmem>>, vector<16xi32>,
    %add3A_124 = arith.constant 112 : i32
    %add3A_125 = vector.broadcast %add3A_124 : i32 to vector<16xi32>
    %add3A_126 = arith.addi %iota3A, %add3A_125 : vector<16xi32>
    %shift_right_arithmetic3A_127 = arith.constant 3 : i32
    %shift_right_arithmetic3A_128 = vector.broadcast %shift_right_arithmetic3A_127 : i32 to vector<16xi32>
    %shift_right_arithmetic3A_129 = arith.shrsi %add3A_126, %shift_right_arithmetic3A_128 : vector<16xi32>
    %gather3A_130 = tpu.vector_load_idx %arg6[%shift_right_arithmetic3A_129] : memref<32xi32, #tpu.memory_space<vmem>>[vector<16xi32>], vector<16xi32>,
    %shift_left3A_131 = arith.constant 3 : i32
    %shift_left3A_132 = vector.broadcast %shift_left3A_131 : i32 to vector<16xi32>
    %shift_left3A_133 = arith.shli %gather3A_130, %shift_left3A_132 : vector<16xi32>
    %and3A_134 = arith.constant 7 : i32
    %and3A_135 = vector.broadcast %and3A_134 : i32 to vector<16xi32>
    %and3A_136 = arith.andi %add3A_126, %and3A_135 : vector<16xi32>
    %add3A_137 = arith.addi %shift_left3A_133, %and3A_136 : vector<16xi32>
    %swap3A_138 = arith.constant 0 : i32
    %swap3A_139 = arith.index_cast %swap3A_138 : i32 to index
    %swap3A_140 = arith.constant 112 : index
    %swap3A_141 = tpu.vector_load %arg7[%swap3A_139, %swap3A_140] {strides = array<i32>} : memref<2x128xi32, #tpu.memory_space<vmem>>, vector<16xi32>,
    tpu.vector_store %arg7[%swap3A_139, %swap3A_140], %add3A_137 {strides = array<i32>} : memref<2x128xi32, #tpu.memory_space<vmem>>, vector<16xi32>,
    %add3A_142 = arith.constant 128 : i32
    %add3A_143 = vector.broadcast %add3A_142 : i32 to vector<16xi32>
    %add3A_144 = arith.addi %iota3A, %add3A_143 : vector<16xi32>
    %shift_right_arithmetic3A_145 = arith.constant 3 : i32
    %shift_right_arithmetic3A_146 = vector.broadcast %shift_right_arithmetic3A_145 : i32 to vector<16xi32>
    %shift_right_arithmetic3A_147 = arith.shrsi %add3A_144, %shift_right_arithmetic3A_146 : vector<16xi32>
    %gather3A_148 = tpu.vector_load_idx %arg6[%shift_right_arithmetic3A_147] : memref<32xi32, #tpu.memory_space<vmem>>[vector<16xi32>], vector<16xi32>,
    %shift_left3A_149 = arith.constant 3 : i32
    %shift_left3A_150 = vector.broadcast %shift_left3A_149 : i32 to vector<16xi32>
    %shift_left3A_151 = arith.shli %gather3A_148, %shift_left3A_150 : vector<16xi32>
    %and3A_152 = arith.constant 7 : i32
    %and3A_153 = vector.broadcast %and3A_152 : i32 to vector<16xi32>
    %and3A_154 = arith.andi %add3A_144, %and3A_153 : vector<16xi32>
    %add3A_155 = arith.addi %shift_left3A_151, %and3A_154 : vector<16xi32>
    %swap3A_156 = arith.constant 1 : i32
    %swap3A_157 = arith.index_cast %swap3A_156 : i32 to index
    %swap3A_158 = arith.constant 0 : index
    %swap3A_159 = tpu.vector_load %arg7[%swap3A_157, %swap3A_158] {strides = array<i32>} : memref<2x128xi32, #tpu.memory_space<vmem>>, vector<16xi32>,
    tpu.vector_store %arg7[%swap3A_157, %swap3A_158], %add3A_155 {strides = array<i32>} : memref<2x128xi32, #tpu.memory_space<vmem>>, vector<16xi32>,
    %add3A_160 = arith.constant 144 : i32
    %add3A_161 = vector.broadcast %add3A_160 : i32 to vector<16xi32>
    %add3A_162 = arith.addi %iota3A, %add3A_161 : vector<16xi32>
    %shift_right_arithmetic3A_163 = arith.constant 3 : i32
    %shift_right_arithmetic3A_164 = vector.broadcast %shift_right_arithmetic3A_163 : i32 to vector<16xi32>
    %shift_right_arithmetic3A_165 = arith.shrsi %add3A_162, %shift_right_arithmetic3A_164 : vector<16xi32>
    %gather3A_166 = tpu.vector_load_idx %arg6[%shift_right_arithmetic3A_165] : memref<32xi32, #tpu.memory_space<vmem>>[vector<16xi32>], vector<16xi32>,
    %shift_left3A_167 = arith.constant 3 : i32
    %shift_left3A_168 = vector.broadcast %shift_left3A_167 : i32 to vector<16xi32>
    %shift_left3A_169 = arith.shli %gather3A_166, %shift_left3A_168 : vector<16xi32>
    %and3A_170 = arith.constant 7 : i32
    %and3A_171 = vector.broadcast %and3A_170 : i32 to vector<16xi32>
    %and3A_172 = arith.andi %add3A_162, %and3A_171 : vector<16xi32>
    %add3A_173 = arith.addi %shift_left3A_169, %and3A_172 : vector<16xi32>
    %swap3A_174 = arith.constant 1 : i32
    %swap3A_175 = arith.index_cast %swap3A_174 : i32 to index
    %swap3A_176 = arith.constant 16 : index
    %swap3A_177 = tpu.vector_load %arg7[%swap3A_175, %swap3A_176] {strides = array<i32>} : memref<2x128xi32, #tpu.memory_space<vmem>>, vector<16xi32>,
    tpu.vector_store %arg7[%swap3A_175, %swap3A_176], %add3A_173 {strides = array<i32>} : memref<2x128xi32, #tpu.memory_space<vmem>>, vector<16xi32>,
    %add3A_178 = arith.constant 160 : i32
    %add3A_179 = vector.broadcast %add3A_178 : i32 to vector<16xi32>
    %add3A_180 = arith.addi %iota3A, %add3A_179 : vector<16xi32>
    %shift_right_arithmetic3A_181 = arith.constant 3 : i32
    %shift_right_arithmetic3A_182 = vector.broadcast %shift_right_arithmetic3A_181 : i32 to vector<16xi32>
    %shift_right_arithmetic3A_183 = arith.shrsi %add3A_180, %shift_right_arithmetic3A_182 : vector<16xi32>
    %gather3A_184 = tpu.vector_load_idx %arg6[%shift_right_arithmetic3A_183] : memref<32xi32, #tpu.memory_space<vmem>>[vector<16xi32>], vector<16xi32>,
    %shift_left3A_185 = arith.constant 3 : i32
    %shift_left3A_186 = vector.broadcast %shift_left3A_185 : i32 to vector<16xi32>
    %shift_left3A_187 = arith.shli %gather3A_184, %shift_left3A_186 : vector<16xi32>
    %and3A_188 = arith.constant 7 : i32
    %and3A_189 = vector.broadcast %and3A_188 : i32 to vector<16xi32>
    %and3A_190 = arith.andi %add3A_180, %and3A_189 : vector<16xi32>
    %add3A_191 = arith.addi %shift_left3A_187, %and3A_190 : vector<16xi32>
    %swap3A_192 = arith.constant 1 : i32
    %swap3A_193 = arith.index_cast %swap3A_192 : i32 to index
    %swap3A_194 = arith.constant 32 : index
    %swap3A_195 = tpu.vector_load %arg7[%swap3A_193, %swap3A_194] {strides = array<i32>} : memref<2x128xi32, #tpu.memory_space<vmem>>, vector<16xi32>,
    tpu.vector_store %arg7[%swap3A_193, %swap3A_194], %add3A_191 {strides = array<i32>} : memref<2x128xi32, #tpu.memory_space<vmem>>, vector<16xi32>,
    %add3A_196 = arith.constant 176 : i32
    %add3A_197 = vector.broadcast %add3A_196 : i32 to vector<16xi32>
    %add3A_198 = arith.addi %iota3A, %add3A_197 : vector<16xi32>
    %shift_right_arithmetic3A_199 = arith.constant 3 : i32
    %shift_right_arithmetic3A_200 = vector.broadcast %shift_right_arithmetic3A_199 : i32 to vector<16xi32>
    %shift_right_arithmetic3A_201 = arith.shrsi %add3A_198, %shift_right_arithmetic3A_200 : vector<16xi32>
    %gather3A_202 = tpu.vector_load_idx %arg6[%shift_right_arithmetic3A_201] : memref<32xi32, #tpu.memory_space<vmem>>[vector<16xi32>], vector<16xi32>,
    %shift_left3A_203 = arith.constant 3 : i32
    %shift_left3A_204 = vector.broadcast %shift_left3A_203 : i32 to vector<16xi32>
    %shift_left3A_205 = arith.shli %gather3A_202, %shift_left3A_204 : vector<16xi32>
    %and3A_206 = arith.constant 7 : i32
    %and3A_207 = vector.broadcast %and3A_206 : i32 to vector<16xi32>
    %and3A_208 = arith.andi %add3A_198, %and3A_207 : vector<16xi32>
    %add3A_209 = arith.addi %shift_left3A_205, %and3A_208 : vector<16xi32>
    %swap3A_210 = arith.constant 1 : i32
    %swap3A_211 = arith.index_cast %swap3A_210 : i32 to index
    %swap3A_212 = arith.constant 48 : index
    %swap3A_213 = tpu.vector_load %arg7[%swap3A_211, %swap3A_212] {strides = array<i32>} : memref<2x128xi32, #tpu.memory_space<vmem>>, vector<16xi32>,
    tpu.vector_store %arg7[%swap3A_211, %swap3A_212], %add3A_209 {strides = array<i32>} : memref<2x128xi32, #tpu.memory_space<vmem>>, vector<16xi32>,
    %add3A_214 = arith.constant 192 : i32
    %add3A_215 = vector.broadcast %add3A_214 : i32 to vector<16xi32>
    %add3A_216 = arith.addi %iota3A, %add3A_215 : vector<16xi32>
    %shift_right_arithmetic3A_217 = arith.constant 3 : i32
    %shift_right_arithmetic3A_218 = vector.broadcast %shift_right_arithmetic3A_217 : i32 to vector<16xi32>
    %shift_right_arithmetic3A_219 = arith.shrsi %add3A_216, %shift_right_arithmetic3A_218 : vector<16xi32>
    %gather3A_220 = tpu.vector_load_idx %arg6[%shift_right_arithmetic3A_219] : memref<32xi32, #tpu.memory_space<vmem>>[vector<16xi32>], vector<16xi32>,
    %shift_left3A_221 = arith.constant 3 : i32
    %shift_left3A_222 = vector.broadcast %shift_left3A_221 : i32 to vector<16xi32>
    %shift_left3A_223 = arith.shli %gather3A_220, %shift_left3A_222 : vector<16xi32>
    %and3A_224 = arith.constant 7 : i32
    %and3A_225 = vector.broadcast %and3A_224 : i32 to vector<16xi32>
    %and3A_226 = arith.andi %add3A_216, %and3A_225 : vector<16xi32>
    %add3A_227 = arith.addi %shift_left3A_223, %and3A_226 : vector<16xi32>
    %swap3A_228 = arith.constant 1 : i32
    %swap3A_229 = arith.index_cast %swap3A_228 : i32 to index
    %swap3A_230 = arith.constant 64 : index
    %swap3A_231 = tpu.vector_load %arg7[%swap3A_229, %swap3A_230] {strides = array<i32>} : memref<2x128xi32, #tpu.memory_space<vmem>>, vector<16xi32>,
    tpu.vector_store %arg7[%swap3A_229, %swap3A_230], %add3A_227 {strides = array<i32>} : memref<2x128xi32, #tpu.memory_space<vmem>>, vector<16xi32>,
    %add3A_232 = arith.constant 208 : i32
    %add3A_233 = vector.broadcast %add3A_232 : i32 to vector<16xi32>
    %add3A_234 = arith.addi %iota3A, %add3A_233 : vector<16xi32>
    %shift_right_arithmetic3A_235 = arith.constant 3 : i32
    %shift_right_arithmetic3A_236 = vector.broadcast %shift_right_arithmetic3A_235 : i32 to vector<16xi32>
    %shift_right_arithmetic3A_237 = arith.shrsi %add3A_234, %shift_right_arithmetic3A_236 : vector<16xi32>
    %gather3A_238 = tpu.vector_load_idx %arg6[%shift_right_arithmetic3A_237] : memref<32xi32, #tpu.memory_space<vmem>>[vector<16xi32>], vector<16xi32>,
    %shift_left3A_239 = arith.constant 3 : i32
    %shift_left3A_240 = vector.broadcast %shift_left3A_239 : i32 to vector<16xi32>
    %shift_left3A_241 = arith.shli %gather3A_238, %shift_left3A_240 : vector<16xi32>
    %and3A_242 = arith.constant 7 : i32
    %and3A_243 = vector.broadcast %and3A_242 : i32 to vector<16xi32>
    %and3A_244 = arith.andi %add3A_234, %and3A_243 : vector<16xi32>
    %add3A_245 = arith.addi %shift_left3A_241, %and3A_244 : vector<16xi32>
    %swap3A_246 = arith.constant 1 : i32
    %swap3A_247 = arith.index_cast %swap3A_246 : i32 to index
    %swap3A_248 = arith.constant 80 : index
    %swap3A_249 = tpu.vector_load %arg7[%swap3A_247, %swap3A_248] {strides = array<i32>} : memref<2x128xi32, #tpu.memory_space<vmem>>, vector<16xi32>,
    tpu.vector_store %arg7[%swap3A_247, %swap3A_248], %add3A_245 {strides = array<i32>} : memref<2x128xi32, #tpu.memory_space<vmem>>, vector<16xi32>,
    %add3A_250 = arith.constant 224 : i32
    %add3A_251 = vector.broadcast %add3A_250 : i32 to vector<16xi32>
    %add3A_252 = arith.addi %iota3A, %add3A_251 : vector<16xi32>
    %shift_right_arithmetic3A_253 = arith.constant 3 : i32
    %shift_right_arithmetic3A_254 = vector.broadcast %shift_right_arithmetic3A_253 : i32 to vector<16xi32>
    %shift_right_arithmetic3A_255 = arith.shrsi %add3A_252, %shift_right_arithmetic3A_254 : vector<16xi32>
    %gather3A_256 = tpu.vector_load_idx %arg6[%shift_right_arithmetic3A_255] : memref<32xi32, #tpu.memory_space<vmem>>[vector<16xi32>], vector<16xi32>,
    %shift_left3A_257 = arith.constant 3 : i32
    %shift_left3A_258 = vector.broadcast %shift_left3A_257 : i32 to vector<16xi32>
    %shift_left3A_259 = arith.shli %gather3A_256, %shift_left3A_258 : vector<16xi32>
    %and3A_260 = arith.constant 7 : i32
    %and3A_261 = vector.broadcast %and3A_260 : i32 to vector<16xi32>
    %and3A_262 = arith.andi %add3A_252, %and3A_261 : vector<16xi32>
    %add3A_263 = arith.addi %shift_left3A_259, %and3A_262 : vector<16xi32>
    %swap3A_264 = arith.constant 1 : i32
    %swap3A_265 = arith.index_cast %swap3A_264 : i32 to index
    %swap3A_266 = arith.constant 96 : index
    %swap3A_267 = tpu.vector_load %arg7[%swap3A_265, %swap3A_266] {strides = array<i32>} : memref<2x128xi32, #tpu.memory_space<vmem>>, vector<16xi32>,
    tpu.vector_store %arg7[%swap3A_265, %swap3A_266], %add3A_263 {strides = array<i32>} : memref<2x128xi32, #tpu.memory_space<vmem>>, vector<16xi32>,
    %add3A_268 = arith.constant 240 : i32
    %add3A_269 = vector.broadcast %add3A_268 : i32 to vector<16xi32>
    %add3A_270 = arith.addi %iota3A, %add3A_269 : vector<16xi32>
    %shift_right_arithmetic3A_271 = arith.constant 3 : i32
    %shift_right_arithmetic3A_272 = vector.broadcast %shift_right_arithmetic3A_271 : i32 to vector<16xi32>
    %shift_right_arithmetic3A_273 = arith.shrsi %add3A_270, %shift_right_arithmetic3A_272 : vector<16xi32>
    %gather3A_274 = tpu.vector_load_idx %arg6[%shift_right_arithmetic3A_273] : memref<32xi32, #tpu.memory_space<vmem>>[vector<16xi32>], vector<16xi32>,
    %shift_left3A_275 = arith.constant 3 : i32
    %shift_left3A_276 = vector.broadcast %shift_left3A_275 : i32 to vector<16xi32>
    %shift_left3A_277 = arith.shli %gather3A_274, %shift_left3A_276 : vector<16xi32>
    %and3A_278 = arith.constant 7 : i32
    %and3A_279 = vector.broadcast %and3A_278 : i32 to vector<16xi32>
    %and3A_280 = arith.andi %add3A_270, %and3A_279 : vector<16xi32>
    %add3A_281 = arith.addi %shift_left3A_277, %and3A_280 : vector<16xi32>
    %swap3A_282 = arith.constant 1 : i32
    %swap3A_283 = arith.index_cast %swap3A_282 : i32 to index
    %swap3A_284 = arith.constant 112 : index
    %swap3A_285 = tpu.vector_load %arg7[%swap3A_283, %swap3A_284] {strides = array<i32>} : memref<2x128xi32, #tpu.memory_space<vmem>>, vector<16xi32>,
    tpu.vector_store %arg7[%swap3A_283, %swap3A_284], %add3A_281 {strides = array<i32>} : memref<2x128xi32, #tpu.memory_space<vmem>>, vector<16xi32>,
    %dma_start3A = arith.constant 0 : i32
    %dma_start3A_286 = arith.constant 0 : i32
    %dma_start3A_287 = arith.constant 0 : i32
    %dma_start3A_288 = tpu.memref_slice %arg8[%dma_start3A_286, %dma_start3A_287] : memref<256x128xf32, #tpu.memory_space<vmem>> -> memref<128x128xf32, #tpu.memory_space<vmem>>
    %dma_start3A_289 = arith.constant 0 : i32
    %dma_start3A_290 = tpu.memref_slice %arg7[%dma_start3A, %dma_start3A_289] : memref<2x128xi32, #tpu.memory_space<vmem>> -> memref<1x128xi32, #tpu.memory_space<vmem>>
    %dma_start3A_291 = tpu.memref_squeeze %dma_start3A_290 : memref<1x128xi32, #tpu.memory_space<vmem>> -> memref<128xi32, #tpu.memory_space<vmem>>
    %dma_start3A_292 = arith.constant 0 : i32
    %dma_start3A_293 = arith.constant 0 : i32
    %dma_start3A_294 = tpu.memref_slice %arg3[%dma_start3A_292, %dma_start3A_293] : memref<8000x128xf32, #tpu.memory_space<hbm>> -> memref<8000x128xf32, #tpu.memory_space<hbm>>
    tpu.enqueue_indirect_dma source(%dma_start3A_294 : memref<8000x128xf32, #tpu.memory_space<hbm>>) target(%dma_start3A_288 : memref<128x128xf32, #tpu.memory_space<vmem>>) offsets(%dma_start3A_291 : memref<128xi32, #tpu.memory_space<vmem>>) semaphore(%arg10 : memref<!tpu.dma_semaphore, #tpu.memory_space<semaphore_mem>>)
    %dma_start3A_295 = arith.constant 1 : i32
    %dma_start3A_296 = arith.constant 128 : i32
    %dma_start3A_297 = arith.constant 0 : i32
    %dma_start3A_298 = tpu.memref_slice %arg8[%dma_start3A_296, %dma_start3A_297] : memref<256x128xf32, #tpu.memory_space<vmem>> -> memref<128x128xf32, #tpu.memory_space<vmem>>
    %dma_start3A_299 = arith.constant 0 : i32
    %dma_start3A_300 = tpu.memref_slice %arg7[%dma_start3A_295, %dma_start3A_299] : memref<2x128xi32, #tpu.memory_space<vmem>> -> memref<1x128xi32, #tpu.memory_space<vmem>>
    %dma_start3A_301 = tpu.memref_squeeze %dma_start3A_300 : memref<1x128xi32, #tpu.memory_space<vmem>> -> memref<128xi32, #tpu.memory_space<vmem>>
    %dma_start3A_302 = arith.constant 0 : i32
    %dma_start3A_303 = arith.constant 0 : i32
    %dma_start3A_304 = tpu.memref_slice %arg3[%dma_start3A_302, %dma_start3A_303] : memref<8000x128xf32, #tpu.memory_space<hbm>> -> memref<8000x128xf32, #tpu.memory_space<hbm>>
    tpu.enqueue_indirect_dma source(%dma_start3A_304 : memref<8000x128xf32, #tpu.memory_space<hbm>>) target(%dma_start3A_298 : memref<128x128xf32, #tpu.memory_space<vmem>>) offsets(%dma_start3A_301 : memref<128xi32, #tpu.memory_space<vmem>>) semaphore(%arg10 : memref<!tpu.dma_semaphore, #tpu.memory_space<semaphore_mem>>)
    %dma_wait3A = arith.constant 0 : i32
    %dma_wait3A_305 = arith.constant 0 : i32
    %dma_wait3A_306 = arith.constant 0 : i32
    %dma_wait3A_307 = tpu.memref_slice %arg8[%dma_wait3A_305, %dma_wait3A_306] : memref<256x128xf32, #tpu.memory_space<vmem>> -> memref<128x128xf32, #tpu.memory_space<vmem>>
    %dma_wait3A_308 = arith.constant 0 : i32
    %dma_wait3A_309 = tpu.memref_slice %arg7[%dma_wait3A, %dma_wait3A_308] : memref<2x128xi32, #tpu.memory_space<vmem>> -> memref<1x128xi32, #tpu.memory_space<vmem>>
    %dma_wait3A_310 = tpu.memref_squeeze %dma_wait3A_309 : memref<1x128xi32, #tpu.memory_space<vmem>> -> memref<128xi32, #tpu.memory_space<vmem>>
    %dma_wait3A_311 = arith.constant 0 : i32
    %dma_wait3A_312 = arith.constant 0 : i32
    %dma_wait3A_313 = tpu.memref_slice %arg3[%dma_wait3A_311, %dma_wait3A_312] : memref<8000x128xf32, #tpu.memory_space<hbm>> -> memref<8000x128xf32, #tpu.memory_space<hbm>>
    tpu.wait_indirect_dma semaphore(%arg10 : memref<!tpu.dma_semaphore, #tpu.memory_space<semaphore_mem>>) src(%dma_wait3A_313 : memref<8000x128xf32, #tpu.memory_space<hbm>>) dst(%dma_wait3A_307 : memref<128x128xf32, #tpu.memory_space<vmem>>)
    %dma_wait3A_314 = arith.constant 1 : i32
    %dma_wait3A_315 = arith.constant 128 : i32
    %dma_wait3A_316 = arith.constant 0 : i32
    %dma_wait3A_317 = tpu.memref_slice %arg8[%dma_wait3A_315, %dma_wait3A_316] : memref<256x128xf32, #tpu.memory_space<vmem>> -> memref<128x128xf32, #tpu.memory_space<vmem>>
    %dma_wait3A_318 = arith.constant 0 : i32
    %dma_wait3A_319 = tpu.memref_slice %arg7[%dma_wait3A_314, %dma_wait3A_318] : memref<2x128xi32, #tpu.memory_space<vmem>> -> memref<1x128xi32, #tpu.memory_space<vmem>>
    %dma_wait3A_320 = tpu.memref_squeeze %dma_wait3A_319 : memref<1x128xi32, #tpu.memory_space<vmem>> -> memref<128xi32, #tpu.memory_space<vmem>>
    %dma_wait3A_321 = arith.constant 0 : i32
    %dma_wait3A_322 = arith.constant 0 : i32
    %dma_wait3A_323 = tpu.memref_slice %arg3[%dma_wait3A_321, %dma_wait3A_322] : memref<8000x128xf32, #tpu.memory_space<hbm>> -> memref<8000x128xf32, #tpu.memory_space<hbm>>
    tpu.wait_indirect_dma semaphore(%arg10 : memref<!tpu.dma_semaphore, #tpu.memory_space<semaphore_mem>>) src(%dma_wait3A_323 : memref<8000x128xf32, #tpu.memory_space<hbm>>) dst(%dma_wait3A_317 : memref<128x128xf32, #tpu.memory_space<vmem>>)
    %scan3A = arith.constant 0 : i32
    %scan3A_324 = arith.constant 0 : i32
    %scan3A_325 = arith.constant 8 : i32
    %scan3A_326 = arith.addi %scan3A_324, %scan3A_325 : i32
    %scan3A_327 = arith.constant 1 : i32
    %scan3A_328 = scf.for %scan3A_332 = %scan3A_324 to %scan3A_326 step %scan3A_327 iter_args(%scan3A_333 = %scan3A) -> (i32)  : i32 {
      %mul3A_334 = arith.constant 128 : i32
      %mul3A_335 = arith.muli %scan3A_332, %mul3A_334 : i32
      %multiple_of3A_336 = tpu.assume_multiple %mul3A_335, 128 : i32
      %add3A_337 = arith.constant 0 : i32
      %add3A_338 = arith.addi %multiple_of3A_336, %add3A_337 : i32
      %get3A = arith.index_cast %add3A_338 : i32 to index
      %get3A_339 = tpu.vector_load %arg5[%get3A] {strides = array<i32>} : memref<1024xi32, #tpu.memory_space<vmem>>, vector<16xi32>,
      %shift_right_arithmetic3A_340 = arith.constant 7 : i32
      %shift_right_arithmetic3A_341 = vector.broadcast %shift_right_arithmetic3A_340 : i32 to vector<16xi32>
      %shift_right_arithmetic3A_342 = arith.shrsi %get3A_339, %shift_right_arithmetic3A_341 : vector<16xi32>
      %and3A_343 = arith.constant 127 : i32
      %and3A_344 = vector.broadcast %and3A_343 : i32 to vector<16xi32>
      %and3A_345 = arith.andi %get3A_339, %and3A_344 : vector<16xi32>
      %add3A_346 = arith.constant 0 : i32
      %add3A_347 = vector.broadcast %add3A_346 : i32 to vector<16xi32>
      %add3A_348 = arith.addi %shift_right_arithmetic3A_342, %add3A_347 : vector<16xi32>
      %gather3A_349 = tpu.vector_load_idx %arg8[%add3A_348, %and3A_345] : memref<256x128xf32, #tpu.memory_space<vmem>>[vector<16xi32>, vector<16xi32>], vector<16xf32>,
      %add3A_350 = arith.constant 8 : i32
      %add3A_351 = vector.broadcast %add3A_350 : i32 to vector<16xi32>
      %add3A_352 = arith.addi %shift_right_arithmetic3A_342, %add3A_351 : vector<16xi32>
      %gather3A_353 = tpu.vector_load_idx %arg8[%add3A_352, %and3A_345] : memref<256x128xf32, #tpu.memory_space<vmem>>[vector<16xi32>, vector<16xi32>], vector<16xf32>,
      %add3A_354 = arith.constant 16 : i32
      %add3A_355 = vector.broadcast %add3A_354 : i32 to vector<16xi32>
      %add3A_356 = arith.addi %shift_right_arithmetic3A_342, %add3A_355 : vector<16xi32>
      %gather3A_357 = tpu.vector_load_idx %arg8[%add3A_356, %and3A_345] : memref<256x128xf32, #tpu.memory_space<vmem>>[vector<16xi32>, vector<16xi32>], vector<16xf32>,
      %add3A_358 = arith.constant 24 : i32
      %add3A_359 = vector.broadcast %add3A_358 : i32 to vector<16xi32>
      %add3A_360 = arith.addi %shift_right_arithmetic3A_342, %add3A_359 : vector<16xi32>
      %gather3A_361 = tpu.vector_load_idx %arg8[%add3A_360, %and3A_345] : memref<256x128xf32, #tpu.memory_space<vmem>>[vector<16xi32>, vector<16xi32>], vector<16xf32>,
      %add3A_362 = arith.constant 32 : i32
      %add3A_363 = vector.broadcast %add3A_362 : i32 to vector<16xi32>
      %add3A_364 = arith.addi %shift_right_arithmetic3A_342, %add3A_363 : vector<16xi32>
      %gather3A_365 = tpu.vector_load_idx %arg8[%add3A_364, %and3A_345] : memref<256x128xf32, #tpu.memory_space<vmem>>[vector<16xi32>, vector<16xi32>], vector<16xf32>,
      %add3A_366 = arith.constant 40 : i32
      %add3A_367 = vector.broadcast %add3A_366 : i32 to vector<16xi32>
      %add3A_368 = arith.addi %shift_right_arithmetic3A_342, %add3A_367 : vector<16xi32>
      %gather3A_369 = tpu.vector_load_idx %arg8[%add3A_368, %and3A_345] : memref<256x128xf32, #tpu.memory_space<vmem>>[vector<16xi32>, vector<16xi32>], vector<16xf32>,
      %add3A_370 = arith.constant 48 : i32
      %add3A_371 = vector.broadcast %add3A_370 : i32 to vector<16xi32>
      %add3A_372 = arith.addi %shift_right_arithmetic3A_342, %add3A_371 : vector<16xi32>
      %gather3A_373 = tpu.vector_load_idx %arg8[%add3A_372, %and3A_345] : memref<256x128xf32, #tpu.memory_space<vmem>>[vector<16xi32>, vector<16xi32>], vector<16xf32>,
      %add3A_374 = arith.constant 56 : i32
      %add3A_375 = vector.broadcast %add3A_374 : i32 to vector<16xi32>
      %add3A_376 = arith.addi %shift_right_arithmetic3A_342, %add3A_375 : vector<16xi32>
      %gather3A_377 = tpu.vector_load_idx %arg8[%add3A_376, %and3A_345] : memref<256x128xf32, #tpu.memory_space<vmem>>[vector<16xi32>, vector<16xi32>], vector<16xf32>,
      %add3A_378 = arith.constant 0 : i32
      %add3A_379 = arith.addi %add3A_378, %scan3A_332 : i32
      %swap3A_380 = arith.index_cast %add3A_379 : i32 to index
      %swap3A_381 = arith.constant 0 : index
      %swap3A_382 = tpu.vector_load %arg9[%swap3A_380, %swap3A_381] {strides = array<i32>} : memref<256x128xf32, #tpu.memory_space<vmem>>, vector<16xf32>,
      tpu.vector_store %arg9[%swap3A_380, %swap3A_381], %gather3A_349 {strides = array<i32>} : memref<256x128xf32, #tpu.memory_space<vmem>>, vector<16xf32>,
      %add3A_383 = arith.constant 8 : i32
      %add3A_384 = arith.addi %add3A_383, %scan3A_332 : i32
      %swap3A_385 = arith.index_cast %add3A_384 : i32 to index
      %swap3A_386 = arith.constant 0 : index
      %swap3A_387 = tpu.vector_load %arg9[%swap3A_385, %swap3A_386] {strides = array<i32>} : memref<256x128xf32, #tpu.memory_space<vmem>>, vector<16xf32>,
      tpu.vector_store %arg9[%swap3A_385, %swap3A_386], %gather3A_353 {strides = array<i32>} : memref<256x128xf32, #tpu.memory_space<vmem>>, vector<16xf32>,
      %add3A_388 = arith.constant 16 : i32
      %add3A_389 = arith.addi %add3A_388, %scan3A_332 : i32
      %swap3A_390 = arith.index_cast %add3A_389 : i32 to index
      %swap3A_391 = arith.constant 0 : index
      %swap3A_392 = tpu.vector_load %arg9[%swap3A_390, %swap3A_391] {strides = array<i32>} : memref<256x128xf32, #tpu.memory_space<vmem>>, vector<16xf32>,
      tpu.vector_store %arg9[%swap3A_390, %swap3A_391], %gather3A_357 {strides = array<i32>} : memref<256x128xf32, #tpu.memory_space<vmem>>, vector<16xf32>,
      %add3A_393 = arith.constant 24 : i32
      %add3A_394 = arith.addi %add3A_393, %scan3A_332 : i32
      %swap3A_395 = arith.index_cast %add3A_394 : i32 to index
      %swap3A_396 = arith.constant 0 : index
      %swap3A_397 = tpu.vector_load %arg9[%swap3A_395, %swap3A_396] {strides = array<i32>} : memref<256x128xf32, #tpu.memory_space<vmem>>, vector<16xf32>,
      tpu.vector_store %arg9[%swap3A_395, %swap3A_396], %gather3A_361 {strides = array<i32>} : memref<256x128xf32, #tpu.memory_space<vmem>>, vector<16xf32>,
      %add3A_398 = arith.constant 32 : i32
      %add3A_399 = arith.addi %add3A_398, %scan3A_332 : i32
      %swap3A_400 = arith.index_cast %add3A_399 : i32 to index
      %swap3A_401 = arith.constant 0 : index
      %swap3A_402 = tpu.vector_load %arg9[%swap3A_400, %swap3A_401] {strides = array<i32>} : memref<256x128xf32, #tpu.memory_space<vmem>>, vector<16xf32>,
      tpu.vector_store %arg9[%swap3A_400, %swap3A_401], %gather3A_365 {strides = array<i32>} : memref<256x128xf32, #tpu.memory_space<vmem>>, vector<16xf32>,
      %add3A_403 = arith.constant 40 : i32
      %add3A_404 = arith.addi %add3A_403, %scan3A_332 : i32
      %swap3A_405 = arith.index_cast %add3A_404 : i32 to index
      %swap3A_406 = arith.constant 0 : index
      %swap3A_407 = tpu.vector_load %arg9[%swap3A_405, %swap3A_406] {strides = array<i32>} : memref<256x128xf32, #tpu.memory_space<vmem>>, vector<16xf32>,
      tpu.vector_store %arg9[%swap3A_405, %swap3A_406], %gather3A_369 {strides = array<i32>} : memref<256x128xf32, #tpu.memory_space<vmem>>, vector<16xf32>,
      %add3A_408 = arith.constant 48 : i32
      %add3A_409 = arith.addi %add3A_408, %scan3A_332 : i32
      %swap3A_410 = arith.index_cast %add3A_409 : i32 to index
      %swap3A_411 = arith.constant 0 : index
      %swap3A_412 = tpu.vector_load %arg9[%swap3A_410, %swap3A_411] {strides = array<i32>} : memref<256x128xf32, #tpu.memory_space<vmem>>, vector<16xf32>,
      tpu.vector_store %arg9[%swap3A_410, %swap3A_411], %gather3A_373 {strides = array<i32>} : memref<256x128xf32, #tpu.memory_space<vmem>>, vector<16xf32>,
      %add3A_413 = arith.constant 56 : i32
      %add3A_414 = arith.addi %add3A_413, %scan3A_332 : i32
      %swap3A_415 = arith.index_cast %add3A_414 : i32 to index
      %swap3A_416 = arith.constant 0 : index
      %swap3A_417 = tpu.vector_load %arg9[%swap3A_415, %swap3A_416] {strides = array<i32>} : memref<256x128xf32, #tpu.memory_space<vmem>>, vector<16xf32>,
      tpu.vector_store %arg9[%swap3A_415, %swap3A_416], %gather3A_377 {strides = array<i32>} : memref<256x128xf32, #tpu.memory_space<vmem>>, vector<16xf32>,
      %add3A_418 = arith.constant 64 : i32
      %add3A_419 = vector.broadcast %add3A_418 : i32 to vector<16xi32>
      %add3A_420 = arith.addi %shift_right_arithmetic3A_342, %add3A_419 : vector<16xi32>
      %gather3A_421 = tpu.vector_load_idx %arg8[%add3A_420, %and3A_345] : memref<256x128xf32, #tpu.memory_space<vmem>>[vector<16xi32>, vector<16xi32>], vector<16xf32>,
      %add3A_422 = arith.constant 72 : i32
      %add3A_423 = vector.broadcast %add3A_422 : i32 to vector<16xi32>
      %add3A_424 = arith.addi %shift_right_arithmetic3A_342, %add3A_423 : vector<16xi32>
      %gather3A_425 = tpu.vector_load_idx %arg8[%add3A_424, %and3A_345] : memref<256x128xf32, #tpu.memory_space<vmem>>[vector<16xi32>, vector<16xi32>], vector<16xf32>,
      %add3A_426 = arith.constant 80 : i32
      %add3A_427 = vector.broadcast %add3A_426 : i32 to vector<16xi32>
      %add3A_428 = arith.addi %shift_right_arithmetic3A_342, %add3A_427 : vector<16xi32>
      %gather3A_429 = tpu.vector_load_idx %arg8[%add3A_428, %and3A_345] : memref<256x128xf32, #tpu.memory_space<vmem>>[vector<16xi32>, vector<16xi32>], vector<16xf32>,
      %add3A_430 = arith.constant 88 : i32
      %add3A_431 = vector.broadcast %add3A_430 : i32 to vector<16xi32>
      %add3A_432 = arith.addi %shift_right_arithmetic3A_342, %add3A_431 : vector<16xi32>
      %gather3A_433 = tpu.vector_load_idx %arg8[%add3A_432, %and3A_345] : memref<256x128xf32, #tpu.memory_space<vmem>>[vector<16xi32>, vector<16xi32>], vector<16xf32>,
      %add3A_434 = arith.constant 96 : i32
      %add3A_435 = vector.broadcast %add3A_434 : i32 to vector<16xi32>
      %add3A_436 = arith.addi %shift_right_arithmetic3A_342, %add3A_435 : vector<16xi32>
      %gather3A_437 = tpu.vector_load_idx %arg8[%add3A_436, %and3A_345] : memref<256x128xf32, #tpu.memory_space<vmem>>[vector<16xi32>, vector<16xi32>], vector<16xf32>,
      %add3A_438 = arith.constant 104 : i32
      %add3A_439 = vector.broadcast %add3A_438 : i32 to vector<16xi32>
      %add3A_440 = arith.addi %shift_right_arithmetic3A_342, %add3A_439 : vector<16xi32>
      %gather3A_441 = tpu.vector_load_idx %arg8[%add3A_440, %and3A_345] : memref<256x128xf32, #tpu.memory_space<vmem>>[vector<16xi32>, vector<16xi32>], vector<16xf32>,
      %add3A_442 = arith.constant 112 : i32
      %add3A_443 = vector.broadcast %add3A_442 : i32 to vector<16xi32>
      %add3A_444 = arith.addi %shift_right_arithmetic3A_342, %add3A_443 : vector<16xi32>
      %gather3A_445 = tpu.vector_load_idx %arg8[%add3A_444, %and3A_345] : memref<256x128xf32, #tpu.memory_space<vmem>>[vector<16xi32>, vector<16xi32>], vector<16xf32>,
      %add3A_446 = arith.constant 120 : i32
      %add3A_447 = vector.broadcast %add3A_446 : i32 to vector<16xi32>
      %add3A_448 = arith.addi %shift_right_arithmetic3A_342, %add3A_447 : vector<16xi32>
      %gather3A_449 = tpu.vector_load_idx %arg8[%add3A_448, %and3A_345] : memref<256x128xf32, #tpu.memory_space<vmem>>[vector<16xi32>, vector<16xi32>], vector<16xf32>,
      %add3A_450 = arith.constant 64 : i32
      %add3A_451 = arith.addi %add3A_450, %scan3A_332 : i32
      %swap3A_452 = arith.index_cast %add3A_451 : i32 to index
      %swap3A_453 = arith.constant 0 : index
      %swap3A_454 = tpu.vector_load %arg9[%swap3A_452, %swap3A_453] {strides = array<i32>} : memref<256x128xf32, #tpu.memory_space<vmem>>, vector<16xf32>,
      tpu.vector_store %arg9[%swap3A_452, %swap3A_453], %gather3A_421 {strides = array<i32>} : memref<256x128xf32, #tpu.memory_space<vmem>>, vector<16xf32>,
      %add3A_455 = arith.constant 72 : i32
      %add3A_456 = arith.addi %add3A_455, %scan3A_332 : i32
      %swap3A_457 = arith.index_cast %add3A_456 : i32 to index
      %swap3A_458 = arith.constant 0 : index
      %swap3A_459 = tpu.vector_load %arg9[%swap3A_457, %swap3A_458] {strides = array<i32>} : memref<256x128xf32, #tpu.memory_space<vmem>>, vector<16xf32>,
      tpu.vector_store %arg9[%swap3A_457, %swap3A_458], %gather3A_425 {strides = array<i32>} : memref<256x128xf32, #tpu.memory_space<vmem>>, vector<16xf32>,
      %add3A_460 = arith.constant 80 : i32
      %add3A_461 = arith.addi %add3A_460, %scan3A_332 : i32
      %swap3A_462 = arith.index_cast %add3A_461 : i32 to index
      %swap3A_463 = arith.constant 0 : index
      %swap3A_464 = tpu.vector_load %arg9[%swap3A_462, %swap3A_463] {strides = array<i32>} : memref<256x128xf32, #tpu.memory_space<vmem>>, vector<16xf32>,
      tpu.vector_store %arg9[%swap3A_462, %swap3A_463], %gather3A_429 {strides = array<i32>} : memref<256x128xf32, #tpu.memory_space<vmem>>, vector<16xf32>,
      %add3A_465 = arith.constant 88 : i32
      %add3A_466 = arith.addi %add3A_465, %scan3A_332 : i32
      %swap3A_467 = arith.index_cast %add3A_466 : i32 to index
      %swap3A_468 = arith.constant 0 : index
      %swap3A_469 = tpu.vector_load %arg9[%swap3A_467, %swap3A_468] {strides = array<i32>} : memref<256x128xf32, #tpu.memory_space<vmem>>, vector<16xf32>,
      tpu.vector_store %arg9[%swap3A_467, %swap3A_468], %gather3A_433 {strides = array<i32>} : memref<256x128xf32, #tpu.memory_space<vmem>>, vector<16xf32>,
      %add3A_470 = arith.constant 96 : i32
      %add3A_471 = arith.addi %add3A_470, %scan3A_332 : i32
      %swap3A_472 = arith.index_cast %add3A_471 : i32 to index
      %swap3A_473 = arith.constant 0 : index
      %swap3A_474 = tpu.vector_load %arg9[%swap3A_472, %swap3A_473] {strides = array<i32>} : memref<256x128xf32, #tpu.memory_space<vmem>>, vector<16xf32>,
      tpu.vector_store %arg9[%swap3A_472, %swap3A_473], %gather3A_437 {strides = array<i32>} : memref<256x128xf32, #tpu.memory_space<vmem>>, vector<16xf32>,
      %add3A_475 = arith.constant 104 : i32
      %add3A_476 = arith.addi %add3A_475, %scan3A_332 : i32
      %swap3A_477 = arith.index_cast %add3A_476 : i32 to index
      %swap3A_478 = arith.constant 0 : index
      %swap3A_479 = tpu.vector_load %arg9[%swap3A_477, %swap3A_478] {strides = array<i32>} : memref<256x128xf32, #tpu.memory_space<vmem>>, vector<16xf32>,
      tpu.vector_store %arg9[%swap3A_477, %swap3A_478], %gather3A_441 {strides = array<i32>} : memref<256x128xf32, #tpu.memory_space<vmem>>, vector<16xf32>,
      %add3A_480 = arith.constant 112 : i32
      %add3A_481 = arith.addi %add3A_480, %scan3A_332 : i32
      %swap3A_482 = arith.index_cast %add3A_481 : i32 to index
      %swap3A_483 = arith.constant 0 : index
      %swap3A_484 = tpu.vector_load %arg9[%swap3A_482, %swap3A_483] {strides = array<i32>} : memref<256x128xf32, #tpu.memory_space<vmem>>, vector<16xf32>,
      tpu.vector_store %arg9[%swap3A_482, %swap3A_483], %gather3A_445 {strides = array<i32>} : memref<256x128xf32, #tpu.memory_space<vmem>>, vector<16xf32>,
      %add3A_485 = arith.constant 120 : i32
      %add3A_486 = arith.addi %add3A_485, %scan3A_332 : i32
      %swap3A_487 = arith.index_cast %add3A_486 : i32 to index
      %swap3A_488 = arith.constant 0 : index
      %swap3A_489 = tpu.vector_load %arg9[%swap3A_487, %swap3A_488] {strides = array<i32>} : memref<256x128xf32, #tpu.memory_space<vmem>>, vector<16xf32>,
      tpu.vector_store %arg9[%swap3A_487, %swap3A_488], %gather3A_449 {strides = array<i32>} : memref<256x128xf32, #tpu.memory_space<vmem>>, vector<16xf32>,
      %add3A_490 = arith.constant 128 : i32
      %add3A_491 = vector.broadcast %add3A_490 : i32 to vector<16xi32>
      %add3A_492 = arith.addi %shift_right_arithmetic3A_342, %add3A_491 : vector<16xi32>
      %gather3A_493 = tpu.vector_load_idx %arg8[%add3A_492, %and3A_345] : memref<256x128xf32, #tpu.memory_space<vmem>>[vector<16xi32>, vector<16xi32>], vector<16xf32>,
      %add3A_494 = arith.constant 136 : i32
      %add3A_495 = vector.broadcast %add3A_494 : i32 to vector<16xi32>
      %add3A_496 = arith.addi %shift_right_arithmetic3A_342, %add3A_495 : vector<16xi32>
      %gather3A_497 = tpu.vector_load_idx %arg8[%add3A_496, %and3A_345] : memref<256x128xf32, #tpu.memory_space<vmem>>[vector<16xi32>, vector<16xi32>], vector<16xf32>,
      %add3A_498 = arith.constant 144 : i32
      %add3A_499 = vector.broadcast %add3A_498 : i32 to vector<16xi32>
      %add3A_500 = arith.addi %shift_right_arithmetic3A_342, %add3A_499 : vector<16xi32>
      %gather3A_501 = tpu.vector_load_idx %arg8[%add3A_500, %and3A_345] : memref<256x128xf32, #tpu.memory_space<vmem>>[vector<16xi32>, vector<16xi32>], vector<16xf32>,
      %add3A_502 = arith.constant 152 : i32
      %add3A_503 = vector.broadcast %add3A_502 : i32 to vector<16xi32>
      %add3A_504 = arith.addi %shift_right_arithmetic3A_342, %add3A_503 : vector<16xi32>
      %gather3A_505 = tpu.vector_load_idx %arg8[%add3A_504, %and3A_345] : memref<256x128xf32, #tpu.memory_space<vmem>>[vector<16xi32>, vector<16xi32>], vector<16xf32>,
      %add3A_506 = arith.constant 160 : i32
      %add3A_507 = vector.broadcast %add3A_506 : i32 to vector<16xi32>
      %add3A_508 = arith.addi %shift_right_arithmetic3A_342, %add3A_507 : vector<16xi32>
      %gather3A_509 = tpu.vector_load_idx %arg8[%add3A_508, %and3A_345] : memref<256x128xf32, #tpu.memory_space<vmem>>[vector<16xi32>, vector<16xi32>], vector<16xf32>,
      %add3A_510 = arith.constant 168 : i32
      %add3A_511 = vector.broadcast %add3A_510 : i32 to vector<16xi32>
      %add3A_512 = arith.addi %shift_right_arithmetic3A_342, %add3A_511 : vector<16xi32>
      %gather3A_513 = tpu.vector_load_idx %arg8[%add3A_512, %and3A_345] : memref<256x128xf32, #tpu.memory_space<vmem>>[vector<16xi32>, vector<16xi32>], vector<16xf32>,
      %add3A_514 = arith.constant 176 : i32
      %add3A_515 = vector.broadcast %add3A_514 : i32 to vector<16xi32>
      %add3A_516 = arith.addi %shift_right_arithmetic3A_342, %add3A_515 : vector<16xi32>
      %gather3A_517 = tpu.vector_load_idx %arg8[%add3A_516, %and3A_345] : memref<256x128xf32, #tpu.memory_space<vmem>>[vector<16xi32>, vector<16xi32>], vector<16xf32>,
      %add3A_518 = arith.constant 184 : i32
      %add3A_519 = vector.broadcast %add3A_518 : i32 to vector<16xi32>
      %add3A_520 = arith.addi %shift_right_arithmetic3A_342, %add3A_519 : vector<16xi32>
      %gather3A_521 = tpu.vector_load_idx %arg8[%add3A_520, %and3A_345] : memref<256x128xf32, #tpu.memory_space<vmem>>[vector<16xi32>, vector<16xi32>], vector<16xf32>,
      %add3A_522 = arith.constant 128 : i32
      %add3A_523 = arith.addi %add3A_522, %scan3A_332 : i32
      %swap3A_524 = arith.index_cast %add3A_523 : i32 to index
      %swap3A_525 = arith.constant 0 : index
      %swap3A_526 = tpu.vector_load %arg9[%swap3A_524, %swap3A_525] {strides = array<i32>} : memref<256x128xf32, #tpu.memory_space<vmem>>, vector<16xf32>,
      tpu.vector_store %arg9[%swap3A_524, %swap3A_525], %gather3A_493 {strides = array<i32>} : memref<256x128xf32, #tpu.memory_space<vmem>>, vector<16xf32>,
      %add3A_527 = arith.constant 136 : i32
      %add3A_528 = arith.addi %add3A_527, %scan3A_332 : i32
      %swap3A_529 = arith.index_cast %add3A_528 : i32 to index
      %swap3A_530 = arith.constant 0 : index
      %swap3A_531 = tpu.vector_load %arg9[%swap3A_529, %swap3A_530] {strides = array<i32>} : memref<256x128xf32, #tpu.memory_space<vmem>>, vector<16xf32>,
      tpu.vector_store %arg9[%swap3A_529, %swap3A_530], %gather3A_497 {strides = array<i32>} : memref<256x128xf32, #tpu.memory_space<vmem>>, vector<16xf32>,
      %add3A_532 = arith.constant 144 : i32
      %add3A_533 = arith.addi %add3A_532, %scan3A_332 : i32
      %swap3A_534 = arith.index_cast %add3A_533 : i32 to index
      %swap3A_535 = arith.constant 0 : index
      %swap3A_536 = tpu.vector_load %arg9[%swap3A_534, %swap3A_535] {strides = array<i32>} : memref<256x128xf32, #tpu.memory_space<vmem>>, vector<16xf32>,
      tpu.vector_store %arg9[%swap3A_534, %swap3A_535], %gather3A_501 {strides = array<i32>} : memref<256x128xf32, #tpu.memory_space<vmem>>, vector<16xf32>,
      %add3A_537 = arith.constant 152 : i32
      %add3A_538 = arith.addi %add3A_537, %scan3A_332 : i32
      %swap3A_539 = arith.index_cast %add3A_538 : i32 to index
      %swap3A_540 = arith.constant 0 : index
      %swap3A_541 = tpu.vector_load %arg9[%swap3A_539, %swap3A_540] {strides = array<i32>} : memref<256x128xf32, #tpu.memory_space<vmem>>, vector<16xf32>,
      tpu.vector_store %arg9[%swap3A_539, %swap3A_540], %gather3A_505 {strides = array<i32>} : memref<256x128xf32, #tpu.memory_space<vmem>>, vector<16xf32>,
      %add3A_542 = arith.constant 160 : i32
      %add3A_543 = arith.addi %add3A_542, %scan3A_332 : i32
      %swap3A_544 = arith.index_cast %add3A_543 : i32 to index
      %swap3A_545 = arith.constant 0 : index
      %swap3A_546 = tpu.vector_load %arg9[%swap3A_544, %swap3A_545] {strides = array<i32>} : memref<256x128xf32, #tpu.memory_space<vmem>>, vector<16xf32>,
      tpu.vector_store %arg9[%swap3A_544, %swap3A_545], %gather3A_509 {strides = array<i32>} : memref<256x128xf32, #tpu.memory_space<vmem>>, vector<16xf32>,
      %add3A_547 = arith.constant 168 : i32
      %add3A_548 = arith.addi %add3A_547, %scan3A_332 : i32
      %swap3A_549 = arith.index_cast %add3A_548 : i32 to index
      %swap3A_550 = arith.constant 0 : index
      %swap3A_551 = tpu.vector_load %arg9[%swap3A_549, %swap3A_550] {strides = array<i32>} : memref<256x128xf32, #tpu.memory_space<vmem>>, vector<16xf32>,
      tpu.vector_store %arg9[%swap3A_549, %swap3A_550], %gather3A_513 {strides = array<i32>} : memref<256x128xf32, #tpu.memory_space<vmem>>, vector<16xf32>,
      %add3A_552 = arith.constant 176 : i32
      %add3A_553 = arith.addi %add3A_552, %scan3A_332 : i32
      %swap3A_554 = arith.index_cast %add3A_553 : i32 to index
      %swap3A_555 = arith.constant 0 : index
      %swap3A_556 = tpu.vector_load %arg9[%swap3A_554, %swap3A_555] {strides = array<i32>} : memref<256x128xf32, #tpu.memory_space<vmem>>, vector<16xf32>,
      tpu.vector_store %arg9[%swap3A_554, %swap3A_555], %gather3A_517 {strides = array<i32>} : memref<256x128xf32, #tpu.memory_space<vmem>>, vector<16xf32>,
      %add3A_557 = arith.constant 184 : i32
      %add3A_558 = arith.addi %add3A_557, %scan3A_332 : i32
      %swap3A_559 = arith.index_cast %add3A_558 : i32 to index
      %swap3A_560 = arith.constant 0 : index
      %swap3A_561 = tpu.vector_load %arg9[%swap3A_559, %swap3A_560] {strides = array<i32>} : memref<256x128xf32, #tpu.memory_space<vmem>>, vector<16xf32>,
      tpu.vector_store %arg9[%swap3A_559, %swap3A_560], %gather3A_521 {strides = array<i32>} : memref<256x128xf32, #tpu.memory_space<vmem>>, vector<16xf32>,
      %add3A_562 = arith.constant 192 : i32
      %add3A_563 = vector.broadcast %add3A_562 : i32 to vector<16xi32>
      %add3A_564 = arith.addi %shift_right_arithmetic3A_342, %add3A_563 : vector<16xi32>
      %gather3A_565 = tpu.vector_load_idx %arg8[%add3A_564, %and3A_345] : memref<256x128xf32, #tpu.memory_space<vmem>>[vector<16xi32>, vector<16xi32>], vector<16xf32>,
      %add3A_566 = arith.constant 200 : i32
      %add3A_567 = vector.broadcast %add3A_566 : i32 to vector<16xi32>
      %add3A_568 = arith.addi %shift_right_arithmetic3A_342, %add3A_567 : vector<16xi32>
      %gather3A_569 = tpu.vector_load_idx %arg8[%add3A_568, %and3A_345] : memref<256x128xf32, #tpu.memory_space<vmem>>[vector<16xi32>, vector<16xi32>], vector<16xf32>,
      %add3A_570 = arith.constant 208 : i32
      %add3A_571 = vector.broadcast %add3A_570 : i32 to vector<16xi32>
      %add3A_572 = arith.addi %shift_right_arithmetic3A_342, %add3A_571 : vector<16xi32>
      %gather3A_573 = tpu.vector_load_idx %arg8[%add3A_572, %and3A_345] : memref<256x128xf32, #tpu.memory_space<vmem>>[vector<16xi32>, vector<16xi32>], vector<16xf32>,
      %add3A_574 = arith.constant 216 : i32
      %add3A_575 = vector.broadcast %add3A_574 : i32 to vector<16xi32>
      %add3A_576 = arith.addi %shift_right_arithmetic3A_342, %add3A_575 : vector<16xi32>
      %gather3A_577 = tpu.vector_load_idx %arg8[%add3A_576, %and3A_345] : memref<256x128xf32, #tpu.memory_space<vmem>>[vector<16xi32>, vector<16xi32>], vector<16xf32>,
      %add3A_578 = arith.constant 224 : i32
      %add3A_579 = vector.broadcast %add3A_578 : i32 to vector<16xi32>
      %add3A_580 = arith.addi %shift_right_arithmetic3A_342, %add3A_579 : vector<16xi32>
      %gather3A_581 = tpu.vector_load_idx %arg8[%add3A_580, %and3A_345] : memref<256x128xf32, #tpu.memory_space<vmem>>[vector<16xi32>, vector<16xi32>], vector<16xf32>,
      %add3A_582 = arith.constant 232 : i32
      %add3A_583 = vector.broadcast %add3A_582 : i32 to vector<16xi32>
      %add3A_584 = arith.addi %shift_right_arithmetic3A_342, %add3A_583 : vector<16xi32>
      %gather3A_585 = tpu.vector_load_idx %arg8[%add3A_584, %and3A_345] : memref<256x128xf32, #tpu.memory_space<vmem>>[vector<16xi32>, vector<16xi32>], vector<16xf32>,
      %add3A_586 = arith.constant 240 : i32
      %add3A_587 = vector.broadcast %add3A_586 : i32 to vector<16xi32>
      %add3A_588 = arith.addi %shift_right_arithmetic3A_342, %add3A_587 : vector<16xi32>
      %gather3A_589 = tpu.vector_load_idx %arg8[%add3A_588, %and3A_345] : memref<256x128xf32, #tpu.memory_space<vmem>>[vector<16xi32>, vector<16xi32>], vector<16xf32>,
      %add3A_590 = arith.constant 248 : i32
      %add3A_591 = vector.broadcast %add3A_590 : i32 to vector<16xi32>
      %add3A_592 = arith.addi %shift_right_arithmetic3A_342, %add3A_591 : vector<16xi32>
      %gather3A_593 = tpu.vector_load_idx %arg8[%add3A_592, %and3A_345] : memref<256x128xf32, #tpu.memory_space<vmem>>[vector<16xi32>, vector<16xi32>], vector<16xf32>,
      %add3A_594 = arith.constant 192 : i32
      %add3A_595 = arith.addi %add3A_594, %scan3A_332 : i32
      %swap3A_596 = arith.index_cast %add3A_595 : i32 to index
      %swap3A_597 = arith.constant 0 : index
      %swap3A_598 = tpu.vector_load %arg9[%swap3A_596, %swap3A_597] {strides = array<i32>} : memref<256x128xf32, #tpu.memory_space<vmem>>, vector<16xf32>,
      tpu.vector_store %arg9[%swap3A_596, %swap3A_597], %gather3A_565 {strides = array<i32>} : memref<256x128xf32, #tpu.memory_space<vmem>>, vector<16xf32>,
      %add3A_599 = arith.constant 200 : i32
      %add3A_600 = arith.addi %add3A_599, %scan3A_332 : i32
      %swap3A_601 = arith.index_cast %add3A_600 : i32 to index
      %swap3A_602 = arith.constant 0 : index
      %swap3A_603 = tpu.vector_load %arg9[%swap3A_601, %swap3A_602] {strides = array<i32>} : memref<256x128xf32, #tpu.memory_space<vmem>>, vector<16xf32>,
      tpu.vector_store %arg9[%swap3A_601, %swap3A_602], %gather3A_569 {strides = array<i32>} : memref<256x128xf32, #tpu.memory_space<vmem>>, vector<16xf32>,
      %add3A_604 = arith.constant 208 : i32
      %add3A_605 = arith.addi %add3A_604, %scan3A_332 : i32
      %swap3A_606 = arith.index_cast %add3A_605 : i32 to index
      %swap3A_607 = arith.constant 0 : index
      %swap3A_608 = tpu.vector_load %arg9[%swap3A_606, %swap3A_607] {strides = array<i32>} : memref<256x128xf32, #tpu.memory_space<vmem>>, vector<16xf32>,
      tpu.vector_store %arg9[%swap3A_606, %swap3A_607], %gather3A_573 {strides = array<i32>} : memref<256x128xf32, #tpu.memory_space<vmem>>, vector<16xf32>,
      %add3A_609 = arith.constant 216 : i32
      %add3A_610 = arith.addi %add3A_609, %scan3A_332 : i32
      %swap3A_611 = arith.index_cast %add3A_610 : i32 to index
      %swap3A_612 = arith.constant 0 : index
      %swap3A_613 = tpu.vector_load %arg9[%swap3A_611, %swap3A_612] {strides = array<i32>} : memref<256x128xf32, #tpu.memory_space<vmem>>, vector<16xf32>,
      tpu.vector_store %arg9[%swap3A_611, %swap3A_612], %gather3A_577 {strides = array<i32>} : memref<256x128xf32, #tpu.memory_space<vmem>>, vector<16xf32>,
      %add3A_614 = arith.constant 224 : i32
      %add3A_615 = arith.addi %add3A_614, %scan3A_332 : i32
      %swap3A_616 = arith.index_cast %add3A_615 : i32 to index
      %swap3A_617 = arith.constant 0 : index
      %swap3A_618 = tpu.vector_load %arg9[%swap3A_616, %swap3A_617] {strides = array<i32>} : memref<256x128xf32, #tpu.memory_space<vmem>>, vector<16xf32>,
      tpu.vector_store %arg9[%swap3A_616, %swap3A_617], %gather3A_581 {strides = array<i32>} : memref<256x128xf32, #tpu.memory_space<vmem>>, vector<16xf32>,
      %add3A_619 = arith.constant 232 : i32
      %add3A_620 = arith.addi %add3A_619, %scan3A_332 : i32
      %swap3A_621 = arith.index_cast %add3A_620 : i32 to index
      %swap3A_622 = arith.constant 0 : index
      %swap3A_623 = tpu.vector_load %arg9[%swap3A_621, %swap3A_622] {strides = array<i32>} : memref<256x128xf32, #tpu.memory_space<vmem>>, vector<16xf32>,
      tpu.vector_store %arg9[%swap3A_621, %swap3A_622], %gather3A_585 {strides = array<i32>} : memref<256x128xf32, #tpu.memory_space<vmem>>, vector<16xf32>,
      %add3A_624 = arith.constant 240 : i32
      %add3A_625 = arith.addi %add3A_624, %scan3A_332 : i32
      %swap3A_626 = arith.index_cast %add3A_625 : i32 to index
      %swap3A_627 = arith.constant 0 : index
      %swap3A_628 = tpu.vector_load %arg9[%swap3A_626, %swap3A_627] {strides = array<i32>} : memref<256x128xf32, #tpu.memory_space<vmem>>, vector<16xf32>,
      tpu.vector_store %arg9[%swap3A_626, %swap3A_627], %gather3A_589 {strides = array<i32>} : memref<256x128xf32, #tpu.memory_space<vmem>>, vector<16xf32>,
      %add3A_629 = arith.constant 248 : i32
      %add3A_630 = arith.addi %add3A_629, %scan3A_332 : i32
      %swap3A_631 = arith.index_cast %add3A_630 : i32 to index
      %swap3A_632 = arith.constant 0 : index
      %swap3A_633 = tpu.vector_load %arg9[%swap3A_631, %swap3A_632] {strides = array<i32>} : memref<256x128xf32, #tpu.memory_space<vmem>>, vector<16xf32>,
      tpu.vector_store %arg9[%swap3A_631, %swap3A_632], %gather3A_593 {strides = array<i32>} : memref<256x128xf32, #tpu.memory_space<vmem>>, vector<16xf32>,
      %add3A_634 = arith.constant 16 : i32
      %add3A_635 = arith.addi %multiple_of3A_336, %add3A_634 : i32
      %get3A_636 = arith.index_cast %add3A_635 : i32 to index
      %get3A_637 = tpu.vector_load %arg5[%get3A_636] {strides = array<i32>} : memref<1024xi32, #tpu.memory_space<vmem>>, vector<16xi32>,
      %shift_right_arithmetic3A_638 = arith.constant 7 : i32
      %shift_right_arithmetic3A_639 = vector.broadcast %shift_right_arithmetic3A_638 : i32 to vector<16xi32>
      %shift_right_arithmetic3A_640 = arith.shrsi %get3A_637, %shift_right_arithmetic3A_639 : vector<16xi32>
      %and3A_641 = arith.constant 127 : i32
      %and3A_642 = vector.broadcast %and3A_641 : i32 to vector<16xi32>
      %and3A_643 = arith.andi %get3A_637, %and3A_642 : vector<16xi32>
      %add3A_644 = arith.constant 0 : i32
      %add3A_645 = vector.broadcast %add3A_644 : i32 to vector<16xi32>
      %add3A_646 = arith.addi %shift_right_arithmetic3A_640, %add3A_645 : vector<16xi32>
      %gather3A_647 = tpu.vector_load_idx %arg8[%add3A_646, %and3A_643] : memref<256x128xf32, #tpu.memory_space<vmem>>[vector<16xi32>, vector<16xi32>], vector<16xf32>,
      %add3A_648 = arith.constant 8 : i32
      %add3A_649 = vector.broadcast %add3A_648 : i32 to vector<16xi32>
      %add3A_650 = arith.addi %shift_right_arithmetic3A_640, %add3A_649 : vector<16xi32>
      %gather3A_651 = tpu.vector_load_idx %arg8[%add3A_650, %and3A_643] : memref<256x128xf32, #tpu.memory_space<vmem>>[vector<16xi32>, vector<16xi32>], vector<16xf32>,
      %add3A_652 = arith.constant 16 : i32
      %add3A_653 = vector.broadcast %add3A_652 : i32 to vector<16xi32>
      %add3A_654 = arith.addi %shift_right_arithmetic3A_640, %add3A_653 : vector<16xi32>
      %gather3A_655 = tpu.vector_load_idx %arg8[%add3A_654, %and3A_643] : memref<256x128xf32, #tpu.memory_space<vmem>>[vector<16xi32>, vector<16xi32>], vector<16xf32>,
      %add3A_656 = arith.constant 24 : i32
      %add3A_657 = vector.broadcast %add3A_656 : i32 to vector<16xi32>
      %add3A_658 = arith.addi %shift_right_arithmetic3A_640, %add3A_657 : vector<16xi32>
      %gather3A_659 = tpu.vector_load_idx %arg8[%add3A_658, %and3A_643] : memref<256x128xf32, #tpu.memory_space<vmem>>[vector<16xi32>, vector<16xi32>], vector<16xf32>,
      %add3A_660 = arith.constant 32 : i32
      %add3A_661 = vector.broadcast %add3A_660 : i32 to vector<16xi32>
      %add3A_662 = arith.addi %shift_right_arithmetic3A_640, %add3A_661 : vector<16xi32>
      %gather3A_663 = tpu.vector_load_idx %arg8[%add3A_662, %and3A_643] : memref<256x128xf32, #tpu.memory_space<vmem>>[vector<16xi32>, vector<16xi32>], vector<16xf32>,
      %add3A_664 = arith.constant 40 : i32
      %add3A_665 = vector.broadcast %add3A_664 : i32 to vector<16xi32>
      %add3A_666 = arith.addi %shift_right_arithmetic3A_640, %add3A_665 : vector<16xi32>
      %gather3A_667 = tpu.vector_load_idx %arg8[%add3A_666, %and3A_643] : memref<256x128xf32, #tpu.memory_space<vmem>>[vector<16xi32>, vector<16xi32>], vector<16xf32>,
      %add3A_668 = arith.constant 48 : i32
      %add3A_669 = vector.broadcast %add3A_668 : i32 to vector<16xi32>
      %add3A_670 = arith.addi %shift_right_arithmetic3A_640, %add3A_669 : vector<16xi32>
      %gather3A_671 = tpu.vector_load_idx %arg8[%add3A_670, %and3A_643] : memref<256x128xf32, #tpu.memory_space<vmem>>[vector<16xi32>, vector<16xi32>], vector<16xf32>,
      %add3A_672 = arith.constant 56 : i32
      %add3A_673 = vector.broadcast %add3A_672 : i32 to vector<16xi32>
      %add3A_674 = arith.addi %shift_right_arithmetic3A_640, %add3A_673 : vector<16xi32>
      %gather3A_675 = tpu.vector_load_idx %arg8[%add3A_674, %and3A_643] : memref<256x128xf32, #tpu.memory_space<vmem>>[vector<16xi32>, vector<16xi32>], vector<16xf32>,
      %add3A_676 = arith.constant 0 : i32
      %add3A_677 = arith.addi %add3A_676, %scan3A_332 : i32
      %swap3A_678 = arith.index_cast %add3A_677 : i32 to index
      %swap3A_679 = arith.constant 16 : index
      %swap3A_680 = tpu.vector_load %arg9[%swap3A_678, %swap3A_679] {strides = array<i32>} : memref<256x128xf32, #tpu.memory_space<vmem>>, vector<16xf32>,
      tpu.vector_store %arg9[%swap3A_678, %swap3A_679], %gather3A_647 {strides = array<i32>} : memref<256x128xf32, #tpu.memory_space<vmem>>, vector<16xf32>,
      %add3A_681 = arith.constant 8 : i32
      %add3A_682 = arith.addi %add3A_681, %scan3A_332 : i32
      %swap3A_683 = arith.index_cast %add3A_682 : i32 to index
      %swap3A_684 = arith.constant 16 : index
      %swap3A_685 = tpu.vector_load %arg9[%swap3A_683, %swap3A_684] {strides = array<i32>} : memref<256x128xf32, #tpu.memory_space<vmem>>, vector<16xf32>,
      tpu.vector_store %arg9[%swap3A_683, %swap3A_684], %gather3A_651 {strides = array<i32>} : memref<256x128xf32, #tpu.memory_space<vmem>>, vector<16xf32>,
      %add3A_686 = arith.constant 16 : i32
      %add3A_687 = arith.addi %add3A_686, %scan3A_332 : i32
      %swap3A_688 = arith.index_cast %add3A_687 : i32 to index
      %swap3A_689 = arith.constant 16 : index
      %swap3A_690 = tpu.vector_load %arg9[%swap3A_688, %swap3A_689] {strides = array<i32>} : memref<256x128xf32, #tpu.memory_space<vmem>>, vector<16xf32>,
      tpu.vector_store %arg9[%swap3A_688, %swap3A_689], %gather3A_655 {strides = array<i32>} : memref<256x128xf32, #tpu.memory_space<vmem>>, vector<16xf32>,
      %add3A_691 = arith.constant 24 : i32
      %add3A_692 = arith.addi %add3A_691, %scan3A_332 : i32
      %swap3A_693 = arith.index_cast %add3A_692 : i32 to index
      %swap3A_694 = arith.constant 16 : index
      %swap3A_695 = tpu.vector_load %arg9[%swap3A_693, %swap3A_694] {strides = array<i32>} : memref<256x128xf32, #tpu.memory_space<vmem>>, vector<16xf32>,
      tpu.vector_store %arg9[%swap3A_693, %swap3A_694], %gather3A_659 {strides = array<i32>} : memref<256x128xf32, #tpu.memory_space<vmem>>, vector<16xf32>,
      %add3A_696 = arith.constant 32 : i32
      %add3A_697 = arith.addi %add3A_696, %scan3A_332 : i32
      %swap3A_698 = arith.index_cast %add3A_697 : i32 to index
      %swap3A_699 = arith.constant 16 : index
      %swap3A_700 = tpu.vector_load %arg9[%swap3A_698, %swap3A_699] {strides = array<i32>} : memref<256x128xf32, #tpu.memory_space<vmem>>, vector<16xf32>,
      tpu.vector_store %arg9[%swap3A_698, %swap3A_699], %gather3A_663 {strides = array<i32>} : memref<256x128xf32, #tpu.memory_space<vmem>>, vector<16xf32>,
      %add3A_701 = arith.constant 40 : i32
      %add3A_702 = arith.addi %add3A_701, %scan3A_332 : i32
      %swap3A_703 = arith.index_cast %add3A_702 : i32 to index
      %swap3A_704 = arith.constant 16 : index
      %swap3A_705 = tpu.vector_load %arg9[%swap3A_703, %swap3A_704] {strides = array<i32>} : memref<256x128xf32, #tpu.memory_space<vmem>>, vector<16xf32>,
      tpu.vector_store %arg9[%swap3A_703, %swap3A_704], %gather3A_667 {strides = array<i32>} : memref<256x128xf32, #tpu.memory_space<vmem>>, vector<16xf32>,
      %add3A_706 = arith.constant 48 : i32
      %add3A_707 = arith.addi %add3A_706, %scan3A_332 : i32
      %swap3A_708 = arith.index_cast %add3A_707 : i32 to index
      %swap3A_709 = arith.constant 16 : index
      %swap3A_710 = tpu.vector_load %arg9[%swap3A_708, %swap3A_709] {strides = array<i32>} : memref<256x128xf32, #tpu.memory_space<vmem>>, vector<16xf32>,
      tpu.vector_store %arg9[%swap3A_708, %swap3A_709], %gather3A_671 {strides = array<i32>} : memref<256x128xf32, #tpu.memory_space<vmem>>, vector<16xf32>,
      %add3A_711 = arith.constant 56 : i32
      %add3A_712 = arith.addi %add3A_711, %scan3A_332 : i32
      %swap3A_713 = arith.index_cast %add3A_712 : i32 to index
      %swap3A_714 = arith.constant 16 : index
      %swap3A_715 = tpu.vector_load %arg9[%swap3A_713, %swap3A_714] {strides = array<i32>} : memref<256x128xf32, #tpu.memory_space<vmem>>, vector<16xf32>,
      tpu.vector_store %arg9[%swap3A_713, %swap3A_714], %gather3A_675 {strides = array<i32>} : memref<256x128xf32, #tpu.memory_space<vmem>>, vector<16xf32>,
      %add3A_716 = arith.constant 64 : i32
      %add3A_717 = vector.broadcast %add3A_716 : i32 to vector<16xi32>
      %add3A_718 = arith.addi %shift_right_arithmetic3A_640, %add3A_717 : vector<16xi32>
      %gather3A_719 = tpu.vector_load_idx %arg8[%add3A_718, %and3A_643] : memref<256x128xf32, #tpu.memory_space<vmem>>[vector<16xi32>, vector<16xi32>], vector<16xf32>,
      %add3A_720 = arith.constant 72 : i32
      %add3A_721 = vector.broadcast %add3A_720 : i32 to vector<16xi32>
      %add3A_722 = arith.addi %shift_right_arithmetic3A_640, %add3A_721 : vector<16xi32>
      %gather3A_723 = tpu.vector_load_idx %arg8[%add3A_722, %and3A_643] : memref<256x128xf32, #tpu.memory_space<vmem>>[vector<16xi32>, vector<16xi32>], vector<16xf32>,
      %add3A_724 = arith.constant 80 : i32
      %add3A_725 = vector.broadcast %add3A_724 : i32 to vector<16xi32>
      %add3A_726 = arith.addi %shift_right_arithmetic3A_640, %add3A_725 : vector<16xi32>
      %gather3A_727 = tpu.vector_load_idx %arg8[%add3A_726, %and3A_643] : memref<256x128xf32, #tpu.memory_space<vmem>>[vector<16xi32>, vector<16xi32>], vector<16xf32>,
      %add3A_728 = arith.constant 88 : i32
      %add3A_729 = vector.broadcast %add3A_728 : i32 to vector<16xi32>
      %add3A_730 = arith.addi %shift_right_arithmetic3A_640, %add3A_729 : vector<16xi32>
      %gather3A_731 = tpu.vector_load_idx %arg8[%add3A_730, %and3A_643] : memref<256x128xf32, #tpu.memory_space<vmem>>[vector<16xi32>, vector<16xi32>], vector<16xf32>,
      %add3A_732 = arith.constant 96 : i32
      %add3A_733 = vector.broadcast %add3A_732 : i32 to vector<16xi32>
      %add3A_734 = arith.addi %shift_right_arithmetic3A_640, %add3A_733 : vector<16xi32>
      %gather3A_735 = tpu.vector_load_idx %arg8[%add3A_734, %and3A_643] : memref<256x128xf32, #tpu.memory_space<vmem>>[vector<16xi32>, vector<16xi32>], vector<16xf32>,
      %add3A_736 = arith.constant 104 : i32
      %add3A_737 = vector.broadcast %add3A_736 : i32 to vector<16xi32>
      %add3A_738 = arith.addi %shift_right_arithmetic3A_640, %add3A_737 : vector<16xi32>
      %gather3A_739 = tpu.vector_load_idx %arg8[%add3A_738, %and3A_643] : memref<256x128xf32, #tpu.memory_space<vmem>>[vector<16xi32>, vector<16xi32>], vector<16xf32>,
      %add3A_740 = arith.constant 112 : i32
      %add3A_741 = vector.broadcast %add3A_740 : i32 to vector<16xi32>
      %add3A_742 = arith.addi %shift_right_arithmetic3A_640, %add3A_741 : vector<16xi32>
      %gather3A_743 = tpu.vector_load_idx %arg8[%add3A_742, %and3A_643] : memref<256x128xf32, #tpu.memory_space<vmem>>[vector<16xi32>, vector<16xi32>], vector<16xf32>,
      %add3A_744 = arith.constant 120 : i32
      %add3A_745 = vector.broadcast %add3A_744 : i32 to vector<16xi32>
      %add3A_746 = arith.addi %shift_right_arithmetic3A_640, %add3A_745 : vector<16xi32>
      %gather3A_747 = tpu.vector_load_idx %arg8[%add3A_746, %and3A_643] : memref<256x128xf32, #tpu.memory_space<vmem>>[vector<16xi32>, vector<16xi32>], vector<16xf32>,
      %add3A_748 = arith.constant 64 : i32
      %add3A_749 = arith.addi %add3A_748, %scan3A_332 : i32
      %swap3A_750 = arith.index_cast %add3A_749 : i32 to index
      %swap3A_751 = arith.constant 16 : index
      %swap3A_752 = tpu.vector_load %arg9[%swap3A_750, %swap3A_751] {strides = array<i32>} : memref<256x128xf32, #tpu.memory_space<vmem>>, vector<16xf32>,
      tpu.vector_store %arg9[%swap3A_750, %swap3A_751], %gather3A_719 {strides = array<i32>} : memref<256x128xf32, #tpu.memory_space<vmem>>, vector<16xf32>,
      %add3A_753 = arith.constant 72 : i32
      %add3A_754 = arith.addi %add3A_753, %scan3A_332 : i32
      %swap3A_755 = arith.index_cast %add3A_754 : i32 to index
      %swap3A_756 = arith.constant 16 : index
      %swap3A_757 = tpu.vector_load %arg9[%swap3A_755, %swap3A_756] {strides = array<i32>} : memref<256x128xf32, #tpu.memory_space<vmem>>, vector<16xf32>,
      tpu.vector_store %arg9[%swap3A_755, %swap3A_756], %gather3A_723 {strides = array<i32>} : memref<256x128xf32, #tpu.memory_space<vmem>>, vector<16xf32>,
      %add3A_758 = arith.constant 80 : i32
      %add3A_759 = arith.addi %add3A_758, %scan3A_332 : i32
      %swap3A_760 = arith.index_cast %add3A_759 : i32 to index
      %swap3A_761 = arith.constant 16 : index
      %swap3A_762 = tpu.vector_load %arg9[%swap3A_760, %swap3A_761] {strides = array<i32>} : memref<256x128xf32, #tpu.memory_space<vmem>>, vector<16xf32>,
      tpu.vector_store %arg9[%swap3A_760, %swap3A_761], %gather3A_727 {strides = array<i32>} : memref<256x128xf32, #tpu.memory_space<vmem>>, vector<16xf32>,
      %add3A_763 = arith.constant 88 : i32
      %add3A_764 = arith.addi %add3A_763, %scan3A_332 : i32
      %swap3A_765 = arith.index_cast %add3A_764 : i32 to index
      %swap3A_766 = arith.constant 16 : index
      %swap3A_767 = tpu.vector_load %arg9[%swap3A_765, %swap3A_766] {strides = array<i32>} : memref<256x128xf32, #tpu.memory_space<vmem>>, vector<16xf32>,
      tpu.vector_store %arg9[%swap3A_765, %swap3A_766], %gather3A_731 {strides = array<i32>} : memref<256x128xf32, #tpu.memory_space<vmem>>, vector<16xf32>,
      %add3A_768 = arith.constant 96 : i32
      %add3A_769 = arith.addi %add3A_768, %scan3A_332 : i32
      %swap3A_770 = arith.index_cast %add3A_769 : i32 to index
      %swap3A_771 = arith.constant 16 : index
      %swap3A_772 = tpu.vector_load %arg9[%swap3A_770, %swap3A_771] {strides = array<i32>} : memref<256x128xf32, #tpu.memory_space<vmem>>, vector<16xf32>,
      tpu.vector_store %arg9[%swap3A_770, %swap3A_771], %gather3A_735 {strides = array<i32>} : memref<256x128xf32, #tpu.memory_space<vmem>>, vector<16xf32>,
      %add3A_773 = arith.constant 104 : i32
      %add3A_774 = arith.addi %add3A_773, %scan3A_332 : i32
      %swap3A_775 = arith.index_cast %add3A_774 : i32 to index
      %swap3A_776 = arith.constant 16 : index
      %swap3A_777 = tpu.vector_load %arg9[%swap3A_775, %swap3A_776] {strides = array<i32>} : memref<256x128xf32, #tpu.memory_space<vmem>>, vector<16xf32>,
      tpu.vector_store %arg9[%swap3A_775, %swap3A_776], %gather3A_739 {strides = array<i32>} : memref<256x128xf32, #tpu.memory_space<vmem>>, vector<16xf32>,
      %add3A_778 = arith.constant 112 : i32
      %add3A_779 = arith.addi %add3A_778, %scan3A_332 : i32
      %swap3A_780 = arith.index_cast %add3A_779 : i32 to index
      %swap3A_781 = arith.constant 16 : index
      %swap3A_782 = tpu.vector_load %arg9[%swap3A_780, %swap3A_781] {strides = array<i32>} : memref<256x128xf32, #tpu.memory_space<vmem>>, vector<16xf32>,
      tpu.vector_store %arg9[%swap3A_780, %swap3A_781], %gather3A_743 {strides = array<i32>} : memref<256x128xf32, #tpu.memory_space<vmem>>, vector<16xf32>,
      %add3A_783 = arith.constant 120 : i32
      %add3A_784 = arith.addi %add3A_783, %scan3A_332 : i32
      %swap3A_785 = arith.index_cast %add3A_784 : i32 to index
      %swap3A_786 = arith.constant 16 : index
      %swap3A_787 = tpu.vector_load %arg9[%swap3A_785, %swap3A_786] {strides = array<i32>} : memref<256x128xf32, #tpu.memory_space<vmem>>, vector<16xf32>,
      tpu.vector_store %arg9[%swap3A_785, %swap3A_786], %gather3A_747 {strides = array<i32>} : memref<256x128xf32, #tpu.memory_space<vmem>>, vector<16xf32>,
      %add3A_788 = arith.constant 128 : i32
      %add3A_789 = vector.broadcast %add3A_788 : i32 to vector<16xi32>
      %add3A_790 = arith.addi %shift_right_arithmetic3A_640, %add3A_789 : vector<16xi32>
      %gather3A_791 = tpu.vector_load_idx %arg8[%add3A_790, %and3A_643] : memref<256x128xf32, #tpu.memory_space<vmem>>[vector<16xi32>, vector<16xi32>], vector<16xf32>,
      %add3A_792 = arith.constant 136 : i32
      %add3A_793 = vector.broadcast %add3A_792 : i32 to vector<16xi32>
      %add3A_794 = arith.addi %shift_right_arithmetic3A_640, %add3A_793 : vector<16xi32>
      %gather3A_795 = tpu.vector_load_idx %arg8[%add3A_794, %and3A_643] : memref<256x128xf32, #tpu.memory_space<vmem>>[vector<16xi32>, vector<16xi32>], vector<16xf32>,
      %add3A_796 = arith.constant 144 : i32
      %add3A_797 = vector.broadcast %add3A_796 : i32 to vector<16xi32>
      %add3A_798 = arith.addi %shift_right_arithmetic3A_640, %add3A_797 : vector<16xi32>
      %gather3A_799 = tpu.vector_load_idx %arg8[%add3A_798, %and3A_643] : memref<256x128xf32, #tpu.memory_space<vmem>>[vector<16xi32>, vector<16xi32>], vector<16xf32>,
      %add3A_800 = arith.constant 152 : i32
      %add3A_801 = vector.broadcast %add3A_800 : i32 to vector<16xi32>
      %add3A_802 = arith.addi %shift_right_arithmetic3A_640, %add3A_801 : vector<16xi32>
      %gather3A_803 = tpu.vector_load_idx %arg8[%add3A_802, %and3A_643] : memref<256x128xf32, #tpu.memory_space<vmem>>[vector<16xi32>, vector<16xi32>], vector<16xf32>,
      %add3A_804 = arith.constant 160 : i32
      %add3A_805 = vector.broadcast %add3A_804 : i32 to vector<16xi32>
      %add3A_806 = arith.addi %shift_right_arithmetic3A_640, %add3A_805 : vector<16xi32>
      %gather3A_807 = tpu.vector_load_idx %arg8[%add3A_806, %and3A_643] : memref<256x128xf32, #tpu.memory_space<vmem>>[vector<16xi32>, vector<16xi32>], vector<16xf32>,
      %add3A_808 = arith.constant 168 : i32
      %add3A_809 = vector.broadcast %add3A_808 : i32 to vector<16xi32>
      %add3A_810 = arith.addi %shift_right_arithmetic3A_640, %add3A_809 : vector<16xi32>
      %gather3A_811 = tpu.vector_load_idx %arg8[%add3A_810, %and3A_643] : memref<256x128xf32, #tpu.memory_space<vmem>>[vector<16xi32>, vector<16xi32>], vector<16xf32>,
      %add3A_812 = arith.constant 176 : i32
      %add3A_813 = vector.broadcast %add3A_812 : i32 to vector<16xi32>
      %add3A_814 = arith.addi %shift_right_arithmetic3A_640, %add3A_813 : vector<16xi32>
      %gather3A_815 = tpu.vector_load_idx %arg8[%add3A_814, %and3A_643] : memref<256x128xf32, #tpu.memory_space<vmem>>[vector<16xi32>, vector<16xi32>], vector<16xf32>,
      %add3A_816 = arith.constant 184 : i32
      %add3A_817 = vector.broadcast %add3A_816 : i32 to vector<16xi32>
      %add3A_818 = arith.addi %shift_right_arithmetic3A_640, %add3A_817 : vector<16xi32>
      %gather3A_819 = tpu.vector_load_idx %arg8[%add3A_818, %and3A_643] : memref<256x128xf32, #tpu.memory_space<vmem>>[vector<16xi32>, vector<16xi32>], vector<16xf32>,
      %add3A_820 = arith.constant 128 : i32
      %add3A_821 = arith.addi %add3A_820, %scan3A_332 : i32
      %swap3A_822 = arith.index_cast %add3A_821 : i32 to index
      %swap3A_823 = arith.constant 16 : index
      %swap3A_824 = tpu.vector_load %arg9[%swap3A_822, %swap3A_823] {strides = array<i32>} : memref<256x128xf32, #tpu.memory_space<vmem>>, vector<16xf32>,
      tpu.vector_store %arg9[%swap3A_822, %swap3A_823], %gather3A_791 {strides = array<i32>} : memref<256x128xf32, #tpu.memory_space<vmem>>, vector<16xf32>,
      %add3A_825 = arith.constant 136 : i32
      %add3A_826 = arith.addi %add3A_825, %scan3A_332 : i32
      %swap3A_827 = arith.index_cast %add3A_826 : i32 to index
      %swap3A_828 = arith.constant 16 : index
      %swap3A_829 = tpu.vector_load %arg9[%swap3A_827, %swap3A_828] {strides = array<i32>} : memref<256x128xf32, #tpu.memory_space<vmem>>, vector<16xf32>,
      tpu.vector_store %arg9[%swap3A_827, %swap3A_828], %gather3A_795 {strides = array<i32>} : memref<256x128xf32, #tpu.memory_space<vmem>>, vector<16xf32>,
      %add3A_830 = arith.constant 144 : i32
      %add3A_831 = arith.addi %add3A_830, %scan3A_332 : i32
      %swap3A_832 = arith.index_cast %add3A_831 : i32 to index
      %swap3A_833 = arith.constant 16 : index
      %swap3A_834 = tpu.vector_load %arg9[%swap3A_832, %swap3A_833] {strides = array<i32>} : memref<256x128xf32, #tpu.memory_space<vmem>>, vector<16xf32>,
      tpu.vector_store %arg9[%swap3A_832, %swap3A_833], %gather3A_799 {strides = array<i32>} : memref<256x128xf32, #tpu.memory_space<vmem>>, vector<16xf32>,
      %add3A_835 = arith.constant 152 : i32
      %add3A_836 = arith.addi %add3A_835, %scan3A_332 : i32
      %swap3A_837 = arith.index_cast %add3A_836 : i32 to index
      %swap3A_838 = arith.constant 16 : index
      %swap3A_839 = tpu.vector_load %arg9[%swap3A_837, %swap3A_838] {strides = array<i32>} : memref<256x128xf32, #tpu.memory_space<vmem>>, vector<16xf32>,
      tpu.vector_store %arg9[%swap3A_837, %swap3A_838], %gather3A_803 {strides = array<i32>} : memref<256x128xf32, #tpu.memory_space<vmem>>, vector<16xf32>,
      %add3A_840 = arith.constant 160 : i32
      %add3A_841 = arith.addi %add3A_840, %scan3A_332 : i32
      %swap3A_842 = arith.index_cast %add3A_841 : i32 to index
      %swap3A_843 = arith.constant 16 : index
      %swap3A_844 = tpu.vector_load %arg9[%swap3A_842, %swap3A_843] {strides = array<i32>} : memref<256x128xf32, #tpu.memory_space<vmem>>, vector<16xf32>,
      tpu.vector_store %arg9[%swap3A_842, %swap3A_843], %gather3A_807 {strides = array<i32>} : memref<256x128xf32, #tpu.memory_space<vmem>>, vector<16xf32>,
      %add3A_845 = arith.constant 168 : i32
      %add3A_846 = arith.addi %add3A_845, %scan3A_332 : i32
      %swap3A_847 = arith.index_cast %add3A_846 : i32 to index
      %swap3A_848 = arith.constant 16 : index
      %swap3A_849 = tpu.vector_load %arg9[%swap3A_847, %swap3A_848] {strides = array<i32>} : memref<256x128xf32, #tpu.memory_space<vmem>>, vector<16xf32>,
      tpu.vector_store %arg9[%swap3A_847, %swap3A_848], %gather3A_811 {strides = array<i32>} : memref<256x128xf32, #tpu.memory_space<vmem>>, vector<16xf32>,
      %add3A_850 = arith.constant 176 : i32
      %add3A_851 = arith.addi %add3A_850, %scan3A_332 : i32
      %swap3A_852 = arith.index_cast %add3A_851 : i32 to index
      %swap3A_853 = arith.constant 16 : index
      %swap3A_854 = tpu.vector_load %arg9[%swap3A_852, %swap3A_853] {strides = array<i32>} : memref<256x128xf32, #tpu.memory_space<vmem>>, vector<16xf32>,
      tpu.vector_store %arg9[%swap3A_852, %swap3A_853], %gather3A_815 {strides = array<i32>} : memref<256x128xf32, #tpu.memory_space<vmem>>, vector<16xf32>,
      %add3A_855 = arith.constant 184 : i32
      %add3A_856 = arith.addi %add3A_855, %scan3A_332 : i32
      %swap3A_857 = arith.index_cast %add3A_856 : i32 to index
      %swap3A_858 = arith.constant 16 : index
      %swap3A_859 = tpu.vector_load %arg9[%swap3A_857, %swap3A_858] {strides = array<i32>} : memref<256x128xf32, #tpu.memory_space<vmem>>, vector<16xf32>,
      tpu.vector_store %arg9[%swap3A_857, %swap3A_858], %gather3A_819 {strides = array<i32>} : memref<256x128xf32, #tpu.memory_space<vmem>>, vector<16xf32>,
      %add3A_860 = arith.constant 192 : i32
      %add3A_861 = vector.broadcast %add3A_860 : i32 to vector<16xi32>
      %add3A_862 = arith.addi %shift_right_arithmetic3A_640, %add3A_861 : vector<16xi32>
      %gather3A_863 = tpu.vector_load_idx %arg8[%add3A_862, %and3A_643] : memref<256x128xf32, #tpu.memory_space<vmem>>[vector<16xi32>, vector<16xi32>], vector<16xf32>,
      %add3A_864 = arith.constant 200 : i32
      %add3A_865 = vector.broadcast %add3A_864 : i32 to vector<16xi32>
      %add3A_866 = arith.addi %shift_right_arithmetic3A_640, %add3A_865 : vector<16xi32>
      %gather3A_867 = tpu.vector_load_idx %arg8[%add3A_866, %and3A_643] : memref<256x128xf32, #tpu.memory_space<vmem>>[vector<16xi32>, vector<16xi32>], vector<16xf32>,
      %add3A_868 = arith.constant 208 : i32
      %add3A_869 = vector.broadcast %add3A_868 : i32 to vector<16xi32>
      %add3A_870 = arith.addi %shift_right_arithmetic3A_640, %add3A_869 : vector<16xi32>
      %gather3A_871 = tpu.vector_load_idx %arg8[%add3A_870, %and3A_643] : memref<256x128xf32, #tpu.memory_space<vmem>>[vector<16xi32>, vector<16xi32>], vector<16xf32>,
      %add3A_872 = arith.constant 216 : i32
      %add3A_873 = vector.broadcast %add3A_872 : i32 to vector<16xi32>
      %add3A_874 = arith.addi %shift_right_arithmetic3A_640, %add3A_873 : vector<16xi32>
      %gather3A_875 = tpu.vector_load_idx %arg8[%add3A_874, %and3A_643] : memref<256x128xf32, #tpu.memory_space<vmem>>[vector<16xi32>, vector<16xi32>], vector<16xf32>,
      %add3A_876 = arith.constant 224 : i32
      %add3A_877 = vector.broadcast %add3A_876 : i32 to vector<16xi32>
      %add3A_878 = arith.addi %shift_right_arithmetic3A_640, %add3A_877 : vector<16xi32>
      %gather3A_879 = tpu.vector_load_idx %arg8[%add3A_878, %and3A_643] : memref<256x128xf32, #tpu.memory_space<vmem>>[vector<16xi32>, vector<16xi32>], vector<16xf32>,
      %add3A_880 = arith.constant 232 : i32
      %add3A_881 = vector.broadcast %add3A_880 : i32 to vector<16xi32>
      %add3A_882 = arith.addi %shift_right_arithmetic3A_640, %add3A_881 : vector<16xi32>
      %gather3A_883 = tpu.vector_load_idx %arg8[%add3A_882, %and3A_643] : memref<256x128xf32, #tpu.memory_space<vmem>>[vector<16xi32>, vector<16xi32>], vector<16xf32>,
      %add3A_884 = arith.constant 240 : i32
      %add3A_885 = vector.broadcast %add3A_884 : i32 to vector<16xi32>
      %add3A_886 = arith.addi %shift_right_arithmetic3A_640, %add3A_885 : vector<16xi32>
      %gather3A_887 = tpu.vector_load_idx %arg8[%add3A_886, %and3A_643] : memref<256x128xf32, #tpu.memory_space<vmem>>[vector<16xi32>, vector<16xi32>], vector<16xf32>,
      %add3A_888 = arith.constant 248 : i32
      %add3A_889 = vector.broadcast %add3A_888 : i32 to vector<16xi32>
      %add3A_890 = arith.addi %shift_right_arithmetic3A_640, %add3A_889 : vector<16xi32>
      %gather3A_891 = tpu.vector_load_idx %arg8[%add3A_890, %and3A_643] : memref<256x128xf32, #tpu.memory_space<vmem>>[vector<16xi32>, vector<16xi32>], vector<16xf32>,
      %add3A_892 = arith.constant 192 : i32
      %add3A_893 = arith.addi %add3A_892, %scan3A_332 : i32
      %swap3A_894 = arith.index_cast %add3A_893 : i32 to index
      %swap3A_895 = arith.constant 16 : index
      %swap3A_896 = tpu.vector_load %arg9[%swap3A_894, %swap3A_895] {strides = array<i32>} : memref<256x128xf32, #tpu.memory_space<vmem>>, vector<16xf32>,
      tpu.vector_store %arg9[%swap3A_894, %swap3A_895], %gather3A_863 {strides = array<i32>} : memref<256x128xf32, #tpu.memory_space<vmem>>, vector<16xf32>,
      %add3A_897 = arith.constant 200 : i32
      %add3A_898 = arith.addi %add3A_897, %scan3A_332 : i32
      %swap3A_899 = arith.index_cast %add3A_898 : i32 to index
      %swap3A_900 = arith.constant 16 : index
      %swap3A_901 = tpu.vector_load %arg9[%swap3A_899, %swap3A_900] {strides = array<i32>} : memref<256x128xf32, #tpu.memory_space<vmem>>, vector<16xf32>,
      tpu.vector_store %arg9[%swap3A_899, %swap3A_900], %gather3A_867 {strides = array<i32>} : memref<256x128xf32, #tpu.memory_space<vmem>>, vector<16xf32>,
      %add3A_902 = arith.constant 208 : i32
      %add3A_903 = arith.addi %add3A_902, %scan3A_332 : i32
      %swap3A_904 = arith.index_cast %add3A_903 : i32 to index
      %swap3A_905 = arith.constant 16 : index
      %swap3A_906 = tpu.vector_load %arg9[%swap3A_904, %swap3A_905] {strides = array<i32>} : memref<256x128xf32, #tpu.memory_space<vmem>>, vector<16xf32>,
      tpu.vector_store %arg9[%swap3A_904, %swap3A_905], %gather3A_871 {strides = array<i32>} : memref<256x128xf32, #tpu.memory_space<vmem>>, vector<16xf32>,
      %add3A_907 = arith.constant 216 : i32
      %add3A_908 = arith.addi %add3A_907, %scan3A_332 : i32
      %swap3A_909 = arith.index_cast %add3A_908 : i32 to index
      %swap3A_910 = arith.constant 16 : index
      %swap3A_911 = tpu.vector_load %arg9[%swap3A_909, %swap3A_910] {strides = array<i32>} : memref<256x128xf32, #tpu.memory_space<vmem>>, vector<16xf32>,
      tpu.vector_store %arg9[%swap3A_909, %swap3A_910], %gather3A_875 {strides = array<i32>} : memref<256x128xf32, #tpu.memory_space<vmem>>, vector<16xf32>,
      %add3A_912 = arith.constant 224 : i32
      %add3A_913 = arith.addi %add3A_912, %scan3A_332 : i32
      %swap3A_914 = arith.index_cast %add3A_913 : i32 to index
      %swap3A_915 = arith.constant 16 : index
      %swap3A_916 = tpu.vector_load %arg9[%swap3A_914, %swap3A_915] {strides = array<i32>} : memref<256x128xf32, #tpu.memory_space<vmem>>, vector<16xf32>,
      tpu.vector_store %arg9[%swap3A_914, %swap3A_915], %gather3A_879 {strides = array<i32>} : memref<256x128xf32, #tpu.memory_space<vmem>>, vector<16xf32>,
      %add3A_917 = arith.constant 232 : i32
      %add3A_918 = arith.addi %add3A_917, %scan3A_332 : i32
      %swap3A_919 = arith.index_cast %add3A_918 : i32 to index
      %swap3A_920 = arith.constant 16 : index
      %swap3A_921 = tpu.vector_load %arg9[%swap3A_919, %swap3A_920] {strides = array<i32>} : memref<256x128xf32, #tpu.memory_space<vmem>>, vector<16xf32>,
      tpu.vector_store %arg9[%swap3A_919, %swap3A_920], %gather3A_883 {strides = array<i32>} : memref<256x128xf32, #tpu.memory_space<vmem>>, vector<16xf32>,
      %add3A_922 = arith.constant 240 : i32
      %add3A_923 = arith.addi %add3A_922, %scan3A_332 : i32
      %swap3A_924 = arith.index_cast %add3A_923 : i32 to index
      %swap3A_925 = arith.constant 16 : index
      %swap3A_926 = tpu.vector_load %arg9[%swap3A_924, %swap3A_925] {strides = array<i32>} : memref<256x128xf32, #tpu.memory_space<vmem>>, vector<16xf32>,
      tpu.vector_store %arg9[%swap3A_924, %swap3A_925], %gather3A_887 {strides = array<i32>} : memref<256x128xf32, #tpu.memory_space<vmem>>, vector<16xf32>,
      %add3A_927 = arith.constant 248 : i32
      %add3A_928 = arith.addi %add3A_927, %scan3A_332 : i32
      %swap3A_929 = arith.index_cast %add3A_928 : i32 to index
      %swap3A_930 = arith.constant 16 : index
      %swap3A_931 = tpu.vector_load %arg9[%swap3A_929, %swap3A_930] {strides = array<i32>} : memref<256x128xf32, #tpu.memory_space<vmem>>, vector<16xf32>,
      tpu.vector_store %arg9[%swap3A_929, %swap3A_930], %gather3A_891 {strides = array<i32>} : memref<256x128xf32, #tpu.memory_space<vmem>>, vector<16xf32>,
      %add3A_932 = arith.constant 32 : i32
      %add3A_933 = arith.addi %multiple_of3A_336, %add3A_932 : i32
      %get3A_934 = arith.index_cast %add3A_933 : i32 to index
      %get3A_935 = tpu.vector_load %arg5[%get3A_934] {strides = array<i32>} : memref<1024xi32, #tpu.memory_space<vmem>>, vector<16xi32>,
      %shift_right_arithmetic3A_936 = arith.constant 7 : i32
      %shift_right_arithmetic3A_937 = vector.broadcast %shift_right_arithmetic3A_936 : i32 to vector<16xi32>
      %shift_right_arithmetic3A_938 = arith.shrsi %get3A_935, %shift_right_arithmetic3A_937 : vector<16xi32>
      %and3A_939 = arith.constant 127 : i32
      %and3A_940 = vector.broadcast %and3A_939 : i32 to vector<16xi32>
      %and3A_941 = arith.andi %get3A_935, %and3A_940 : vector<16xi32>
      %add3A_942 = arith.constant 0 : i32
      %add3A_943 = vector.broadcast %add3A_942 : i32 to vector<16xi32>
      %add3A_944 = arith.addi %shift_right_arithmetic3A_938, %add3A_943 : vector<16xi32>
      %gather3A_945 = tpu.vector_load_idx %arg8[%add3A_944, %and3A_941] : memref<256x128xf32, #tpu.memory_space<vmem>>[vector<16xi32>, vector<16xi32>], vector<16xf32>,
      %add3A_946 = arith.constant 8 : i32
      %add3A_947 = vector.broadcast %add3A_946 : i32 to vector<16xi32>
      %add3A_948 = arith.addi %shift_right_arithmetic3A_938, %add3A_947 : vector<16xi32>
      %gather3A_949 = tpu.vector_load_idx %arg8[%add3A_948, %and3A_941] : memref<256x128xf32, #tpu.memory_space<vmem>>[vector<16xi32>, vector<16xi32>], vector<16xf32>,
      %add3A_950 = arith.constant 16 : i32
      %add3A_951 = vector.broadcast %add3A_950 : i32 to vector<16xi32>
      %add3A_952 = arith.addi %shift_right_arithmetic3A_938, %add3A_951 : vector<16xi32>
      %gather3A_953 = tpu.vector_load_idx %arg8[%add3A_952, %and3A_941] : memref<256x128xf32, #tpu.memory_space<vmem>>[vector<16xi32>, vector<16xi32>], vector<16xf32>,
      %add3A_954 = arith.constant 24 : i32
      %add3A_955 = vector.broadcast %add3A_954 : i32 to vector<16xi32>
      %add3A_956 = arith.addi %shift_right_arithmetic3A_938, %add3A_955 : vector<16xi32>
      %gather3A_957 = tpu.vector_load_idx %arg8[%add3A_956, %and3A_941] : memref<256x128xf32, #tpu.memory_space<vmem>>[vector<16xi32>, vector<16xi32>], vector<16xf32>,
      %add3A_958 = arith.constant 32 : i32
      %add3A_959 = vector.broadcast %add3A_958 : i32 to vector<16xi32>
      %add3A_960 = arith.addi %shift_right_arithmetic3A_938, %add3A_959 : vector<16xi32>
      %gather3A_961 = tpu.vector_load_idx %arg8[%add3A_960, %and3A_941] : memref<256x128xf32, #tpu.memory_space<vmem>>[vector<16xi32>, vector<16xi32>], vector<16xf32>,
      %add3A_962 = arith.constant 40 : i32
      %add3A_963 = vector.broadcast %add3A_962 : i32 to vector<16xi32>
      %add3A_964 = arith.addi %shift_right_arithmetic3A_938, %add3A_963 : vector<16xi32>
      %gather3A_965 = tpu.vector_load_idx %arg8[%add3A_964, %and3A_941] : memref<256x128xf32, #tpu.memory_space<vmem>>[vector<16xi32>, vector<16xi32>], vector<16xf32>,
      %add3A_966 = arith.constant 48 : i32
      %add3A_967 = vector.broadcast %add3A_966 : i32 to vector<16xi32>
      %add3A_968 = arith.addi %shift_right_arithmetic3A_938, %add3A_967 : vector<16xi32>
      %gather3A_969 = tpu.vector_load_idx %arg8[%add3A_968, %and3A_941] : memref<256x128xf32, #tpu.memory_space<vmem>>[vector<16xi32>, vector<16xi32>], vector<16xf32>,
      %add3A_970 = arith.constant 56 : i32
      %add3A_971 = vector.broadcast %add3A_970 : i32 to vector<16xi32>
      %add3A_972 = arith.addi %shift_right_arithmetic3A_938, %add3A_971 : vector<16xi32>
      %gather3A_973 = tpu.vector_load_idx %arg8[%add3A_972, %and3A_941] : memref<256x128xf32, #tpu.memory_space<vmem>>[vector<16xi32>, vector<16xi32>], vector<16xf32>,
      %add3A_974 = arith.constant 0 : i32
      %add3A_975 = arith.addi %add3A_974, %scan3A_332 : i32
      %swap3A_976 = arith.index_cast %add3A_975 : i32 to index
      %swap3A_977 = arith.constant 32 : index
      %swap3A_978 = tpu.vector_load %arg9[%swap3A_976, %swap3A_977] {strides = array<i32>} : memref<256x128xf32, #tpu.memory_space<vmem>>, vector<16xf32>,
      tpu.vector_store %arg9[%swap3A_976, %swap3A_977], %gather3A_945 {strides = array<i32>} : memref<256x128xf32, #tpu.memory_space<vmem>>, vector<16xf32>,
      %add3A_979 = arith.constant 8 : i32
      %add3A_980 = arith.addi %add3A_979, %scan3A_332 : i32
      %swap3A_981 = arith.index_cast %add3A_980 : i32 to index
      %swap3A_982 = arith.constant 32 : index
      %swap3A_983 = tpu.vector_load %arg9[%swap3A_981, %swap3A_982] {strides = array<i32>} : memref<256x128xf32, #tpu.memory_space<vmem>>, vector<16xf32>,
      tpu.vector_store %arg9[%swap3A_981, %swap3A_982], %gather3A_949 {strides = array<i32>} : memref<256x128xf32, #tpu.memory_space<vmem>>, vector<16xf32>,
      %add3A_984 = arith.constant 16 : i32
      %add3A_985 = arith.addi %add3A_984, %scan3A_332 : i32
      %swap3A_986 = arith.index_cast %add3A_985 : i32 to index
      %swap3A_987 = arith.constant 32 : index
      %swap3A_988 = tpu.vector_load %arg9[%swap3A_986, %swap3A_987] {strides = array<i32>} : memref<256x128xf32, #tpu.memory_space<vmem>>, vector<16xf32>,
      tpu.vector_store %arg9[%swap3A_986, %swap3A_987], %gather3A_953 {strides = array<i32>} : memref<256x128xf32, #tpu.memory_space<vmem>>, vector<16xf32>,
      %add3A_989 = arith.constant 24 : i32
      %add3A_990 = arith.addi %add3A_989, %scan3A_332 : i32
      %swap3A_991 = arith.index_cast %add3A_990 : i32 to index
      %swap3A_992 = arith.constant 32 : index
      %swap3A_993 = tpu.vector_load %arg9[%swap3A_991, %swap3A_992] {strides = array<i32>} : memref<256x128xf32, #tpu.memory_space<vmem>>, vector<16xf32>,
      tpu.vector_store %arg9[%swap3A_991, %swap3A_992], %gather3A_957 {strides = array<i32>} : memref<256x128xf32, #tpu.memory_space<vmem>>, vector<16xf32>,
      %add3A_994 = arith.constant 32 : i32
      %add3A_995 = arith.addi %add3A_994, %scan3A_332 : i32
      %swap3A_996 = arith.index_cast %add3A_995 : i32 to index
      %swap3A_997 = arith.constant 32 : index
      %swap3A_998 = tpu.vector_load %arg9[%swap3A_996, %swap3A_997] {strides = array<i32>} : memref<256x128xf32, #tpu.memory_space<vmem>>, vector<16xf32>,
      tpu.vector_store %arg9[%swap3A_996, %swap3A_997], %gather3A_961 {strides = array<i32>} : memref<256x128xf32, #tpu.memory_space<vmem>>, vector<16xf32>,
      %add3A_999 = arith.constant 40 : i32
      %add3A_1000 = arith.addi %add3A_999, %scan3A_332 : i32
      %swap3A_1001 = arith.index_cast %add3A_1000 : i32 to index
      %swap3A_1002 = arith.constant 32 : index
      %swap3A_1003 = tpu.vector_load %arg9[%swap3A_1001, %swap3A_1002] {strides = array<i32>} : memref<256x128xf32, #tpu.memory_space<vmem>>, vector<16xf32>,
      tpu.vector_store %arg9[%swap3A_1001, %swap3A_1002], %gather3A_965 {strides = array<i32>} : memref<256x128xf32, #tpu.memory_space<vmem>>, vector<16xf32>,
      %add3A_1004 = arith.constant 48 : i32
      %add3A_1005 = arith.addi %add3A_1004, %scan3A_332 : i32
      %swap3A_1006 = arith.index_cast %add3A_1005 : i32 to index
      %swap3A_1007 = arith.constant 32 : index
      %swap3A_1008 = tpu.vector_load %arg9[%swap3A_1006, %swap3A_1007] {strides = array<i32>} : memref<256x128xf32, #tpu.memory_space<vmem>>, vector<16xf32>,
      tpu.vector_store %arg9[%swap3A_1006, %swap3A_1007], %gather3A_969 {strides = array<i32>} : memref<256x128xf32, #tpu.memory_space<vmem>>, vector<16xf32>,
      %add3A_1009 = arith.constant 56 : i32
      %add3A_1010 = arith.addi %add3A_1009, %scan3A_332 : i32
      %swap3A_1011 = arith.index_cast %add3A_1010 : i32 to index
      %swap3A_1012 = arith.constant 32 : index
      %swap3A_1013 = tpu.vector_load %arg9[%swap3A_1011, %swap3A_1012] {strides = array<i32>} : memref<256x128xf32, #tpu.memory_space<vmem>>, vector<16xf32>,
      tpu.vector_store %arg9[%swap3A_1011, %swap3A_1012], %gather3A_973 {strides = array<i32>} : memref<256x128xf32, #tpu.memory_space<vmem>>, vector<16xf32>,
      %add3A_1014 = arith.constant 64 : i32
      %add3A_1015 = vector.broadcast %add3A_1014 : i32 to vector<16xi32>
      %add3A_1016 = arith.addi %shift_right_arithmetic3A_938, %add3A_1015 : vector<16xi32>
      %gather3A_1017 = tpu.vector_load_idx %arg8[%add3A_1016, %and3A_941] : memref<256x128xf32, #tpu.memory_space<vmem>>[vector<16xi32>, vector<16xi32>], vector<16xf32>,
      %add3A_1018 = arith.constant 72 : i32
      %add3A_1019 = vector.broadcast %add3A_1018 : i32 to vector<16xi32>
      %add3A_1020 = arith.addi %shift_right_arithmetic3A_938, %add3A_1019 : vector<16xi32>
      %gather3A_1021 = tpu.vector_load_idx %arg8[%add3A_1020, %and3A_941] : memref<256x128xf32, #tpu.memory_space<vmem>>[vector<16xi32>, vector<16xi32>], vector<16xf32>,
      %add3A_1022 = arith.constant 80 : i32
      %add3A_1023 = vector.broadcast %add3A_1022 : i32 to vector<16xi32>
      %add3A_1024 = arith.addi %shift_right_arithmetic3A_938, %add3A_1023 : vector<16xi32>
      %gather3A_1025 = tpu.vector_load_idx %arg8[%add3A_1024, %and3A_941] : memref<256x128xf32, #tpu.memory_space<vmem>>[vector<16xi32>, vector<16xi32>], vector<16xf32>,
      %add3A_1026 = arith.constant 88 : i32
      %add3A_1027 = vector.broadcast %add3A_1026 : i32 to vector<16xi32>
      %add3A_1028 = arith.addi %shift_right_arithmetic3A_938, %add3A_1027 : vector<16xi32>
      %gather3A_1029 = tpu.vector_load_idx %arg8[%add3A_1028, %and3A_941] : memref<256x128xf32, #tpu.memory_space<vmem>>[vector<16xi32>, vector<16xi32>], vector<16xf32>,
      %add3A_1030 = arith.constant 96 : i32
      %add3A_1031 = vector.broadcast %add3A_1030 : i32 to vector<16xi32>
      %add3A_1032 = arith.addi %shift_right_arithmetic3A_938, %add3A_1031 : vector<16xi32>
      %gather3A_1033 = tpu.vector_load_idx %arg8[%add3A_1032, %and3A_941] : memref<256x128xf32, #tpu.memory_space<vmem>>[vector<16xi32>, vector<16xi32>], vector<16xf32>,
      %add3A_1034 = arith.constant 104 : i32
      %add3A_1035 = vector.broadcast %add3A_1034 : i32 to vector<16xi32>
      %add3A_1036 = arith.addi %shift_right_arithmetic3A_938, %add3A_1035 : vector<16xi32>
      %gather3A_1037 = tpu.vector_load_idx %arg8[%add3A_1036, %and3A_941] : memref<256x128xf32, #tpu.memory_space<vmem>>[vector<16xi32>, vector<16xi32>], vector<16xf32>,
      %add3A_1038 = arith.constant 112 : i32
      %add3A_1039 = vector.broadcast %add3A_1038 : i32 to vector<16xi32>
      %add3A_1040 = arith.addi %shift_right_arithmetic3A_938, %add3A_1039 : vector<16xi32>
      %gather3A_1041 = tpu.vector_load_idx %arg8[%add3A_1040, %and3A_941] : memref<256x128xf32, #tpu.memory_space<vmem>>[vector<16xi32>, vector<16xi32>], vector<16xf32>,
      %add3A_1042 = arith.constant 120 : i32
      %add3A_1043 = vector.broadcast %add3A_1042 : i32 to vector<16xi32>
      %add3A_1044 = arith.addi %shift_right_arithmetic3A_938, %add3A_1043 : vector<16xi32>
      %gather3A_1045 = tpu.vector_load_idx %arg8[%add3A_1044, %and3A_941] : memref<256x128xf32, #tpu.memory_space<vmem>>[vector<16xi32>, vector<16xi32>], vector<16xf32>,
      %add3A_1046 = arith.constant 64 : i32
      %add3A_1047 = arith.addi %add3A_1046, %scan3A_332 : i32
      %swap3A_1048 = arith.index_cast %add3A_1047 : i32 to index
      %swap3A_1049 = arith.constant 32 : index
      %swap3A_1050 = tpu.vector_load %arg9[%swap3A_1048, %swap3A_1049] {strides = array<i32>} : memref<256x128xf32, #tpu.memory_space<vmem>>, vector<16xf32>,
      tpu.vector_store %arg9[%swap3A_1048, %swap3A_1049], %gather3A_1017 {strides = array<i32>} : memref<256x128xf32, #tpu.memory_space<vmem>>, vector<16xf32>,
      %add3A_1051 = arith.constant 72 : i32
      %add3A_1052 = arith.addi %add3A_1051, %scan3A_332 : i32
      %swap3A_1053 = arith.index_cast %add3A_1052 : i32 to index
      %swap3A_1054 = arith.constant 32 : index
      %swap3A_1055 = tpu.vector_load %arg9[%swap3A_1053, %swap3A_1054] {strides = array<i32>} : memref<256x128xf32, #tpu.memory_space<vmem>>, vector<16xf32>,
      tpu.vector_store %arg9[%swap3A_1053, %swap3A_1054], %gather3A_1021 {strides = array<i32>} : memref<256x128xf32, #tpu.memory_space<vmem>>, vector<16xf32>,
      %add3A_1056 = arith.constant 80 : i32
      %add3A_1057 = arith.addi %add3A_1056, %scan3A_332 : i32
      %swap3A_1058 = arith.index_cast %add3A_1057 : i32 to index
      %swap3A_1059 = arith.constant 32 : index
      %swap3A_1060 = tpu.vector_load %arg9[%swap3A_1058, %swap3A_1059] {strides = array<i32>} : memref<256x128xf32, #tpu.memory_space<vmem>>, vector<16xf32>,
      tpu.vector_store %arg9[%swap3A_1058, %swap3A_1059], %gather3A_1025 {strides = array<i32>} : memref<256x128xf32, #tpu.memory_space<vmem>>, vector<16xf32>,
      %add3A_1061 = arith.constant 88 : i32
      %add3A_1062 = arith.addi %add3A_1061, %scan3A_332 : i32
      %swap3A_1063 = arith.index_cast %add3A_1062 : i32 to index
      %swap3A_1064 = arith.constant 32 : index
      %swap3A_1065 = tpu.vector_load %arg9[%swap3A_1063, %swap3A_1064] {strides = array<i32>} : memref<256x128xf32, #tpu.memory_space<vmem>>, vector<16xf32>,
      tpu.vector_store %arg9[%swap3A_1063, %swap3A_1064], %gather3A_1029 {strides = array<i32>} : memref<256x128xf32, #tpu.memory_space<vmem>>, vector<16xf32>,
      %add3A_1066 = arith.constant 96 : i32
      %add3A_1067 = arith.addi %add3A_1066, %scan3A_332 : i32
      %swap3A_1068 = arith.index_cast %add3A_1067 : i32 to index
      %swap3A_1069 = arith.constant 32 : index
      %swap3A_1070 = tpu.vector_load %arg9[%swap3A_1068, %swap3A_1069] {strides = array<i32>} : memref<256x128xf32, #tpu.memory_space<vmem>>, vector<16xf32>,
      tpu.vector_store %arg9[%swap3A_1068, %swap3A_1069], %gather3A_1033 {strides = array<i32>} : memref<256x128xf32, #tpu.memory_space<vmem>>, vector<16xf32>,
      %add3A_1071 = arith.constant 104 : i32
      %add3A_1072 = arith.addi %add3A_1071, %scan3A_332 : i32
      %swap3A_1073 = arith.index_cast %add3A_1072 : i32 to index
      %swap3A_1074 = arith.constant 32 : index
      %swap3A_1075 = tpu.vector_load %arg9[%swap3A_1073, %swap3A_1074] {strides = array<i32>} : memref<256x128xf32, #tpu.memory_space<vmem>>, vector<16xf32>,
      tpu.vector_store %arg9[%swap3A_1073, %swap3A_1074], %gather3A_1037 {strides = array<i32>} : memref<256x128xf32, #tpu.memory_space<vmem>>, vector<16xf32>,
      %add3A_1076 = arith.constant 112 : i32
      %add3A_1077 = arith.addi %add3A_1076, %scan3A_332 : i32
      %swap3A_1078 = arith.index_cast %add3A_1077 : i32 to index
      %swap3A_1079 = arith.constant 32 : index
      %swap3A_1080 = tpu.vector_load %arg9[%swap3A_1078, %swap3A_1079] {strides = array<i32>} : memref<256x128xf32, #tpu.memory_space<vmem>>, vector<16xf32>,
      tpu.vector_store %arg9[%swap3A_1078, %swap3A_1079], %gather3A_1041 {strides = array<i32>} : memref<256x128xf32, #tpu.memory_space<vmem>>, vector<16xf32>,
      %add3A_1081 = arith.constant 120 : i32
      %add3A_1082 = arith.addi %add3A_1081, %scan3A_332 : i32
      %swap3A_1083 = arith.index_cast %add3A_1082 : i32 to index
      %swap3A_1084 = arith.constant 32 : index
      %swap3A_1085 = tpu.vector_load %arg9[%swap3A_1083, %swap3A_1084] {strides = array<i32>} : memref<256x128xf32, #tpu.memory_space<vmem>>, vector<16xf32>,
      tpu.vector_store %arg9[%swap3A_1083, %swap3A_1084], %gather3A_1045 {strides = array<i32>} : memref<256x128xf32, #tpu.memory_space<vmem>>, vector<16xf32>,
      %add3A_1086 = arith.constant 128 : i32
      %add3A_1087 = vector.broadcast %add3A_1086 : i32 to vector<16xi32>
      %add3A_1088 = arith.addi %shift_right_arithmetic3A_938, %add3A_1087 : vector<16xi32>
      %gather3A_1089 = tpu.vector_load_idx %arg8[%add3A_1088, %and3A_941] : memref<256x128xf32, #tpu.memory_space<vmem>>[vector<16xi32>, vector<16xi32>], vector<16xf32>,
      %add3A_1090 = arith.constant 136 : i32
      %add3A_1091 = vector.broadcast %add3A_1090 : i32 to vector<16xi32>
      %add3A_1092 = arith.addi %shift_right_arithmetic3A_938, %add3A_1091 : vector<16xi32>
      %gather3A_1093 = tpu.vector_load_idx %arg8[%add3A_1092, %and3A_941] : memref<256x128xf32, #tpu.memory_space<vmem>>[vector<16xi32>, vector<16xi32>], vector<16xf32>,
      %add3A_1094 = arith.constant 144 : i32
      %add3A_1095 = vector.broadcast %add3A_1094 : i32 to vector<16xi32>
      %add3A_1096 = arith.addi %shift_right_arithmetic3A_938, %add3A_1095 : vector<16xi32>
      %gather3A_1097 = tpu.vector_load_idx %arg8[%add3A_1096, %and3A_941] : memref<256x128xf32, #tpu.memory_space<vmem>>[vector<16xi32>, vector<16xi32>], vector<16xf32>,
      %add3A_1098 = arith.constant 152 : i32
      %add3A_1099 = vector.broadcast %add3A_1098 : i32 to vector<16xi32>
      %add3A_1100 = arith.addi %shift_right_arithmetic3A_938, %add3A_1099 : vector<16xi32>
      %gather3A_1101 = tpu.vector_load_idx %arg8[%add3A_1100, %and3A_941] : memref<256x128xf32, #tpu.memory_space<vmem>>[vector<16xi32>, vector<16xi32>], vector<16xf32>,
      %add3A_1102 = arith.constant 160 : i32
      %add3A_1103 = vector.broadcast %add3A_1102 : i32 to vector<16xi32>
      %add3A_1104 = arith.addi %shift_right_arithmetic3A_938, %add3A_1103 : vector<16xi32>
      %gather3A_1105 = tpu.vector_load_idx %arg8[%add3A_1104, %and3A_941] : memref<256x128xf32, #tpu.memory_space<vmem>>[vector<16xi32>, vector<16xi32>], vector<16xf32>,
      %add3A_1106 = arith.constant 168 : i32
      %add3A_1107 = vector.broadcast %add3A_1106 : i32 to vector<16xi32>
      %add3A_1108 = arith.addi %shift_right_arithmetic3A_938, %add3A_1107 : vector<16xi32>
      %gather3A_1109 = tpu.vector_load_idx %arg8[%add3A_1108, %and3A_941] : memref<256x128xf32, #tpu.memory_space<vmem>>[vector<16xi32>, vector<16xi32>], vector<16xf32>,
      %add3A_1110 = arith.constant 176 : i32
      %add3A_1111 = vector.broadcast %add3A_1110 : i32 to vector<16xi32>
      %add3A_1112 = arith.addi %shift_right_arithmetic3A_938, %add3A_1111 : vector<16xi32>
      %gather3A_1113 = tpu.vector_load_idx %arg8[%add3A_1112, %and3A_941] : memref<256x128xf32, #tpu.memory_space<vmem>>[vector<16xi32>, vector<16xi32>], vector<16xf32>,
      %add3A_1114 = arith.constant 184 : i32
      %add3A_1115 = vector.broadcast %add3A_1114 : i32 to vector<16xi32>
      %add3A_1116 = arith.addi %shift_right_arithmetic3A_938, %add3A_1115 : vector<16xi32>
      %gather3A_1117 = tpu.vector_load_idx %arg8[%add3A_1116, %and3A_941] : memref<256x128xf32, #tpu.memory_space<vmem>>[vector<16xi32>, vector<16xi32>], vector<16xf32>,
      %add3A_1118 = arith.constant 128 : i32
      %add3A_1119 = arith.addi %add3A_1118, %scan3A_332 : i32
      %swap3A_1120 = arith.index_cast %add3A_1119 : i32 to index
      %swap3A_1121 = arith.constant 32 : index
      %swap3A_1122 = tpu.vector_load %arg9[%swap3A_1120, %swap3A_1121] {strides = array<i32>} : memref<256x128xf32, #tpu.memory_space<vmem>>, vector<16xf32>,
      tpu.vector_store %arg9[%swap3A_1120, %swap3A_1121], %gather3A_1089 {strides = array<i32>} : memref<256x128xf32, #tpu.memory_space<vmem>>, vector<16xf32>,
      %add3A_1123 = arith.constant 136 : i32
      %add3A_1124 = arith.addi %add3A_1123, %scan3A_332 : i32
      %swap3A_1125 = arith.index_cast %add3A_1124 : i32 to index
      %swap3A_1126 = arith.constant 32 : index
      %swap3A_1127 = tpu.vector_load %arg9[%swap3A_1125, %swap3A_1126] {strides = array<i32>} : memref<256x128xf32, #tpu.memory_space<vmem>>, vector<16xf32>,
      tpu.vector_store %arg9[%swap3A_1125, %swap3A_1126], %gather3A_1093 {strides = array<i32>} : memref<256x128xf32, #tpu.memory_space<vmem>>, vector<16xf32>,
      %add3A_1128 = arith.constant 144 : i32
      %add3A_1129 = arith.addi %add3A_1128, %scan3A_332 : i32
      %swap3A_1130 = arith.index_cast %add3A_1129 : i32 to index
      %swap3A_1131 = arith.constant 32 : index
      %swap3A_1132 = tpu.vector_load %arg9[%swap3A_1130, %swap3A_1131] {strides = array<i32>} : memref<256x128xf32, #tpu.memory_space<vmem>>, vector<16xf32>,
      tpu.vector_store %arg9[%swap3A_1130, %swap3A_1131], %gather3A_1097 {strides = array<i32>} : memref<256x128xf32, #tpu.memory_space<vmem>>, vector<16xf32>,
      %add3A_1133 = arith.constant 152 : i32
      %add3A_1134 = arith.addi %add3A_1133, %scan3A_332 : i32
      %swap3A_1135 = arith.index_cast %add3A_1134 : i32 to index
      %swap3A_1136 = arith.constant 32 : index
      %swap3A_1137 = tpu.vector_load %arg9[%swap3A_1135, %swap3A_1136] {strides = array<i32>} : memref<256x128xf32, #tpu.memory_space<vmem>>, vector<16xf32>,
      tpu.vector_store %arg9[%swap3A_1135, %swap3A_1136], %gather3A_1101 {strides = array<i32>} : memref<256x128xf32, #tpu.memory_space<vmem>>, vector<16xf32>,
      %add3A_1138 = arith.constant 160 : i32
      %add3A_1139 = arith.addi %add3A_1138, %scan3A_332 : i32
      %swap3A_1140 = arith.index_cast %add3A_1139 : i32 to index
      %swap3A_1141 = arith.constant 32 : index
      %swap3A_1142 = tpu.vector_load %arg9[%swap3A_1140, %swap3A_1141] {strides = array<i32>} : memref<256x128xf32, #tpu.memory_space<vmem>>, vector<16xf32>,
      tpu.vector_store %arg9[%swap3A_1140, %swap3A_1141], %gather3A_1105 {strides = array<i32>} : memref<256x128xf32, #tpu.memory_space<vmem>>, vector<16xf32>,
      %add3A_1143 = arith.constant 168 : i32
      %add3A_1144 = arith.addi %add3A_1143, %scan3A_332 : i32
      %swap3A_1145 = arith.index_cast %add3A_1144 : i32 to index
      %swap3A_1146 = arith.constant 32 : index
      %swap3A_1147 = tpu.vector_load %arg9[%swap3A_1145, %swap3A_1146] {strides = array<i32>} : memref<256x128xf32, #tpu.memory_space<vmem>>, vector<16xf32>,
      tpu.vector_store %arg9[%swap3A_1145, %swap3A_1146], %gather3A_1109 {strides = array<i32>} : memref<256x128xf32, #tpu.memory_space<vmem>>, vector<16xf32>,
      %add3A_1148 = arith.constant 176 : i32
      %add3A_1149 = arith.addi %add3A_1148, %scan3A_332 : i32
      %swap3A_1150 = arith.index_cast %add3A_1149 : i32 to index
      %swap3A_1151 = arith.constant 32 : index
      %swap3A_1152 = tpu.vector_load %arg9[%swap3A_1150, %swap3A_1151] {strides = array<i32>} : memref<256x128xf32, #tpu.memory_space<vmem>>, vector<16xf32>,
      tpu.vector_store %arg9[%swap3A_1150, %swap3A_1151], %gather3A_1113 {strides = array<i32>} : memref<256x128xf32, #tpu.memory_space<vmem>>, vector<16xf32>,
      %add3A_1153 = arith.constant 184 : i32
      %add3A_1154 = arith.addi %add3A_1153, %scan3A_332 : i32
      %swap3A_1155 = arith.index_cast %add3A_1154 : i32 to index
      %swap3A_1156 = arith.constant 32 : index
      %swap3A_1157 = tpu.vector_load %arg9[%swap3A_1155, %swap3A_1156] {strides = array<i32>} : memref<256x128xf32, #tpu.memory_space<vmem>>, vector<16xf32>,
      tpu.vector_store %arg9[%swap3A_1155, %swap3A_1156], %gather3A_1117 {strides = array<i32>} : memref<256x128xf32, #tpu.memory_space<vmem>>, vector<16xf32>,
      %add3A_1158 = arith.constant 192 : i32
      %add3A_1159 = vector.broadcast %add3A_1158 : i32 to vector<16xi32>
      %add3A_1160 = arith.addi %shift_right_arithmetic3A_938, %add3A_1159 : vector<16xi32>
      %gather3A_1161 = tpu.vector_load_idx %arg8[%add3A_1160, %and3A_941] : memref<256x128xf32, #tpu.memory_space<vmem>>[vector<16xi32>, vector<16xi32>], vector<16xf32>,
      %add3A_1162 = arith.constant 200 : i32
      %add3A_1163 = vector.broadcast %add3A_1162 : i32 to vector<16xi32>
      %add3A_1164 = arith.addi %shift_right_arithmetic3A_938, %add3A_1163 : vector<16xi32>
      %gather3A_1165 = tpu.vector_load_idx %arg8[%add3A_1164, %and3A_941] : memref<256x128xf32, #tpu.memory_space<vmem>>[vector<16xi32>, vector<16xi32>], vector<16xf32>,
      %add3A_1166 = arith.constant 208 : i32
      %add3A_1167 = vector.broadcast %add3A_1166 : i32 to vector<16xi32>
      %add3A_1168 = arith.addi %shift_right_arithmetic3A_938, %add3A_1167 : vector<16xi32>
      %gather3A_1169 = tpu.vector_load_idx %arg8[%add3A_1168, %and3A_941] : memref<256x128xf32, #tpu.memory_space<vmem>>[vector<16xi32>, vector<16xi32>], vector<16xf32>,
      %add3A_1170 = arith.constant 216 : i32
      %add3A_1171 = vector.broadcast %add3A_1170 : i32 to vector<16xi32>
      %add3A_1172 = arith.addi %shift_right_arithmetic3A_938, %add3A_1171 : vector<16xi32>
      %gather3A_1173 = tpu.vector_load_idx %arg8[%add3A_1172, %and3A_941] : memref<256x128xf32, #tpu.memory_space<vmem>>[vector<16xi32>, vector<16xi32>], vector<16xf32>,
      %add3A_1174 = arith.constant 224 : i32
      %add3A_1175 = vector.broadcast %add3A_1174 : i32 to vector<16xi32>
      %add3A_1176 = arith.addi %shift_right_arithmetic3A_938, %add3A_1175 : vector<16xi32>
      %gather3A_1177 = tpu.vector_load_idx %arg8[%add3A_1176, %and3A_941] : memref<256x128xf32, #tpu.memory_space<vmem>>[vector<16xi32>, vector<16xi32>], vector<16xf32>,
      %add3A_1178 = arith.constant 232 : i32
      %add3A_1179 = vector.broadcast %add3A_1178 : i32 to vector<16xi32>
      %add3A_1180 = arith.addi %shift_right_arithmetic3A_938, %add3A_1179 : vector<16xi32>
      %gather3A_1181 = tpu.vector_load_idx %arg8[%add3A_1180, %and3A_941] : memref<256x128xf32, #tpu.memory_space<vmem>>[vector<16xi32>, vector<16xi32>], vector<16xf32>,
      %add3A_1182 = arith.constant 240 : i32
      %add3A_1183 = vector.broadcast %add3A_1182 : i32 to vector<16xi32>
      %add3A_1184 = arith.addi %shift_right_arithmetic3A_938, %add3A_1183 : vector<16xi32>
      %gather3A_1185 = tpu.vector_load_idx %arg8[%add3A_1184, %and3A_941] : memref<256x128xf32, #tpu.memory_space<vmem>>[vector<16xi32>, vector<16xi32>], vector<16xf32>,
      %add3A_1186 = arith.constant 248 : i32
      %add3A_1187 = vector.broadcast %add3A_1186 : i32 to vector<16xi32>
      %add3A_1188 = arith.addi %shift_right_arithmetic3A_938, %add3A_1187 : vector<16xi32>
      %gather3A_1189 = tpu.vector_load_idx %arg8[%add3A_1188, %and3A_941] : memref<256x128xf32, #tpu.memory_space<vmem>>[vector<16xi32>, vector<16xi32>], vector<16xf32>,
      %add3A_1190 = arith.constant 192 : i32
      %add3A_1191 = arith.addi %add3A_1190, %scan3A_332 : i32
      %swap3A_1192 = arith.index_cast %add3A_1191 : i32 to index
      %swap3A_1193 = arith.constant 32 : index
      %swap3A_1194 = tpu.vector_load %arg9[%swap3A_1192, %swap3A_1193] {strides = array<i32>} : memref<256x128xf32, #tpu.memory_space<vmem>>, vector<16xf32>,
      tpu.vector_store %arg9[%swap3A_1192, %swap3A_1193], %gather3A_1161 {strides = array<i32>} : memref<256x128xf32, #tpu.memory_space<vmem>>, vector<16xf32>,
      %add3A_1195 = arith.constant 200 : i32
      %add3A_1196 = arith.addi %add3A_1195, %scan3A_332 : i32
      %swap3A_1197 = arith.index_cast %add3A_1196 : i32 to index
      %swap3A_1198 = arith.constant 32 : index
      %swap3A_1199 = tpu.vector_load %arg9[%swap3A_1197, %swap3A_1198] {strides = array<i32>} : memref<256x128xf32, #tpu.memory_space<vmem>>, vector<16xf32>,
      tpu.vector_store %arg9[%swap3A_1197, %swap3A_1198], %gather3A_1165 {strides = array<i32>} : memref<256x128xf32, #tpu.memory_space<vmem>>, vector<16xf32>,
      %add3A_1200 = arith.constant 208 : i32
      %add3A_1201 = arith.addi %add3A_1200, %scan3A_332 : i32
      %swap3A_1202 = arith.index_cast %add3A_1201 : i32 to index
      %swap3A_1203 = arith.constant 32 : index
      %swap3A_1204 = tpu.vector_load %arg9[%swap3A_1202, %swap3A_1203] {strides = array<i32>} : memref<256x128xf32, #tpu.memory_space<vmem>>, vector<16xf32>,
      tpu.vector_store %arg9[%swap3A_1202, %swap3A_1203], %gather3A_1169 {strides = array<i32>} : memref<256x128xf32, #tpu.memory_space<vmem>>, vector<16xf32>,
      %add3A_1205 = arith.constant 216 : i32
      %add3A_1206 = arith.addi %add3A_1205, %scan3A_332 : i32
      %swap3A_1207 = arith.index_cast %add3A_1206 : i32 to index
      %swap3A_1208 = arith.constant 32 : index
      %swap3A_1209 = tpu.vector_load %arg9[%swap3A_1207, %swap3A_1208] {strides = array<i32>} : memref<256x128xf32, #tpu.memory_space<vmem>>, vector<16xf32>,
      tpu.vector_store %arg9[%swap3A_1207, %swap3A_1208], %gather3A_1173 {strides = array<i32>} : memref<256x128xf32, #tpu.memory_space<vmem>>, vector<16xf32>,
      %add3A_1210 = arith.constant 224 : i32
      %add3A_1211 = arith.addi %add3A_1210, %scan3A_332 : i32
      %swap3A_1212 = arith.index_cast %add3A_1211 : i32 to index
      %swap3A_1213 = arith.constant 32 : index
      %swap3A_1214 = tpu.vector_load %arg9[%swap3A_1212, %swap3A_1213] {strides = array<i32>} : memref<256x128xf32, #tpu.memory_space<vmem>>, vector<16xf32>,
      tpu.vector_store %arg9[%swap3A_1212, %swap3A_1213], %gather3A_1177 {strides = array<i32>} : memref<256x128xf32, #tpu.memory_space<vmem>>, vector<16xf32>,
      %add3A_1215 = arith.constant 232 : i32
      %add3A_1216 = arith.addi %add3A_1215, %scan3A_332 : i32
      %swap3A_1217 = arith.index_cast %add3A_1216 : i32 to index
      %swap3A_1218 = arith.constant 32 : index
      %swap3A_1219 = tpu.vector_load %arg9[%swap3A_1217, %swap3A_1218] {strides = array<i32>} : memref<256x128xf32, #tpu.memory_space<vmem>>, vector<16xf32>,
      tpu.vector_store %arg9[%swap3A_1217, %swap3A_1218], %gather3A_1181 {strides = array<i32>} : memref<256x128xf32, #tpu.memory_space<vmem>>, vector<16xf32>,
      %add3A_1220 = arith.constant 240 : i32
      %add3A_1221 = arith.addi %add3A_1220, %scan3A_332 : i32
      %swap3A_1222 = arith.index_cast %add3A_1221 : i32 to index
      %swap3A_1223 = arith.constant 32 : index
      %swap3A_1224 = tpu.vector_load %arg9[%swap3A_1222, %swap3A_1223] {strides = array<i32>} : memref<256x128xf32, #tpu.memory_space<vmem>>, vector<16xf32>,
      tpu.vector_store %arg9[%swap3A_1222, %swap3A_1223], %gather3A_1185 {strides = array<i32>} : memref<256x128xf32, #tpu.memory_space<vmem>>, vector<16xf32>,
      %add3A_1225 = arith.constant 248 : i32
      %add3A_1226 = arith.addi %add3A_1225, %scan3A_332 : i32
      %swap3A_1227 = arith.index_cast %add3A_1226 : i32 to index
      %swap3A_1228 = arith.constant 32 : index
      %swap3A_1229 = tpu.vector_load %arg9[%swap3A_1227, %swap3A_1228] {strides = array<i32>} : memref<256x128xf32, #tpu.memory_space<vmem>>, vector<16xf32>,
      tpu.vector_store %arg9[%swap3A_1227, %swap3A_1228], %gather3A_1189 {strides = array<i32>} : memref<256x128xf32, #tpu.memory_space<vmem>>, vector<16xf32>,
      %add3A_1230 = arith.constant 48 : i32
      %add3A_1231 = arith.addi %multiple_of3A_336, %add3A_1230 : i32
      %get3A_1232 = arith.index_cast %add3A_1231 : i32 to index
      %get3A_1233 = tpu.vector_load %arg5[%get3A_1232] {strides = array<i32>} : memref<1024xi32, #tpu.memory_space<vmem>>, vector<16xi32>,
      %shift_right_arithmetic3A_1234 = arith.constant 7 : i32
      %shift_right_arithmetic3A_1235 = vector.broadcast %shift_right_arithmetic3A_1234 : i32 to vector<16xi32>
      %shift_right_arithmetic3A_1236 = arith.shrsi %get3A_1233, %shift_right_arithmetic3A_1235 : vector<16xi32>
      %and3A_1237 = arith.constant 127 : i32
      %and3A_1238 = vector.broadcast %and3A_1237 : i32 to vector<16xi32>
      %and3A_1239 = arith.andi %get3A_1233, %and3A_1238 : vector<16xi32>
      %add3A_1240 = arith.constant 0 : i32
      %add3A_1241 = vector.broadcast %add3A_1240 : i32 to vector<16xi32>
      %add3A_1242 = arith.addi %shift_right_arithmetic3A_1236, %add3A_1241 : vector<16xi32>
      %gather3A_1243 = tpu.vector_load_idx %arg8[%add3A_1242, %and3A_1239] : memref<256x128xf32, #tpu.memory_space<vmem>>[vector<16xi32>, vector<16xi32>], vector<16xf32>,
      %add3A_1244 = arith.constant 8 : i32
      %add3A_1245 = vector.broadcast %add3A_1244 : i32 to vector<16xi32>
      %add3A_1246 = arith.addi %shift_right_arithmetic3A_1236, %add3A_1245 : vector<16xi32>
      %gather3A_1247 = tpu.vector_load_idx %arg8[%add3A_1246, %and3A_1239] : memref<256x128xf32, #tpu.memory_space<vmem>>[vector<16xi32>, vector<16xi32>], vector<16xf32>,
      %add3A_1248 = arith.constant 16 : i32
      %add3A_1249 = vector.broadcast %add3A_1248 : i32 to vector<16xi32>
      %add3A_1250 = arith.addi %shift_right_arithmetic3A_1236, %add3A_1249 : vector<16xi32>
      %gather3A_1251 = tpu.vector_load_idx %arg8[%add3A_1250, %and3A_1239] : memref<256x128xf32, #tpu.memory_space<vmem>>[vector<16xi32>, vector<16xi32>], vector<16xf32>,
      %add3A_1252 = arith.constant 24 : i32
      %add3A_1253 = vector.broadcast %add3A_1252 : i32 to vector<16xi32>
      %add3A_1254 = arith.addi %shift_right_arithmetic3A_1236, %add3A_1253 : vector<16xi32>
      %gather3A_1255 = tpu.vector_load_idx %arg8[%add3A_1254, %and3A_1239] : memref<256x128xf32, #tpu.memory_space<vmem>>[vector<16xi32>, vector<16xi32>], vector<16xf32>,
      %add3A_1256 = arith.constant 32 : i32
      %add3A_1257 = vector.broadcast %add3A_1256 : i32 to vector<16xi32>
      %add3A_1258 = arith.addi %shift_right_arithmetic3A_1236, %add3A_1257 : vector<16xi32>
      %gather3A_1259 = tpu.vector_load_idx %arg8[%add3A_1258, %and3A_1239] : memref<256x128xf32, #tpu.memory_space<vmem>>[vector<16xi32>, vector<16xi32>], vector<16xf32>,
      %add3A_1260 = arith.constant 40 : i32
      %add3A_1261 = vector.broadcast %add3A_1260 : i32 to vector<16xi32>
      %add3A_1262 = arith.addi %shift_right_arithmetic3A_1236, %add3A_1261 : vector<16xi32>
      %gather3A_1263 = tpu.vector_load_idx %arg8[%add3A_1262, %and3A_1239] : memref<256x128xf32, #tpu.memory_space<vmem>>[vector<16xi32>, vector<16xi32>], vector<16xf32>,
      %add3A_1264 = arith.constant 48 : i32
      %add3A_1265 = vector.broadcast %add3A_1264 : i32 to vector<16xi32>
      %add3A_1266 = arith.addi %shift_right_arithmetic3A_1236, %add3A_1265 : vector<16xi32>
      %gather3A_1267 = tpu.vector_load_idx %arg8[%add3A_1266, %and3A_1239] : memref<256x128xf32, #tpu.memory_space<vmem>>[vector<16xi32>, vector<16xi32>], vector<16xf32>,
      %add3A_1268 = arith.constant 56 : i32
      %add3A_1269 = vector.broadcast %add3A_1268 : i32 to vector<16xi32>
      %add3A_1270 = arith.addi %shift_right_arithmetic3A_1236, %add3A_1269 : vector<16xi32>
      %gather3A_1271 = tpu.vector_load_idx %arg8[%add3A_1270, %and3A_1239] : memref<256x128xf32, #tpu.memory_space<vmem>>[vector<16xi32>, vector<16xi32>], vector<16xf32>,
      %add3A_1272 = arith.constant 0 : i32
      %add3A_1273 = arith.addi %add3A_1272, %scan3A_332 : i32
      %swap3A_1274 = arith.index_cast %add3A_1273 : i32 to index
      %swap3A_1275 = arith.constant 48 : index
      %swap3A_1276 = tpu.vector_load %arg9[%swap3A_1274, %swap3A_1275] {strides = array<i32>} : memref<256x128xf32, #tpu.memory_space<vmem>>, vector<16xf32>,
      tpu.vector_store %arg9[%swap3A_1274, %swap3A_1275], %gather3A_1243 {strides = array<i32>} : memref<256x128xf32, #tpu.memory_space<vmem>>, vector<16xf32>,
      %add3A_1277 = arith.constant 8 : i32
      %add3A_1278 = arith.addi %add3A_1277, %scan3A_332 : i32
      %swap3A_1279 = arith.index_cast %add3A_1278 : i32 to index
      %swap3A_1280 = arith.constant 48 : index
      %swap3A_1281 = tpu.vector_load %arg9[%swap3A_1279, %swap3A_1280] {strides = array<i32>} : memref<256x128xf32, #tpu.memory_space<vmem>>, vector<16xf32>,
      tpu.vector_store %arg9[%swap3A_1279, %swap3A_1280], %gather3A_1247 {strides = array<i32>} : memref<256x128xf32, #tpu.memory_space<vmem>>, vector<16xf32>,
      %add3A_1282 = arith.constant 16 : i32
      %add3A_1283 = arith.addi %add3A_1282, %scan3A_332 : i32
      %swap3A_1284 = arith.index_cast %add3A_1283 : i32 to index
      %swap3A_1285 = arith.constant 48 : index
      %swap3A_1286 = tpu.vector_load %arg9[%swap3A_1284, %swap3A_1285] {strides = array<i32>} : memref<256x128xf32, #tpu.memory_space<vmem>>, vector<16xf32>,
      tpu.vector_store %arg9[%swap3A_1284, %swap3A_1285], %gather3A_1251 {strides = array<i32>} : memref<256x128xf32, #tpu.memory_space<vmem>>, vector<16xf32>,
      %add3A_1287 = arith.constant 24 : i32
      %add3A_1288 = arith.addi %add3A_1287, %scan3A_332 : i32
      %swap3A_1289 = arith.index_cast %add3A_1288 : i32 to index
      %swap3A_1290 = arith.constant 48 : index
      %swap3A_1291 = tpu.vector_load %arg9[%swap3A_1289, %swap3A_1290] {strides = array<i32>} : memref<256x128xf32, #tpu.memory_space<vmem>>, vector<16xf32>,
      tpu.vector_store %arg9[%swap3A_1289, %swap3A_1290], %gather3A_1255 {strides = array<i32>} : memref<256x128xf32, #tpu.memory_space<vmem>>, vector<16xf32>,
      %add3A_1292 = arith.constant 32 : i32
      %add3A_1293 = arith.addi %add3A_1292, %scan3A_332 : i32
      %swap3A_1294 = arith.index_cast %add3A_1293 : i32 to index
      %swap3A_1295 = arith.constant 48 : index
      %swap3A_1296 = tpu.vector_load %arg9[%swap3A_1294, %swap3A_1295] {strides = array<i32>} : memref<256x128xf32, #tpu.memory_space<vmem>>, vector<16xf32>,
      tpu.vector_store %arg9[%swap3A_1294, %swap3A_1295], %gather3A_1259 {strides = array<i32>} : memref<256x128xf32, #tpu.memory_space<vmem>>, vector<16xf32>,
      %add3A_1297 = arith.constant 40 : i32
      %add3A_1298 = arith.addi %add3A_1297, %scan3A_332 : i32
      %swap3A_1299 = arith.index_cast %add3A_1298 : i32 to index
      %swap3A_1300 = arith.constant 48 : index
      %swap3A_1301 = tpu.vector_load %arg9[%swap3A_1299, %swap3A_1300] {strides = array<i32>} : memref<256x128xf32, #tpu.memory_space<vmem>>, vector<16xf32>,
      tpu.vector_store %arg9[%swap3A_1299, %swap3A_1300], %gather3A_1263 {strides = array<i32>} : memref<256x128xf32, #tpu.memory_space<vmem>>, vector<16xf32>,
      %add3A_1302 = arith.constant 48 : i32
      %add3A_1303 = arith.addi %add3A_1302, %scan3A_332 : i32
      %swap3A_1304 = arith.index_cast %add3A_1303 : i32 to index
      %swap3A_1305 = arith.constant 48 : index
      %swap3A_1306 = tpu.vector_load %arg9[%swap3A_1304, %swap3A_1305] {strides = array<i32>} : memref<256x128xf32, #tpu.memory_space<vmem>>, vector<16xf32>,
      tpu.vector_store %arg9[%swap3A_1304, %swap3A_1305], %gather3A_1267 {strides = array<i32>} : memref<256x128xf32, #tpu.memory_space<vmem>>, vector<16xf32>,
      %add3A_1307 = arith.constant 56 : i32
      %add3A_1308 = arith.addi %add3A_1307, %scan3A_332 : i32
      %swap3A_1309 = arith.index_cast %add3A_1308 : i32 to index
      %swap3A_1310 = arith.constant 48 : index
      %swap3A_1311 = tpu.vector_load %arg9[%swap3A_1309, %swap3A_1310] {strides = array<i32>} : memref<256x128xf32, #tpu.memory_space<vmem>>, vector<16xf32>,
      tpu.vector_store %arg9[%swap3A_1309, %swap3A_1310], %gather3A_1271 {strides = array<i32>} : memref<256x128xf32, #tpu.memory_space<vmem>>, vector<16xf32>,
      %add3A_1312 = arith.constant 64 : i32
      %add3A_1313 = vector.broadcast %add3A_1312 : i32 to vector<16xi32>
      %add3A_1314 = arith.addi %shift_right_arithmetic3A_1236, %add3A_1313 : vector<16xi32>
      %gather3A_1315 = tpu.vector_load_idx %arg8[%add3A_1314, %and3A_1239] : memref<256x128xf32, #tpu.memory_space<vmem>>[vector<16xi32>, vector<16xi32>], vector<16xf32>,
      %add3A_1316 = arith.constant 72 : i32
      %add3A_1317 = vector.broadcast %add3A_1316 : i32 to vector<16xi32>
      %add3A_1318 = arith.addi %shift_right_arithmetic3A_1236, %add3A_1317 : vector<16xi32>
      %gather3A_1319 = tpu.vector_load_idx %arg8[%add3A_1318, %and3A_1239] : memref<256x128xf32, #tpu.memory_space<vmem>>[vector<16xi32>, vector<16xi32>], vector<16xf32>,
      %add3A_1320 = arith.constant 80 : i32
      %add3A_1321 = vector.broadcast %add3A_1320 : i32 to vector<16xi32>
      %add3A_1322 = arith.addi %shift_right_arithmetic3A_1236, %add3A_1321 : vector<16xi32>
      %gather3A_1323 = tpu.vector_load_idx %arg8[%add3A_1322, %and3A_1239] : memref<256x128xf32, #tpu.memory_space<vmem>>[vector<16xi32>, vector<16xi32>], vector<16xf32>,
      %add3A_1324 = arith.constant 88 : i32
      %add3A_1325 = vector.broadcast %add3A_1324 : i32 to vector<16xi32>
      %add3A_1326 = arith.addi %shift_right_arithmetic3A_1236, %add3A_1325 : vector<16xi32>
      %gather3A_1327 = tpu.vector_load_idx %arg8[%add3A_1326, %and3A_1239] : memref<256x128xf32, #tpu.memory_space<vmem>>[vector<16xi32>, vector<16xi32>], vector<16xf32>,
      %add3A_1328 = arith.constant 96 : i32
      %add3A_1329 = vector.broadcast %add3A_1328 : i32 to vector<16xi32>
      %add3A_1330 = arith.addi %shift_right_arithmetic3A_1236, %add3A_1329 : vector<16xi32>
      %gather3A_1331 = tpu.vector_load_idx %arg8[%add3A_1330, %and3A_1239] : memref<256x128xf32, #tpu.memory_space<vmem>>[vector<16xi32>, vector<16xi32>], vector<16xf32>,
      %add3A_1332 = arith.constant 104 : i32
      %add3A_1333 = vector.broadcast %add3A_1332 : i32 to vector<16xi32>
      %add3A_1334 = arith.addi %shift_right_arithmetic3A_1236, %add3A_1333 : vector<16xi32>
      %gather3A_1335 = tpu.vector_load_idx %arg8[%add3A_1334, %and3A_1239] : memref<256x128xf32, #tpu.memory_space<vmem>>[vector<16xi32>, vector<16xi32>], vector<16xf32>,
      %add3A_1336 = arith.constant 112 : i32
      %add3A_1337 = vector.broadcast %add3A_1336 : i32 to vector<16xi32>
      %add3A_1338 = arith.addi %shift_right_arithmetic3A_1236, %add3A_1337 : vector<16xi32>
      %gather3A_1339 = tpu.vector_load_idx %arg8[%add3A_1338, %and3A_1239] : memref<256x128xf32, #tpu.memory_space<vmem>>[vector<16xi32>, vector<16xi32>], vector<16xf32>,
      %add3A_1340 = arith.constant 120 : i32
      %add3A_1341 = vector.broadcast %add3A_1340 : i32 to vector<16xi32>
      %add3A_1342 = arith.addi %shift_right_arithmetic3A_1236, %add3A_1341 : vector<16xi32>
      %gather3A_1343 = tpu.vector_load_idx %arg8[%add3A_1342, %and3A_1239] : memref<256x128xf32, #tpu.memory_space<vmem>>[vector<16xi32>, vector<16xi32>], vector<16xf32>,
      %add3A_1344 = arith.constant 64 : i32
      %add3A_1345 = arith.addi %add3A_1344, %scan3A_332 : i32
      %swap3A_1346 = arith.index_cast %add3A_1345 : i32 to index
      %swap3A_1347 = arith.constant 48 : index
      %swap3A_1348 = tpu.vector_load %arg9[%swap3A_1346, %swap3A_1347] {strides = array<i32>} : memref<256x128xf32, #tpu.memory_space<vmem>>, vector<16xf32>,
      tpu.vector_store %arg9[%swap3A_1346, %swap3A_1347], %gather3A_1315 {strides = array<i32>} : memref<256x128xf32, #tpu.memory_space<vmem>>, vector<16xf32>,
      %add3A_1349 = arith.constant 72 : i32
      %add3A_1350 = arith.addi %add3A_1349, %scan3A_332 : i32
      %swap3A_1351 = arith.index_cast %add3A_1350 : i32 to index
      %swap3A_1352 = arith.constant 48 : index
      %swap3A_1353 = tpu.vector_load %arg9[%swap3A_1351, %swap3A_1352] {strides = array<i32>} : memref<256x128xf32, #tpu.memory_space<vmem>>, vector<16xf32>,
      tpu.vector_store %arg9[%swap3A_1351, %swap3A_1352], %gather3A_1319 {strides = array<i32>} : memref<256x128xf32, #tpu.memory_space<vmem>>, vector<16xf32>,
      %add3A_1354 = arith.constant 80 : i32
      %add3A_1355 = arith.addi %add3A_1354, %scan3A_332 : i32
      %swap3A_1356 = arith.index_cast %add3A_1355 : i32 to index
      %swap3A_1357 = arith.constant 48 : index
      %swap3A_1358 = tpu.vector_load %arg9[%swap3A_1356, %swap3A_1357] {strides = array<i32>} : memref<256x128xf32, #tpu.memory_space<vmem>>, vector<16xf32>,
      tpu.vector_store %arg9[%swap3A_1356, %swap3A_1357], %gather3A_1323 {strides = array<i32>} : memref<256x128xf32, #tpu.memory_space<vmem>>, vector<16xf32>,
      %add3A_1359 = arith.constant 88 : i32
      %add3A_1360 = arith.addi %add3A_1359, %scan3A_332 : i32
      %swap3A_1361 = arith.index_cast %add3A_1360 : i32 to index
      %swap3A_1362 = arith.constant 48 : index
      %swap3A_1363 = tpu.vector_load %arg9[%swap3A_1361, %swap3A_1362] {strides = array<i32>} : memref<256x128xf32, #tpu.memory_space<vmem>>, vector<16xf32>,
      tpu.vector_store %arg9[%swap3A_1361, %swap3A_1362], %gather3A_1327 {strides = array<i32>} : memref<256x128xf32, #tpu.memory_space<vmem>>, vector<16xf32>,
      %add3A_1364 = arith.constant 96 : i32
      %add3A_1365 = arith.addi %add3A_1364, %scan3A_332 : i32
      %swap3A_1366 = arith.index_cast %add3A_1365 : i32 to index
      %swap3A_1367 = arith.constant 48 : index
      %swap3A_1368 = tpu.vector_load %arg9[%swap3A_1366, %swap3A_1367] {strides = array<i32>} : memref<256x128xf32, #tpu.memory_space<vmem>>, vector<16xf32>,
      tpu.vector_store %arg9[%swap3A_1366, %swap3A_1367], %gather3A_1331 {strides = array<i32>} : memref<256x128xf32, #tpu.memory_space<vmem>>, vector<16xf32>,
      %add3A_1369 = arith.constant 104 : i32
      %add3A_1370 = arith.addi %add3A_1369, %scan3A_332 : i32
      %swap3A_1371 = arith.index_cast %add3A_1370 : i32 to index
      %swap3A_1372 = arith.constant 48 : index
      %swap3A_1373 = tpu.vector_load %arg9[%swap3A_1371, %swap3A_1372] {strides = array<i32>} : memref<256x128xf32, #tpu.memory_space<vmem>>, vector<16xf32>,
      tpu.vector_store %arg9[%swap3A_1371, %swap3A_1372], %gather3A_1335 {strides = array<i32>} : memref<256x128xf32, #tpu.memory_space<vmem>>, vector<16xf32>,
      %add3A_1374 = arith.constant 112 : i32
      %add3A_1375 = arith.addi %add3A_1374, %scan3A_332 : i32
      %swap3A_1376 = arith.index_cast %add3A_1375 : i32 to index
      %swap3A_1377 = arith.constant 48 : index
      %swap3A_1378 = tpu.vector_load %arg9[%swap3A_1376, %swap3A_1377] {strides = array<i32>} : memref<256x128xf32, #tpu.memory_space<vmem>>, vector<16xf32>,
      tpu.vector_store %arg9[%swap3A_1376, %swap3A_1377], %gather3A_1339 {strides = array<i32>} : memref<256x128xf32, #tpu.memory_space<vmem>>, vector<16xf32>,
      %add3A_1379 = arith.constant 120 : i32
      %add3A_1380 = arith.addi %add3A_1379, %scan3A_332 : i32
      %swap3A_1381 = arith.index_cast %add3A_1380 : i32 to index
      %swap3A_1382 = arith.constant 48 : index
      %swap3A_1383 = tpu.vector_load %arg9[%swap3A_1381, %swap3A_1382] {strides = array<i32>} : memref<256x128xf32, #tpu.memory_space<vmem>>, vector<16xf32>,
      tpu.vector_store %arg9[%swap3A_1381, %swap3A_1382], %gather3A_1343 {strides = array<i32>} : memref<256x128xf32, #tpu.memory_space<vmem>>, vector<16xf32>,
      %add3A_1384 = arith.constant 128 : i32
      %add3A_1385 = vector.broadcast %add3A_1384 : i32 to vector<16xi32>
      %add3A_1386 = arith.addi %shift_right_arithmetic3A_1236, %add3A_1385 : vector<16xi32>
      %gather3A_1387 = tpu.vector_load_idx %arg8[%add3A_1386, %and3A_1239] : memref<256x128xf32, #tpu.memory_space<vmem>>[vector<16xi32>, vector<16xi32>], vector<16xf32>,
      %add3A_1388 = arith.constant 136 : i32
      %add3A_1389 = vector.broadcast %add3A_1388 : i32 to vector<16xi32>
      %add3A_1390 = arith.addi %shift_right_arithmetic3A_1236, %add3A_1389 : vector<16xi32>
      %gather3A_1391 = tpu.vector_load_idx %arg8[%add3A_1390, %and3A_1239] : memref<256x128xf32, #tpu.memory_space<vmem>>[vector<16xi32>, vector<16xi32>], vector<16xf32>,
      %add3A_1392 = arith.constant 144 : i32
      %add3A_1393 = vector.broadcast %add3A_1392 : i32 to vector<16xi32>
      %add3A_1394 = arith.addi %shift_right_arithmetic3A_1236, %add3A_1393 : vector<16xi32>
      %gather3A_1395 = tpu.vector_load_idx %arg8[%add3A_1394, %and3A_1239] : memref<256x128xf32, #tpu.memory_space<vmem>>[vector<16xi32>, vector<16xi32>], vector<16xf32>,
      %add3A_1396 = arith.constant 152 : i32
      %add3A_1397 = vector.broadcast %add3A_1396 : i32 to vector<16xi32>
      %add3A_1398 = arith.addi %shift_right_arithmetic3A_1236, %add3A_1397 : vector<16xi32>
      %gather3A_1399 = tpu.vector_load_idx %arg8[%add3A_1398, %and3A_1239] : memref<256x128xf32, #tpu.memory_space<vmem>>[vector<16xi32>, vector<16xi32>], vector<16xf32>,
      %add3A_1400 = arith.constant 160 : i32
      %add3A_1401 = vector.broadcast %add3A_1400 : i32 to vector<16xi32>
      %add3A_1402 = arith.addi %shift_right_arithmetic3A_1236, %add3A_1401 : vector<16xi32>
      %gather3A_1403 = tpu.vector_load_idx %arg8[%add3A_1402, %and3A_1239] : memref<256x128xf32, #tpu.memory_space<vmem>>[vector<16xi32>, vector<16xi32>], vector<16xf32>,
      %add3A_1404 = arith.constant 168 : i32
      %add3A_1405 = vector.broadcast %add3A_1404 : i32 to vector<16xi32>
      %add3A_1406 = arith.addi %shift_right_arithmetic3A_1236, %add3A_1405 : vector<16xi32>
      %gather3A_1407 = tpu.vector_load_idx %arg8[%add3A_1406, %and3A_1239] : memref<256x128xf32, #tpu.memory_space<vmem>>[vector<16xi32>, vector<16xi32>], vector<16xf32>,
      %add3A_1408 = arith.constant 176 : i32
      %add3A_1409 = vector.broadcast %add3A_1408 : i32 to vector<16xi32>
      %add3A_1410 = arith.addi %shift_right_arithmetic3A_1236, %add3A_1409 : vector<16xi32>
      %gather3A_1411 = tpu.vector_load_idx %arg8[%add3A_1410, %and3A_1239] : memref<256x128xf32, #tpu.memory_space<vmem>>[vector<16xi32>, vector<16xi32>], vector<16xf32>,
      %add3A_1412 = arith.constant 184 : i32
      %add3A_1413 = vector.broadcast %add3A_1412 : i32 to vector<16xi32>
      %add3A_1414 = arith.addi %shift_right_arithmetic3A_1236, %add3A_1413 : vector<16xi32>
      %gather3A_1415 = tpu.vector_load_idx %arg8[%add3A_1414, %and3A_1239] : memref<256x128xf32, #tpu.memory_space<vmem>>[vector<16xi32>, vector<16xi32>], vector<16xf32>,
      %add3A_1416 = arith.constant 128 : i32
      %add3A_1417 = arith.addi %add3A_1416, %scan3A_332 : i32
      %swap3A_1418 = arith.index_cast %add3A_1417 : i32 to index
      %swap3A_1419 = arith.constant 48 : index
      %swap3A_1420 = tpu.vector_load %arg9[%swap3A_1418, %swap3A_1419] {strides = array<i32>} : memref<256x128xf32, #tpu.memory_space<vmem>>, vector<16xf32>,
      tpu.vector_store %arg9[%swap3A_1418, %swap3A_1419], %gather3A_1387 {strides = array<i32>} : memref<256x128xf32, #tpu.memory_space<vmem>>, vector<16xf32>,
      %add3A_1421 = arith.constant 136 : i32
      %add3A_1422 = arith.addi %add3A_1421, %scan3A_332 : i32
      %swap3A_1423 = arith.index_cast %add3A_1422 : i32 to index
      %swap3A_1424 = arith.constant 48 : index
      %swap3A_1425 = tpu.vector_load %arg9[%swap3A_1423, %swap3A_1424] {strides = array<i32>} : memref<256x128xf32, #tpu.memory_space<vmem>>, vector<16xf32>,
      tpu.vector_store %arg9[%swap3A_1423, %swap3A_1424], %gather3A_1391 {strides = array<i32>} : memref<256x128xf32, #tpu.memory_space<vmem>>, vector<16xf32>,
      %add3A_1426 = arith.constant 144 : i32
      %add3A_1427 = arith.addi %add3A_1426, %scan3A_332 : i32
      %swap3A_1428 = arith.index_cast %add3A_1427 : i32 to index
      %swap3A_1429 = arith.constant 48 : index
      %swap3A_1430 = tpu.vector_load %arg9[%swap3A_1428, %swap3A_1429] {strides = array<i32>} : memref<256x128xf32, #tpu.memory_space<vmem>>, vector<16xf32>,
      tpu.vector_store %arg9[%swap3A_1428, %swap3A_1429], %gather3A_1395 {strides = array<i32>} : memref<256x128xf32, #tpu.memory_space<vmem>>, vector<16xf32>,
      %add3A_1431 = arith.constant 152 : i32
      %add3A_1432 = arith.addi %add3A_1431, %scan3A_332 : i32
      %swap3A_1433 = arith.index_cast %add3A_1432 : i32 to index
      %swap3A_1434 = arith.constant 48 : index
      %swap3A_1435 = tpu.vector_load %arg9[%swap3A_1433, %swap3A_1434] {strides = array<i32>} : memref<256x128xf32, #tpu.memory_space<vmem>>, vector<16xf32>,
      tpu.vector_store %arg9[%swap3A_1433, %swap3A_1434], %gather3A_1399 {strides = array<i32>} : memref<256x128xf32, #tpu.memory_space<vmem>>, vector<16xf32>,
      %add3A_1436 = arith.constant 160 : i32
      %add3A_1437 = arith.addi %add3A_1436, %scan3A_332 : i32
      %swap3A_1438 = arith.index_cast %add3A_1437 : i32 to index
      %swap3A_1439 = arith.constant 48 : index
      %swap3A_1440 = tpu.vector_load %arg9[%swap3A_1438, %swap3A_1439] {strides = array<i32>} : memref<256x128xf32, #tpu.memory_space<vmem>>, vector<16xf32>,
      tpu.vector_store %arg9[%swap3A_1438, %swap3A_1439], %gather3A_1403 {strides = array<i32>} : memref<256x128xf32, #tpu.memory_space<vmem>>, vector<16xf32>,
      %add3A_1441 = arith.constant 168 : i32
      %add3A_1442 = arith.addi %add3A_1441, %scan3A_332 : i32
      %swap3A_1443 = arith.index_cast %add3A_1442 : i32 to index
      %swap3A_1444 = arith.constant 48 : index
      %swap3A_1445 = tpu.vector_load %arg9[%swap3A_1443, %swap3A_1444] {strides = array<i32>} : memref<256x128xf32, #tpu.memory_space<vmem>>, vector<16xf32>,
      tpu.vector_store %arg9[%swap3A_1443, %swap3A_1444], %gather3A_1407 {strides = array<i32>} : memref<256x128xf32, #tpu.memory_space<vmem>>, vector<16xf32>,
      %add3A_1446 = arith.constant 176 : i32
      %add3A_1447 = arith.addi %add3A_1446, %scan3A_332 : i32
      %swap3A_1448 = arith.index_cast %add3A_1447 : i32 to index
      %swap3A_1449 = arith.constant 48 : index
      %swap3A_1450 = tpu.vector_load %arg9[%swap3A_1448, %swap3A_1449] {strides = array<i32>} : memref<256x128xf32, #tpu.memory_space<vmem>>, vector<16xf32>,
      tpu.vector_store %arg9[%swap3A_1448, %swap3A_1449], %gather3A_1411 {strides = array<i32>} : memref<256x128xf32, #tpu.memory_space<vmem>>, vector<16xf32>,
      %add3A_1451 = arith.constant 184 : i32
      %add3A_1452 = arith.addi %add3A_1451, %scan3A_332 : i32
      %swap3A_1453 = arith.index_cast %add3A_1452 : i32 to index
      %swap3A_1454 = arith.constant 48 : index
      %swap3A_1455 = tpu.vector_load %arg9[%swap3A_1453, %swap3A_1454] {strides = array<i32>} : memref<256x128xf32, #tpu.memory_space<vmem>>, vector<16xf32>,
      tpu.vector_store %arg9[%swap3A_1453, %swap3A_1454], %gather3A_1415 {strides = array<i32>} : memref<256x128xf32, #tpu.memory_space<vmem>>, vector<16xf32>,
      %add3A_1456 = arith.constant 192 : i32
      %add3A_1457 = vector.broadcast %add3A_1456 : i32 to vector<16xi32>
      %add3A_1458 = arith.addi %shift_right_arithmetic3A_1236, %add3A_1457 : vector<16xi32>
      %gather3A_1459 = tpu.vector_load_idx %arg8[%add3A_1458, %and3A_1239] : memref<256x128xf32, #tpu.memory_space<vmem>>[vector<16xi32>, vector<16xi32>], vector<16xf32>,
      %add3A_1460 = arith.constant 200 : i32
      %add3A_1461 = vector.broadcast %add3A_1460 : i32 to vector<16xi32>
      %add3A_1462 = arith.addi %shift_right_arithmetic3A_1236, %add3A_1461 : vector<16xi32>
      %gather3A_1463 = tpu.vector_load_idx %arg8[%add3A_1462, %and3A_1239] : memref<256x128xf32, #tpu.memory_space<vmem>>[vector<16xi32>, vector<16xi32>], vector<16xf32>,
      %add3A_1464 = arith.constant 208 : i32
      %add3A_1465 = vector.broadcast %add3A_1464 : i32 to vector<16xi32>
      %add3A_1466 = arith.addi %shift_right_arithmetic3A_1236, %add3A_1465 : vector<16xi32>
      %gather3A_1467 = tpu.vector_load_idx %arg8[%add3A_1466, %and3A_1239] : memref<256x128xf32, #tpu.memory_space<vmem>>[vector<16xi32>, vector<16xi32>], vector<16xf32>,
      %add3A_1468 = arith.constant 216 : i32
      %add3A_1469 = vector.broadcast %add3A_1468 : i32 to vector<16xi32>
      %add3A_1470 = arith.addi %shift_right_arithmetic3A_1236, %add3A_1469 : vector<16xi32>
      %gather3A_1471 = tpu.vector_load_idx %arg8[%add3A_1470, %and3A_1239] : memref<256x128xf32, #tpu.memory_space<vmem>>[vector<16xi32>, vector<16xi32>], vector<16xf32>,
      %add3A_1472 = arith.constant 224 : i32
      %add3A_1473 = vector.broadcast %add3A_1472 : i32 to vector<16xi32>
      %add3A_1474 = arith.addi %shift_right_arithmetic3A_1236, %add3A_1473 : vector<16xi32>
      %gather3A_1475 = tpu.vector_load_idx %arg8[%add3A_1474, %and3A_1239] : memref<256x128xf32, #tpu.memory_space<vmem>>[vector<16xi32>, vector<16xi32>], vector<16xf32>,
      %add3A_1476 = arith.constant 232 : i32
      %add3A_1477 = vector.broadcast %add3A_1476 : i32 to vector<16xi32>
      %add3A_1478 = arith.addi %shift_right_arithmetic3A_1236, %add3A_1477 : vector<16xi32>
      %gather3A_1479 = tpu.vector_load_idx %arg8[%add3A_1478, %and3A_1239] : memref<256x128xf32, #tpu.memory_space<vmem>>[vector<16xi32>, vector<16xi32>], vector<16xf32>,
      %add3A_1480 = arith.constant 240 : i32
      %add3A_1481 = vector.broadcast %add3A_1480 : i32 to vector<16xi32>
      %add3A_1482 = arith.addi %shift_right_arithmetic3A_1236, %add3A_1481 : vector<16xi32>
      %gather3A_1483 = tpu.vector_load_idx %arg8[%add3A_1482, %and3A_1239] : memref<256x128xf32, #tpu.memory_space<vmem>>[vector<16xi32>, vector<16xi32>], vector<16xf32>,
      %add3A_1484 = arith.constant 248 : i32
      %add3A_1485 = vector.broadcast %add3A_1484 : i32 to vector<16xi32>
      %add3A_1486 = arith.addi %shift_right_arithmetic3A_1236, %add3A_1485 : vector<16xi32>
      %gather3A_1487 = tpu.vector_load_idx %arg8[%add3A_1486, %and3A_1239] : memref<256x128xf32, #tpu.memory_space<vmem>>[vector<16xi32>, vector<16xi32>], vector<16xf32>,
      %add3A_1488 = arith.constant 192 : i32
      %add3A_1489 = arith.addi %add3A_1488, %scan3A_332 : i32
      %swap3A_1490 = arith.index_cast %add3A_1489 : i32 to index
      %swap3A_1491 = arith.constant 48 : index
      %swap3A_1492 = tpu.vector_load %arg9[%swap3A_1490, %swap3A_1491] {strides = array<i32>} : memref<256x128xf32, #tpu.memory_space<vmem>>, vector<16xf32>,
      tpu.vector_store %arg9[%swap3A_1490, %swap3A_1491], %gather3A_1459 {strides = array<i32>} : memref<256x128xf32, #tpu.memory_space<vmem>>, vector<16xf32>,
      %add3A_1493 = arith.constant 200 : i32
      %add3A_1494 = arith.addi %add3A_1493, %scan3A_332 : i32
      %swap3A_1495 = arith.index_cast %add3A_1494 : i32 to index
      %swap3A_1496 = arith.constant 48 : index
      %swap3A_1497 = tpu.vector_load %arg9[%swap3A_1495, %swap3A_1496] {strides = array<i32>} : memref<256x128xf32, #tpu.memory_space<vmem>>, vector<16xf32>,
      tpu.vector_store %arg9[%swap3A_1495, %swap3A_1496], %gather3A_1463 {strides = array<i32>} : memref<256x128xf32, #tpu.memory_space<vmem>>, vector<16xf32>,
      %add3A_1498 = arith.constant 208 : i32
      %add3A_1499 = arith.addi %add3A_1498, %scan3A_332 : i32
      %swap3A_1500 = arith.index_cast %add3A_1499 : i32 to index
      %swap3A_1501 = arith.constant 48 : index
      %swap3A_1502 = tpu.vector_load %arg9[%swap3A_1500, %swap3A_1501] {strides = array<i32>} : memref<256x128xf32, #tpu.memory_space<vmem>>, vector<16xf32>,
      tpu.vector_store %arg9[%swap3A_1500, %swap3A_1501], %gather3A_1467 {strides = array<i32>} : memref<256x128xf32, #tpu.memory_space<vmem>>, vector<16xf32>,
      %add3A_1503 = arith.constant 216 : i32
      %add3A_1504 = arith.addi %add3A_1503, %scan3A_332 : i32
      %swap3A_1505 = arith.index_cast %add3A_1504 : i32 to index
      %swap3A_1506 = arith.constant 48 : index
      %swap3A_1507 = tpu.vector_load %arg9[%swap3A_1505, %swap3A_1506] {strides = array<i32>} : memref<256x128xf32, #tpu.memory_space<vmem>>, vector<16xf32>,
      tpu.vector_store %arg9[%swap3A_1505, %swap3A_1506], %gather3A_1471 {strides = array<i32>} : memref<256x128xf32, #tpu.memory_space<vmem>>, vector<16xf32>,
      %add3A_1508 = arith.constant 224 : i32
      %add3A_1509 = arith.addi %add3A_1508, %scan3A_332 : i32
      %swap3A_1510 = arith.index_cast %add3A_1509 : i32 to index
      %swap3A_1511 = arith.constant 48 : index
      %swap3A_1512 = tpu.vector_load %arg9[%swap3A_1510, %swap3A_1511] {strides = array<i32>} : memref<256x128xf32, #tpu.memory_space<vmem>>, vector<16xf32>,
      tpu.vector_store %arg9[%swap3A_1510, %swap3A_1511], %gather3A_1475 {strides = array<i32>} : memref<256x128xf32, #tpu.memory_space<vmem>>, vector<16xf32>,
      %add3A_1513 = arith.constant 232 : i32
      %add3A_1514 = arith.addi %add3A_1513, %scan3A_332 : i32
      %swap3A_1515 = arith.index_cast %add3A_1514 : i32 to index
      %swap3A_1516 = arith.constant 48 : index
      %swap3A_1517 = tpu.vector_load %arg9[%swap3A_1515, %swap3A_1516] {strides = array<i32>} : memref<256x128xf32, #tpu.memory_space<vmem>>, vector<16xf32>,
      tpu.vector_store %arg9[%swap3A_1515, %swap3A_1516], %gather3A_1479 {strides = array<i32>} : memref<256x128xf32, #tpu.memory_space<vmem>>, vector<16xf32>,
      %add3A_1518 = arith.constant 240 : i32
      %add3A_1519 = arith.addi %add3A_1518, %scan3A_332 : i32
      %swap3A_1520 = arith.index_cast %add3A_1519 : i32 to index
      %swap3A_1521 = arith.constant 48 : index
      %swap3A_1522 = tpu.vector_load %arg9[%swap3A_1520, %swap3A_1521] {strides = array<i32>} : memref<256x128xf32, #tpu.memory_space<vmem>>, vector<16xf32>,
      tpu.vector_store %arg9[%swap3A_1520, %swap3A_1521], %gather3A_1483 {strides = array<i32>} : memref<256x128xf32, #tpu.memory_space<vmem>>, vector<16xf32>,
      %add3A_1523 = arith.constant 248 : i32
      %add3A_1524 = arith.addi %add3A_1523, %scan3A_332 : i32
      %swap3A_1525 = arith.index_cast %add3A_1524 : i32 to index
      %swap3A_1526 = arith.constant 48 : index
      %swap3A_1527 = tpu.vector_load %arg9[%swap3A_1525, %swap3A_1526] {strides = array<i32>} : memref<256x128xf32, #tpu.memory_space<vmem>>, vector<16xf32>,
      tpu.vector_store %arg9[%swap3A_1525, %swap3A_1526], %gather3A_1487 {strides = array<i32>} : memref<256x128xf32, #tpu.memory_space<vmem>>, vector<16xf32>,
      %add3A_1528 = arith.constant 64 : i32
      %add3A_1529 = arith.addi %multiple_of3A_336, %add3A_1528 : i32
      %get3A_1530 = arith.index_cast %add3A_1529 : i32 to index
      %get3A_1531 = tpu.vector_load %arg5[%get3A_1530] {strides = array<i32>} : memref<1024xi32, #tpu.memory_space<vmem>>, vector<16xi32>,
      %shift_right_arithmetic3A_1532 = arith.constant 7 : i32
      %shift_right_arithmetic3A_1533 = vector.broadcast %shift_right_arithmetic3A_1532 : i32 to vector<16xi32>
      %shift_right_arithmetic3A_1534 = arith.shrsi %get3A_1531, %shift_right_arithmetic3A_1533 : vector<16xi32>
      %and3A_1535 = arith.constant 127 : i32
      %and3A_1536 = vector.broadcast %and3A_1535 : i32 to vector<16xi32>
      %and3A_1537 = arith.andi %get3A_1531, %and3A_1536 : vector<16xi32>
      %add3A_1538 = arith.constant 0 : i32
      %add3A_1539 = vector.broadcast %add3A_1538 : i32 to vector<16xi32>
      %add3A_1540 = arith.addi %shift_right_arithmetic3A_1534, %add3A_1539 : vector<16xi32>
      %gather3A_1541 = tpu.vector_load_idx %arg8[%add3A_1540, %and3A_1537] : memref<256x128xf32, #tpu.memory_space<vmem>>[vector<16xi32>, vector<16xi32>], vector<16xf32>,
      %add3A_1542 = arith.constant 8 : i32
      %add3A_1543 = vector.broadcast %add3A_1542 : i32 to vector<16xi32>
      %add3A_1544 = arith.addi %shift_right_arithmetic3A_1534, %add3A_1543 : vector<16xi32>
      %gather3A_1545 = tpu.vector_load_idx %arg8[%add3A_1544, %and3A_1537] : memref<256x128xf32, #tpu.memory_space<vmem>>[vector<16xi32>, vector<16xi32>], vector<16xf32>,
      %add3A_1546 = arith.constant 16 : i32
      %add3A_1547 = vector.broadcast %add3A_1546 : i32 to vector<16xi32>
      %add3A_1548 = arith.addi %shift_right_arithmetic3A_1534, %add3A_1547 : vector<16xi32>
      %gather3A_1549 = tpu.vector_load_idx %arg8[%add3A_1548, %and3A_1537] : memref<256x128xf32, #tpu.memory_space<vmem>>[vector<16xi32>, vector<16xi32>], vector<16xf32>,
      %add3A_1550 = arith.constant 24 : i32
      %add3A_1551 = vector.broadcast %add3A_1550 : i32 to vector<16xi32>
      %add3A_1552 = arith.addi %shift_right_arithmetic3A_1534, %add3A_1551 : vector<16xi32>
      %gather3A_1553 = tpu.vector_load_idx %arg8[%add3A_1552, %and3A_1537] : memref<256x128xf32, #tpu.memory_space<vmem>>[vector<16xi32>, vector<16xi32>], vector<16xf32>,
      %add3A_1554 = arith.constant 32 : i32
      %add3A_1555 = vector.broadcast %add3A_1554 : i32 to vector<16xi32>
      %add3A_1556 = arith.addi %shift_right_arithmetic3A_1534, %add3A_1555 : vector<16xi32>
      %gather3A_1557 = tpu.vector_load_idx %arg8[%add3A_1556, %and3A_1537] : memref<256x128xf32, #tpu.memory_space<vmem>>[vector<16xi32>, vector<16xi32>], vector<16xf32>,
      %add3A_1558 = arith.constant 40 : i32
      %add3A_1559 = vector.broadcast %add3A_1558 : i32 to vector<16xi32>
      %add3A_1560 = arith.addi %shift_right_arithmetic3A_1534, %add3A_1559 : vector<16xi32>
      %gather3A_1561 = tpu.vector_load_idx %arg8[%add3A_1560, %and3A_1537] : memref<256x128xf32, #tpu.memory_space<vmem>>[vector<16xi32>, vector<16xi32>], vector<16xf32>,
      %add3A_1562 = arith.constant 48 : i32
      %add3A_1563 = vector.broadcast %add3A_1562 : i32 to vector<16xi32>
      %add3A_1564 = arith.addi %shift_right_arithmetic3A_1534, %add3A_1563 : vector<16xi32>
      %gather3A_1565 = tpu.vector_load_idx %arg8[%add3A_1564, %and3A_1537] : memref<256x128xf32, #tpu.memory_space<vmem>>[vector<16xi32>, vector<16xi32>], vector<16xf32>,
      %add3A_1566 = arith.constant 56 : i32
      %add3A_1567 = vector.broadcast %add3A_1566 : i32 to vector<16xi32>
      %add3A_1568 = arith.addi %shift_right_arithmetic3A_1534, %add3A_1567 : vector<16xi32>
      %gather3A_1569 = tpu.vector_load_idx %arg8[%add3A_1568, %and3A_1537] : memref<256x128xf32, #tpu.memory_space<vmem>>[vector<16xi32>, vector<16xi32>], vector<16xf32>,
      %add3A_1570 = arith.constant 0 : i32
      %add3A_1571 = arith.addi %add3A_1570, %scan3A_332 : i32
      %swap3A_1572 = arith.index_cast %add3A_1571 : i32 to index
      %swap3A_1573 = arith.constant 64 : index
      %swap3A_1574 = tpu.vector_load %arg9[%swap3A_1572, %swap3A_1573] {strides = array<i32>} : memref<256x128xf32, #tpu.memory_space<vmem>>, vector<16xf32>,
      tpu.vector_store %arg9[%swap3A_1572, %swap3A_1573], %gather3A_1541 {strides = array<i32>} : memref<256x128xf32, #tpu.memory_space<vmem>>, vector<16xf32>,
      %add3A_1575 = arith.constant 8 : i32
      %add3A_1576 = arith.addi %add3A_1575, %scan3A_332 : i32
      %swap3A_1577 = arith.index_cast %add3A_1576 : i32 to index
      %swap3A_1578 = arith.constant 64 : index
      %swap3A_1579 = tpu.vector_load %arg9[%swap3A_1577, %swap3A_1578] {strides = array<i32>} : memref<256x128xf32, #tpu.memory_space<vmem>>, vector<16xf32>,
      tpu.vector_store %arg9[%swap3A_1577, %swap3A_1578], %gather3A_1545 {strides = array<i32>} : memref<256x128xf32, #tpu.memory_space<vmem>>, vector<16xf32>,
      %add3A_1580 = arith.constant 16 : i32
      %add3A_1581 = arith.addi %add3A_1580, %scan3A_332 : i32
      %swap3A_1582 = arith.index_cast %add3A_1581 : i32 to index
      %swap3A_1583 = arith.constant 64 : index
      %swap3A_1584 = tpu.vector_load %arg9[%swap3A_1582, %swap3A_1583] {strides = array<i32>} : memref<256x128xf32, #tpu.memory_space<vmem>>, vector<16xf32>,
      tpu.vector_store %arg9[%swap3A_1582, %swap3A_1583], %gather3A_1549 {strides = array<i32>} : memref<256x128xf32, #tpu.memory_space<vmem>>, vector<16xf32>,
      %add3A_1585 = arith.constant 24 : i32
      %add3A_1586 = arith.addi %add3A_1585, %scan3A_332 : i32
      %swap3A_1587 = arith.index_cast %add3A_1586 : i32 to index
      %swap3A_1588 = arith.constant 64 : index
      %swap3A_1589 = tpu.vector_load %arg9[%swap3A_1587, %swap3A_1588] {strides = array<i32>} : memref<256x128xf32, #tpu.memory_space<vmem>>, vector<16xf32>,
      tpu.vector_store %arg9[%swap3A_1587, %swap3A_1588], %gather3A_1553 {strides = array<i32>} : memref<256x128xf32, #tpu.memory_space<vmem>>, vector<16xf32>,
      %add3A_1590 = arith.constant 32 : i32
      %add3A_1591 = arith.addi %add3A_1590, %scan3A_332 : i32
      %swap3A_1592 = arith.index_cast %add3A_1591 : i32 to index
      %swap3A_1593 = arith.constant 64 : index
      %swap3A_1594 = tpu.vector_load %arg9[%swap3A_1592, %swap3A_1593] {strides = array<i32>} : memref<256x128xf32, #tpu.memory_space<vmem>>, vector<16xf32>,
      tpu.vector_store %arg9[%swap3A_1592, %swap3A_1593], %gather3A_1557 {strides = array<i32>} : memref<256x128xf32, #tpu.memory_space<vmem>>, vector<16xf32>,
      %add3A_1595 = arith.constant 40 : i32
      %add3A_1596 = arith.addi %add3A_1595, %scan3A_332 : i32
      %swap3A_1597 = arith.index_cast %add3A_1596 : i32 to index
      %swap3A_1598 = arith.constant 64 : index
      %swap3A_1599 = tpu.vector_load %arg9[%swap3A_1597, %swap3A_1598] {strides = array<i32>} : memref<256x128xf32, #tpu.memory_space<vmem>>, vector<16xf32>,
      tpu.vector_store %arg9[%swap3A_1597, %swap3A_1598], %gather3A_1561 {strides = array<i32>} : memref<256x128xf32, #tpu.memory_space<vmem>>, vector<16xf32>,
      %add3A_1600 = arith.constant 48 : i32
      %add3A_1601 = arith.addi %add3A_1600, %scan3A_332 : i32
      %swap3A_1602 = arith.index_cast %add3A_1601 : i32 to index
      %swap3A_1603 = arith.constant 64 : index
      %swap3A_1604 = tpu.vector_load %arg9[%swap3A_1602, %swap3A_1603] {strides = array<i32>} : memref<256x128xf32, #tpu.memory_space<vmem>>, vector<16xf32>,
      tpu.vector_store %arg9[%swap3A_1602, %swap3A_1603], %gather3A_1565 {strides = array<i32>} : memref<256x128xf32, #tpu.memory_space<vmem>>, vector<16xf32>,
      %add3A_1605 = arith.constant 56 : i32
      %add3A_1606 = arith.addi %add3A_1605, %scan3A_332 : i32
      %swap3A_1607 = arith.index_cast %add3A_1606 : i32 to index
      %swap3A_1608 = arith.constant 64 : index
      %swap3A_1609 = tpu.vector_load %arg9[%swap3A_1607, %swap3A_1608] {strides = array<i32>} : memref<256x128xf32, #tpu.memory_space<vmem>>, vector<16xf32>,
      tpu.vector_store %arg9[%swap3A_1607, %swap3A_1608], %gather3A_1569 {strides = array<i32>} : memref<256x128xf32, #tpu.memory_space<vmem>>, vector<16xf32>,
      %add3A_1610 = arith.constant 64 : i32
      %add3A_1611 = vector.broadcast %add3A_1610 : i32 to vector<16xi32>
      %add3A_1612 = arith.addi %shift_right_arithmetic3A_1534, %add3A_1611 : vector<16xi32>
      %gather3A_1613 = tpu.vector_load_idx %arg8[%add3A_1612, %and3A_1537] : memref<256x128xf32, #tpu.memory_space<vmem>>[vector<16xi32>, vector<16xi32>], vector<16xf32>,
      %add3A_1614 = arith.constant 72 : i32
      %add3A_1615 = vector.broadcast %add3A_1614 : i32 to vector<16xi32>
      %add3A_1616 = arith.addi %shift_right_arithmetic3A_1534, %add3A_1615 : vector<16xi32>
      %gather3A_1617 = tpu.vector_load_idx %arg8[%add3A_1616, %and3A_1537] : memref<256x128xf32, #tpu.memory_space<vmem>>[vector<16xi32>, vector<16xi32>], vector<16xf32>,
      %add3A_1618 = arith.constant 80 : i32
      %add3A_1619 = vector.broadcast %add3A_1618 : i32 to vector<16xi32>
      %add3A_1620 = arith.addi %shift_right_arithmetic3A_1534, %add3A_1619 : vector<16xi32>
      %gather3A_1621 = tpu.vector_load_idx %arg8[%add3A_1620, %and3A_1537] : memref<256x128xf32, #tpu.memory_space<vmem>>[vector<16xi32>, vector<16xi32>], vector<16xf32>,
      %add3A_1622 = arith.constant 88 : i32
      %add3A_1623 = vector.broadcast %add3A_1622 : i32 to vector<16xi32>
      %add3A_1624 = arith.addi %shift_right_arithmetic3A_1534, %add3A_1623 : vector<16xi32>
      %gather3A_1625 = tpu.vector_load_idx %arg8[%add3A_1624, %and3A_1537] : memref<256x128xf32, #tpu.memory_space<vmem>>[vector<16xi32>, vector<16xi32>], vector<16xf32>,
      %add3A_1626 = arith.constant 96 : i32
      %add3A_1627 = vector.broadcast %add3A_1626 : i32 to vector<16xi32>
      %add3A_1628 = arith.addi %shift_right_arithmetic3A_1534, %add3A_1627 : vector<16xi32>
      %gather3A_1629 = tpu.vector_load_idx %arg8[%add3A_1628, %and3A_1537] : memref<256x128xf32, #tpu.memory_space<vmem>>[vector<16xi32>, vector<16xi32>], vector<16xf32>,
      %add3A_1630 = arith.constant 104 : i32
      %add3A_1631 = vector.broadcast %add3A_1630 : i32 to vector<16xi32>
      %add3A_1632 = arith.addi %shift_right_arithmetic3A_1534, %add3A_1631 : vector<16xi32>
      %gather3A_1633 = tpu.vector_load_idx %arg8[%add3A_1632, %and3A_1537] : memref<256x128xf32, #tpu.memory_space<vmem>>[vector<16xi32>, vector<16xi32>], vector<16xf32>,
      %add3A_1634 = arith.constant 112 : i32
      %add3A_1635 = vector.broadcast %add3A_1634 : i32 to vector<16xi32>
      %add3A_1636 = arith.addi %shift_right_arithmetic3A_1534, %add3A_1635 : vector<16xi32>
      %gather3A_1637 = tpu.vector_load_idx %arg8[%add3A_1636, %and3A_1537] : memref<256x128xf32, #tpu.memory_space<vmem>>[vector<16xi32>, vector<16xi32>], vector<16xf32>,
      %add3A_1638 = arith.constant 120 : i32
      %add3A_1639 = vector.broadcast %add3A_1638 : i32 to vector<16xi32>
      %add3A_1640 = arith.addi %shift_right_arithmetic3A_1534, %add3A_1639 : vector<16xi32>
      %gather3A_1641 = tpu.vector_load_idx %arg8[%add3A_1640, %and3A_1537] : memref<256x128xf32, #tpu.memory_space<vmem>>[vector<16xi32>, vector<16xi32>], vector<16xf32>,
      %add3A_1642 = arith.constant 64 : i32
      %add3A_1643 = arith.addi %add3A_1642, %scan3A_332 : i32
      %swap3A_1644 = arith.index_cast %add3A_1643 : i32 to index
      %swap3A_1645 = arith.constant 64 : index
      %swap3A_1646 = tpu.vector_load %arg9[%swap3A_1644, %swap3A_1645] {strides = array<i32>} : memref<256x128xf32, #tpu.memory_space<vmem>>, vector<16xf32>,
      tpu.vector_store %arg9[%swap3A_1644, %swap3A_1645], %gather3A_1613 {strides = array<i32>} : memref<256x128xf32, #tpu.memory_space<vmem>>, vector<16xf32>,
      %add3A_1647 = arith.constant 72 : i32
      %add3A_1648 = arith.addi %add3A_1647, %scan3A_332 : i32
      %swap3A_1649 = arith.index_cast %add3A_1648 : i32 to index
      %swap3A_1650 = arith.constant 64 : index
      %swap3A_1651 = tpu.vector_load %arg9[%swap3A_1649, %swap3A_1650] {strides = array<i32>} : memref<256x128xf32, #tpu.memory_space<vmem>>, vector<16xf32>,
      tpu.vector_store %arg9[%swap3A_1649, %swap3A_1650], %gather3A_1617 {strides = array<i32>} : memref<256x128xf32, #tpu.memory_space<vmem>>, vector<16xf32>,
      %add3A_1652 = arith.constant 80 : i32
      %add3A_1653 = arith.addi %add3A_1652, %scan3A_332 : i32
      %swap3A_1654 = arith.index_cast %add3A_1653 : i32 to index
      %swap3A_1655 = arith.constant 64 : index
      %swap3A_1656 = tpu.vector_load %arg9[%swap3A_1654, %swap3A_1655] {strides = array<i32>} : memref<256x128xf32, #tpu.memory_space<vmem>>, vector<16xf32>,
      tpu.vector_store %arg9[%swap3A_1654, %swap3A_1655], %gather3A_1621 {strides = array<i32>} : memref<256x128xf32, #tpu.memory_space<vmem>>, vector<16xf32>,
      %add3A_1657 = arith.constant 88 : i32
      %add3A_1658 = arith.addi %add3A_1657, %scan3A_332 : i32
      %swap3A_1659 = arith.index_cast %add3A_1658 : i32 to index
      %swap3A_1660 = arith.constant 64 : index
      %swap3A_1661 = tpu.vector_load %arg9[%swap3A_1659, %swap3A_1660] {strides = array<i32>} : memref<256x128xf32, #tpu.memory_space<vmem>>, vector<16xf32>,
      tpu.vector_store %arg9[%swap3A_1659, %swap3A_1660], %gather3A_1625 {strides = array<i32>} : memref<256x128xf32, #tpu.memory_space<vmem>>, vector<16xf32>,
      %add3A_1662 = arith.constant 96 : i32
      %add3A_1663 = arith.addi %add3A_1662, %scan3A_332 : i32
      %swap3A_1664 = arith.index_cast %add3A_1663 : i32 to index
      %swap3A_1665 = arith.constant 64 : index
      %swap3A_1666 = tpu.vector_load %arg9[%swap3A_1664, %swap3A_1665] {strides = array<i32>} : memref<256x128xf32, #tpu.memory_space<vmem>>, vector<16xf32>,
      tpu.vector_store %arg9[%swap3A_1664, %swap3A_1665], %gather3A_1629 {strides = array<i32>} : memref<256x128xf32, #tpu.memory_space<vmem>>, vector<16xf32>,
      %add3A_1667 = arith.constant 104 : i32
      %add3A_1668 = arith.addi %add3A_1667, %scan3A_332 : i32
      %swap3A_1669 = arith.index_cast %add3A_1668 : i32 to index
      %swap3A_1670 = arith.constant 64 : index
      %swap3A_1671 = tpu.vector_load %arg9[%swap3A_1669, %swap3A_1670] {strides = array<i32>} : memref<256x128xf32, #tpu.memory_space<vmem>>, vector<16xf32>,
      tpu.vector_store %arg9[%swap3A_1669, %swap3A_1670], %gather3A_1633 {strides = array<i32>} : memref<256x128xf32, #tpu.memory_space<vmem>>, vector<16xf32>,
      %add3A_1672 = arith.constant 112 : i32
      %add3A_1673 = arith.addi %add3A_1672, %scan3A_332 : i32
      %swap3A_1674 = arith.index_cast %add3A_1673 : i32 to index
      %swap3A_1675 = arith.constant 64 : index
      %swap3A_1676 = tpu.vector_load %arg9[%swap3A_1674, %swap3A_1675] {strides = array<i32>} : memref<256x128xf32, #tpu.memory_space<vmem>>, vector<16xf32>,
      tpu.vector_store %arg9[%swap3A_1674, %swap3A_1675], %gather3A_1637 {strides = array<i32>} : memref<256x128xf32, #tpu.memory_space<vmem>>, vector<16xf32>,
      %add3A_1677 = arith.constant 120 : i32
      %add3A_1678 = arith.addi %add3A_1677, %scan3A_332 : i32
      %swap3A_1679 = arith.index_cast %add3A_1678 : i32 to index
      %swap3A_1680 = arith.constant 64 : index
      %swap3A_1681 = tpu.vector_load %arg9[%swap3A_1679, %swap3A_1680] {strides = array<i32>} : memref<256x128xf32, #tpu.memory_space<vmem>>, vector<16xf32>,
      tpu.vector_store %arg9[%swap3A_1679, %swap3A_1680], %gather3A_1641 {strides = array<i32>} : memref<256x128xf32, #tpu.memory_space<vmem>>, vector<16xf32>,
      %add3A_1682 = arith.constant 128 : i32
      %add3A_1683 = vector.broadcast %add3A_1682 : i32 to vector<16xi32>
      %add3A_1684 = arith.addi %shift_right_arithmetic3A_1534, %add3A_1683 : vector<16xi32>
      %gather3A_1685 = tpu.vector_load_idx %arg8[%add3A_1684, %and3A_1537] : memref<256x128xf32, #tpu.memory_space<vmem>>[vector<16xi32>, vector<16xi32>], vector<16xf32>,
      %add3A_1686 = arith.constant 136 : i32
      %add3A_1687 = vector.broadcast %add3A_1686 : i32 to vector<16xi32>
      %add3A_1688 = arith.addi %shift_right_arithmetic3A_1534, %add3A_1687 : vector<16xi32>
      %gather3A_1689 = tpu.vector_load_idx %arg8[%add3A_1688, %and3A_1537] : memref<256x128xf32, #tpu.memory_space<vmem>>[vector<16xi32>, vector<16xi32>], vector<16xf32>,
      %add3A_1690 = arith.constant 144 : i32
      %add3A_1691 = vector.broadcast %add3A_1690 : i32 to vector<16xi32>
      %add3A_1692 = arith.addi %shift_right_arithmetic3A_1534, %add3A_1691 : vector<16xi32>
      %gather3A_1693 = tpu.vector_load_idx %arg8[%add3A_1692, %and3A_1537] : memref<256x128xf32, #tpu.memory_space<vmem>>[vector<16xi32>, vector<16xi32>], vector<16xf32>,
      %add3A_1694 = arith.constant 152 : i32
      %add3A_1695 = vector.broadcast %add3A_1694 : i32 to vector<16xi32>
      %add3A_1696 = arith.addi %shift_right_arithmetic3A_1534, %add3A_1695 : vector<16xi32>
      %gather3A_1697 = tpu.vector_load_idx %arg8[%add3A_1696, %and3A_1537] : memref<256x128xf32, #tpu.memory_space<vmem>>[vector<16xi32>, vector<16xi32>], vector<16xf32>,
      %add3A_1698 = arith.constant 160 : i32
      %add3A_1699 = vector.broadcast %add3A_1698 : i32 to vector<16xi32>
      %add3A_1700 = arith.addi %shift_right_arithmetic3A_1534, %add3A_1699 : vector<16xi32>
      %gather3A_1701 = tpu.vector_load_idx %arg8[%add3A_1700, %and3A_1537] : memref<256x128xf32, #tpu.memory_space<vmem>>[vector<16xi32>, vector<16xi32>], vector<16xf32>,
      %add3A_1702 = arith.constant 168 : i32
      %add3A_1703 = vector.broadcast %add3A_1702 : i32 to vector<16xi32>
      %add3A_1704 = arith.addi %shift_right_arithmetic3A_1534, %add3A_1703 : vector<16xi32>
      %gather3A_1705 = tpu.vector_load_idx %arg8[%add3A_1704, %and3A_1537] : memref<256x128xf32, #tpu.memory_space<vmem>>[vector<16xi32>, vector<16xi32>], vector<16xf32>,
      %add3A_1706 = arith.constant 176 : i32
      %add3A_1707 = vector.broadcast %add3A_1706 : i32 to vector<16xi32>
      %add3A_1708 = arith.addi %shift_right_arithmetic3A_1534, %add3A_1707 : vector<16xi32>
      %gather3A_1709 = tpu.vector_load_idx %arg8[%add3A_1708, %and3A_1537] : memref<256x128xf32, #tpu.memory_space<vmem>>[vector<16xi32>, vector<16xi32>], vector<16xf32>,
      %add3A_1710 = arith.constant 184 : i32
      %add3A_1711 = vector.broadcast %add3A_1710 : i32 to vector<16xi32>
      %add3A_1712 = arith.addi %shift_right_arithmetic3A_1534, %add3A_1711 : vector<16xi32>
      %gather3A_1713 = tpu.vector_load_idx %arg8[%add3A_1712, %and3A_1537] : memref<256x128xf32, #tpu.memory_space<vmem>>[vector<16xi32>, vector<16xi32>], vector<16xf32>,
      %add3A_1714 = arith.constant 128 : i32
      %add3A_1715 = arith.addi %add3A_1714, %scan3A_332 : i32
      %swap3A_1716 = arith.index_cast %add3A_1715 : i32 to index
      %swap3A_1717 = arith.constant 64 : index
      %swap3A_1718 = tpu.vector_load %arg9[%swap3A_1716, %swap3A_1717] {strides = array<i32>} : memref<256x128xf32, #tpu.memory_space<vmem>>, vector<16xf32>,
      tpu.vector_store %arg9[%swap3A_1716, %swap3A_1717], %gather3A_1685 {strides = array<i32>} : memref<256x128xf32, #tpu.memory_space<vmem>>, vector<16xf32>,
      %add3A_1719 = arith.constant 136 : i32
      %add3A_1720 = arith.addi %add3A_1719, %scan3A_332 : i32
      %swap3A_1721 = arith.index_cast %add3A_1720 : i32 to index
      %swap3A_1722 = arith.constant 64 : index
      %swap3A_1723 = tpu.vector_load %arg9[%swap3A_1721, %swap3A_1722] {strides = array<i32>} : memref<256x128xf32, #tpu.memory_space<vmem>>, vector<16xf32>,
      tpu.vector_store %arg9[%swap3A_1721, %swap3A_1722], %gather3A_1689 {strides = array<i32>} : memref<256x128xf32, #tpu.memory_space<vmem>>, vector<16xf32>,
      %add3A_1724 = arith.constant 144 : i32
      %add3A_1725 = arith.addi %add3A_1724, %scan3A_332 : i32
      %swap3A_1726 = arith.index_cast %add3A_1725 : i32 to index
      %swap3A_1727 = arith.constant 64 : index
      %swap3A_1728 = tpu.vector_load %arg9[%swap3A_1726, %swap3A_1727] {strides = array<i32>} : memref<256x128xf32, #tpu.memory_space<vmem>>, vector<16xf32>,
      tpu.vector_store %arg9[%swap3A_1726, %swap3A_1727], %gather3A_1693 {strides = array<i32>} : memref<256x128xf32, #tpu.memory_space<vmem>>, vector<16xf32>,
      %add3A_1729 = arith.constant 152 : i32
      %add3A_1730 = arith.addi %add3A_1729, %scan3A_332 : i32
      %swap3A_1731 = arith.index_cast %add3A_1730 : i32 to index
      %swap3A_1732 = arith.constant 64 : index
      %swap3A_1733 = tpu.vector_load %arg9[%swap3A_1731, %swap3A_1732] {strides = array<i32>} : memref<256x128xf32, #tpu.memory_space<vmem>>, vector<16xf32>,
      tpu.vector_store %arg9[%swap3A_1731, %swap3A_1732], %gather3A_1697 {strides = array<i32>} : memref<256x128xf32, #tpu.memory_space<vmem>>, vector<16xf32>,
      %add3A_1734 = arith.constant 160 : i32
      %add3A_1735 = arith.addi %add3A_1734, %scan3A_332 : i32
      %swap3A_1736 = arith.index_cast %add3A_1735 : i32 to index
      %swap3A_1737 = arith.constant 64 : index
      %swap3A_1738 = tpu.vector_load %arg9[%swap3A_1736, %swap3A_1737] {strides = array<i32>} : memref<256x128xf32, #tpu.memory_space<vmem>>, vector<16xf32>,
      tpu.vector_store %arg9[%swap3A_1736, %swap3A_1737], %gather3A_1701 {strides = array<i32>} : memref<256x128xf32, #tpu.memory_space<vmem>>, vector<16xf32>,
      %add3A_1739 = arith.constant 168 : i32
      %add3A_1740 = arith.addi %add3A_1739, %scan3A_332 : i32
      %swap3A_1741 = arith.index_cast %add3A_1740 : i32 to index
      %swap3A_1742 = arith.constant 64 : index
      %swap3A_1743 = tpu.vector_load %arg9[%swap3A_1741, %swap3A_1742] {strides = array<i32>} : memref<256x128xf32, #tpu.memory_space<vmem>>, vector<16xf32>,
      tpu.vector_store %arg9[%swap3A_1741, %swap3A_1742], %gather3A_1705 {strides = array<i32>} : memref<256x128xf32, #tpu.memory_space<vmem>>, vector<16xf32>,
      %add3A_1744 = arith.constant 176 : i32
      %add3A_1745 = arith.addi %add3A_1744, %scan3A_332 : i32
      %swap3A_1746 = arith.index_cast %add3A_1745 : i32 to index
      %swap3A_1747 = arith.constant 64 : index
      %swap3A_1748 = tpu.vector_load %arg9[%swap3A_1746, %swap3A_1747] {strides = array<i32>} : memref<256x128xf32, #tpu.memory_space<vmem>>, vector<16xf32>,
      tpu.vector_store %arg9[%swap3A_1746, %swap3A_1747], %gather3A_1709 {strides = array<i32>} : memref<256x128xf32, #tpu.memory_space<vmem>>, vector<16xf32>,
      %add3A_1749 = arith.constant 184 : i32
      %add3A_1750 = arith.addi %add3A_1749, %scan3A_332 : i32
      %swap3A_1751 = arith.index_cast %add3A_1750 : i32 to index
      %swap3A_1752 = arith.constant 64 : index
      %swap3A_1753 = tpu.vector_load %arg9[%swap3A_1751, %swap3A_1752] {strides = array<i32>} : memref<256x128xf32, #tpu.memory_space<vmem>>, vector<16xf32>,
      tpu.vector_store %arg9[%swap3A_1751, %swap3A_1752], %gather3A_1713 {strides = array<i32>} : memref<256x128xf32, #tpu.memory_space<vmem>>, vector<16xf32>,
      %add3A_1754 = arith.constant 192 : i32
      %add3A_1755 = vector.broadcast %add3A_1754 : i32 to vector<16xi32>
      %add3A_1756 = arith.addi %shift_right_arithmetic3A_1534, %add3A_1755 : vector<16xi32>
      %gather3A_1757 = tpu.vector_load_idx %arg8[%add3A_1756, %and3A_1537] : memref<256x128xf32, #tpu.memory_space<vmem>>[vector<16xi32>, vector<16xi32>], vector<16xf32>,
      %add3A_1758 = arith.constant 200 : i32
      %add3A_1759 = vector.broadcast %add3A_1758 : i32 to vector<16xi32>
      %add3A_1760 = arith.addi %shift_right_arithmetic3A_1534, %add3A_1759 : vector<16xi32>
      %gather3A_1761 = tpu.vector_load_idx %arg8[%add3A_1760, %and3A_1537] : memref<256x128xf32, #tpu.memory_space<vmem>>[vector<16xi32>, vector<16xi32>], vector<16xf32>,
      %add3A_1762 = arith.constant 208 : i32
      %add3A_1763 = vector.broadcast %add3A_1762 : i32 to vector<16xi32>
      %add3A_1764 = arith.addi %shift_right_arithmetic3A_1534, %add3A_1763 : vector<16xi32>
      %gather3A_1765 = tpu.vector_load_idx %arg8[%add3A_1764, %and3A_1537] : memref<256x128xf32, #tpu.memory_space<vmem>>[vector<16xi32>, vector<16xi32>], vector<16xf32>,
      %add3A_1766 = arith.constant 216 : i32
      %add3A_1767 = vector.broadcast %add3A_1766 : i32 to vector<16xi32>
      %add3A_1768 = arith.addi %shift_right_arithmetic3A_1534, %add3A_1767 : vector<16xi32>
      %gather3A_1769 = tpu.vector_load_idx %arg8[%add3A_1768, %and3A_1537] : memref<256x128xf32, #tpu.memory_space<vmem>>[vector<16xi32>, vector<16xi32>], vector<16xf32>,
      %add3A_1770 = arith.constant 224 : i32
      %add3A_1771 = vector.broadcast %add3A_1770 : i32 to vector<16xi32>
      %add3A_1772 = arith.addi %shift_right_arithmetic3A_1534, %add3A_1771 : vector<16xi32>
      %gather3A_1773 = tpu.vector_load_idx %arg8[%add3A_1772, %and3A_1537] : memref<256x128xf32, #tpu.memory_space<vmem>>[vector<16xi32>, vector<16xi32>], vector<16xf32>,
      %add3A_1774 = arith.constant 232 : i32
      %add3A_1775 = vector.broadcast %add3A_1774 : i32 to vector<16xi32>
      %add3A_1776 = arith.addi %shift_right_arithmetic3A_1534, %add3A_1775 : vector<16xi32>
      %gather3A_1777 = tpu.vector_load_idx %arg8[%add3A_1776, %and3A_1537] : memref<256x128xf32, #tpu.memory_space<vmem>>[vector<16xi32>, vector<16xi32>], vector<16xf32>,
      %add3A_1778 = arith.constant 240 : i32
      %add3A_1779 = vector.broadcast %add3A_1778 : i32 to vector<16xi32>
      %add3A_1780 = arith.addi %shift_right_arithmetic3A_1534, %add3A_1779 : vector<16xi32>
      %gather3A_1781 = tpu.vector_load_idx %arg8[%add3A_1780, %and3A_1537] : memref<256x128xf32, #tpu.memory_space<vmem>>[vector<16xi32>, vector<16xi32>], vector<16xf32>,
      %add3A_1782 = arith.constant 248 : i32
      %add3A_1783 = vector.broadcast %add3A_1782 : i32 to vector<16xi32>
      %add3A_1784 = arith.addi %shift_right_arithmetic3A_1534, %add3A_1783 : vector<16xi32>
      %gather3A_1785 = tpu.vector_load_idx %arg8[%add3A_1784, %and3A_1537] : memref<256x128xf32, #tpu.memory_space<vmem>>[vector<16xi32>, vector<16xi32>], vector<16xf32>,
      %add3A_1786 = arith.constant 192 : i32
      %add3A_1787 = arith.addi %add3A_1786, %scan3A_332 : i32
      %swap3A_1788 = arith.index_cast %add3A_1787 : i32 to index
      %swap3A_1789 = arith.constant 64 : index
      %swap3A_1790 = tpu.vector_load %arg9[%swap3A_1788, %swap3A_1789] {strides = array<i32>} : memref<256x128xf32, #tpu.memory_space<vmem>>, vector<16xf32>,
      tpu.vector_store %arg9[%swap3A_1788, %swap3A_1789], %gather3A_1757 {strides = array<i32>} : memref<256x128xf32, #tpu.memory_space<vmem>>, vector<16xf32>,
      %add3A_1791 = arith.constant 200 : i32
      %add3A_1792 = arith.addi %add3A_1791, %scan3A_332 : i32
      %swap3A_1793 = arith.index_cast %add3A_1792 : i32 to index
      %swap3A_1794 = arith.constant 64 : index
      %swap3A_1795 = tpu.vector_load %arg9[%swap3A_1793, %swap3A_1794] {strides = array<i32>} : memref<256x128xf32, #tpu.memory_space<vmem>>, vector<16xf32>,
      tpu.vector_store %arg9[%swap3A_1793, %swap3A_1794], %gather3A_1761 {strides = array<i32>} : memref<256x128xf32, #tpu.memory_space<vmem>>, vector<16xf32>,
      %add3A_1796 = arith.constant 208 : i32
      %add3A_1797 = arith.addi %add3A_1796, %scan3A_332 : i32
      %swap3A_1798 = arith.index_cast %add3A_1797 : i32 to index
      %swap3A_1799 = arith.constant 64 : index
      %swap3A_1800 = tpu.vector_load %arg9[%swap3A_1798, %swap3A_1799] {strides = array<i32>} : memref<256x128xf32, #tpu.memory_space<vmem>>, vector<16xf32>,
      tpu.vector_store %arg9[%swap3A_1798, %swap3A_1799], %gather3A_1765 {strides = array<i32>} : memref<256x128xf32, #tpu.memory_space<vmem>>, vector<16xf32>,
      %add3A_1801 = arith.constant 216 : i32
      %add3A_1802 = arith.addi %add3A_1801, %scan3A_332 : i32
      %swap3A_1803 = arith.index_cast %add3A_1802 : i32 to index
      %swap3A_1804 = arith.constant 64 : index
      %swap3A_1805 = tpu.vector_load %arg9[%swap3A_1803, %swap3A_1804] {strides = array<i32>} : memref<256x128xf32, #tpu.memory_space<vmem>>, vector<16xf32>,
      tpu.vector_store %arg9[%swap3A_1803, %swap3A_1804], %gather3A_1769 {strides = array<i32>} : memref<256x128xf32, #tpu.memory_space<vmem>>, vector<16xf32>,
      %add3A_1806 = arith.constant 224 : i32
      %add3A_1807 = arith.addi %add3A_1806, %scan3A_332 : i32
      %swap3A_1808 = arith.index_cast %add3A_1807 : i32 to index
      %swap3A_1809 = arith.constant 64 : index
      %swap3A_1810 = tpu.vector_load %arg9[%swap3A_1808, %swap3A_1809] {strides = array<i32>} : memref<256x128xf32, #tpu.memory_space<vmem>>, vector<16xf32>,
      tpu.vector_store %arg9[%swap3A_1808, %swap3A_1809], %gather3A_1773 {strides = array<i32>} : memref<256x128xf32, #tpu.memory_space<vmem>>, vector<16xf32>,
      %add3A_1811 = arith.constant 232 : i32
      %add3A_1812 = arith.addi %add3A_1811, %scan3A_332 : i32
      %swap3A_1813 = arith.index_cast %add3A_1812 : i32 to index
      %swap3A_1814 = arith.constant 64 : index
      %swap3A_1815 = tpu.vector_load %arg9[%swap3A_1813, %swap3A_1814] {strides = array<i32>} : memref<256x128xf32, #tpu.memory_space<vmem>>, vector<16xf32>,
      tpu.vector_store %arg9[%swap3A_1813, %swap3A_1814], %gather3A_1777 {strides = array<i32>} : memref<256x128xf32, #tpu.memory_space<vmem>>, vector<16xf32>,
      %add3A_1816 = arith.constant 240 : i32
      %add3A_1817 = arith.addi %add3A_1816, %scan3A_332 : i32
      %swap3A_1818 = arith.index_cast %add3A_1817 : i32 to index
      %swap3A_1819 = arith.constant 64 : index
      %swap3A_1820 = tpu.vector_load %arg9[%swap3A_1818, %swap3A_1819] {strides = array<i32>} : memref<256x128xf32, #tpu.memory_space<vmem>>, vector<16xf32>,
      tpu.vector_store %arg9[%swap3A_1818, %swap3A_1819], %gather3A_1781 {strides = array<i32>} : memref<256x128xf32, #tpu.memory_space<vmem>>, vector<16xf32>,
      %add3A_1821 = arith.constant 248 : i32
      %add3A_1822 = arith.addi %add3A_1821, %scan3A_332 : i32
      %swap3A_1823 = arith.index_cast %add3A_1822 : i32 to index
      %swap3A_1824 = arith.constant 64 : index
      %swap3A_1825 = tpu.vector_load %arg9[%swap3A_1823, %swap3A_1824] {strides = array<i32>} : memref<256x128xf32, #tpu.memory_space<vmem>>, vector<16xf32>,
      tpu.vector_store %arg9[%swap3A_1823, %swap3A_1824], %gather3A_1785 {strides = array<i32>} : memref<256x128xf32, #tpu.memory_space<vmem>>, vector<16xf32>,
      %add3A_1826 = arith.constant 80 : i32
      %add3A_1827 = arith.addi %multiple_of3A_336, %add3A_1826 : i32
      %get3A_1828 = arith.index_cast %add3A_1827 : i32 to index
      %get3A_1829 = tpu.vector_load %arg5[%get3A_1828] {strides = array<i32>} : memref<1024xi32, #tpu.memory_space<vmem>>, vector<16xi32>,
      %shift_right_arithmetic3A_1830 = arith.constant 7 : i32
      %shift_right_arithmetic3A_1831 = vector.broadcast %shift_right_arithmetic3A_1830 : i32 to vector<16xi32>
      %shift_right_arithmetic3A_1832 = arith.shrsi %get3A_1829, %shift_right_arithmetic3A_1831 : vector<16xi32>
      %and3A_1833 = arith.constant 127 : i32
      %and3A_1834 = vector.broadcast %and3A_1833 : i32 to vector<16xi32>
      %and3A_1835 = arith.andi %get3A_1829, %and3A_1834 : vector<16xi32>
      %add3A_1836 = arith.constant 0 : i32
      %add3A_1837 = vector.broadcast %add3A_1836 : i32 to vector<16xi32>
      %add3A_1838 = arith.addi %shift_right_arithmetic3A_1832, %add3A_1837 : vector<16xi32>
      %gather3A_1839 = tpu.vector_load_idx %arg8[%add3A_1838, %and3A_1835] : memref<256x128xf32, #tpu.memory_space<vmem>>[vector<16xi32>, vector<16xi32>], vector<16xf32>,
      %add3A_1840 = arith.constant 8 : i32
      %add3A_1841 = vector.broadcast %add3A_1840 : i32 to vector<16xi32>
      %add3A_1842 = arith.addi %shift_right_arithmetic3A_1832, %add3A_1841 : vector<16xi32>
      %gather3A_1843 = tpu.vector_load_idx %arg8[%add3A_1842, %and3A_1835] : memref<256x128xf32, #tpu.memory_space<vmem>>[vector<16xi32>, vector<16xi32>], vector<16xf32>,
      %add3A_1844 = arith.constant 16 : i32
      %add3A_1845 = vector.broadcast %add3A_1844 : i32 to vector<16xi32>
      %add3A_1846 = arith.addi %shift_right_arithmetic3A_1832, %add3A_1845 : vector<16xi32>
      %gather3A_1847 = tpu.vector_load_idx %arg8[%add3A_1846, %and3A_1835] : memref<256x128xf32, #tpu.memory_space<vmem>>[vector<16xi32>, vector<16xi32>], vector<16xf32>,
      %add3A_1848 = arith.constant 24 : i32
      %add3A_1849 = vector.broadcast %add3A_1848 : i32 to vector<16xi32>
      %add3A_1850 = arith.addi %shift_right_arithmetic3A_1832, %add3A_1849 : vector<16xi32>
      %gather3A_1851 = tpu.vector_load_idx %arg8[%add3A_1850, %and3A_1835] : memref<256x128xf32, #tpu.memory_space<vmem>>[vector<16xi32>, vector<16xi32>], vector<16xf32>,
      %add3A_1852 = arith.constant 32 : i32
      %add3A_1853 = vector.broadcast %add3A_1852 : i32 to vector<16xi32>
      %add3A_1854 = arith.addi %shift_right_arithmetic3A_1832, %add3A_1853 : vector<16xi32>
      %gather3A_1855 = tpu.vector_load_idx %arg8[%add3A_1854, %and3A_1835] : memref<256x128xf32, #tpu.memory_space<vmem>>[vector<16xi32>, vector<16xi32>], vector<16xf32>,
      %add3A_1856 = arith.constant 40 : i32
      %add3A_1857 = vector.broadcast %add3A_1856 : i32 to vector<16xi32>
      %add3A_1858 = arith.addi %shift_right_arithmetic3A_1832, %add3A_1857 : vector<16xi32>
      %gather3A_1859 = tpu.vector_load_idx %arg8[%add3A_1858, %and3A_1835] : memref<256x128xf32, #tpu.memory_space<vmem>>[vector<16xi32>, vector<16xi32>], vector<16xf32>,
      %add3A_1860 = arith.constant 48 : i32
      %add3A_1861 = vector.broadcast %add3A_1860 : i32 to vector<16xi32>
      %add3A_1862 = arith.addi %shift_right_arithmetic3A_1832, %add3A_1861 : vector<16xi32>
      %gather3A_1863 = tpu.vector_load_idx %arg8[%add3A_1862, %and3A_1835] : memref<256x128xf32, #tpu.memory_space<vmem>>[vector<16xi32>, vector<16xi32>], vector<16xf32>,
      %add3A_1864 = arith.constant 56 : i32
      %add3A_1865 = vector.broadcast %add3A_1864 : i32 to vector<16xi32>
      %add3A_1866 = arith.addi %shift_right_arithmetic3A_1832, %add3A_1865 : vector<16xi32>
      %gather3A_1867 = tpu.vector_load_idx %arg8[%add3A_1866, %and3A_1835] : memref<256x128xf32, #tpu.memory_space<vmem>>[vector<16xi32>, vector<16xi32>], vector<16xf32>,
      %add3A_1868 = arith.constant 0 : i32
      %add3A_1869 = arith.addi %add3A_1868, %scan3A_332 : i32
      %swap3A_1870 = arith.index_cast %add3A_1869 : i32 to index
      %swap3A_1871 = arith.constant 80 : index
      %swap3A_1872 = tpu.vector_load %arg9[%swap3A_1870, %swap3A_1871] {strides = array<i32>} : memref<256x128xf32, #tpu.memory_space<vmem>>, vector<16xf32>,
      tpu.vector_store %arg9[%swap3A_1870, %swap3A_1871], %gather3A_1839 {strides = array<i32>} : memref<256x128xf32, #tpu.memory_space<vmem>>, vector<16xf32>,
      %add3A_1873 = arith.constant 8 : i32
      %add3A_1874 = arith.addi %add3A_1873, %scan3A_332 : i32
      %swap3A_1875 = arith.index_cast %add3A_1874 : i32 to index
      %swap3A_1876 = arith.constant 80 : index
      %swap3A_1877 = tpu.vector_load %arg9[%swap3A_1875, %swap3A_1876] {strides = array<i32>} : memref<256x128xf32, #tpu.memory_space<vmem>>, vector<16xf32>,
      tpu.vector_store %arg9[%swap3A_1875, %swap3A_1876], %gather3A_1843 {strides = array<i32>} : memref<256x128xf32, #tpu.memory_space<vmem>>, vector<16xf32>,
      %add3A_1878 = arith.constant 16 : i32
      %add3A_1879 = arith.addi %add3A_1878, %scan3A_332 : i32
      %swap3A_1880 = arith.index_cast %add3A_1879 : i32 to index
      %swap3A_1881 = arith.constant 80 : index
      %swap3A_1882 = tpu.vector_load %arg9[%swap3A_1880, %swap3A_1881] {strides = array<i32>} : memref<256x128xf32, #tpu.memory_space<vmem>>, vector<16xf32>,
      tpu.vector_store %arg9[%swap3A_1880, %swap3A_1881], %gather3A_1847 {strides = array<i32>} : memref<256x128xf32, #tpu.memory_space<vmem>>, vector<16xf32>,
      %add3A_1883 = arith.constant 24 : i32
      %add3A_1884 = arith.addi %add3A_1883, %scan3A_332 : i32
      %swap3A_1885 = arith.index_cast %add3A_1884 : i32 to index
      %swap3A_1886 = arith.constant 80 : index
      %swap3A_1887 = tpu.vector_load %arg9[%swap3A_1885, %swap3A_1886] {strides = array<i32>} : memref<256x128xf32, #tpu.memory_space<vmem>>, vector<16xf32>,
      tpu.vector_store %arg9[%swap3A_1885, %swap3A_1886], %gather3A_1851 {strides = array<i32>} : memref<256x128xf32, #tpu.memory_space<vmem>>, vector<16xf32>,
      %add3A_1888 = arith.constant 32 : i32
      %add3A_1889 = arith.addi %add3A_1888, %scan3A_332 : i32
      %swap3A_1890 = arith.index_cast %add3A_1889 : i32 to index
      %swap3A_1891 = arith.constant 80 : index
      %swap3A_1892 = tpu.vector_load %arg9[%swap3A_1890, %swap3A_1891] {strides = array<i32>} : memref<256x128xf32, #tpu.memory_space<vmem>>, vector<16xf32>,
      tpu.vector_store %arg9[%swap3A_1890, %swap3A_1891], %gather3A_1855 {strides = array<i32>} : memref<256x128xf32, #tpu.memory_space<vmem>>, vector<16xf32>,
      %add3A_1893 = arith.constant 40 : i32
      %add3A_1894 = arith.addi %add3A_1893, %scan3A_332 : i32
      %swap3A_1895 = arith.index_cast %add3A_1894 : i32 to index
      %swap3A_1896 = arith.constant 80 : index
      %swap3A_1897 = tpu.vector_load %arg9[%swap3A_1895, %swap3A_1896] {strides = array<i32>} : memref<256x128xf32, #tpu.memory_space<vmem>>, vector<16xf32>,
      tpu.vector_store %arg9[%swap3A_1895, %swap3A_1896], %gather3A_1859 {strides = array<i32>} : memref<256x128xf32, #tpu.memory_space<vmem>>, vector<16xf32>,
      %add3A_1898 = arith.constant 48 : i32
      %add3A_1899 = arith.addi %add3A_1898, %scan3A_332 : i32
      %swap3A_1900 = arith.index_cast %add3A_1899 : i32 to index
      %swap3A_1901 = arith.constant 80 : index
      %swap3A_1902 = tpu.vector_load %arg9[%swap3A_1900, %swap3A_1901] {strides = array<i32>} : memref<256x128xf32, #tpu.memory_space<vmem>>, vector<16xf32>,
      tpu.vector_store %arg9[%swap3A_1900, %swap3A_1901], %gather3A_1863 {strides = array<i32>} : memref<256x128xf32, #tpu.memory_space<vmem>>, vector<16xf32>,
      %add3A_1903 = arith.constant 56 : i32
      %add3A_1904 = arith.addi %add3A_1903, %scan3A_332 : i32
      %swap3A_1905 = arith.index_cast %add3A_1904 : i32 to index
      %swap3A_1906 = arith.constant 80 : index
      %swap3A_1907 = tpu.vector_load %arg9[%swap3A_1905, %swap3A_1906] {strides = array<i32>} : memref<256x128xf32, #tpu.memory_space<vmem>>, vector<16xf32>,
      tpu.vector_store %arg9[%swap3A_1905, %swap3A_1906], %gather3A_1867 {strides = array<i32>} : memref<256x128xf32, #tpu.memory_space<vmem>>, vector<16xf32>,
      %add3A_1908 = arith.constant 64 : i32
      %add3A_1909 = vector.broadcast %add3A_1908 : i32 to vector<16xi32>
      %add3A_1910 = arith.addi %shift_right_arithmetic3A_1832, %add3A_1909 : vector<16xi32>
      %gather3A_1911 = tpu.vector_load_idx %arg8[%add3A_1910, %and3A_1835] : memref<256x128xf32, #tpu.memory_space<vmem>>[vector<16xi32>, vector<16xi32>], vector<16xf32>,
      %add3A_1912 = arith.constant 72 : i32
      %add3A_1913 = vector.broadcast %add3A_1912 : i32 to vector<16xi32>
      %add3A_1914 = arith.addi %shift_right_arithmetic3A_1832, %add3A_1913 : vector<16xi32>
      %gather3A_1915 = tpu.vector_load_idx %arg8[%add3A_1914, %and3A_1835] : memref<256x128xf32, #tpu.memory_space<vmem>>[vector<16xi32>, vector<16xi32>], vector<16xf32>,
      %add3A_1916 = arith.constant 80 : i32
      %add3A_1917 = vector.broadcast %add3A_1916 : i32 to vector<16xi32>
      %add3A_1918 = arith.addi %shift_right_arithmetic3A_1832, %add3A_1917 : vector<16xi32>
      %gather3A_1919 = tpu.vector_load_idx %arg8[%add3A_1918, %and3A_1835] : memref<256x128xf32, #tpu.memory_space<vmem>>[vector<16xi32>, vector<16xi32>], vector<16xf32>,
      %add3A_1920 = arith.constant 88 : i32
      %add3A_1921 = vector.broadcast %add3A_1920 : i32 to vector<16xi32>
      %add3A_1922 = arith.addi %shift_right_arithmetic3A_1832, %add3A_1921 : vector<16xi32>
      %gather3A_1923 = tpu.vector_load_idx %arg8[%add3A_1922, %and3A_1835] : memref<256x128xf32, #tpu.memory_space<vmem>>[vector<16xi32>, vector<16xi32>], vector<16xf32>,
      %add3A_1924 = arith.constant 96 : i32
      %add3A_1925 = vector.broadcast %add3A_1924 : i32 to vector<16xi32>
      %add3A_1926 = arith.addi %shift_right_arithmetic3A_1832, %add3A_1925 : vector<16xi32>
      %gather3A_1927 = tpu.vector_load_idx %arg8[%add3A_1926, %and3A_1835] : memref<256x128xf32, #tpu.memory_space<vmem>>[vector<16xi32>, vector<16xi32>], vector<16xf32>,
      %add3A_1928 = arith.constant 104 : i32
      %add3A_1929 = vector.broadcast %add3A_1928 : i32 to vector<16xi32>
      %add3A_1930 = arith.addi %shift_right_arithmetic3A_1832, %add3A_1929 : vector<16xi32>
      %gather3A_1931 = tpu.vector_load_idx %arg8[%add3A_1930, %and3A_1835] : memref<256x128xf32, #tpu.memory_space<vmem>>[vector<16xi32>, vector<16xi32>], vector<16xf32>,
      %add3A_1932 = arith.constant 112 : i32
      %add3A_1933 = vector.broadcast %add3A_1932 : i32 to vector<16xi32>
      %add3A_1934 = arith.addi %shift_right_arithmetic3A_1832, %add3A_1933 : vector<16xi32>
      %gather3A_1935 = tpu.vector_load_idx %arg8[%add3A_1934, %and3A_1835] : memref<256x128xf32, #tpu.memory_space<vmem>>[vector<16xi32>, vector<16xi32>], vector<16xf32>,
      %add3A_1936 = arith.constant 120 : i32
      %add3A_1937 = vector.broadcast %add3A_1936 : i32 to vector<16xi32>
      %add3A_1938 = arith.addi %shift_right_arithmetic3A_1832, %add3A_1937 : vector<16xi32>
      %gather3A_1939 = tpu.vector_load_idx %arg8[%add3A_1938, %and3A_1835] : memref<256x128xf32, #tpu.memory_space<vmem>>[vector<16xi32>, vector<16xi32>], vector<16xf32>,
      %add3A_1940 = arith.constant 64 : i32
      %add3A_1941 = arith.addi %add3A_1940, %scan3A_332 : i32
      %swap3A_1942 = arith.index_cast %add3A_1941 : i32 to index
      %swap3A_1943 = arith.constant 80 : index
      %swap3A_1944 = tpu.vector_load %arg9[%swap3A_1942, %swap3A_1943] {strides = array<i32>} : memref<256x128xf32, #tpu.memory_space<vmem>>, vector<16xf32>,
      tpu.vector_store %arg9[%swap3A_1942, %swap3A_1943], %gather3A_1911 {strides = array<i32>} : memref<256x128xf32, #tpu.memory_space<vmem>>, vector<16xf32>,
      %add3A_1945 = arith.constant 72 : i32
      %add3A_1946 = arith.addi %add3A_1945, %scan3A_332 : i32
      %swap3A_1947 = arith.index_cast %add3A_1946 : i32 to index
      %swap3A_1948 = arith.constant 80 : index
      %swap3A_1949 = tpu.vector_load %arg9[%swap3A_1947, %swap3A_1948] {strides = array<i32>} : memref<256x128xf32, #tpu.memory_space<vmem>>, vector<16xf32>,
      tpu.vector_store %arg9[%swap3A_1947, %swap3A_1948], %gather3A_1915 {strides = array<i32>} : memref<256x128xf32, #tpu.memory_space<vmem>>, vector<16xf32>,
      %add3A_1950 = arith.constant 80 : i32
      %add3A_1951 = arith.addi %add3A_1950, %scan3A_332 : i32
      %swap3A_1952 = arith.index_cast %add3A_1951 : i32 to index
      %swap3A_1953 = arith.constant 80 : index
      %swap3A_1954 = tpu.vector_load %arg9[%swap3A_1952, %swap3A_1953] {strides = array<i32>} : memref<256x128xf32, #tpu.memory_space<vmem>>, vector<16xf32>,
      tpu.vector_store %arg9[%swap3A_1952, %swap3A_1953], %gather3A_1919 {strides = array<i32>} : memref<256x128xf32, #tpu.memory_space<vmem>>, vector<16xf32>,
      %add3A_1955 = arith.constant 88 : i32
      %add3A_1956 = arith.addi %add3A_1955, %scan3A_332 : i32
      %swap3A_1957 = arith.index_cast %add3A_1956 : i32 to index
      %swap3A_1958 = arith.constant 80 : index
      %swap3A_1959 = tpu.vector_load %arg9[%swap3A_1957, %swap3A_1958] {strides = array<i32>} : memref<256x128xf32, #tpu.memory_space<vmem>>, vector<16xf32>,
      tpu.vector_store %arg9[%swap3A_1957, %swap3A_1958], %gather3A_1923 {strides = array<i32>} : memref<256x128xf32, #tpu.memory_space<vmem>>, vector<16xf32>,
      %add3A_1960 = arith.constant 96 : i32
      %add3A_1961 = arith.addi %add3A_1960, %scan3A_332 : i32
      %swap3A_1962 = arith.index_cast %add3A_1961 : i32 to index
      %swap3A_1963 = arith.constant 80 : index
      %swap3A_1964 = tpu.vector_load %arg9[%swap3A_1962, %swap3A_1963] {strides = array<i32>} : memref<256x128xf32, #tpu.memory_space<vmem>>, vector<16xf32>,
      tpu.vector_store %arg9[%swap3A_1962, %swap3A_1963], %gather3A_1927 {strides = array<i32>} : memref<256x128xf32, #tpu.memory_space<vmem>>, vector<16xf32>,
      %add3A_1965 = arith.constant 104 : i32
      %add3A_1966 = arith.addi %add3A_1965, %scan3A_332 : i32
      %swap3A_1967 = arith.index_cast %add3A_1966 : i32 to index
      %swap3A_1968 = arith.constant 80 : index
      %swap3A_1969 = tpu.vector_load %arg9[%swap3A_1967, %swap3A_1968] {strides = array<i32>} : memref<256x128xf32, #tpu.memory_space<vmem>>, vector<16xf32>,
      tpu.vector_store %arg9[%swap3A_1967, %swap3A_1968], %gather3A_1931 {strides = array<i32>} : memref<256x128xf32, #tpu.memory_space<vmem>>, vector<16xf32>,
      %add3A_1970 = arith.constant 112 : i32
      %add3A_1971 = arith.addi %add3A_1970, %scan3A_332 : i32
      %swap3A_1972 = arith.index_cast %add3A_1971 : i32 to index
      %swap3A_1973 = arith.constant 80 : index
      %swap3A_1974 = tpu.vector_load %arg9[%swap3A_1972, %swap3A_1973] {strides = array<i32>} : memref<256x128xf32, #tpu.memory_space<vmem>>, vector<16xf32>,
      tpu.vector_store %arg9[%swap3A_1972, %swap3A_1973], %gather3A_1935 {strides = array<i32>} : memref<256x128xf32, #tpu.memory_space<vmem>>, vector<16xf32>,
      %add3A_1975 = arith.constant 120 : i32
      %add3A_1976 = arith.addi %add3A_1975, %scan3A_332 : i32
      %swap3A_1977 = arith.index_cast %add3A_1976 : i32 to index
      %swap3A_1978 = arith.constant 80 : index
      %swap3A_1979 = tpu.vector_load %arg9[%swap3A_1977, %swap3A_1978] {strides = array<i32>} : memref<256x128xf32, #tpu.memory_space<vmem>>, vector<16xf32>,
      tpu.vector_store %arg9[%swap3A_1977, %swap3A_1978], %gather3A_1939 {strides = array<i32>} : memref<256x128xf32, #tpu.memory_space<vmem>>, vector<16xf32>,
      %add3A_1980 = arith.constant 128 : i32
      %add3A_1981 = vector.broadcast %add3A_1980 : i32 to vector<16xi32>
      %add3A_1982 = arith.addi %shift_right_arithmetic3A_1832, %add3A_1981 : vector<16xi32>
      %gather3A_1983 = tpu.vector_load_idx %arg8[%add3A_1982, %and3A_1835] : memref<256x128xf32, #tpu.memory_space<vmem>>[vector<16xi32>, vector<16xi32>], vector<16xf32>,
      %add3A_1984 = arith.constant 136 : i32
      %add3A_1985 = vector.broadcast %add3A_1984 : i32 to vector<16xi32>
      %add3A_1986 = arith.addi %shift_right_arithmetic3A_1832, %add3A_1985 : vector<16xi32>
      %gather3A_1987 = tpu.vector_load_idx %arg8[%add3A_1986, %and3A_1835] : memref<256x128xf32, #tpu.memory_space<vmem>>[vector<16xi32>, vector<16xi32>], vector<16xf32>,
      %add3A_1988 = arith.constant 144 : i32
      %add3A_1989 = vector.broadcast %add3A_1988 : i32 to vector<16xi32>
      %add3A_1990 = arith.addi %shift_right_arithmetic3A_1832, %add3A_1989 : vector<16xi32>
      %gather3A_1991 = tpu.vector_load_idx %arg8[%add3A_1990, %and3A_1835] : memref<256x128xf32, #tpu.memory_space<vmem>>[vector<16xi32>, vector<16xi32>], vector<16xf32>,
      %add3A_1992 = arith.constant 152 : i32
      %add3A_1993 = vector.broadcast %add3A_1992 : i32 to vector<16xi32>
      %add3A_1994 = arith.addi %shift_right_arithmetic3A_1832, %add3A_1993 : vector<16xi32>
      %gather3A_1995 = tpu.vector_load_idx %arg8[%add3A_1994, %and3A_1835] : memref<256x128xf32, #tpu.memory_space<vmem>>[vector<16xi32>, vector<16xi32>], vector<16xf32>,
      %add3A_1996 = arith.constant 160 : i32
      %add3A_1997 = vector.broadcast %add3A_1996 : i32 to vector<16xi32>
      %add3A_1998 = arith.addi %shift_right_arithmetic3A_1832, %add3A_1997 : vector<16xi32>
      %gather3A_1999 = tpu.vector_load_idx %arg8[%add3A_1998, %and3A_1835] : memref<256x128xf32, #tpu.memory_space<vmem>>[vector<16xi32>, vector<16xi32>], vector<16xf32>,
      %add3A_2000 = arith.constant 168 : i32
      %add3A_2001 = vector.broadcast %add3A_2000 : i32 to vector<16xi32>
      %add3A_2002 = arith.addi %shift_right_arithmetic3A_1832, %add3A_2001 : vector<16xi32>
      %gather3A_2003 = tpu.vector_load_idx %arg8[%add3A_2002, %and3A_1835] : memref<256x128xf32, #tpu.memory_space<vmem>>[vector<16xi32>, vector<16xi32>], vector<16xf32>,
      %add3A_2004 = arith.constant 176 : i32
      %add3A_2005 = vector.broadcast %add3A_2004 : i32 to vector<16xi32>
      %add3A_2006 = arith.addi %shift_right_arithmetic3A_1832, %add3A_2005 : vector<16xi32>
      %gather3A_2007 = tpu.vector_load_idx %arg8[%add3A_2006, %and3A_1835] : memref<256x128xf32, #tpu.memory_space<vmem>>[vector<16xi32>, vector<16xi32>], vector<16xf32>,
      %add3A_2008 = arith.constant 184 : i32
      %add3A_2009 = vector.broadcast %add3A_2008 : i32 to vector<16xi32>
      %add3A_2010 = arith.addi %shift_right_arithmetic3A_1832, %add3A_2009 : vector<16xi32>
      %gather3A_2011 = tpu.vector_load_idx %arg8[%add3A_2010, %and3A_1835] : memref<256x128xf32, #tpu.memory_space<vmem>>[vector<16xi32>, vector<16xi32>], vector<16xf32>,
      %add3A_2012 = arith.constant 128 : i32
      %add3A_2013 = arith.addi %add3A_2012, %scan3A_332 : i32
      %swap3A_2014 = arith.index_cast %add3A_2013 : i32 to index
      %swap3A_2015 = arith.constant 80 : index
      %swap3A_2016 = tpu.vector_load %arg9[%swap3A_2014, %swap3A_2015] {strides = array<i32>} : memref<256x128xf32, #tpu.memory_space<vmem>>, vector<16xf32>,
      tpu.vector_store %arg9[%swap3A_2014, %swap3A_2015], %gather3A_1983 {strides = array<i32>} : memref<256x128xf32, #tpu.memory_space<vmem>>, vector<16xf32>,
      %add3A_2017 = arith.constant 136 : i32
      %add3A_2018 = arith.addi %add3A_2017, %scan3A_332 : i32
      %swap3A_2019 = arith.index_cast %add3A_2018 : i32 to index
      %swap3A_2020 = arith.constant 80 : index
      %swap3A_2021 = tpu.vector_load %arg9[%swap3A_2019, %swap3A_2020] {strides = array<i32>} : memref<256x128xf32, #tpu.memory_space<vmem>>, vector<16xf32>,
      tpu.vector_store %arg9[%swap3A_2019, %swap3A_2020], %gather3A_1987 {strides = array<i32>} : memref<256x128xf32, #tpu.memory_space<vmem>>, vector<16xf32>,
      %add3A_2022 = arith.constant 144 : i32
      %add3A_2023 = arith.addi %add3A_2022, %scan3A_332 : i32
      %swap3A_2024 = arith.index_cast %add3A_2023 : i32 to index
      %swap3A_2025 = arith.constant 80 : index
      %swap3A_2026 = tpu.vector_load %arg9[%swap3A_2024, %swap3A_2025] {strides = array<i32>} : memref<256x128xf32, #tpu.memory_space<vmem>>, vector<16xf32>,
      tpu.vector_store %arg9[%swap3A_2024, %swap3A_2025], %gather3A_1991 {strides = array<i32>} : memref<256x128xf32, #tpu.memory_space<vmem>>, vector<16xf32>,
      %add3A_2027 = arith.constant 152 : i32
      %add3A_2028 = arith.addi %add3A_2027, %scan3A_332 : i32
      %swap3A_2029 = arith.index_cast %add3A_2028 : i32 to index
      %swap3A_2030 = arith.constant 80 : index
      %swap3A_2031 = tpu.vector_load %arg9[%swap3A_2029, %swap3A_2030] {strides = array<i32>} : memref<256x128xf32, #tpu.memory_space<vmem>>, vector<16xf32>,
      tpu.vector_store %arg9[%swap3A_2029, %swap3A_2030], %gather3A_1995 {strides = array<i32>} : memref<256x128xf32, #tpu.memory_space<vmem>>, vector<16xf32>,
      %add3A_2032 = arith.constant 160 : i32
      %add3A_2033 = arith.addi %add3A_2032, %scan3A_332 : i32
      %swap3A_2034 = arith.index_cast %add3A_2033 : i32 to index
      %swap3A_2035 = arith.constant 80 : index
      %swap3A_2036 = tpu.vector_load %arg9[%swap3A_2034, %swap3A_2035] {strides = array<i32>} : memref<256x128xf32, #tpu.memory_space<vmem>>, vector<16xf32>,
      tpu.vector_store %arg9[%swap3A_2034, %swap3A_2035], %gather3A_1999 {strides = array<i32>} : memref<256x128xf32, #tpu.memory_space<vmem>>, vector<16xf32>,
      %add3A_2037 = arith.constant 168 : i32
      %add3A_2038 = arith.addi %add3A_2037, %scan3A_332 : i32
      %swap3A_2039 = arith.index_cast %add3A_2038 : i32 to index
      %swap3A_2040 = arith.constant 80 : index
      %swap3A_2041 = tpu.vector_load %arg9[%swap3A_2039, %swap3A_2040] {strides = array<i32>} : memref<256x128xf32, #tpu.memory_space<vmem>>, vector<16xf32>,
      tpu.vector_store %arg9[%swap3A_2039, %swap3A_2040], %gather3A_2003 {strides = array<i32>} : memref<256x128xf32, #tpu.memory_space<vmem>>, vector<16xf32>,
      %add3A_2042 = arith.constant 176 : i32
      %add3A_2043 = arith.addi %add3A_2042, %scan3A_332 : i32
      %swap3A_2044 = arith.index_cast %add3A_2043 : i32 to index
      %swap3A_2045 = arith.constant 80 : index
      %swap3A_2046 = tpu.vector_load %arg9[%swap3A_2044, %swap3A_2045] {strides = array<i32>} : memref<256x128xf32, #tpu.memory_space<vmem>>, vector<16xf32>,
      tpu.vector_store %arg9[%swap3A_2044, %swap3A_2045], %gather3A_2007 {strides = array<i32>} : memref<256x128xf32, #tpu.memory_space<vmem>>, vector<16xf32>,
      %add3A_2047 = arith.constant 184 : i32
      %add3A_2048 = arith.addi %add3A_2047, %scan3A_332 : i32
      %swap3A_2049 = arith.index_cast %add3A_2048 : i32 to index
      %swap3A_2050 = arith.constant 80 : index
      %swap3A_2051 = tpu.vector_load %arg9[%swap3A_2049, %swap3A_2050] {strides = array<i32>} : memref<256x128xf32, #tpu.memory_space<vmem>>, vector<16xf32>,
      tpu.vector_store %arg9[%swap3A_2049, %swap3A_2050], %gather3A_2011 {strides = array<i32>} : memref<256x128xf32, #tpu.memory_space<vmem>>, vector<16xf32>,
      %add3A_2052 = arith.constant 192 : i32
      %add3A_2053 = vector.broadcast %add3A_2052 : i32 to vector<16xi32>
      %add3A_2054 = arith.addi %shift_right_arithmetic3A_1832, %add3A_2053 : vector<16xi32>
      %gather3A_2055 = tpu.vector_load_idx %arg8[%add3A_2054, %and3A_1835] : memref<256x128xf32, #tpu.memory_space<vmem>>[vector<16xi32>, vector<16xi32>], vector<16xf32>,
      %add3A_2056 = arith.constant 200 : i32
      %add3A_2057 = vector.broadcast %add3A_2056 : i32 to vector<16xi32>
      %add3A_2058 = arith.addi %shift_right_arithmetic3A_1832, %add3A_2057 : vector<16xi32>
      %gather3A_2059 = tpu.vector_load_idx %arg8[%add3A_2058, %and3A_1835] : memref<256x128xf32, #tpu.memory_space<vmem>>[vector<16xi32>, vector<16xi32>], vector<16xf32>,
      %add3A_2060 = arith.constant 208 : i32
      %add3A_2061 = vector.broadcast %add3A_2060 : i32 to vector<16xi32>
      %add3A_2062 = arith.addi %shift_right_arithmetic3A_1832, %add3A_2061 : vector<16xi32>
      %gather3A_2063 = tpu.vector_load_idx %arg8[%add3A_2062, %and3A_1835] : memref<256x128xf32, #tpu.memory_space<vmem>>[vector<16xi32>, vector<16xi32>], vector<16xf32>,
      %add3A_2064 = arith.constant 216 : i32
      %add3A_2065 = vector.broadcast %add3A_2064 : i32 to vector<16xi32>
      %add3A_2066 = arith.addi %shift_right_arithmetic3A_1832, %add3A_2065 : vector<16xi32>
      %gather3A_2067 = tpu.vector_load_idx %arg8[%add3A_2066, %and3A_1835] : memref<256x128xf32, #tpu.memory_space<vmem>>[vector<16xi32>, vector<16xi32>], vector<16xf32>,
      %add3A_2068 = arith.constant 224 : i32
      %add3A_2069 = vector.broadcast %add3A_2068 : i32 to vector<16xi32>
      %add3A_2070 = arith.addi %shift_right_arithmetic3A_1832, %add3A_2069 : vector<16xi32>
      %gather3A_2071 = tpu.vector_load_idx %arg8[%add3A_2070, %and3A_1835] : memref<256x128xf32, #tpu.memory_space<vmem>>[vector<16xi32>, vector<16xi32>], vector<16xf32>,
      %add3A_2072 = arith.constant 232 : i32
      %add3A_2073 = vector.broadcast %add3A_2072 : i32 to vector<16xi32>
      %add3A_2074 = arith.addi %shift_right_arithmetic3A_1832, %add3A_2073 : vector<16xi32>
      %gather3A_2075 = tpu.vector_load_idx %arg8[%add3A_2074, %and3A_1835] : memref<256x128xf32, #tpu.memory_space<vmem>>[vector<16xi32>, vector<16xi32>], vector<16xf32>,
      %add3A_2076 = arith.constant 240 : i32
      %add3A_2077 = vector.broadcast %add3A_2076 : i32 to vector<16xi32>
      %add3A_2078 = arith.addi %shift_right_arithmetic3A_1832, %add3A_2077 : vector<16xi32>
      %gather3A_2079 = tpu.vector_load_idx %arg8[%add3A_2078, %and3A_1835] : memref<256x128xf32, #tpu.memory_space<vmem>>[vector<16xi32>, vector<16xi32>], vector<16xf32>,
      %add3A_2080 = arith.constant 248 : i32
      %add3A_2081 = vector.broadcast %add3A_2080 : i32 to vector<16xi32>
      %add3A_2082 = arith.addi %shift_right_arithmetic3A_1832, %add3A_2081 : vector<16xi32>
      %gather3A_2083 = tpu.vector_load_idx %arg8[%add3A_2082, %and3A_1835] : memref<256x128xf32, #tpu.memory_space<vmem>>[vector<16xi32>, vector<16xi32>], vector<16xf32>,
      %add3A_2084 = arith.constant 192 : i32
      %add3A_2085 = arith.addi %add3A_2084, %scan3A_332 : i32
      %swap3A_2086 = arith.index_cast %add3A_2085 : i32 to index
      %swap3A_2087 = arith.constant 80 : index
      %swap3A_2088 = tpu.vector_load %arg9[%swap3A_2086, %swap3A_2087] {strides = array<i32>} : memref<256x128xf32, #tpu.memory_space<vmem>>, vector<16xf32>,
      tpu.vector_store %arg9[%swap3A_2086, %swap3A_2087], %gather3A_2055 {strides = array<i32>} : memref<256x128xf32, #tpu.memory_space<vmem>>, vector<16xf32>,
      %add3A_2089 = arith.constant 200 : i32
      %add3A_2090 = arith.addi %add3A_2089, %scan3A_332 : i32
      %swap3A_2091 = arith.index_cast %add3A_2090 : i32 to index
      %swap3A_2092 = arith.constant 80 : index
      %swap3A_2093 = tpu.vector_load %arg9[%swap3A_2091, %swap3A_2092] {strides = array<i32>} : memref<256x128xf32, #tpu.memory_space<vmem>>, vector<16xf32>,
      tpu.vector_store %arg9[%swap3A_2091, %swap3A_2092], %gather3A_2059 {strides = array<i32>} : memref<256x128xf32, #tpu.memory_space<vmem>>, vector<16xf32>,
      %add3A_2094 = arith.constant 208 : i32
      %add3A_2095 = arith.addi %add3A_2094, %scan3A_332 : i32
      %swap3A_2096 = arith.index_cast %add3A_2095 : i32 to index
      %swap3A_2097 = arith.constant 80 : index
      %swap3A_2098 = tpu.vector_load %arg9[%swap3A_2096, %swap3A_2097] {strides = array<i32>} : memref<256x128xf32, #tpu.memory_space<vmem>>, vector<16xf32>,
      tpu.vector_store %arg9[%swap3A_2096, %swap3A_2097], %gather3A_2063 {strides = array<i32>} : memref<256x128xf32, #tpu.memory_space<vmem>>, vector<16xf32>,
      %add3A_2099 = arith.constant 216 : i32
      %add3A_2100 = arith.addi %add3A_2099, %scan3A_332 : i32
      %swap3A_2101 = arith.index_cast %add3A_2100 : i32 to index
      %swap3A_2102 = arith.constant 80 : index
      %swap3A_2103 = tpu.vector_load %arg9[%swap3A_2101, %swap3A_2102] {strides = array<i32>} : memref<256x128xf32, #tpu.memory_space<vmem>>, vector<16xf32>,
      tpu.vector_store %arg9[%swap3A_2101, %swap3A_2102], %gather3A_2067 {strides = array<i32>} : memref<256x128xf32, #tpu.memory_space<vmem>>, vector<16xf32>,
      %add3A_2104 = arith.constant 224 : i32
      %add3A_2105 = arith.addi %add3A_2104, %scan3A_332 : i32
      %swap3A_2106 = arith.index_cast %add3A_2105 : i32 to index
      %swap3A_2107 = arith.constant 80 : index
      %swap3A_2108 = tpu.vector_load %arg9[%swap3A_2106, %swap3A_2107] {strides = array<i32>} : memref<256x128xf32, #tpu.memory_space<vmem>>, vector<16xf32>,
      tpu.vector_store %arg9[%swap3A_2106, %swap3A_2107], %gather3A_2071 {strides = array<i32>} : memref<256x128xf32, #tpu.memory_space<vmem>>, vector<16xf32>,
      %add3A_2109 = arith.constant 232 : i32
      %add3A_2110 = arith.addi %add3A_2109, %scan3A_332 : i32
      %swap3A_2111 = arith.index_cast %add3A_2110 : i32 to index
      %swap3A_2112 = arith.constant 80 : index
      %swap3A_2113 = tpu.vector_load %arg9[%swap3A_2111, %swap3A_2112] {strides = array<i32>} : memref<256x128xf32, #tpu.memory_space<vmem>>, vector<16xf32>,
      tpu.vector_store %arg9[%swap3A_2111, %swap3A_2112], %gather3A_2075 {strides = array<i32>} : memref<256x128xf32, #tpu.memory_space<vmem>>, vector<16xf32>,
      %add3A_2114 = arith.constant 240 : i32
      %add3A_2115 = arith.addi %add3A_2114, %scan3A_332 : i32
      %swap3A_2116 = arith.index_cast %add3A_2115 : i32 to index
      %swap3A_2117 = arith.constant 80 : index
      %swap3A_2118 = tpu.vector_load %arg9[%swap3A_2116, %swap3A_2117] {strides = array<i32>} : memref<256x128xf32, #tpu.memory_space<vmem>>, vector<16xf32>,
      tpu.vector_store %arg9[%swap3A_2116, %swap3A_2117], %gather3A_2079 {strides = array<i32>} : memref<256x128xf32, #tpu.memory_space<vmem>>, vector<16xf32>,
      %add3A_2119 = arith.constant 248 : i32
      %add3A_2120 = arith.addi %add3A_2119, %scan3A_332 : i32
      %swap3A_2121 = arith.index_cast %add3A_2120 : i32 to index
      %swap3A_2122 = arith.constant 80 : index
      %swap3A_2123 = tpu.vector_load %arg9[%swap3A_2121, %swap3A_2122] {strides = array<i32>} : memref<256x128xf32, #tpu.memory_space<vmem>>, vector<16xf32>,
      tpu.vector_store %arg9[%swap3A_2121, %swap3A_2122], %gather3A_2083 {strides = array<i32>} : memref<256x128xf32, #tpu.memory_space<vmem>>, vector<16xf32>,
      %add3A_2124 = arith.constant 96 : i32
      %add3A_2125 = arith.addi %multiple_of3A_336, %add3A_2124 : i32
      %get3A_2126 = arith.index_cast %add3A_2125 : i32 to index
      %get3A_2127 = tpu.vector_load %arg5[%get3A_2126] {strides = array<i32>} : memref<1024xi32, #tpu.memory_space<vmem>>, vector<16xi32>,
      %shift_right_arithmetic3A_2128 = arith.constant 7 : i32
      %shift_right_arithmetic3A_2129 = vector.broadcast %shift_right_arithmetic3A_2128 : i32 to vector<16xi32>
      %shift_right_arithmetic3A_2130 = arith.shrsi %get3A_2127, %shift_right_arithmetic3A_2129 : vector<16xi32>
      %and3A_2131 = arith.constant 127 : i32
      %and3A_2132 = vector.broadcast %and3A_2131 : i32 to vector<16xi32>
      %and3A_2133 = arith.andi %get3A_2127, %and3A_2132 : vector<16xi32>
      %add3A_2134 = arith.constant 0 : i32
      %add3A_2135 = vector.broadcast %add3A_2134 : i32 to vector<16xi32>
      %add3A_2136 = arith.addi %shift_right_arithmetic3A_2130, %add3A_2135 : vector<16xi32>
      %gather3A_2137 = tpu.vector_load_idx %arg8[%add3A_2136, %and3A_2133] : memref<256x128xf32, #tpu.memory_space<vmem>>[vector<16xi32>, vector<16xi32>], vector<16xf32>,
      %add3A_2138 = arith.constant 8 : i32
      %add3A_2139 = vector.broadcast %add3A_2138 : i32 to vector<16xi32>
      %add3A_2140 = arith.addi %shift_right_arithmetic3A_2130, %add3A_2139 : vector<16xi32>
      %gather3A_2141 = tpu.vector_load_idx %arg8[%add3A_2140, %and3A_2133] : memref<256x128xf32, #tpu.memory_space<vmem>>[vector<16xi32>, vector<16xi32>], vector<16xf32>,
      %add3A_2142 = arith.constant 16 : i32
      %add3A_2143 = vector.broadcast %add3A_2142 : i32 to vector<16xi32>
      %add3A_2144 = arith.addi %shift_right_arithmetic3A_2130, %add3A_2143 : vector<16xi32>
      %gather3A_2145 = tpu.vector_load_idx %arg8[%add3A_2144, %and3A_2133] : memref<256x128xf32, #tpu.memory_space<vmem>>[vector<16xi32>, vector<16xi32>], vector<16xf32>,
      %add3A_2146 = arith.constant 24 : i32
      %add3A_2147 = vector.broadcast %add3A_2146 : i32 to vector<16xi32>
      %add3A_2148 = arith.addi %shift_right_arithmetic3A_2130, %add3A_2147 : vector<16xi32>
      %gather3A_2149 = tpu.vector_load_idx %arg8[%add3A_2148, %and3A_2133] : memref<256x128xf32, #tpu.memory_space<vmem>>[vector<16xi32>, vector<16xi32>], vector<16xf32>,
      %add3A_2150 = arith.constant 32 : i32
      %add3A_2151 = vector.broadcast %add3A_2150 : i32 to vector<16xi32>
      %add3A_2152 = arith.addi %shift_right_arithmetic3A_2130, %add3A_2151 : vector<16xi32>
      %gather3A_2153 = tpu.vector_load_idx %arg8[%add3A_2152, %and3A_2133] : memref<256x128xf32, #tpu.memory_space<vmem>>[vector<16xi32>, vector<16xi32>], vector<16xf32>,
      %add3A_2154 = arith.constant 40 : i32
      %add3A_2155 = vector.broadcast %add3A_2154 : i32 to vector<16xi32>
      %add3A_2156 = arith.addi %shift_right_arithmetic3A_2130, %add3A_2155 : vector<16xi32>
      %gather3A_2157 = tpu.vector_load_idx %arg8[%add3A_2156, %and3A_2133] : memref<256x128xf32, #tpu.memory_space<vmem>>[vector<16xi32>, vector<16xi32>], vector<16xf32>,
      %add3A_2158 = arith.constant 48 : i32
      %add3A_2159 = vector.broadcast %add3A_2158 : i32 to vector<16xi32>
      %add3A_2160 = arith.addi %shift_right_arithmetic3A_2130, %add3A_2159 : vector<16xi32>
      %gather3A_2161 = tpu.vector_load_idx %arg8[%add3A_2160, %and3A_2133] : memref<256x128xf32, #tpu.memory_space<vmem>>[vector<16xi32>, vector<16xi32>], vector<16xf32>,
      %add3A_2162 = arith.constant 56 : i32
      %add3A_2163 = vector.broadcast %add3A_2162 : i32 to vector<16xi32>
      %add3A_2164 = arith.addi %shift_right_arithmetic3A_2130, %add3A_2163 : vector<16xi32>
      %gather3A_2165 = tpu.vector_load_idx %arg8[%add3A_2164, %and3A_2133] : memref<256x128xf32, #tpu.memory_space<vmem>>[vector<16xi32>, vector<16xi32>], vector<16xf32>,
      %add3A_2166 = arith.constant 0 : i32
      %add3A_2167 = arith.addi %add3A_2166, %scan3A_332 : i32
      %swap3A_2168 = arith.index_cast %add3A_2167 : i32 to index
      %swap3A_2169 = arith.constant 96 : index
      %swap3A_2170 = tpu.vector_load %arg9[%swap3A_2168, %swap3A_2169] {strides = array<i32>} : memref<256x128xf32, #tpu.memory_space<vmem>>, vector<16xf32>,
      tpu.vector_store %arg9[%swap3A_2168, %swap3A_2169], %gather3A_2137 {strides = array<i32>} : memref<256x128xf32, #tpu.memory_space<vmem>>, vector<16xf32>,
      %add3A_2171 = arith.constant 8 : i32
      %add3A_2172 = arith.addi %add3A_2171, %scan3A_332 : i32
      %swap3A_2173 = arith.index_cast %add3A_2172 : i32 to index
      %swap3A_2174 = arith.constant 96 : index
      %swap3A_2175 = tpu.vector_load %arg9[%swap3A_2173, %swap3A_2174] {strides = array<i32>} : memref<256x128xf32, #tpu.memory_space<vmem>>, vector<16xf32>,
      tpu.vector_store %arg9[%swap3A_2173, %swap3A_2174], %gather3A_2141 {strides = array<i32>} : memref<256x128xf32, #tpu.memory_space<vmem>>, vector<16xf32>,
      %add3A_2176 = arith.constant 16 : i32
      %add3A_2177 = arith.addi %add3A_2176, %scan3A_332 : i32
      %swap3A_2178 = arith.index_cast %add3A_2177 : i32 to index
      %swap3A_2179 = arith.constant 96 : index
      %swap3A_2180 = tpu.vector_load %arg9[%swap3A_2178, %swap3A_2179] {strides = array<i32>} : memref<256x128xf32, #tpu.memory_space<vmem>>, vector<16xf32>,
      tpu.vector_store %arg9[%swap3A_2178, %swap3A_2179], %gather3A_2145 {strides = array<i32>} : memref<256x128xf32, #tpu.memory_space<vmem>>, vector<16xf32>,
      %add3A_2181 = arith.constant 24 : i32
      %add3A_2182 = arith.addi %add3A_2181, %scan3A_332 : i32
      %swap3A_2183 = arith.index_cast %add3A_2182 : i32 to index
      %swap3A_2184 = arith.constant 96 : index
      %swap3A_2185 = tpu.vector_load %arg9[%swap3A_2183, %swap3A_2184] {strides = array<i32>} : memref<256x128xf32, #tpu.memory_space<vmem>>, vector<16xf32>,
      tpu.vector_store %arg9[%swap3A_2183, %swap3A_2184], %gather3A_2149 {strides = array<i32>} : memref<256x128xf32, #tpu.memory_space<vmem>>, vector<16xf32>,
      %add3A_2186 = arith.constant 32 : i32
      %add3A_2187 = arith.addi %add3A_2186, %scan3A_332 : i32
      %swap3A_2188 = arith.index_cast %add3A_2187 : i32 to index
      %swap3A_2189 = arith.constant 96 : index
      %swap3A_2190 = tpu.vector_load %arg9[%swap3A_2188, %swap3A_2189] {strides = array<i32>} : memref<256x128xf32, #tpu.memory_space<vmem>>, vector<16xf32>,
      tpu.vector_store %arg9[%swap3A_2188, %swap3A_2189], %gather3A_2153 {strides = array<i32>} : memref<256x128xf32, #tpu.memory_space<vmem>>, vector<16xf32>,
      %add3A_2191 = arith.constant 40 : i32
      %add3A_2192 = arith.addi %add3A_2191, %scan3A_332 : i32
      %swap3A_2193 = arith.index_cast %add3A_2192 : i32 to index
      %swap3A_2194 = arith.constant 96 : index
      %swap3A_2195 = tpu.vector_load %arg9[%swap3A_2193, %swap3A_2194] {strides = array<i32>} : memref<256x128xf32, #tpu.memory_space<vmem>>, vector<16xf32>,
      tpu.vector_store %arg9[%swap3A_2193, %swap3A_2194], %gather3A_2157 {strides = array<i32>} : memref<256x128xf32, #tpu.memory_space<vmem>>, vector<16xf32>,
      %add3A_2196 = arith.constant 48 : i32
      %add3A_2197 = arith.addi %add3A_2196, %scan3A_332 : i32
      %swap3A_2198 = arith.index_cast %add3A_2197 : i32 to index
      %swap3A_2199 = arith.constant 96 : index
      %swap3A_2200 = tpu.vector_load %arg9[%swap3A_2198, %swap3A_2199] {strides = array<i32>} : memref<256x128xf32, #tpu.memory_space<vmem>>, vector<16xf32>,
      tpu.vector_store %arg9[%swap3A_2198, %swap3A_2199], %gather3A_2161 {strides = array<i32>} : memref<256x128xf32, #tpu.memory_space<vmem>>, vector<16xf32>,
      %add3A_2201 = arith.constant 56 : i32
      %add3A_2202 = arith.addi %add3A_2201, %scan3A_332 : i32
      %swap3A_2203 = arith.index_cast %add3A_2202 : i32 to index
      %swap3A_2204 = arith.constant 96 : index
      %swap3A_2205 = tpu.vector_load %arg9[%swap3A_2203, %swap3A_2204] {strides = array<i32>} : memref<256x128xf32, #tpu.memory_space<vmem>>, vector<16xf32>,
      tpu.vector_store %arg9[%swap3A_2203, %swap3A_2204], %gather3A_2165 {strides = array<i32>} : memref<256x128xf32, #tpu.memory_space<vmem>>, vector<16xf32>,
      %add3A_2206 = arith.constant 64 : i32
      %add3A_2207 = vector.broadcast %add3A_2206 : i32 to vector<16xi32>
      %add3A_2208 = arith.addi %shift_right_arithmetic3A_2130, %add3A_2207 : vector<16xi32>
      %gather3A_2209 = tpu.vector_load_idx %arg8[%add3A_2208, %and3A_2133] : memref<256x128xf32, #tpu.memory_space<vmem>>[vector<16xi32>, vector<16xi32>], vector<16xf32>,
      %add3A_2210 = arith.constant 72 : i32
      %add3A_2211 = vector.broadcast %add3A_2210 : i32 to vector<16xi32>
      %add3A_2212 = arith.addi %shift_right_arithmetic3A_2130, %add3A_2211 : vector<16xi32>
      %gather3A_2213 = tpu.vector_load_idx %arg8[%add3A_2212, %and3A_2133] : memref<256x128xf32, #tpu.memory_space<vmem>>[vector<16xi32>, vector<16xi32>], vector<16xf32>,
      %add3A_2214 = arith.constant 80 : i32
      %add3A_2215 = vector.broadcast %add3A_2214 : i32 to vector<16xi32>
      %add3A_2216 = arith.addi %shift_right_arithmetic3A_2130, %add3A_2215 : vector<16xi32>
      %gather3A_2217 = tpu.vector_load_idx %arg8[%add3A_2216, %and3A_2133] : memref<256x128xf32, #tpu.memory_space<vmem>>[vector<16xi32>, vector<16xi32>], vector<16xf32>,
      %add3A_2218 = arith.constant 88 : i32
      %add3A_2219 = vector.broadcast %add3A_2218 : i32 to vector<16xi32>
      %add3A_2220 = arith.addi %shift_right_arithmetic3A_2130, %add3A_2219 : vector<16xi32>
      %gather3A_2221 = tpu.vector_load_idx %arg8[%add3A_2220, %and3A_2133] : memref<256x128xf32, #tpu.memory_space<vmem>>[vector<16xi32>, vector<16xi32>], vector<16xf32>,
      %add3A_2222 = arith.constant 96 : i32
      %add3A_2223 = vector.broadcast %add3A_2222 : i32 to vector<16xi32>
      %add3A_2224 = arith.addi %shift_right_arithmetic3A_2130, %add3A_2223 : vector<16xi32>
      %gather3A_2225 = tpu.vector_load_idx %arg8[%add3A_2224, %and3A_2133] : memref<256x128xf32, #tpu.memory_space<vmem>>[vector<16xi32>, vector<16xi32>], vector<16xf32>,
      %add3A_2226 = arith.constant 104 : i32
      %add3A_2227 = vector.broadcast %add3A_2226 : i32 to vector<16xi32>
      %add3A_2228 = arith.addi %shift_right_arithmetic3A_2130, %add3A_2227 : vector<16xi32>
      %gather3A_2229 = tpu.vector_load_idx %arg8[%add3A_2228, %and3A_2133] : memref<256x128xf32, #tpu.memory_space<vmem>>[vector<16xi32>, vector<16xi32>], vector<16xf32>,
      %add3A_2230 = arith.constant 112 : i32
      %add3A_2231 = vector.broadcast %add3A_2230 : i32 to vector<16xi32>
      %add3A_2232 = arith.addi %shift_right_arithmetic3A_2130, %add3A_2231 : vector<16xi32>
      %gather3A_2233 = tpu.vector_load_idx %arg8[%add3A_2232, %and3A_2133] : memref<256x128xf32, #tpu.memory_space<vmem>>[vector<16xi32>, vector<16xi32>], vector<16xf32>,
      %add3A_2234 = arith.constant 120 : i32
      %add3A_2235 = vector.broadcast %add3A_2234 : i32 to vector<16xi32>
      %add3A_2236 = arith.addi %shift_right_arithmetic3A_2130, %add3A_2235 : vector<16xi32>
      %gather3A_2237 = tpu.vector_load_idx %arg8[%add3A_2236, %and3A_2133] : memref<256x128xf32, #tpu.memory_space<vmem>>[vector<16xi32>, vector<16xi32>], vector<16xf32>,
      %add3A_2238 = arith.constant 64 : i32
      %add3A_2239 = arith.addi %add3A_2238, %scan3A_332 : i32
      %swap3A_2240 = arith.index_cast %add3A_2239 : i32 to index
      %swap3A_2241 = arith.constant 96 : index
      %swap3A_2242 = tpu.vector_load %arg9[%swap3A_2240, %swap3A_2241] {strides = array<i32>} : memref<256x128xf32, #tpu.memory_space<vmem>>, vector<16xf32>,
      tpu.vector_store %arg9[%swap3A_2240, %swap3A_2241], %gather3A_2209 {strides = array<i32>} : memref<256x128xf32, #tpu.memory_space<vmem>>, vector<16xf32>,
      %add3A_2243 = arith.constant 72 : i32
      %add3A_2244 = arith.addi %add3A_2243, %scan3A_332 : i32
      %swap3A_2245 = arith.index_cast %add3A_2244 : i32 to index
      %swap3A_2246 = arith.constant 96 : index
      %swap3A_2247 = tpu.vector_load %arg9[%swap3A_2245, %swap3A_2246] {strides = array<i32>} : memref<256x128xf32, #tpu.memory_space<vmem>>, vector<16xf32>,
      tpu.vector_store %arg9[%swap3A_2245, %swap3A_2246], %gather3A_2213 {strides = array<i32>} : memref<256x128xf32, #tpu.memory_space<vmem>>, vector<16xf32>,
      %add3A_2248 = arith.constant 80 : i32
      %add3A_2249 = arith.addi %add3A_2248, %scan3A_332 : i32
      %swap3A_2250 = arith.index_cast %add3A_2249 : i32 to index
      %swap3A_2251 = arith.constant 96 : index
      %swap3A_2252 = tpu.vector_load %arg9[%swap3A_2250, %swap3A_2251] {strides = array<i32>} : memref<256x128xf32, #tpu.memory_space<vmem>>, vector<16xf32>,
      tpu.vector_store %arg9[%swap3A_2250, %swap3A_2251], %gather3A_2217 {strides = array<i32>} : memref<256x128xf32, #tpu.memory_space<vmem>>, vector<16xf32>,
      %add3A_2253 = arith.constant 88 : i32
      %add3A_2254 = arith.addi %add3A_2253, %scan3A_332 : i32
      %swap3A_2255 = arith.index_cast %add3A_2254 : i32 to index
      %swap3A_2256 = arith.constant 96 : index
      %swap3A_2257 = tpu.vector_load %arg9[%swap3A_2255, %swap3A_2256] {strides = array<i32>} : memref<256x128xf32, #tpu.memory_space<vmem>>, vector<16xf32>,
      tpu.vector_store %arg9[%swap3A_2255, %swap3A_2256], %gather3A_2221 {strides = array<i32>} : memref<256x128xf32, #tpu.memory_space<vmem>>, vector<16xf32>,
      %add3A_2258 = arith.constant 96 : i32
      %add3A_2259 = arith.addi %add3A_2258, %scan3A_332 : i32
      %swap3A_2260 = arith.index_cast %add3A_2259 : i32 to index
      %swap3A_2261 = arith.constant 96 : index
      %swap3A_2262 = tpu.vector_load %arg9[%swap3A_2260, %swap3A_2261] {strides = array<i32>} : memref<256x128xf32, #tpu.memory_space<vmem>>, vector<16xf32>,
      tpu.vector_store %arg9[%swap3A_2260, %swap3A_2261], %gather3A_2225 {strides = array<i32>} : memref<256x128xf32, #tpu.memory_space<vmem>>, vector<16xf32>,
      %add3A_2263 = arith.constant 104 : i32
      %add3A_2264 = arith.addi %add3A_2263, %scan3A_332 : i32
      %swap3A_2265 = arith.index_cast %add3A_2264 : i32 to index
      %swap3A_2266 = arith.constant 96 : index
      %swap3A_2267 = tpu.vector_load %arg9[%swap3A_2265, %swap3A_2266] {strides = array<i32>} : memref<256x128xf32, #tpu.memory_space<vmem>>, vector<16xf32>,
      tpu.vector_store %arg9[%swap3A_2265, %swap3A_2266], %gather3A_2229 {strides = array<i32>} : memref<256x128xf32, #tpu.memory_space<vmem>>, vector<16xf32>,
      %add3A_2268 = arith.constant 112 : i32
      %add3A_2269 = arith.addi %add3A_2268, %scan3A_332 : i32
      %swap3A_2270 = arith.index_cast %add3A_2269 : i32 to index
      %swap3A_2271 = arith.constant 96 : index
      %swap3A_2272 = tpu.vector_load %arg9[%swap3A_2270, %swap3A_2271] {strides = array<i32>} : memref<256x128xf32, #tpu.memory_space<vmem>>, vector<16xf32>,
      tpu.vector_store %arg9[%swap3A_2270, %swap3A_2271], %gather3A_2233 {strides = array<i32>} : memref<256x128xf32, #tpu.memory_space<vmem>>, vector<16xf32>,
      %add3A_2273 = arith.constant 120 : i32
      %add3A_2274 = arith.addi %add3A_2273, %scan3A_332 : i32
      %swap3A_2275 = arith.index_cast %add3A_2274 : i32 to index
      %swap3A_2276 = arith.constant 96 : index
      %swap3A_2277 = tpu.vector_load %arg9[%swap3A_2275, %swap3A_2276] {strides = array<i32>} : memref<256x128xf32, #tpu.memory_space<vmem>>, vector<16xf32>,
      tpu.vector_store %arg9[%swap3A_2275, %swap3A_2276], %gather3A_2237 {strides = array<i32>} : memref<256x128xf32, #tpu.memory_space<vmem>>, vector<16xf32>,
      %add3A_2278 = arith.constant 128 : i32
      %add3A_2279 = vector.broadcast %add3A_2278 : i32 to vector<16xi32>
      %add3A_2280 = arith.addi %shift_right_arithmetic3A_2130, %add3A_2279 : vector<16xi32>
      %gather3A_2281 = tpu.vector_load_idx %arg8[%add3A_2280, %and3A_2133] : memref<256x128xf32, #tpu.memory_space<vmem>>[vector<16xi32>, vector<16xi32>], vector<16xf32>,
      %add3A_2282 = arith.constant 136 : i32
      %add3A_2283 = vector.broadcast %add3A_2282 : i32 to vector<16xi32>
      %add3A_2284 = arith.addi %shift_right_arithmetic3A_2130, %add3A_2283 : vector<16xi32>
      %gather3A_2285 = tpu.vector_load_idx %arg8[%add3A_2284, %and3A_2133] : memref<256x128xf32, #tpu.memory_space<vmem>>[vector<16xi32>, vector<16xi32>], vector<16xf32>,
      %add3A_2286 = arith.constant 144 : i32
      %add3A_2287 = vector.broadcast %add3A_2286 : i32 to vector<16xi32>
      %add3A_2288 = arith.addi %shift_right_arithmetic3A_2130, %add3A_2287 : vector<16xi32>
      %gather3A_2289 = tpu.vector_load_idx %arg8[%add3A_2288, %and3A_2133] : memref<256x128xf32, #tpu.memory_space<vmem>>[vector<16xi32>, vector<16xi32>], vector<16xf32>,
      %add3A_2290 = arith.constant 152 : i32
      %add3A_2291 = vector.broadcast %add3A_2290 : i32 to vector<16xi32>
      %add3A_2292 = arith.addi %shift_right_arithmetic3A_2130, %add3A_2291 : vector<16xi32>
      %gather3A_2293 = tpu.vector_load_idx %arg8[%add3A_2292, %and3A_2133] : memref<256x128xf32, #tpu.memory_space<vmem>>[vector<16xi32>, vector<16xi32>], vector<16xf32>,
      %add3A_2294 = arith.constant 160 : i32
      %add3A_2295 = vector.broadcast %add3A_2294 : i32 to vector<16xi32>
      %add3A_2296 = arith.addi %shift_right_arithmetic3A_2130, %add3A_2295 : vector<16xi32>
      %gather3A_2297 = tpu.vector_load_idx %arg8[%add3A_2296, %and3A_2133] : memref<256x128xf32, #tpu.memory_space<vmem>>[vector<16xi32>, vector<16xi32>], vector<16xf32>,
      %add3A_2298 = arith.constant 168 : i32
      %add3A_2299 = vector.broadcast %add3A_2298 : i32 to vector<16xi32>
      %add3A_2300 = arith.addi %shift_right_arithmetic3A_2130, %add3A_2299 : vector<16xi32>
      %gather3A_2301 = tpu.vector_load_idx %arg8[%add3A_2300, %and3A_2133] : memref<256x128xf32, #tpu.memory_space<vmem>>[vector<16xi32>, vector<16xi32>], vector<16xf32>,
      %add3A_2302 = arith.constant 176 : i32
      %add3A_2303 = vector.broadcast %add3A_2302 : i32 to vector<16xi32>
      %add3A_2304 = arith.addi %shift_right_arithmetic3A_2130, %add3A_2303 : vector<16xi32>
      %gather3A_2305 = tpu.vector_load_idx %arg8[%add3A_2304, %and3A_2133] : memref<256x128xf32, #tpu.memory_space<vmem>>[vector<16xi32>, vector<16xi32>], vector<16xf32>,
      %add3A_2306 = arith.constant 184 : i32
      %add3A_2307 = vector.broadcast %add3A_2306 : i32 to vector<16xi32>
      %add3A_2308 = arith.addi %shift_right_arithmetic3A_2130, %add3A_2307 : vector<16xi32>
      %gather3A_2309 = tpu.vector_load_idx %arg8[%add3A_2308, %and3A_2133] : memref<256x128xf32, #tpu.memory_space<vmem>>[vector<16xi32>, vector<16xi32>], vector<16xf32>,
      %add3A_2310 = arith.constant 128 : i32
      %add3A_2311 = arith.addi %add3A_2310, %scan3A_332 : i32
      %swap3A_2312 = arith.index_cast %add3A_2311 : i32 to index
      %swap3A_2313 = arith.constant 96 : index
      %swap3A_2314 = tpu.vector_load %arg9[%swap3A_2312, %swap3A_2313] {strides = array<i32>} : memref<256x128xf32, #tpu.memory_space<vmem>>, vector<16xf32>,
      tpu.vector_store %arg9[%swap3A_2312, %swap3A_2313], %gather3A_2281 {strides = array<i32>} : memref<256x128xf32, #tpu.memory_space<vmem>>, vector<16xf32>,
      %add3A_2315 = arith.constant 136 : i32
      %add3A_2316 = arith.addi %add3A_2315, %scan3A_332 : i32
      %swap3A_2317 = arith.index_cast %add3A_2316 : i32 to index
      %swap3A_2318 = arith.constant 96 : index
      %swap3A_2319 = tpu.vector_load %arg9[%swap3A_2317, %swap3A_2318] {strides = array<i32>} : memref<256x128xf32, #tpu.memory_space<vmem>>, vector<16xf32>,
      tpu.vector_store %arg9[%swap3A_2317, %swap3A_2318], %gather3A_2285 {strides = array<i32>} : memref<256x128xf32, #tpu.memory_space<vmem>>, vector<16xf32>,
      %add3A_2320 = arith.constant 144 : i32
      %add3A_2321 = arith.addi %add3A_2320, %scan3A_332 : i32
      %swap3A_2322 = arith.index_cast %add3A_2321 : i32 to index
      %swap3A_2323 = arith.constant 96 : index
      %swap3A_2324 = tpu.vector_load %arg9[%swap3A_2322, %swap3A_2323] {strides = array<i32>} : memref<256x128xf32, #tpu.memory_space<vmem>>, vector<16xf32>,
      tpu.vector_store %arg9[%swap3A_2322, %swap3A_2323], %gather3A_2289 {strides = array<i32>} : memref<256x128xf32, #tpu.memory_space<vmem>>, vector<16xf32>,
      %add3A_2325 = arith.constant 152 : i32
      %add3A_2326 = arith.addi %add3A_2325, %scan3A_332 : i32
      %swap3A_2327 = arith.index_cast %add3A_2326 : i32 to index
      %swap3A_2328 = arith.constant 96 : index
      %swap3A_2329 = tpu.vector_load %arg9[%swap3A_2327, %swap3A_2328] {strides = array<i32>} : memref<256x128xf32, #tpu.memory_space<vmem>>, vector<16xf32>,
      tpu.vector_store %arg9[%swap3A_2327, %swap3A_2328], %gather3A_2293 {strides = array<i32>} : memref<256x128xf32, #tpu.memory_space<vmem>>, vector<16xf32>,
      %add3A_2330 = arith.constant 160 : i32
      %add3A_2331 = arith.addi %add3A_2330, %scan3A_332 : i32
      %swap3A_2332 = arith.index_cast %add3A_2331 : i32 to index
      %swap3A_2333 = arith.constant 96 : index
      %swap3A_2334 = tpu.vector_load %arg9[%swap3A_2332, %swap3A_2333] {strides = array<i32>} : memref<256x128xf32, #tpu.memory_space<vmem>>, vector<16xf32>,
      tpu.vector_store %arg9[%swap3A_2332, %swap3A_2333], %gather3A_2297 {strides = array<i32>} : memref<256x128xf32, #tpu.memory_space<vmem>>, vector<16xf32>,
      %add3A_2335 = arith.constant 168 : i32
      %add3A_2336 = arith.addi %add3A_2335, %scan3A_332 : i32
      %swap3A_2337 = arith.index_cast %add3A_2336 : i32 to index
      %swap3A_2338 = arith.constant 96 : index
      %swap3A_2339 = tpu.vector_load %arg9[%swap3A_2337, %swap3A_2338] {strides = array<i32>} : memref<256x128xf32, #tpu.memory_space<vmem>>, vector<16xf32>,
      tpu.vector_store %arg9[%swap3A_2337, %swap3A_2338], %gather3A_2301 {strides = array<i32>} : memref<256x128xf32, #tpu.memory_space<vmem>>, vector<16xf32>,
      %add3A_2340 = arith.constant 176 : i32
      %add3A_2341 = arith.addi %add3A_2340, %scan3A_332 : i32
      %swap3A_2342 = arith.index_cast %add3A_2341 : i32 to index
      %swap3A_2343 = arith.constant 96 : index
      %swap3A_2344 = tpu.vector_load %arg9[%swap3A_2342, %swap3A_2343] {strides = array<i32>} : memref<256x128xf32, #tpu.memory_space<vmem>>, vector<16xf32>,
      tpu.vector_store %arg9[%swap3A_2342, %swap3A_2343], %gather3A_2305 {strides = array<i32>} : memref<256x128xf32, #tpu.memory_space<vmem>>, vector<16xf32>,
      %add3A_2345 = arith.constant 184 : i32
      %add3A_2346 = arith.addi %add3A_2345, %scan3A_332 : i32
      %swap3A_2347 = arith.index_cast %add3A_2346 : i32 to index
      %swap3A_2348 = arith.constant 96 : index
      %swap3A_2349 = tpu.vector_load %arg9[%swap3A_2347, %swap3A_2348] {strides = array<i32>} : memref<256x128xf32, #tpu.memory_space<vmem>>, vector<16xf32>,
      tpu.vector_store %arg9[%swap3A_2347, %swap3A_2348], %gather3A_2309 {strides = array<i32>} : memref<256x128xf32, #tpu.memory_space<vmem>>, vector<16xf32>,
      %add3A_2350 = arith.constant 192 : i32
      %add3A_2351 = vector.broadcast %add3A_2350 : i32 to vector<16xi32>
      %add3A_2352 = arith.addi %shift_right_arithmetic3A_2130, %add3A_2351 : vector<16xi32>
      %gather3A_2353 = tpu.vector_load_idx %arg8[%add3A_2352, %and3A_2133] : memref<256x128xf32, #tpu.memory_space<vmem>>[vector<16xi32>, vector<16xi32>], vector<16xf32>,
      %add3A_2354 = arith.constant 200 : i32
      %add3A_2355 = vector.broadcast %add3A_2354 : i32 to vector<16xi32>
      %add3A_2356 = arith.addi %shift_right_arithmetic3A_2130, %add3A_2355 : vector<16xi32>
      %gather3A_2357 = tpu.vector_load_idx %arg8[%add3A_2356, %and3A_2133] : memref<256x128xf32, #tpu.memory_space<vmem>>[vector<16xi32>, vector<16xi32>], vector<16xf32>,
      %add3A_2358 = arith.constant 208 : i32
      %add3A_2359 = vector.broadcast %add3A_2358 : i32 to vector<16xi32>
      %add3A_2360 = arith.addi %shift_right_arithmetic3A_2130, %add3A_2359 : vector<16xi32>
      %gather3A_2361 = tpu.vector_load_idx %arg8[%add3A_2360, %and3A_2133] : memref<256x128xf32, #tpu.memory_space<vmem>>[vector<16xi32>, vector<16xi32>], vector<16xf32>,
      %add3A_2362 = arith.constant 216 : i32
      %add3A_2363 = vector.broadcast %add3A_2362 : i32 to vector<16xi32>
      %add3A_2364 = arith.addi %shift_right_arithmetic3A_2130, %add3A_2363 : vector<16xi32>
      %gather3A_2365 = tpu.vector_load_idx %arg8[%add3A_2364, %and3A_2133] : memref<256x128xf32, #tpu.memory_space<vmem>>[vector<16xi32>, vector<16xi32>], vector<16xf32>,
      %add3A_2366 = arith.constant 224 : i32
      %add3A_2367 = vector.broadcast %add3A_2366 : i32 to vector<16xi32>
      %add3A_2368 = arith.addi %shift_right_arithmetic3A_2130, %add3A_2367 : vector<16xi32>
      %gather3A_2369 = tpu.vector_load_idx %arg8[%add3A_2368, %and3A_2133] : memref<256x128xf32, #tpu.memory_space<vmem>>[vector<16xi32>, vector<16xi32>], vector<16xf32>,
      %add3A_2370 = arith.constant 232 : i32
      %add3A_2371 = vector.broadcast %add3A_2370 : i32 to vector<16xi32>
      %add3A_2372 = arith.addi %shift_right_arithmetic3A_2130, %add3A_2371 : vector<16xi32>
      %gather3A_2373 = tpu.vector_load_idx %arg8[%add3A_2372, %and3A_2133] : memref<256x128xf32, #tpu.memory_space<vmem>>[vector<16xi32>, vector<16xi32>], vector<16xf32>,
      %add3A_2374 = arith.constant 240 : i32
      %add3A_2375 = vector.broadcast %add3A_2374 : i32 to vector<16xi32>
      %add3A_2376 = arith.addi %shift_right_arithmetic3A_2130, %add3A_2375 : vector<16xi32>
      %gather3A_2377 = tpu.vector_load_idx %arg8[%add3A_2376, %and3A_2133] : memref<256x128xf32, #tpu.memory_space<vmem>>[vector<16xi32>, vector<16xi32>], vector<16xf32>,
      %add3A_2378 = arith.constant 248 : i32
      %add3A_2379 = vector.broadcast %add3A_2378 : i32 to vector<16xi32>
      %add3A_2380 = arith.addi %shift_right_arithmetic3A_2130, %add3A_2379 : vector<16xi32>
      %gather3A_2381 = tpu.vector_load_idx %arg8[%add3A_2380, %and3A_2133] : memref<256x128xf32, #tpu.memory_space<vmem>>[vector<16xi32>, vector<16xi32>], vector<16xf32>,
      %add3A_2382 = arith.constant 192 : i32
      %add3A_2383 = arith.addi %add3A_2382, %scan3A_332 : i32
      %swap3A_2384 = arith.index_cast %add3A_2383 : i32 to index
      %swap3A_2385 = arith.constant 96 : index
      %swap3A_2386 = tpu.vector_load %arg9[%swap3A_2384, %swap3A_2385] {strides = array<i32>} : memref<256x128xf32, #tpu.memory_space<vmem>>, vector<16xf32>,
      tpu.vector_store %arg9[%swap3A_2384, %swap3A_2385], %gather3A_2353 {strides = array<i32>} : memref<256x128xf32, #tpu.memory_space<vmem>>, vector<16xf32>,
      %add3A_2387 = arith.constant 200 : i32
      %add3A_2388 = arith.addi %add3A_2387, %scan3A_332 : i32
      %swap3A_2389 = arith.index_cast %add3A_2388 : i32 to index
      %swap3A_2390 = arith.constant 96 : index
      %swap3A_2391 = tpu.vector_load %arg9[%swap3A_2389, %swap3A_2390] {strides = array<i32>} : memref<256x128xf32, #tpu.memory_space<vmem>>, vector<16xf32>,
      tpu.vector_store %arg9[%swap3A_2389, %swap3A_2390], %gather3A_2357 {strides = array<i32>} : memref<256x128xf32, #tpu.memory_space<vmem>>, vector<16xf32>,
      %add3A_2392 = arith.constant 208 : i32
      %add3A_2393 = arith.addi %add3A_2392, %scan3A_332 : i32
      %swap3A_2394 = arith.index_cast %add3A_2393 : i32 to index
      %swap3A_2395 = arith.constant 96 : index
      %swap3A_2396 = tpu.vector_load %arg9[%swap3A_2394, %swap3A_2395] {strides = array<i32>} : memref<256x128xf32, #tpu.memory_space<vmem>>, vector<16xf32>,
      tpu.vector_store %arg9[%swap3A_2394, %swap3A_2395], %gather3A_2361 {strides = array<i32>} : memref<256x128xf32, #tpu.memory_space<vmem>>, vector<16xf32>,
      %add3A_2397 = arith.constant 216 : i32
      %add3A_2398 = arith.addi %add3A_2397, %scan3A_332 : i32
      %swap3A_2399 = arith.index_cast %add3A_2398 : i32 to index
      %swap3A_2400 = arith.constant 96 : index
      %swap3A_2401 = tpu.vector_load %arg9[%swap3A_2399, %swap3A_2400] {strides = array<i32>} : memref<256x128xf32, #tpu.memory_space<vmem>>, vector<16xf32>,
      tpu.vector_store %arg9[%swap3A_2399, %swap3A_2400], %gather3A_2365 {strides = array<i32>} : memref<256x128xf32, #tpu.memory_space<vmem>>, vector<16xf32>,
      %add3A_2402 = arith.constant 224 : i32
      %add3A_2403 = arith.addi %add3A_2402, %scan3A_332 : i32
      %swap3A_2404 = arith.index_cast %add3A_2403 : i32 to index
      %swap3A_2405 = arith.constant 96 : index
      %swap3A_2406 = tpu.vector_load %arg9[%swap3A_2404, %swap3A_2405] {strides = array<i32>} : memref<256x128xf32, #tpu.memory_space<vmem>>, vector<16xf32>,
      tpu.vector_store %arg9[%swap3A_2404, %swap3A_2405], %gather3A_2369 {strides = array<i32>} : memref<256x128xf32, #tpu.memory_space<vmem>>, vector<16xf32>,
      %add3A_2407 = arith.constant 232 : i32
      %add3A_2408 = arith.addi %add3A_2407, %scan3A_332 : i32
      %swap3A_2409 = arith.index_cast %add3A_2408 : i32 to index
      %swap3A_2410 = arith.constant 96 : index
      %swap3A_2411 = tpu.vector_load %arg9[%swap3A_2409, %swap3A_2410] {strides = array<i32>} : memref<256x128xf32, #tpu.memory_space<vmem>>, vector<16xf32>,
      tpu.vector_store %arg9[%swap3A_2409, %swap3A_2410], %gather3A_2373 {strides = array<i32>} : memref<256x128xf32, #tpu.memory_space<vmem>>, vector<16xf32>,
      %add3A_2412 = arith.constant 240 : i32
      %add3A_2413 = arith.addi %add3A_2412, %scan3A_332 : i32
      %swap3A_2414 = arith.index_cast %add3A_2413 : i32 to index
      %swap3A_2415 = arith.constant 96 : index
      %swap3A_2416 = tpu.vector_load %arg9[%swap3A_2414, %swap3A_2415] {strides = array<i32>} : memref<256x128xf32, #tpu.memory_space<vmem>>, vector<16xf32>,
      tpu.vector_store %arg9[%swap3A_2414, %swap3A_2415], %gather3A_2377 {strides = array<i32>} : memref<256x128xf32, #tpu.memory_space<vmem>>, vector<16xf32>,
      %add3A_2417 = arith.constant 248 : i32
      %add3A_2418 = arith.addi %add3A_2417, %scan3A_332 : i32
      %swap3A_2419 = arith.index_cast %add3A_2418 : i32 to index
      %swap3A_2420 = arith.constant 96 : index
      %swap3A_2421 = tpu.vector_load %arg9[%swap3A_2419, %swap3A_2420] {strides = array<i32>} : memref<256x128xf32, #tpu.memory_space<vmem>>, vector<16xf32>,
      tpu.vector_store %arg9[%swap3A_2419, %swap3A_2420], %gather3A_2381 {strides = array<i32>} : memref<256x128xf32, #tpu.memory_space<vmem>>, vector<16xf32>,
      %add3A_2422 = arith.constant 112 : i32
      %add3A_2423 = arith.addi %multiple_of3A_336, %add3A_2422 : i32
      %get3A_2424 = arith.index_cast %add3A_2423 : i32 to index
      %get3A_2425 = tpu.vector_load %arg5[%get3A_2424] {strides = array<i32>} : memref<1024xi32, #tpu.memory_space<vmem>>, vector<16xi32>,
      %shift_right_arithmetic3A_2426 = arith.constant 7 : i32
      %shift_right_arithmetic3A_2427 = vector.broadcast %shift_right_arithmetic3A_2426 : i32 to vector<16xi32>
      %shift_right_arithmetic3A_2428 = arith.shrsi %get3A_2425, %shift_right_arithmetic3A_2427 : vector<16xi32>
      %and3A_2429 = arith.constant 127 : i32
      %and3A_2430 = vector.broadcast %and3A_2429 : i32 to vector<16xi32>
      %and3A_2431 = arith.andi %get3A_2425, %and3A_2430 : vector<16xi32>
      %add3A_2432 = arith.constant 0 : i32
      %add3A_2433 = vector.broadcast %add3A_2432 : i32 to vector<16xi32>
      %add3A_2434 = arith.addi %shift_right_arithmetic3A_2428, %add3A_2433 : vector<16xi32>
      %gather3A_2435 = tpu.vector_load_idx %arg8[%add3A_2434, %and3A_2431] : memref<256x128xf32, #tpu.memory_space<vmem>>[vector<16xi32>, vector<16xi32>], vector<16xf32>,
      %add3A_2436 = arith.constant 8 : i32
      %add3A_2437 = vector.broadcast %add3A_2436 : i32 to vector<16xi32>
      %add3A_2438 = arith.addi %shift_right_arithmetic3A_2428, %add3A_2437 : vector<16xi32>
      %gather3A_2439 = tpu.vector_load_idx %arg8[%add3A_2438, %and3A_2431] : memref<256x128xf32, #tpu.memory_space<vmem>>[vector<16xi32>, vector<16xi32>], vector<16xf32>,
      %add3A_2440 = arith.constant 16 : i32
      %add3A_2441 = vector.broadcast %add3A_2440 : i32 to vector<16xi32>
      %add3A_2442 = arith.addi %shift_right_arithmetic3A_2428, %add3A_2441 : vector<16xi32>
      %gather3A_2443 = tpu.vector_load_idx %arg8[%add3A_2442, %and3A_2431] : memref<256x128xf32, #tpu.memory_space<vmem>>[vector<16xi32>, vector<16xi32>], vector<16xf32>,
      %add3A_2444 = arith.constant 24 : i32
      %add3A_2445 = vector.broadcast %add3A_2444 : i32 to vector<16xi32>
      %add3A_2446 = arith.addi %shift_right_arithmetic3A_2428, %add3A_2445 : vector<16xi32>
      %gather3A_2447 = tpu.vector_load_idx %arg8[%add3A_2446, %and3A_2431] : memref<256x128xf32, #tpu.memory_space<vmem>>[vector<16xi32>, vector<16xi32>], vector<16xf32>,
      %add3A_2448 = arith.constant 32 : i32
      %add3A_2449 = vector.broadcast %add3A_2448 : i32 to vector<16xi32>
      %add3A_2450 = arith.addi %shift_right_arithmetic3A_2428, %add3A_2449 : vector<16xi32>
      %gather3A_2451 = tpu.vector_load_idx %arg8[%add3A_2450, %and3A_2431] : memref<256x128xf32, #tpu.memory_space<vmem>>[vector<16xi32>, vector<16xi32>], vector<16xf32>,
      %add3A_2452 = arith.constant 40 : i32
      %add3A_2453 = vector.broadcast %add3A_2452 : i32 to vector<16xi32>
      %add3A_2454 = arith.addi %shift_right_arithmetic3A_2428, %add3A_2453 : vector<16xi32>
      %gather3A_2455 = tpu.vector_load_idx %arg8[%add3A_2454, %and3A_2431] : memref<256x128xf32, #tpu.memory_space<vmem>>[vector<16xi32>, vector<16xi32>], vector<16xf32>,
      %add3A_2456 = arith.constant 48 : i32
      %add3A_2457 = vector.broadcast %add3A_2456 : i32 to vector<16xi32>
      %add3A_2458 = arith.addi %shift_right_arithmetic3A_2428, %add3A_2457 : vector<16xi32>
      %gather3A_2459 = tpu.vector_load_idx %arg8[%add3A_2458, %and3A_2431] : memref<256x128xf32, #tpu.memory_space<vmem>>[vector<16xi32>, vector<16xi32>], vector<16xf32>,
      %add3A_2460 = arith.constant 56 : i32
      %add3A_2461 = vector.broadcast %add3A_2460 : i32 to vector<16xi32>
      %add3A_2462 = arith.addi %shift_right_arithmetic3A_2428, %add3A_2461 : vector<16xi32>
      %gather3A_2463 = tpu.vector_load_idx %arg8[%add3A_2462, %and3A_2431] : memref<256x128xf32, #tpu.memory_space<vmem>>[vector<16xi32>, vector<16xi32>], vector<16xf32>,
      %add3A_2464 = arith.constant 0 : i32
      %add3A_2465 = arith.addi %add3A_2464, %scan3A_332 : i32
      %swap3A_2466 = arith.index_cast %add3A_2465 : i32 to index
      %swap3A_2467 = arith.constant 112 : index
      %swap3A_2468 = tpu.vector_load %arg9[%swap3A_2466, %swap3A_2467] {strides = array<i32>} : memref<256x128xf32, #tpu.memory_space<vmem>>, vector<16xf32>,
      tpu.vector_store %arg9[%swap3A_2466, %swap3A_2467], %gather3A_2435 {strides = array<i32>} : memref<256x128xf32, #tpu.memory_space<vmem>>, vector<16xf32>,
      %add3A_2469 = arith.constant 8 : i32
      %add3A_2470 = arith.addi %add3A_2469, %scan3A_332 : i32
      %swap3A_2471 = arith.index_cast %add3A_2470 : i32 to index
      %swap3A_2472 = arith.constant 112 : index
      %swap3A_2473 = tpu.vector_load %arg9[%swap3A_2471, %swap3A_2472] {strides = array<i32>} : memref<256x128xf32, #tpu.memory_space<vmem>>, vector<16xf32>,
      tpu.vector_store %arg9[%swap3A_2471, %swap3A_2472], %gather3A_2439 {strides = array<i32>} : memref<256x128xf32, #tpu.memory_space<vmem>>, vector<16xf32>,
      %add3A_2474 = arith.constant 16 : i32
      %add3A_2475 = arith.addi %add3A_2474, %scan3A_332 : i32
      %swap3A_2476 = arith.index_cast %add3A_2475 : i32 to index
      %swap3A_2477 = arith.constant 112 : index
      %swap3A_2478 = tpu.vector_load %arg9[%swap3A_2476, %swap3A_2477] {strides = array<i32>} : memref<256x128xf32, #tpu.memory_space<vmem>>, vector<16xf32>,
      tpu.vector_store %arg9[%swap3A_2476, %swap3A_2477], %gather3A_2443 {strides = array<i32>} : memref<256x128xf32, #tpu.memory_space<vmem>>, vector<16xf32>,
      %add3A_2479 = arith.constant 24 : i32
      %add3A_2480 = arith.addi %add3A_2479, %scan3A_332 : i32
      %swap3A_2481 = arith.index_cast %add3A_2480 : i32 to index
      %swap3A_2482 = arith.constant 112 : index
      %swap3A_2483 = tpu.vector_load %arg9[%swap3A_2481, %swap3A_2482] {strides = array<i32>} : memref<256x128xf32, #tpu.memory_space<vmem>>, vector<16xf32>,
      tpu.vector_store %arg9[%swap3A_2481, %swap3A_2482], %gather3A_2447 {strides = array<i32>} : memref<256x128xf32, #tpu.memory_space<vmem>>, vector<16xf32>,
      %add3A_2484 = arith.constant 32 : i32
      %add3A_2485 = arith.addi %add3A_2484, %scan3A_332 : i32
      %swap3A_2486 = arith.index_cast %add3A_2485 : i32 to index
      %swap3A_2487 = arith.constant 112 : index
      %swap3A_2488 = tpu.vector_load %arg9[%swap3A_2486, %swap3A_2487] {strides = array<i32>} : memref<256x128xf32, #tpu.memory_space<vmem>>, vector<16xf32>,
      tpu.vector_store %arg9[%swap3A_2486, %swap3A_2487], %gather3A_2451 {strides = array<i32>} : memref<256x128xf32, #tpu.memory_space<vmem>>, vector<16xf32>,
      %add3A_2489 = arith.constant 40 : i32
      %add3A_2490 = arith.addi %add3A_2489, %scan3A_332 : i32
      %swap3A_2491 = arith.index_cast %add3A_2490 : i32 to index
      %swap3A_2492 = arith.constant 112 : index
      %swap3A_2493 = tpu.vector_load %arg9[%swap3A_2491, %swap3A_2492] {strides = array<i32>} : memref<256x128xf32, #tpu.memory_space<vmem>>, vector<16xf32>,
      tpu.vector_store %arg9[%swap3A_2491, %swap3A_2492], %gather3A_2455 {strides = array<i32>} : memref<256x128xf32, #tpu.memory_space<vmem>>, vector<16xf32>,
      %add3A_2494 = arith.constant 48 : i32
      %add3A_2495 = arith.addi %add3A_2494, %scan3A_332 : i32
      %swap3A_2496 = arith.index_cast %add3A_2495 : i32 to index
      %swap3A_2497 = arith.constant 112 : index
      %swap3A_2498 = tpu.vector_load %arg9[%swap3A_2496, %swap3A_2497] {strides = array<i32>} : memref<256x128xf32, #tpu.memory_space<vmem>>, vector<16xf32>,
      tpu.vector_store %arg9[%swap3A_2496, %swap3A_2497], %gather3A_2459 {strides = array<i32>} : memref<256x128xf32, #tpu.memory_space<vmem>>, vector<16xf32>,
      %add3A_2499 = arith.constant 56 : i32
      %add3A_2500 = arith.addi %add3A_2499, %scan3A_332 : i32
      %swap3A_2501 = arith.index_cast %add3A_2500 : i32 to index
      %swap3A_2502 = arith.constant 112 : index
      %swap3A_2503 = tpu.vector_load %arg9[%swap3A_2501, %swap3A_2502] {strides = array<i32>} : memref<256x128xf32, #tpu.memory_space<vmem>>, vector<16xf32>,
      tpu.vector_store %arg9[%swap3A_2501, %swap3A_2502], %gather3A_2463 {strides = array<i32>} : memref<256x128xf32, #tpu.memory_space<vmem>>, vector<16xf32>,
      %add3A_2504 = arith.constant 64 : i32
      %add3A_2505 = vector.broadcast %add3A_2504 : i32 to vector<16xi32>
      %add3A_2506 = arith.addi %shift_right_arithmetic3A_2428, %add3A_2505 : vector<16xi32>
      %gather3A_2507 = tpu.vector_load_idx %arg8[%add3A_2506, %and3A_2431] : memref<256x128xf32, #tpu.memory_space<vmem>>[vector<16xi32>, vector<16xi32>], vector<16xf32>,
      %add3A_2508 = arith.constant 72 : i32
      %add3A_2509 = vector.broadcast %add3A_2508 : i32 to vector<16xi32>
      %add3A_2510 = arith.addi %shift_right_arithmetic3A_2428, %add3A_2509 : vector<16xi32>
      %gather3A_2511 = tpu.vector_load_idx %arg8[%add3A_2510, %and3A_2431] : memref<256x128xf32, #tpu.memory_space<vmem>>[vector<16xi32>, vector<16xi32>], vector<16xf32>,
      %add3A_2512 = arith.constant 80 : i32
      %add3A_2513 = vector.broadcast %add3A_2512 : i32 to vector<16xi32>
      %add3A_2514 = arith.addi %shift_right_arithmetic3A_2428, %add3A_2513 : vector<16xi32>
      %gather3A_2515 = tpu.vector_load_idx %arg8[%add3A_2514, %and3A_2431] : memref<256x128xf32, #tpu.memory_space<vmem>>[vector<16xi32>, vector<16xi32>], vector<16xf32>,
      %add3A_2516 = arith.constant 88 : i32
      %add3A_2517 = vector.broadcast %add3A_2516 : i32 to vector<16xi32>
      %add3A_2518 = arith.addi %shift_right_arithmetic3A_2428, %add3A_2517 : vector<16xi32>
      %gather3A_2519 = tpu.vector_load_idx %arg8[%add3A_2518, %and3A_2431] : memref<256x128xf32, #tpu.memory_space<vmem>>[vector<16xi32>, vector<16xi32>], vector<16xf32>,
      %add3A_2520 = arith.constant 96 : i32
      %add3A_2521 = vector.broadcast %add3A_2520 : i32 to vector<16xi32>
      %add3A_2522 = arith.addi %shift_right_arithmetic3A_2428, %add3A_2521 : vector<16xi32>
      %gather3A_2523 = tpu.vector_load_idx %arg8[%add3A_2522, %and3A_2431] : memref<256x128xf32, #tpu.memory_space<vmem>>[vector<16xi32>, vector<16xi32>], vector<16xf32>,
      %add3A_2524 = arith.constant 104 : i32
      %add3A_2525 = vector.broadcast %add3A_2524 : i32 to vector<16xi32>
      %add3A_2526 = arith.addi %shift_right_arithmetic3A_2428, %add3A_2525 : vector<16xi32>
      %gather3A_2527 = tpu.vector_load_idx %arg8[%add3A_2526, %and3A_2431] : memref<256x128xf32, #tpu.memory_space<vmem>>[vector<16xi32>, vector<16xi32>], vector<16xf32>,
      %add3A_2528 = arith.constant 112 : i32
      %add3A_2529 = vector.broadcast %add3A_2528 : i32 to vector<16xi32>
      %add3A_2530 = arith.addi %shift_right_arithmetic3A_2428, %add3A_2529 : vector<16xi32>
      %gather3A_2531 = tpu.vector_load_idx %arg8[%add3A_2530, %and3A_2431] : memref<256x128xf32, #tpu.memory_space<vmem>>[vector<16xi32>, vector<16xi32>], vector<16xf32>,
      %add3A_2532 = arith.constant 120 : i32
      %add3A_2533 = vector.broadcast %add3A_2532 : i32 to vector<16xi32>
      %add3A_2534 = arith.addi %shift_right_arithmetic3A_2428, %add3A_2533 : vector<16xi32>
      %gather3A_2535 = tpu.vector_load_idx %arg8[%add3A_2534, %and3A_2431] : memref<256x128xf32, #tpu.memory_space<vmem>>[vector<16xi32>, vector<16xi32>], vector<16xf32>,
      %add3A_2536 = arith.constant 64 : i32
      %add3A_2537 = arith.addi %add3A_2536, %scan3A_332 : i32
      %swap3A_2538 = arith.index_cast %add3A_2537 : i32 to index
      %swap3A_2539 = arith.constant 112 : index
      %swap3A_2540 = tpu.vector_load %arg9[%swap3A_2538, %swap3A_2539] {strides = array<i32>} : memref<256x128xf32, #tpu.memory_space<vmem>>, vector<16xf32>,
      tpu.vector_store %arg9[%swap3A_2538, %swap3A_2539], %gather3A_2507 {strides = array<i32>} : memref<256x128xf32, #tpu.memory_space<vmem>>, vector<16xf32>,
      %add3A_2541 = arith.constant 72 : i32
      %add3A_2542 = arith.addi %add3A_2541, %scan3A_332 : i32
      %swap3A_2543 = arith.index_cast %add3A_2542 : i32 to index
      %swap3A_2544 = arith.constant 112 : index
      %swap3A_2545 = tpu.vector_load %arg9[%swap3A_2543, %swap3A_2544] {strides = array<i32>} : memref<256x128xf32, #tpu.memory_space<vmem>>, vector<16xf32>,
      tpu.vector_store %arg9[%swap3A_2543, %swap3A_2544], %gather3A_2511 {strides = array<i32>} : memref<256x128xf32, #tpu.memory_space<vmem>>, vector<16xf32>,
      %add3A_2546 = arith.constant 80 : i32
      %add3A_2547 = arith.addi %add3A_2546, %scan3A_332 : i32
      %swap3A_2548 = arith.index_cast %add3A_2547 : i32 to index
      %swap3A_2549 = arith.constant 112 : index
      %swap3A_2550 = tpu.vector_load %arg9[%swap3A_2548, %swap3A_2549] {strides = array<i32>} : memref<256x128xf32, #tpu.memory_space<vmem>>, vector<16xf32>,
      tpu.vector_store %arg9[%swap3A_2548, %swap3A_2549], %gather3A_2515 {strides = array<i32>} : memref<256x128xf32, #tpu.memory_space<vmem>>, vector<16xf32>,
      %add3A_2551 = arith.constant 88 : i32
      %add3A_2552 = arith.addi %add3A_2551, %scan3A_332 : i32
      %swap3A_2553 = arith.index_cast %add3A_2552 : i32 to index
      %swap3A_2554 = arith.constant 112 : index
      %swap3A_2555 = tpu.vector_load %arg9[%swap3A_2553, %swap3A_2554] {strides = array<i32>} : memref<256x128xf32, #tpu.memory_space<vmem>>, vector<16xf32>,
      tpu.vector_store %arg9[%swap3A_2553, %swap3A_2554], %gather3A_2519 {strides = array<i32>} : memref<256x128xf32, #tpu.memory_space<vmem>>, vector<16xf32>,
      %add3A_2556 = arith.constant 96 : i32
      %add3A_2557 = arith.addi %add3A_2556, %scan3A_332 : i32
      %swap3A_2558 = arith.index_cast %add3A_2557 : i32 to index
      %swap3A_2559 = arith.constant 112 : index
      %swap3A_2560 = tpu.vector_load %arg9[%swap3A_2558, %swap3A_2559] {strides = array<i32>} : memref<256x128xf32, #tpu.memory_space<vmem>>, vector<16xf32>,
      tpu.vector_store %arg9[%swap3A_2558, %swap3A_2559], %gather3A_2523 {strides = array<i32>} : memref<256x128xf32, #tpu.memory_space<vmem>>, vector<16xf32>,
      %add3A_2561 = arith.constant 104 : i32
      %add3A_2562 = arith.addi %add3A_2561, %scan3A_332 : i32
      %swap3A_2563 = arith.index_cast %add3A_2562 : i32 to index
      %swap3A_2564 = arith.constant 112 : index
      %swap3A_2565 = tpu.vector_load %arg9[%swap3A_2563, %swap3A_2564] {strides = array<i32>} : memref<256x128xf32, #tpu.memory_space<vmem>>, vector<16xf32>,
      tpu.vector_store %arg9[%swap3A_2563, %swap3A_2564], %gather3A_2527 {strides = array<i32>} : memref<256x128xf32, #tpu.memory_space<vmem>>, vector<16xf32>,
      %add3A_2566 = arith.constant 112 : i32
      %add3A_2567 = arith.addi %add3A_2566, %scan3A_332 : i32
      %swap3A_2568 = arith.index_cast %add3A_2567 : i32 to index
      %swap3A_2569 = arith.constant 112 : index
      %swap3A_2570 = tpu.vector_load %arg9[%swap3A_2568, %swap3A_2569] {strides = array<i32>} : memref<256x128xf32, #tpu.memory_space<vmem>>, vector<16xf32>,
      tpu.vector_store %arg9[%swap3A_2568, %swap3A_2569], %gather3A_2531 {strides = array<i32>} : memref<256x128xf32, #tpu.memory_space<vmem>>, vector<16xf32>,
      %add3A_2571 = arith.constant 120 : i32
      %add3A_2572 = arith.addi %add3A_2571, %scan3A_332 : i32
      %swap3A_2573 = arith.index_cast %add3A_2572 : i32 to index
      %swap3A_2574 = arith.constant 112 : index
      %swap3A_2575 = tpu.vector_load %arg9[%swap3A_2573, %swap3A_2574] {strides = array<i32>} : memref<256x128xf32, #tpu.memory_space<vmem>>, vector<16xf32>,
      tpu.vector_store %arg9[%swap3A_2573, %swap3A_2574], %gather3A_2535 {strides = array<i32>} : memref<256x128xf32, #tpu.memory_space<vmem>>, vector<16xf32>,
      %add3A_2576 = arith.constant 128 : i32
      %add3A_2577 = vector.broadcast %add3A_2576 : i32 to vector<16xi32>
      %add3A_2578 = arith.addi %shift_right_arithmetic3A_2428, %add3A_2577 : vector<16xi32>
      %gather3A_2579 = tpu.vector_load_idx %arg8[%add3A_2578, %and3A_2431] : memref<256x128xf32, #tpu.memory_space<vmem>>[vector<16xi32>, vector<16xi32>], vector<16xf32>,
      %add3A_2580 = arith.constant 136 : i32
      %add3A_2581 = vector.broadcast %add3A_2580 : i32 to vector<16xi32>
      %add3A_2582 = arith.addi %shift_right_arithmetic3A_2428, %add3A_2581 : vector<16xi32>
      %gather3A_2583 = tpu.vector_load_idx %arg8[%add3A_2582, %and3A_2431] : memref<256x128xf32, #tpu.memory_space<vmem>>[vector<16xi32>, vector<16xi32>], vector<16xf32>,
      %add3A_2584 = arith.constant 144 : i32
      %add3A_2585 = vector.broadcast %add3A_2584 : i32 to vector<16xi32>
      %add3A_2586 = arith.addi %shift_right_arithmetic3A_2428, %add3A_2585 : vector<16xi32>
      %gather3A_2587 = tpu.vector_load_idx %arg8[%add3A_2586, %and3A_2431] : memref<256x128xf32, #tpu.memory_space<vmem>>[vector<16xi32>, vector<16xi32>], vector<16xf32>,
      %add3A_2588 = arith.constant 152 : i32
      %add3A_2589 = vector.broadcast %add3A_2588 : i32 to vector<16xi32>
      %add3A_2590 = arith.addi %shift_right_arithmetic3A_2428, %add3A_2589 : vector<16xi32>
      %gather3A_2591 = tpu.vector_load_idx %arg8[%add3A_2590, %and3A_2431] : memref<256x128xf32, #tpu.memory_space<vmem>>[vector<16xi32>, vector<16xi32>], vector<16xf32>,
      %add3A_2592 = arith.constant 160 : i32
      %add3A_2593 = vector.broadcast %add3A_2592 : i32 to vector<16xi32>
      %add3A_2594 = arith.addi %shift_right_arithmetic3A_2428, %add3A_2593 : vector<16xi32>
      %gather3A_2595 = tpu.vector_load_idx %arg8[%add3A_2594, %and3A_2431] : memref<256x128xf32, #tpu.memory_space<vmem>>[vector<16xi32>, vector<16xi32>], vector<16xf32>,
      %add3A_2596 = arith.constant 168 : i32
      %add3A_2597 = vector.broadcast %add3A_2596 : i32 to vector<16xi32>
      %add3A_2598 = arith.addi %shift_right_arithmetic3A_2428, %add3A_2597 : vector<16xi32>
      %gather3A_2599 = tpu.vector_load_idx %arg8[%add3A_2598, %and3A_2431] : memref<256x128xf32, #tpu.memory_space<vmem>>[vector<16xi32>, vector<16xi32>], vector<16xf32>,
      %add3A_2600 = arith.constant 176 : i32
      %add3A_2601 = vector.broadcast %add3A_2600 : i32 to vector<16xi32>
      %add3A_2602 = arith.addi %shift_right_arithmetic3A_2428, %add3A_2601 : vector<16xi32>
      %gather3A_2603 = tpu.vector_load_idx %arg8[%add3A_2602, %and3A_2431] : memref<256x128xf32, #tpu.memory_space<vmem>>[vector<16xi32>, vector<16xi32>], vector<16xf32>,
      %add3A_2604 = arith.constant 184 : i32
      %add3A_2605 = vector.broadcast %add3A_2604 : i32 to vector<16xi32>
      %add3A_2606 = arith.addi %shift_right_arithmetic3A_2428, %add3A_2605 : vector<16xi32>
      %gather3A_2607 = tpu.vector_load_idx %arg8[%add3A_2606, %and3A_2431] : memref<256x128xf32, #tpu.memory_space<vmem>>[vector<16xi32>, vector<16xi32>], vector<16xf32>,
      %add3A_2608 = arith.constant 128 : i32
      %add3A_2609 = arith.addi %add3A_2608, %scan3A_332 : i32
      %swap3A_2610 = arith.index_cast %add3A_2609 : i32 to index
      %swap3A_2611 = arith.constant 112 : index
      %swap3A_2612 = tpu.vector_load %arg9[%swap3A_2610, %swap3A_2611] {strides = array<i32>} : memref<256x128xf32, #tpu.memory_space<vmem>>, vector<16xf32>,
      tpu.vector_store %arg9[%swap3A_2610, %swap3A_2611], %gather3A_2579 {strides = array<i32>} : memref<256x128xf32, #tpu.memory_space<vmem>>, vector<16xf32>,
      %add3A_2613 = arith.constant 136 : i32
      %add3A_2614 = arith.addi %add3A_2613, %scan3A_332 : i32
      %swap3A_2615 = arith.index_cast %add3A_2614 : i32 to index
      %swap3A_2616 = arith.constant 112 : index
      %swap3A_2617 = tpu.vector_load %arg9[%swap3A_2615, %swap3A_2616] {strides = array<i32>} : memref<256x128xf32, #tpu.memory_space<vmem>>, vector<16xf32>,
      tpu.vector_store %arg9[%swap3A_2615, %swap3A_2616], %gather3A_2583 {strides = array<i32>} : memref<256x128xf32, #tpu.memory_space<vmem>>, vector<16xf32>,
      %add3A_2618 = arith.constant 144 : i32
      %add3A_2619 = arith.addi %add3A_2618, %scan3A_332 : i32
      %swap3A_2620 = arith.index_cast %add3A_2619 : i32 to index
      %swap3A_2621 = arith.constant 112 : index
      %swap3A_2622 = tpu.vector_load %arg9[%swap3A_2620, %swap3A_2621] {strides = array<i32>} : memref<256x128xf32, #tpu.memory_space<vmem>>, vector<16xf32>,
      tpu.vector_store %arg9[%swap3A_2620, %swap3A_2621], %gather3A_2587 {strides = array<i32>} : memref<256x128xf32, #tpu.memory_space<vmem>>, vector<16xf32>,
      %add3A_2623 = arith.constant 152 : i32
      %add3A_2624 = arith.addi %add3A_2623, %scan3A_332 : i32
      %swap3A_2625 = arith.index_cast %add3A_2624 : i32 to index
      %swap3A_2626 = arith.constant 112 : index
      %swap3A_2627 = tpu.vector_load %arg9[%swap3A_2625, %swap3A_2626] {strides = array<i32>} : memref<256x128xf32, #tpu.memory_space<vmem>>, vector<16xf32>,
      tpu.vector_store %arg9[%swap3A_2625, %swap3A_2626], %gather3A_2591 {strides = array<i32>} : memref<256x128xf32, #tpu.memory_space<vmem>>, vector<16xf32>,
      %add3A_2628 = arith.constant 160 : i32
      %add3A_2629 = arith.addi %add3A_2628, %scan3A_332 : i32
      %swap3A_2630 = arith.index_cast %add3A_2629 : i32 to index
      %swap3A_2631 = arith.constant 112 : index
      %swap3A_2632 = tpu.vector_load %arg9[%swap3A_2630, %swap3A_2631] {strides = array<i32>} : memref<256x128xf32, #tpu.memory_space<vmem>>, vector<16xf32>,
      tpu.vector_store %arg9[%swap3A_2630, %swap3A_2631], %gather3A_2595 {strides = array<i32>} : memref<256x128xf32, #tpu.memory_space<vmem>>, vector<16xf32>,
      %add3A_2633 = arith.constant 168 : i32
      %add3A_2634 = arith.addi %add3A_2633, %scan3A_332 : i32
      %swap3A_2635 = arith.index_cast %add3A_2634 : i32 to index
      %swap3A_2636 = arith.constant 112 : index
      %swap3A_2637 = tpu.vector_load %arg9[%swap3A_2635, %swap3A_2636] {strides = array<i32>} : memref<256x128xf32, #tpu.memory_space<vmem>>, vector<16xf32>,
      tpu.vector_store %arg9[%swap3A_2635, %swap3A_2636], %gather3A_2599 {strides = array<i32>} : memref<256x128xf32, #tpu.memory_space<vmem>>, vector<16xf32>,
      %add3A_2638 = arith.constant 176 : i32
      %add3A_2639 = arith.addi %add3A_2638, %scan3A_332 : i32
      %swap3A_2640 = arith.index_cast %add3A_2639 : i32 to index
      %swap3A_2641 = arith.constant 112 : index
      %swap3A_2642 = tpu.vector_load %arg9[%swap3A_2640, %swap3A_2641] {strides = array<i32>} : memref<256x128xf32, #tpu.memory_space<vmem>>, vector<16xf32>,
      tpu.vector_store %arg9[%swap3A_2640, %swap3A_2641], %gather3A_2603 {strides = array<i32>} : memref<256x128xf32, #tpu.memory_space<vmem>>, vector<16xf32>,
      %add3A_2643 = arith.constant 184 : i32
      %add3A_2644 = arith.addi %add3A_2643, %scan3A_332 : i32
      %swap3A_2645 = arith.index_cast %add3A_2644 : i32 to index
      %swap3A_2646 = arith.constant 112 : index
      %swap3A_2647 = tpu.vector_load %arg9[%swap3A_2645, %swap3A_2646] {strides = array<i32>} : memref<256x128xf32, #tpu.memory_space<vmem>>, vector<16xf32>,
      tpu.vector_store %arg9[%swap3A_2645, %swap3A_2646], %gather3A_2607 {strides = array<i32>} : memref<256x128xf32, #tpu.memory_space<vmem>>, vector<16xf32>,
      %add3A_2648 = arith.constant 192 : i32
      %add3A_2649 = vector.broadcast %add3A_2648 : i32 to vector<16xi32>
      %add3A_2650 = arith.addi %shift_right_arithmetic3A_2428, %add3A_2649 : vector<16xi32>
      %gather3A_2651 = tpu.vector_load_idx %arg8[%add3A_2650, %and3A_2431] : memref<256x128xf32, #tpu.memory_space<vmem>>[vector<16xi32>, vector<16xi32>], vector<16xf32>,
      %add3A_2652 = arith.constant 200 : i32
      %add3A_2653 = vector.broadcast %add3A_2652 : i32 to vector<16xi32>
      %add3A_2654 = arith.addi %shift_right_arithmetic3A_2428, %add3A_2653 : vector<16xi32>
      %gather3A_2655 = tpu.vector_load_idx %arg8[%add3A_2654, %and3A_2431] : memref<256x128xf32, #tpu.memory_space<vmem>>[vector<16xi32>, vector<16xi32>], vector<16xf32>,
      %add3A_2656 = arith.constant 208 : i32
      %add3A_2657 = vector.broadcast %add3A_2656 : i32 to vector<16xi32>
      %add3A_2658 = arith.addi %shift_right_arithmetic3A_2428, %add3A_2657 : vector<16xi32>
      %gather3A_2659 = tpu.vector_load_idx %arg8[%add3A_2658, %and3A_2431] : memref<256x128xf32, #tpu.memory_space<vmem>>[vector<16xi32>, vector<16xi32>], vector<16xf32>,
      %add3A_2660 = arith.constant 216 : i32
      %add3A_2661 = vector.broadcast %add3A_2660 : i32 to vector<16xi32>
      %add3A_2662 = arith.addi %shift_right_arithmetic3A_2428, %add3A_2661 : vector<16xi32>
      %gather3A_2663 = tpu.vector_load_idx %arg8[%add3A_2662, %and3A_2431] : memref<256x128xf32, #tpu.memory_space<vmem>>[vector<16xi32>, vector<16xi32>], vector<16xf32>,
      %add3A_2664 = arith.constant 224 : i32
      %add3A_2665 = vector.broadcast %add3A_2664 : i32 to vector<16xi32>
      %add3A_2666 = arith.addi %shift_right_arithmetic3A_2428, %add3A_2665 : vector<16xi32>
      %gather3A_2667 = tpu.vector_load_idx %arg8[%add3A_2666, %and3A_2431] : memref<256x128xf32, #tpu.memory_space<vmem>>[vector<16xi32>, vector<16xi32>], vector<16xf32>,
      %add3A_2668 = arith.constant 232 : i32
      %add3A_2669 = vector.broadcast %add3A_2668 : i32 to vector<16xi32>
      %add3A_2670 = arith.addi %shift_right_arithmetic3A_2428, %add3A_2669 : vector<16xi32>
      %gather3A_2671 = tpu.vector_load_idx %arg8[%add3A_2670, %and3A_2431] : memref<256x128xf32, #tpu.memory_space<vmem>>[vector<16xi32>, vector<16xi32>], vector<16xf32>,
      %add3A_2672 = arith.constant 240 : i32
      %add3A_2673 = vector.broadcast %add3A_2672 : i32 to vector<16xi32>
      %add3A_2674 = arith.addi %shift_right_arithmetic3A_2428, %add3A_2673 : vector<16xi32>
      %gather3A_2675 = tpu.vector_load_idx %arg8[%add3A_2674, %and3A_2431] : memref<256x128xf32, #tpu.memory_space<vmem>>[vector<16xi32>, vector<16xi32>], vector<16xf32>,
      %add3A_2676 = arith.constant 248 : i32
      %add3A_2677 = vector.broadcast %add3A_2676 : i32 to vector<16xi32>
      %add3A_2678 = arith.addi %shift_right_arithmetic3A_2428, %add3A_2677 : vector<16xi32>
      %gather3A_2679 = tpu.vector_load_idx %arg8[%add3A_2678, %and3A_2431] : memref<256x128xf32, #tpu.memory_space<vmem>>[vector<16xi32>, vector<16xi32>], vector<16xf32>,
      %add3A_2680 = arith.constant 192 : i32
      %add3A_2681 = arith.addi %add3A_2680, %scan3A_332 : i32
      %swap3A_2682 = arith.index_cast %add3A_2681 : i32 to index
      %swap3A_2683 = arith.constant 112 : index
      %swap3A_2684 = tpu.vector_load %arg9[%swap3A_2682, %swap3A_2683] {strides = array<i32>} : memref<256x128xf32, #tpu.memory_space<vmem>>, vector<16xf32>,
      tpu.vector_store %arg9[%swap3A_2682, %swap3A_2683], %gather3A_2651 {strides = array<i32>} : memref<256x128xf32, #tpu.memory_space<vmem>>, vector<16xf32>,
      %add3A_2685 = arith.constant 200 : i32
      %add3A_2686 = arith.addi %add3A_2685, %scan3A_332 : i32
      %swap3A_2687 = arith.index_cast %add3A_2686 : i32 to index
      %swap3A_2688 = arith.constant 112 : index
      %swap3A_2689 = tpu.vector_load %arg9[%swap3A_2687, %swap3A_2688] {strides = array<i32>} : memref<256x128xf32, #tpu.memory_space<vmem>>, vector<16xf32>,
      tpu.vector_store %arg9[%swap3A_2687, %swap3A_2688], %gather3A_2655 {strides = array<i32>} : memref<256x128xf32, #tpu.memory_space<vmem>>, vector<16xf32>,
      %add3A_2690 = arith.constant 208 : i32
      %add3A_2691 = arith.addi %add3A_2690, %scan3A_332 : i32
      %swap3A_2692 = arith.index_cast %add3A_2691 : i32 to index
      %swap3A_2693 = arith.constant 112 : index
      %swap3A_2694 = tpu.vector_load %arg9[%swap3A_2692, %swap3A_2693] {strides = array<i32>} : memref<256x128xf32, #tpu.memory_space<vmem>>, vector<16xf32>,
      tpu.vector_store %arg9[%swap3A_2692, %swap3A_2693], %gather3A_2659 {strides = array<i32>} : memref<256x128xf32, #tpu.memory_space<vmem>>, vector<16xf32>,
      %add3A_2695 = arith.constant 216 : i32
      %add3A_2696 = arith.addi %add3A_2695, %scan3A_332 : i32
      %swap3A_2697 = arith.index_cast %add3A_2696 : i32 to index
      %swap3A_2698 = arith.constant 112 : index
      %swap3A_2699 = tpu.vector_load %arg9[%swap3A_2697, %swap3A_2698] {strides = array<i32>} : memref<256x128xf32, #tpu.memory_space<vmem>>, vector<16xf32>,
      tpu.vector_store %arg9[%swap3A_2697, %swap3A_2698], %gather3A_2663 {strides = array<i32>} : memref<256x128xf32, #tpu.memory_space<vmem>>, vector<16xf32>,
      %add3A_2700 = arith.constant 224 : i32
      %add3A_2701 = arith.addi %add3A_2700, %scan3A_332 : i32
      %swap3A_2702 = arith.index_cast %add3A_2701 : i32 to index
      %swap3A_2703 = arith.constant 112 : index
      %swap3A_2704 = tpu.vector_load %arg9[%swap3A_2702, %swap3A_2703] {strides = array<i32>} : memref<256x128xf32, #tpu.memory_space<vmem>>, vector<16xf32>,
      tpu.vector_store %arg9[%swap3A_2702, %swap3A_2703], %gather3A_2667 {strides = array<i32>} : memref<256x128xf32, #tpu.memory_space<vmem>>, vector<16xf32>,
      %add3A_2705 = arith.constant 232 : i32
      %add3A_2706 = arith.addi %add3A_2705, %scan3A_332 : i32
      %swap3A_2707 = arith.index_cast %add3A_2706 : i32 to index
      %swap3A_2708 = arith.constant 112 : index
      %swap3A_2709 = tpu.vector_load %arg9[%swap3A_2707, %swap3A_2708] {strides = array<i32>} : memref<256x128xf32, #tpu.memory_space<vmem>>, vector<16xf32>,
      tpu.vector_store %arg9[%swap3A_2707, %swap3A_2708], %gather3A_2671 {strides = array<i32>} : memref<256x128xf32, #tpu.memory_space<vmem>>, vector<16xf32>,
      %add3A_2710 = arith.constant 240 : i32
      %add3A_2711 = arith.addi %add3A_2710, %scan3A_332 : i32
      %swap3A_2712 = arith.index_cast %add3A_2711 : i32 to index
      %swap3A_2713 = arith.constant 112 : index
      %swap3A_2714 = tpu.vector_load %arg9[%swap3A_2712, %swap3A_2713] {strides = array<i32>} : memref<256x128xf32, #tpu.memory_space<vmem>>, vector<16xf32>,
      tpu.vector_store %arg9[%swap3A_2712, %swap3A_2713], %gather3A_2675 {strides = array<i32>} : memref<256x128xf32, #tpu.memory_space<vmem>>, vector<16xf32>,
      %add3A_2715 = arith.constant 248 : i32
      %add3A_2716 = arith.addi %add3A_2715, %scan3A_332 : i32
      %swap3A_2717 = arith.index_cast %add3A_2716 : i32 to index
      %swap3A_2718 = arith.constant 112 : index
      %swap3A_2719 = tpu.vector_load %arg9[%swap3A_2717, %swap3A_2718] {strides = array<i32>} : memref<256x128xf32, #tpu.memory_space<vmem>>, vector<16xf32>,
      tpu.vector_store %arg9[%swap3A_2717, %swap3A_2718], %gather3A_2679 {strides = array<i32>} : memref<256x128xf32, #tpu.memory_space<vmem>>, vector<16xf32>,
      %scan3A_2720 = arith.constant 0 : i32
      scf.yield %scan3A_2720 : i32
    }
    %scan3A_329 = arith.constant 8 : i32
    %mul3A_330 = arith.constant 8 : i32
    %mul3A_331 = arith.muli %multiple_of3A, %mul3A_330 : i32
    "tpu.region"() ({
      %run_scoped3A = tpu.sem_alloc : memref<!tpu.dma_semaphore, #tpu.memory_space<semaphore_mem>>
      %dma_start3A_332 = arith.constant 0 : i32
      %dma_start3A_333 = tpu.memref_slice %arg4[%mul3A_331, %dma_start3A_332] : memref<8192x128xf32, #tpu.memory_space<hbm>> -> memref<256x128xf32, #tpu.memory_space<hbm>>
      %dma_start3A_334 = arith.constant 0 : i32
      %dma_start3A_335 = tpu.memref_slice %arg4[%mul3A_331, %dma_start3A_334] : memref<8192x128xf32, #tpu.memory_space<hbm>> -> memref<256x128xf32, #tpu.memory_space<hbm>>
      tpu.enqueue_dma source(%arg9 : memref<256x128xf32, #tpu.memory_space<vmem>>) target(%dma_start3A_335 : memref<256x128xf32, #tpu.memory_space<hbm>>) target_semaphore(%run_scoped3A : memref<!tpu.dma_semaphore, #tpu.memory_space<semaphore_mem>>)
      %dma_wait3A_336 = arith.constant 0 : i32
      %dma_wait3A_337 = tpu.memref_slice %arg4[%mul3A_331, %dma_wait3A_336] : memref<8192x128xf32, #tpu.memory_space<hbm>> -> memref<256x128xf32, #tpu.memory_space<hbm>>
      %dma_wait3A_338 = arith.constant 0 : i32
      %dma_wait3A_339 = tpu.memref_slice %arg4[%mul3A_331, %dma_wait3A_338] : memref<8192x128xf32, #tpu.memory_space<hbm>> -> memref<256x128xf32, #tpu.memory_space<hbm>>
      tpu.wait_dma2 semaphore(%run_scoped3A : memref<!tpu.dma_semaphore, #tpu.memory_space<semaphore_mem>>) src(%arg9 : memref<256x128xf32, #tpu.memory_space<vmem>>) dst(%dma_wait3A_339 : memref<256x128xf32, #tpu.memory_space<hbm>>)
      tpu.yield
    }) : () -> ()
    return
  }
}

module attributes {stable_mosaic.version = 14 : i64} {
  func.func @_tc_retile_body(%arg0: i32, %arg1: memref<200x1000xf32, #tpu.memory_space<vmem>>, %arg2: memref<1600x128xf32, #tpu.memory_space<vmem>>) attributes {dimension_semantics = [#tpu.dimension_semantics<parallel>], iteration_bounds = array<i64: 5>, scalar_prefetch = 0 : i64, scratch_operands = 0 : i64, tpu.core_type = #tpu.core_type<tc>, window_params = [{transform_indices = @transform_0, window_bounds = array<i64: 200, 1000>}, {transform_indices = @transform_1, window_bounds = array<i64: 1600, 128>}]} {
    %get3A = arith.constant 0 : index
    %get3A_0 = arith.constant 0 : index
    %get3A_1 = vector.load %arg1[%get3A, %get3A_0] : memref<200x1000xf32, #tpu.memory_space<vmem>>, vector<200x1000xf32>
    %broadcast_in_dim3A = arith.constant 0.000000e+00 : f32
    %broadcast_in_dim3A_2 = vector.broadcast %broadcast_in_dim3A : f32 to vector<200x24xf32>
    %concatenate3A = tpu.concatenate %get3A_1, %broadcast_in_dim3A_2 in 1 : vector<200x1000xf32>, vector<200x24xf32> -> vector<200x1024xf32>
    %reshape3A = vector.shape_cast %concatenate3A : vector<200x1024xf32> to vector<1600x128xf32>
    %swap3A = arith.constant 0 : index
    %swap3A_3 = arith.constant 0 : index
    %swap3A_4 = vector.load %arg2[%swap3A, %swap3A_3] : memref<1600x128xf32, #tpu.memory_space<vmem>>, vector<1600x128xf32>
    tpu.vector_store %arg2[%swap3A, %swap3A_3], %reshape3A {strides = array<i32>} : memref<1600x128xf32, #tpu.memory_space<vmem>>, vector<1600x128xf32>,
    return
  }
  func.func @transform_0(%arg0: i32) -> (i32, i32) {
    %c0_i32 = arith.constant 0 : i32
    %c0_i32_0 = arith.constant 0 : i32
    return %arg0, %c0_i32 : i32, i32
  }
  func.func @transform_1(%arg0: i32) -> (i32, i32) {
    %c0_i32 = arith.constant 0 : i32
    %c0_i32_0 = arith.constant 0 : i32
    return %arg0, %c0_i32 : i32, i32
  }
}

module attributes {stable_mosaic.version = 14 : i64} {
  func.func @_tc_combine_body(%arg0: i32, %arg1: memref<512x1024xbf16, #tpu.memory_space<vmem>>, %arg2: memref<4096x128xf32, #tpu.memory_space<vmem>>, %arg3: memref<1x1xf32, #tpu.memory_space<vmem>>) attributes {dimension_semantics = [#tpu.dimension_semantics<arbitrary>], iteration_bounds = array<i64: 2>, scalar_prefetch = 0 : i64, scratch_operands = 0 : i64, tpu.core_type = #tpu.core_type<tc>, window_params = [{transform_indices = @transform_0, window_bounds = array<i64: 512, 1024>}, {transform_indices = @transform_1, window_bounds = array<i64: 4096, 128>}, {pipeline_mode = #tpu.pipeline_mode<synchronous>, transform_indices = @transform_2, window_bounds = array<i64: 1, 1>}]} {
    %get3A = arith.constant 0 : index
    %get3A_0 = arith.constant 0 : index
    %get3A_1 = vector.load %arg2[%get3A, %get3A_0] : memref<4096x128xf32, #tpu.memory_space<vmem>>, vector<4096x128xf32>
    %reshape3A = vector.shape_cast %get3A_1 : vector<4096x128xf32> to vector<512x1024xf32>
    %mul3A = arith.constant 512 : i32
    %mul3A_2 = arith.muli %arg0, %mul3A : i32
    %iota3A = tpu.iota {dimensions = array<i32: 0>} : vector<512x1024xi32>
    %add3A = vector.broadcast %mul3A_2 : i32 to vector<512x1024xi32>
    %add3A_3 = arith.addi %add3A, %iota3A : vector<512x1024xi32>
    %iota3A_4 = tpu.iota {dimensions = array<i32: 1>} : vector<512x1024xi32>
    %gt3A = arith.cmpi sgt, %iota3A_4, %add3A_3 : vector<512x1024xi32>
    %get3A_5 = arith.constant 0 : index
    %get3A_6 = arith.constant 0 : index
    %get3A_7 = vector.load %arg1[%get3A_5, %get3A_6] : memref<512x1024xbf16, #tpu.memory_space<vmem>>, vector<512x1024xbf16>
    %convert_element_type3A = arith.extf %get3A_7 : vector<512x1024xbf16> to vector<512x1024xf32>
    %sub3A = arith.subf %convert_element_type3A, %reshape3A : vector<512x1024xf32>
    %abs3A = math.absf %sub3A : vector<512x1024xf32>
    %jit3A = arith.constant 0.000000e+00 : f32
    %broadcast_in_dim3A = vector.broadcast %jit3A : f32 to vector<512x1024xf32>
    %select_n3A = arith.select %gt3A, %abs3A, %broadcast_in_dim3A : vector<512x1024xi1>, vector<512x1024xf32>
    %reduce_sum3A = vector.shape_cast %select_n3A : vector<512x1024xf32> to vector<1x512x1024xf32>
    %reduce_sum3A_8 = arith.constant dense<0.000000e+00> : vector<1xf32>
    %reduce_sum3A_9 = vector.multi_reduction <add>, %reduce_sum3A, %reduce_sum3A_8 [1, 2] : vector<1x512x1024xf32> to vector<1xf32>
    %reduce_sum3A_10 = vector.shape_cast %reduce_sum3A_9 : vector<1xf32> to vector<1x1x1xf32>
    %reduce_sum3A_11 = vector.extract %reduce_sum3A_10[0, 0, 0] : f32 from vector<1x1x1xf32>
    %mul3A_12 = arith.constant 1.9092131E-6 : f32
    %mul3A_13 = arith.mulf %reduce_sum3A_11, %mul3A_12 : f32
    %eq3A = arith.constant 0 : i32
    %eq3A_14 = arith.cmpi eq, %arg0, %eq3A : i32
    %convert_element_type3A_15 = arith.extui %eq3A_14 : i1 to i32
    %cond3A = arith.constant 0 : i32
    %cond3A_16 = arith.cmpi ne, %convert_element_type3A_15, %cond3A : i32
    scf.if %cond3A_16 {
      %broadcast_in_dim3A_24 = arith.constant 0.000000e+00 : f32
      %broadcast_in_dim3A_25 = vector.broadcast %broadcast_in_dim3A_24 : f32 to vector<1x1xf32>
      %swap3A_26 = arith.constant 0 : index
      %swap3A_27 = arith.constant 0 : index
      %swap3A_28 = vector.load %arg3[%swap3A_26, %swap3A_27] : memref<1x1xf32, #tpu.memory_space<vmem>>, vector<1x1xf32>
      tpu.vector_store %arg3[%swap3A_26, %swap3A_27], %broadcast_in_dim3A_25 {strides = array<i32>} : memref<1x1xf32, #tpu.memory_space<vmem>>, vector<1x1xf32>,
    } else {
    }
    %get3A_17 = arith.constant 0 : index
    %get3A_18 = arith.constant 0 : index
    %get3A_19 = vector.load %arg3[%get3A_17, %get3A_18] : memref<1x1xf32, #tpu.memory_space<vmem>>, vector<1x1xf32>
    %reshape3A_20 = vector.broadcast %mul3A_13 : f32 to vector<1x1xf32>
    %add3A_21 = arith.addf %get3A_19, %reshape3A_20 : vector<1x1xf32>
    %swap3A = arith.constant 0 : index
    %swap3A_22 = arith.constant 0 : index
    %swap3A_23 = vector.load %arg3[%swap3A, %swap3A_22] : memref<1x1xf32, #tpu.memory_space<vmem>>, vector<1x1xf32>
    tpu.vector_store %arg3[%swap3A, %swap3A_22], %add3A_21 {strides = array<i32>} : memref<1x1xf32, #tpu.memory_space<vmem>>, vector<1x1xf32>,
    return
  }
  func.func @transform_0(%arg0: i32) -> (i32, i32) {
    %c0_i32 = arith.constant 0 : i32
    %c0_i32_0 = arith.constant 0 : i32
    return %arg0, %c0_i32 : i32, i32
  }
  func.func @transform_1(%arg0: i32) -> (i32, i32) {
    %c0_i32 = arith.constant 0 : i32
    %c0_i32_0 = arith.constant 0 : i32
    return %arg0, %c0_i32 : i32, i32
  }
  func.func @transform_2(%arg0: i32) -> (i32, i32) {
    %c0_i32 = arith.constant 0 : i32
    %c0_i32_0 = arith.constant 0 : i32
    %c0_i32_1 = arith.constant 0 : i32
    return %c0_i32, %c0_i32_0 : i32, i32
  }
}

module attributes {stable_mosaic.version = 14 : i64} {
  func.func @_tc_gram_body(%arg0: i32, %arg1: memref<128x64xf32, #tpu.memory_space<vmem>>, %arg2: memref<1024x64xf32, #tpu.memory_space<vmem>>, %arg3: memref<128x1024xbf16, #tpu.memory_space<vmem>>) attributes {dimension_semantics = [#tpu.dimension_semantics<parallel>], iteration_bounds = array<i64: 8>, scalar_prefetch = 0 : i64, scratch_operands = 0 : i64, tpu.core_type = #tpu.core_type<tc>, window_params = [{transform_indices = @transform_0, window_bounds = array<i64: 128, 64>}, {pipeline_mode = #tpu.pipeline_mode<synchronous>, transform_indices = @transform_1, window_bounds = array<i64: 1024, 64>}, {transform_indices = @transform_2, window_bounds = array<i64: 128, 1024>}]} {
    %get3A = arith.constant 0 : index
    %get3A_0 = arith.constant 0 : index
    %get3A_1 = vector.load %arg1[%get3A, %get3A_0] : memref<128x64xf32, #tpu.memory_space<vmem>>, vector<128x64xf32>
    %iota3A = tpu.iota {dimensions = array<i32: 1>} : vector<128x64xi32>
    %lt3A = arith.constant 48 : i32
    %lt3A_2 = vector.broadcast %lt3A : i32 to vector<128x64xi32>
    %lt3A_3 = arith.cmpi slt, %iota3A, %lt3A_2 : vector<128x64xi32>
    %jit3A = arith.constant 0.000000e+00 : f32
    %broadcast_in_dim3A = vector.broadcast %jit3A : f32 to vector<128x64xf32>
    %select_n3A = arith.select %lt3A_3, %get3A_1, %broadcast_in_dim3A : vector<128x64xi1>, vector<128x64xf32>
    %mul3A = arith.mulf %select_n3A, %select_n3A : vector<128x64xf32>
    %reduce_sum3A = arith.constant dense<0.000000e+00> : vector<128xf32>
    %reduce_sum3A_4 = vector.multi_reduction <add>, %mul3A, %reduce_sum3A [1] : vector<128x64xf32> to vector<128xf32>
    %broadcast_in_dim3A_5 = vector.shape_cast %reduce_sum3A_4 : vector<128xf32> to vector<128x1xf32>
    %sqrt3A = math.sqrt %broadcast_in_dim3A_5 : vector<128x1xf32>
    %max3A = arith.constant 9.99999993E-9 : f32
    %max3A_6 = vector.broadcast %max3A : f32 to vector<128x1xf32>
    %max3A_7 = arith.maximumf %sqrt3A, %max3A_6 : vector<128x1xf32>
    %div3A = arith.constant 1.000000e+00 : f32
    %div3A_8 = vector.broadcast %div3A : f32 to vector<128x1xf32>
    %div3A_9 = arith.divf %div3A_8, %max3A_7 : vector<128x1xf32>
    %mul3A_10 = vector.broadcast %div3A_9 : vector<128x1xf32> to vector<128x64xf32>
    %mul3A_11 = arith.mulf %select_n3A, %mul3A_10 : vector<128x64xf32>
    %get3A_12 = arith.constant 0 : index
    %get3A_13 = arith.constant 0 : index
    %get3A_14 = vector.load %arg2[%get3A_12, %get3A_13] : memref<1024x64xf32, #tpu.memory_space<vmem>>, vector<1024x64xf32>
    %iota3A_15 = tpu.iota {dimensions = array<i32: 1>} : vector<1024x64xi32>
    %lt3A_16 = arith.constant 48 : i32
    %lt3A_17 = vector.broadcast %lt3A_16 : i32 to vector<1024x64xi32>
    %lt3A_18 = arith.cmpi slt, %iota3A_15, %lt3A_17 : vector<1024x64xi32>
    %jit3A_19 = arith.constant 0.000000e+00 : f32
    %broadcast_in_dim3A_20 = vector.broadcast %jit3A_19 : f32 to vector<1024x64xf32>
    %select_n3A_21 = arith.select %lt3A_18, %get3A_14, %broadcast_in_dim3A_20 : vector<1024x64xi1>, vector<1024x64xf32>
    %mul3A_22 = arith.mulf %select_n3A_21, %select_n3A_21 : vector<1024x64xf32>
    %reduce_sum3A_23 = arith.constant dense<0.000000e+00> : vector<1024xf32>
    %reduce_sum3A_24 = vector.multi_reduction <add>, %mul3A_22, %reduce_sum3A_23 [1] : vector<1024x64xf32> to vector<1024xf32>
    %broadcast_in_dim3A_25 = vector.shape_cast %reduce_sum3A_24 : vector<1024xf32> to vector<1024x1xf32>
    %sqrt3A_26 = math.sqrt %broadcast_in_dim3A_25 : vector<1024x1xf32>
    %max3A_27 = arith.constant 9.99999993E-9 : f32
    %max3A_28 = vector.broadcast %max3A_27 : f32 to vector<1024x1xf32>
    %max3A_29 = arith.maximumf %sqrt3A_26, %max3A_28 : vector<1024x1xf32>
    %div3A_30 = arith.constant 1.000000e+00 : f32
    %div3A_31 = vector.broadcast %div3A_30 : f32 to vector<1024x1xf32>
    %div3A_32 = arith.divf %div3A_31, %max3A_29 : vector<1024x1xf32>
    %mul3A_33 = vector.broadcast %div3A_32 : vector<1024x1xf32> to vector<1024x64xf32>
    %mul3A_34 = arith.mulf %select_n3A_21, %mul3A_33 : vector<1024x64xf32>
    %dot_general3A = arith.constant dense<0.000000e+00> : vector<128x1024xf32>
    %dot_general3A_35 = tpu.matmul %mul3A_11, %mul3A_34, %dot_general3A {dimension_numbers = #tpu.dot_dimension_numbers<[1], [1], [0], [0], [0, 0, 1, 0], [], []>, precision = #tpu.contract_precision<fp32>, transpose_lhs_hint = false} : vector<128x64xf32>, vector<1024x64xf32>, vector<128x1024xf32> -> vector<128x1024xf32>
    %convert_element_type3A = arith.truncf %dot_general3A_35 : vector<128x1024xf32> to vector<128x1024xbf16>
    %swap3A = arith.constant 0 : index
    %swap3A_36 = arith.constant 0 : index
    %swap3A_37 = vector.load %arg3[%swap3A, %swap3A_36] : memref<128x1024xbf16, #tpu.memory_space<vmem>>, vector<128x1024xbf16>
    tpu.vector_store %arg3[%swap3A, %swap3A_36], %convert_element_type3A {strides = array<i32>} : memref<128x1024xbf16, #tpu.memory_space<vmem>>, vector<128x1024xbf16>,
    return
  }
  func.func @transform_0(%arg0: i32) -> (i32, i32) {
    %c0_i32 = arith.constant 0 : i32
    %c0_i32_0 = arith.constant 0 : i32
    return %arg0, %c0_i32 : i32, i32
  }
  func.func @transform_1(%arg0: i32) -> (i32, i32) {
    %c0_i32 = arith.constant 0 : i32
    %c0_i32_0 = arith.constant 0 : i32
    %c0_i32_1 = arith.constant 0 : i32
    return %c0_i32, %c0_i32_0 : i32, i32
  }
  func.func @transform_2(%arg0: i32) -> (i32, i32) {
    %c0_i32 = arith.constant 0 : i32
    %c0_i32_0 = arith.constant 0 : i32
    return %arg0, %c0_i32 : i32, i32
  }
}

</mosaic_0001>

<sc_bundles>
// kernel: kernel.6.cloned.1.call-start
scs
__scs_entry_jumppad:
0x0: {  	(pc) =	sbr.rel $0x88, $3  }
0x1: {  	(tag) =	ssettag $0x0;
	lr =	simm.s32 $0x1  }
0x2: {  	[smem:$0x3F9E] =	sst lr;
	_ =	strace $0xD0000000  }
0x3: {  	_ = 	snop  }
0x4: {  	_ = 	snop  }
0x5: {  	_ = 	snop  }
0x6: {  	_ = 	snop  }
0x7: {  	_ = 	snop  }
__scs_overlays_trampoline_lowered:
0x8: {  	[smem:$0x3FAD] =	sst s0  }
0x9: {  	[smem:$0x3FAE] =	sst s1  }
0xa: {  	[smem:$0x3FAF] =	sst s2  }
0xb: {  	[smem:$0x3FB0] =	sst s3  }
0xc: {  	[smem:$0x3FB1] =	sst s4  }
0xd: {  	[smem:$0x3FB2] =	sst s5  }
0xe: {  	[smem:$0x3FB3] =	sst s6  }
0xf: {  	[smem:$0x3FB4] =	sst s7  }
0x10: {  	[smem:$0x3FB5] =	sst s8  }
0x11: {  	[smem:$0x3FB6] =	sst s9;
	s0 =	simm.s32 @!p0 $0x0  }
0x12: {  	s1 =	sld [smem:$0x3F9C];
	s0 =	simm.s32 @p0 $0x1  }
0x13: {  	[smem:$0x3FB7] =	sst s0;
	s0 =	simm.s32 @!p1 $0x0  }
0x14: {  	s2 =	sld [smem:$0x3F9B];
	s0 =	simm.s32 @p1 $0x1  }
0x15: {  	[smem:$0x3FB8] =	sst s0;
	s0 =	simm.s32 @!p2 $0x0  }
0x16: {  	s3 =	sld [smem:$0x3FDB];
	s0 =	simm.s32 @p2 $0x1  }
0x17: {  	s4 =	simm.s32 $0x1BF5;
	[smem:$0x3FBA] =	sst s0  }
0x18: {  	s0 =	sld [smem:$0x3F9D];
	_ =	swait.ge [sflag:s4], $0x0  }
0x19: {  	s7 =	sld [smem:$0x3F9E]  }
0x1a: {  	s8 =	sadd.s32 $0xFFFFE003, lr  }
0x1b: {  	s9 =	sadd.s32 $0xFFFFFEF7, lr;
	s5 =	simm.s32 $0xFFFFFFFF;
	p2 =	slt.u32 s8, $0xFFFFF086  }
0x1c: {  	p1 =	slt.u32 s9, $0xF7A;
	s5 =	simm.s32 @!p2 $0x0  }
0x1d: {  	s5 =	simm.s32 @p1 $0x1;
	p0 =	seq.s32 s7, s2  }
0x1e: {  	s7 =	smul.u32 @!p0 $0xF7A, s2;
	p2 =	seq.s32 @!p0 s5, $0x0  }
0x1f: {  	s9 =	smul.u32 $0xF7A, s1;
	s8 =	simm.s32 @!p0 $0x1BF5;
	p2 =	por !p2, p0  }
0x20: {  	[sflag:s8] =	ssyncset.s32 @!p0 $0xFFFFF086;
	s6 =	sadd.s32 @!p0 s3, s7;
	s7 =	simm.s32 @!p0 $0x108  }
0x21: {  	s3 =	sadd.s32 s3, s9;
	s6 =	sadd.s32 @!p0 $0x88, s6;
	s7 =	simm.s32 @p2 $0x1082  }
0x22: {  	[simem:s7], [sflag:s8] =	dma.local @!p0 [hbm:s6], $0xF7A  }
0x23: {  	s9 =	sor.u32 $0xD0000000, s2;
	s6 =	simm.s32 $0x108;
	_ =	swait.ge @!p0 [sflag:s8], $0x0  }
0x24: {  	s3 =	sadd.s32 $0x88, s3;
	s6 =	simm.s32 @!p1 $0x1082;
	[sflag:s4] =	ssyncset.s32 $0xFFFFF086  }
0x25: {  	[simem:s6], [sflag:s4] =	dma.local [hbm:s3], $0xF7A  }
0x26: {  	[smem:$0x3F9E] =	sst s1;
	(tag) =	ssettag s2;
	_ =	strace s9  }
0x27: {  	s1 =	sld [smem:$0x3FAE]  }
0x28: {  	s2 =	sld [smem:$0x3FAF]  }
0x29: {  	s4 =	sld [smem:$0x3FB1]  }
0x2a: {  	p0 =	seq.s32 s5, $0x0;
	s5 =	sld [smem:$0x3FB2]  }
0x2b: {  	s6 =	sld [smem:$0x3FB3]  }
0x2c: {  	s7 =	sld [smem:$0x3FB4]  }
0x2d: {  	s3 =	simm.s32 $0x108;
	s8 =	sld [smem:$0x3FB5]  }
0x2e: {  	s3 =	simm.s32 @!p0 $0x1082;
	s9 =	sld [smem:$0x3FB6]  }
0x2f: {  	lr =	sadd.s32 s0, s3;
	s0 =	sld [smem:$0x3FAD]  }
0x30: {  	s3 =	sld [smem:$0x3FB0]  }
0x31: {  	[smem:$0x3FB9] =	sst s10  }
0x32: {  	s10 =	sld [smem:$0x3FB7];
	_ =	sdelay $0x3  }
0x33: {  	p0 =	seq.s32 s10, $0x1;
	s10 =	sld [smem:$0x3FB9];
	_ =	sdelay $0x3  }
0x34: {  	[smem:$0x3FB9] =	sst s10  }
0x35: {  	s10 =	sld [smem:$0x3FB8];
	_ =	sdelay $0x3  }
0x36: {  	p1 =	seq.s32 s10, $0x1;
	s10 =	sld [smem:$0x3FB9];
	_ =	sdelay $0x3  }
0x37: {  	[smem:$0x3FB9] =	sst s10  }
0x38: {  	s10 =	sld [smem:$0x3FBA]  }
0x39: {  	_ = 	snop;
	(pc) =	sbr.ind lr, $3  }
0x3a: {  	_ = 	snop  }
0x3b: {  	_ = 	snop  }
0x3c: {  	p2 =	seq.s32 s10, $0x1;
	s10 =	sld [smem:$0x3FB9]  }
0x3d: {  	_ =	shalt  }
0x3e: {  	_ =	shalt  }
0x3f: {  	_ =	shalt  }
0x40: {  	_ =	shalt  }
0x41: {  	_ =	shalt  }
0x42: {  	_ =	shalt  }
0x43: {  	_ =	shalt  }
0x44: {  	_ =	shalt  }
0x45: {  	_ =	shalt  }
0x46: {  	_ =	shalt  }
0x47: {  	_ =	shalt  }
0x48: {  	_ =	shalt  }
0x49: {  	_ =	shalt  }
0x4a: {  	_ =	shalt  }
0x4b: {  	_ =	shalt  }
0x4c: {  	_ =	shalt  }
0x4d: {  	_ =	shalt  }
0x4e: {  	_ =	shalt  }
0x4f: {  	_ =	shalt  }
0x50: {  	_ =	shalt  }
0x51: {  	_ =	shalt  }
0x52: {  	_ =	shalt  }
0x53: {  	_ =	shalt  }
0x54: {  	_ =	shalt  }
0x55: {  	_ =	shalt  }
0x56: {  	_ =	shalt  }
0x57: {  	_ =	shalt  }
0x58: {  	_ =	shalt  }
0x59: {  	_ =	shalt  }
0x5a: {  	_ =	shalt  }
0x5b: {  	_ =	shalt  }
0x5c: {  	_ =	shalt  }
0x5d: {  	_ =	shalt  }
0x5e: {  	_ =	shalt  }
0x5f: {  	_ =	shalt  }
0x60: {  	_ =	shalt  }
0x61: {  	_ =	shalt  }
0x62: {  	_ =	shalt  }
0x63: {  	_ =	shalt  }
0x64: {  	_ =	shalt  }
0x65: {  	_ =	shalt  }
0x66: {  	_ =	shalt  }
0x67: {  	_ =	shalt  }
0x68: {  	_ =	shalt  }
0x69: {  	_ =	shalt  }
0x6a: {  	_ =	shalt  }
0x6b: {  	_ =	shalt  }
0x6c: {  	_ =	shalt  }
0x6d: {  	_ =	shalt  }
0x6e: {  	_ =	shalt  }
0x6f: {  	_ =	shalt  }
0x70: {  	_ =	shalt  }
0x71: {  	_ =	shalt  }
0x72: {  	_ =	shalt  }
0x73: {  	_ =	shalt  }
0x74: {  	_ =	shalt  }
0x75: {  	_ =	shalt  }
0x76: {  	_ =	shalt  }
0x77: {  	_ =	shalt  }
0x78: {  	_ =	shalt  }
0x79: {  	_ =	shalt  }
0x7a: {  	_ =	shalt  }
0x7b: {  	_ =	shalt  }
0x7c: {  	_ =	shalt  }
0x7d: {  	_ =	shalt  }
0x7e: {  	_ =	shalt  }
0x7f: {  	_ =	shalt  }
0x80: {  	_ =	shalt  }
0x81: {  	_ =	shalt  }
0x82: {  	_ =	shalt  }
0x83: {  	_ =	shalt  }
0x84: {  	_ =	shalt  }
0x85: {  	_ =	shalt  }
0x86: {  	_ =	shalt  }
0x87: {  	_ =	shalt  }
.Lfunc_end0:
.L_simem_size_0:
called_computation_lowered:
.L_overlay_start_0:
0x88: {  	s2 =	sld [smem:$0x3FD9]  }
0x89: {  	s3 =	sld [smem:$0x3FFE];
	_ =	sdelay $0x1  }
0x8a: {  	s1 =	srdreg.scid  }
0x8b: {  	s0 =	sand.u32 $0x1, s1  }
0x8c: {  	s17 =	sshll.u32 s0, $0xA;
	s2 =	sadd.s32 s3, s2  }
0x8d: {  	s2 =	sadd.s32 s2, s17  }
0x8e: {  	[smem:$0x3FC5] =	sst s2  }
0x8f: {  	_ = 	snop  }
0x90: {  	s2 =	sld [smem:$0x3FC9];
	(tm) =	ssettm $0x1  }
0x91: {  	s18 =	sld [smem:$0x3FFB];
	_ =	sdelay $0x3  }
0x92: {  	_ =	strace s18  }
0x93: {  	s3 =	sld [smem:$0x3FFC];
	_ =	sdelay $0x3  }
0x94: {  	_ =	strace s3  }
0x95: {  	s3 =	sld [smem:$0x3FFD];
	_ =	sdelay $0x3  }
0x96: {  	_ =	strace s3  }
0x97: {  	_ =	strace $0x8FFFFFFF  }
0x98: {  	s19 =	sld [smem:$0x3FDB];
	_ =	sdelay $0x1  }
0x99: {  	s4 =	simm.s32 $_scs_section_size  }
0x9a: {  	s5 =	simm.s32 $_size__tile_overlayer_lowered;
	s6 =	simm.s32 $_tile_overlayer_lowered  }
0x9b: {  	s22 =	simm.s32 $0x1BFF;
	s21 =	sshll.u32 s6, $0x1;
	s3 =	sadd.s32 s4, s19  }
0x9c: {  	s7 =	simm.s32 $0x0;
	s20 =	sshll.u32 s5, $0x1;
	s5 =	sadd.s32 s21, s3  }
0x9d: {  	[timem:s7], [sflag:s22] =	dma.local [hbm:s5], s20  }
0x9e: {  	_ =	swait.ge [sflag:s22], s20  }
0x9f: {  	s4 =	ssub.s32 $0x0, s20;
	[sflag:s22] =	ssyncset.done $0x0  }
0xa0: {  	[sflag:s22] =	ssyncadd.s32 s4;
	_ =	sdelay $0x1  }
0xa1: {  	s23 =	simm.s32 $0x1B8B  }
0xa2: {  	_ =	swait.ge [sflag:s23], $0x1  }
0xa3: {  	[sflag:s23] =	ssyncset.done $0x0  }
0xa4: {  	s25 =	simm.s32 $0x1B8E;
	s24 =	sld [smem:$0x3FFE];
	[sflag:s23] =	ssyncadd.s32 $0xFFFFFFFF  }
0xa5: {  	s26 =	simm.s32 $execute0_lowered;
	[smem:$0x3FD2] =	sst s25  }
0xa6: {  	s5 =	sshll.u32 s26, $0x1;
	_ =	strace $0x80000046;
	[dreg:$0x1] =	wrdreg $0xFFFFFFFF  }
0xa7: {  	s28 =	simm.s32 $_size_execute0_lowered;
	s3 =	sadd.s32 s3, s5;
	[dreg:$0x0] =	wrdreg $0x0  }
0xa8: {  	s5 =	sshll.u32 s28, $0x1;
	[dreg:$0x2] =	wrdreg s3  }
0xa9: {  	[dreg:$0x3] =	wrdreg s5  }
0xaa: {  	[dreg:$0x4] =	wrdreg $0xC0  }
0xab: {  	_ =	task [dreg:s7], $0x5FFFF  }
0xac: {  	[dreg:$0x1] =	wrdreg $0xFFFFFFFF  }
0xad: {  	[dreg:$0x0] =	wrdreg $0x60  }
0xae: {  	[dreg:$0x2] =	wrdreg s2  }
0xaf: {  	[dreg:$0x3] =	wrdreg s24  }
0xb0: {  	[dreg:$0x4] =	wrdreg $0x9  }
0xb1: {  	_ =	task.clear_ibuf [dreg:s7], $0x5FFFF;
	_ =	strace $0x90000046  }
0xb2: {  	s29 =	simm.s32 $0x9;
	_ =	strace $0x80000048  }
0xb3: {  	_ =	swait.ge [sflag:s29], $0x1  }
0xb4: {  	[sflag:s29] =	ssyncadd.s32 $0xFFFFFFFF  }
0xb5: {  	_ =	strace $0x90000048  }
0xb6: {  	_ =	sfence  }
0xb7: {  	s30 =	sld [smem:$0x0];
	_ =	sdelay $0x2  }
0xb8: {  	s31 =	sshll.u32 s1, $0xD;
	s1 =	sshrl.u32 s1, $0x2  }
0xb9: {  	s3 =	sand.u32 $0x4000, s31;
	s1 =	sadd.s32 s1, s30  }
0xba: {  	s0 =	sor.u32 s3, s0;
	s1 =	sshll.u32 s1, $0x11  }
0xbb: {  	s0 =	sor.u32 s1, s0  }
0xbc: {  	s0 =	sadd.s32 $0x8F2B, s0  }
0xbd: {  	[sflag:s0] =	ssyncadd.remote.s32 $0x1  }
0xbe: {  	_ =	sfence.sel $0xFFFF  }
0xbf: {  	[dreg:$0x0] =	wrdreg $0xFFFFFFFF;
	(pc) =	sbr.abs _section_cstart, $3  }
0xc0: {  	[dreg:$0x1] =	wrdreg $0xFFFFFFFF  }
0xc1: {  	_ =	task.clear_ibuf [dreg:s7], $0x2FFFF;
	_ =	strace $0x9FFFFFFF  }
0xc2: {  	(tm) =	ssettm $0x7FFFFFFF  }
0xc3: {  	_ =	shalt  }
tec
execute0_lowered:
.L_overlay_start_1:
0x0: {  	(tag) =	ssettag $0x1  }
0x1: {  	s1 =	rddreg [dreg:$0x0]  }
0x2: {  	s5 =	rddreg [dreg:$0x1]  }
0x3: {  	s0 =	rddreg [dreg:$0x2];
	s3 =	simm.s32 $0x0;
	s4 =	srdreg.scid  }
0x4: {  	s2 =	stileid.u32;
	s10 =	simm.s32 $0x80;
	s11 =	simm.s32 $0x420  }
0x5: {  	s12 =	simm.s32 $0x520;
	s13 =	simm.s32 $0x4A0;
	s14 =	simm.s32 $0x4520  }
0x6: {  	v1 =	vlaneseq.u32;
	s15 =	simm.s32 $0x1;
	s16 =	simm.s32 $0x8520;
	s17 =	simm.s32 $0x0  }
0x7: {  	[smem:$0x7FF] =	sst s3;
	s6 =	sand.u32 $0x1, s4;
	s7 =	sshll.u32 s2, $0x6;
	v0 =	vshrl.u32 v1, $0x3;
	v1 =	vand.u32 $0x7, v1  }
0x8: {  	s4 =	sadd.s32 $0xC00, s5;
	s8 =	sshll.u32 s6, $0x5;
	s6 =	ssub.s32 $0x2, s6;
	v2 =	vor.u32 $0x2, v0;
	v3 =	vor.u32 $0x4, v0;
	v4 =	vor.u32 $0x6, v0  }
0x9: {  	_ =	strace $0x80000047;
	v5 =	vor.u32 $0x8, v0;
	v6 =	vor.u32 $0xA, v0;
	v7 =	vor.u32 $0xC, v0;
	s7 =	sor.u32 s8, s7;
	s9 =	sshrl.u32 s6, $0x1  }
0xa: {  	v8 =	vor.u32 $0xE, v0;
	v9 =	vor.u32 $0x10, v0;
	v10 =	vor.u32 $0x12, v0;
	s8 =	sshll.u32 s7, $0x7;
	s7 =	sshrl.u32 s7, $0x3;
	s9 =	ssub.s32 s6, s9  }
0xb: {  	v11 =	vor.u32 $0x14, v0;
	v12 =	vor.u32 $0x16, v0;
	v13 =	vor.u32 $0x18, v0;
	s8 =	sadd.s32 s8, s5;
	s5 =	sadd.s32 s1, s7;
	s7 =	smax.u32 s9, $0x1  }
0xc: {  	v14 =	vor.u32 $0x1A, v0;
	v15 =	vor.u32 $0x1C, v0;
	v16 =	vor.u32 $0x1E, v0;
	s9 =	simm.s32 $0x400;
	s6 =	sadd.s32 $0x20000, s8;
	s8 =	simm.s32 $0x2  }
.LBB2_1:
0xd: {  	[tilespmem:s3], [sflag:$0x2] =	stream.linear.gather [hbm4b:s1+s3], $0x400, $0x38;
	[tilespmem:$0x10520] =	vst v63  }
0xe: {  	_ =	swait.ge [sflag:s8], $0x400  }
0xf: {  	[sflag:s8] =	ssyncset.done $0x0  }
0x10: {  	[sflag:s8] =	ssyncadd.s32 $0xFFFFFC00  }
0x11: {  	[tilespmem:s9], [sflag:$0x2] =	stream.linear.gather [hbm4b:s5+s3], $0x20, $0x38;
	[tilespmem:$0x10520] =	vst v63  }
0x12: {  	_ =	swait.ge [sflag:s8], $0x20  }
0x13: {  	[sflag:s8] =	ssyncset.done $0x0  }
0x14: {  	[sflag:s8] =	ssyncadd.s32 $0xFFFFFFE0  }
0x15: {  	v17 =	vld.idx.msk [tilespmem:v0+s9+$0x0], $0xffff;
	_ =	sdelay $0x4  }
0x16: {  	v17 =	vshll.u32 v17, $0x3  }
0x17: {  	v17 =	vor.u32 v1, v17  }
0x18: {  	[tilespmem:$0x420] =	vst v17  }
0x19: {  	v17 =	vld.idx.msk [tilespmem:v2+s9+$0x0], $0xffff;
	_ =	sdelay $0x4  }
0x1a: {  	v17 =	vshll.u32 v17, $0x3  }
0x1b: {  	v17 =	vor.u32 v1, v17  }
0x1c: {  	[tilespmem:$0x430] =	vst v17  }
0x1d: {  	v17 =	vld.idx.msk [tilespmem:v3+s9+$0x0], $0xffff;
	_ =	sdelay $0x4  }
0x1e: {  	v17 =	vshll.u32 v17, $0x3  }
0x1f: {  	v17 =	vor.u32 v1, v17  }
0x20: {  	[tilespmem:$0x440] =	vst v17  }
0x21: {  	v17 =	vld.idx.msk [tilespmem:v4+s9+$0x0], $0xffff;
	_ =	sdelay $0x4  }
0x22: {  	v17 =	vshll.u32 v17, $0x3  }
0x23: {  	v17 =	vor.u32 v1, v17  }
0x24: {  	[tilespmem:$0x450] =	vst v17  }
0x25: {  	v17 =	vld.idx.msk [tilespmem:v5+s9+$0x0], $0xffff;
	_ =	sdelay $0x4  }
0x26: {  	v17 =	vshll.u32 v17, $0x3  }
0x27: {  	v17 =	vor.u32 v1, v17  }
0x28: {  	[tilespmem:$0x460] =	vst v17  }
0x29: {  	v17 =	vld.idx.msk [tilespmem:v6+s9+$0x0], $0xffff;
	_ =	sdelay $0x4  }
0x2a: {  	v17 =	vshll.u32 v17, $0x3  }
0x2b: {  	v17 =	vor.u32 v1, v17  }
0x2c: {  	[tilespmem:$0x470] =	vst v17  }
0x2d: {  	v17 =	vld.idx.msk [tilespmem:v7+s9+$0x0], $0xffff;
	_ =	sdelay $0x4  }
0x2e: {  	v17 =	vshll.u32 v17, $0x3  }
0x2f: {  	v17 =	vor.u32 v1, v17  }
0x30: {  	[tilespmem:$0x480] =	vst v17  }
0x31: {  	v17 =	vld.idx.msk [tilespmem:v8+s9+$0x0], $0xffff;
	_ =	sdelay $0x4  }
0x32: {  	v17 =	vshll.u32 v17, $0x3  }
0x33: {  	v17 =	vor.u32 v1, v17  }
0x34: {  	[tilespmem:$0x490] =	vst v17  }
0x35: {  	v17 =	vld.idx.msk [tilespmem:v9+s9+$0x0], $0xffff;
	_ =	sdelay $0x4  }
0x36: {  	v17 =	vshll.u32 v17, $0x3  }
0x37: {  	v17 =	vor.u32 v1, v17  }
0x38: {  	[tilespmem:$0x4A0] =	vst v17  }
0x39: {  	v17 =	vld.idx.msk [tilespmem:v10+s9+$0x0], $0xffff;
	_ =	sdelay $0x4  }
0x3a: {  	v17 =	vshll.u32 v17, $0x3  }
0x3b: {  	v17 =	vor.u32 v1, v17  }
0x3c: {  	[tilespmem:$0x4B0] =	vst v17  }
0x3d: {  	v17 =	vld.idx.msk [tilespmem:v11+s9+$0x0], $0xffff;
	_ =	sdelay $0x4  }
0x3e: {  	v17 =	vshll.u32 v17, $0x3  }
0x3f: {  	v17 =	vor.u32 v1, v17  }
0x40: {  	[tilespmem:$0x4C0] =	vst v17  }
0x41: {  	v17 =	vld.idx.msk [tilespmem:v12+s9+$0x0], $0xffff;
	_ =	sdelay $0x4  }
0x42: {  	v17 =	vshll.u32 v17, $0x3  }
0x43: {  	v17 =	vor.u32 v1, v17  }
0x44: {  	[tilespmem:$0x4D0] =	vst v17  }
0x45: {  	v17 =	vld.idx.msk [tilespmem:v13+s9+$0x0], $0xffff;
	_ =	sdelay $0x4  }
0x46: {  	v17 =	vshll.u32 v17, $0x3  }
0x47: {  	v17 =	vor.u32 v1, v17  }
0x48: {  	[tilespmem:$0x4E0] =	vst v17  }
0x49: {  	v17 =	vld.idx.msk [tilespmem:v14+s9+$0x0], $0xffff;
	_ =	sdelay $0x4  }
0x4a: {  	v17 =	vshll.u32 v17, $0x3  }
0x4b: {  	v17 =	vor.u32 v1, v17  }
0x4c: {  	[tilespmem:$0x4F0] =	vst v17  }
0x4d: {  	v17 =	vld.idx.msk [tilespmem:v15+s9+$0x0], $0xffff;
	_ =	sdelay $0x4  }
0x4e: {  	v17 =	vshll.u32 v17, $0x3  }
0x4f: {  	v17 =	vor.u32 v1, v17  }
0x50: {  	[tilespmem:$0x500] =	vst v17  }
0x51: {  	v17 =	vld.idx.msk [tilespmem:v16+s9+$0x0], $0xffff;
	_ =	sdelay $0x4  }
0x52: {  	v17 =	vshll.u32 v17, $0x3  }
0x53: {  	v17 =	vor.u32 v1, v17  }
0x54: {  	[tilespmem:$0x510] =	vst v17  }
0x55: {  	[tilespmem:s12], [sflag:$0x1] =	stream.indirect.gather [hbm4b:s4+s10], $0x80, s11, s10, $0xb8;
	[tilespmem:$0x10520] =	vst v63  }
0x56: {  	_ = 	snop  }
0x57: {  	[tilespmem:s14], [sflag:$0x1] =	stream.indirect.gather [hbm4b:s4+s10], $0x80, s13, s10, $0xb8;
	[tilespmem:$0x10520] =	vst v63  }
0x58: {  	_ =	swait.ge [sflag:s15], $0x4000  }
0x59: {  	[sflag:s15] =	ssyncset.done $0x0  }
0x5a: {  	[sflag:s15] =	ssyncadd.s32 $0xFFFFC000  }
0x5b: {  	_ =	swait.ge [sflag:s15], $0x4000  }
0x5c: {  	[sflag:s15] =	ssyncset.done $0x0  }
0x5d: {  	s18 =	simm.s32 $0x0;
	[sflag:s15] =	ssyncadd.s32 $0xFFFFC000  }
.LBB2_2:
0x5e: {  	s19 =	sshll.u32 s18, $0x7  }
0x5f: {  	v17 =	vld [tilespmem:s19+$0x0];
	_ =	sdelay $0x4  }
0x60: {  	v18 =	vadd.s32 $0x400, v17  }
0x61: {  	v19 =	vadd.s32 $0x800, v17  }
0x62: {  	v20 =	vadd.s32 $0xC00, v17  }
0x63: {  	v21 =	vadd.s32 $0x1000, v17  }
0x64: {  	v23 =	vadd.s32 $0x1400, v17;
	v22 =	vld.idx.msk [tilespmem:v17+s12+$0x0], $0xffff  }
0x65: {  	v24 =	vadd.s32 $0x1800, v17;
	v18 =	vld.idx.msk [tilespmem:v18+s12+$0x0], $0xffff  }
0x66: {  	v25 =	vadd.s32 $0x1C00, v17;
	v19 =	vld.idx.msk [tilespmem:v19+s12+$0x0], $0xffff  }
0x67: {  	v20 =	vld.idx.msk [tilespmem:v20+s12+$0x0], $0xffff  }
0x68: {  	v21 =	vld.idx.msk [tilespmem:v21+s12+$0x0], $0xffff  }
0x69: {  	v23 =	vld.idx.msk [tilespmem:v23+s12+$0x0], $0xffff  }
0x6a: {  	v24 =	vld.idx.msk [tilespmem:v24+s12+$0x0], $0xffff  }
0x6b: {  	v25 =	vld.idx.msk [tilespmem:v25+s12+$0x0], $0xffff;
	[tilespmem:s19+$0x8520] =	vst v22  }
0x6c: {  	[tilespmem:s19+$0x8920] =	vst v18  }
0x6d: {  	[tilespmem:s19+$0x8D20] =	vst v19  }
0x6e: {  	v51 =	vadd.s32 $0x2800, v17;
	[tilespmem:s19+$0x9120] =	vst v20  }
0x6f: {  	v18 =	vadd.s32 $0x2000, v17;
	[tilespmem:s19+$0x9520] =	vst v21  }
0x70: {  	v19 =	vadd.s32 $0x2400, v17;
	[tilespmem:s19+$0x9920] =	vst v23  }
0x71: {  	v52 =	vadd.s32 $0x2C00, v17;
	[tilespmem:s19+$0x9D20] =	vst v24  }
0x72: {  	v53 =	vadd.s32 $0x3000, v17;
	[tilespmem:s19+$0xA120] =	vst v25  }
0x73: {  	v54 =	vadd.s32 $0x3400, v17;
	v20 =	vld.idx.msk [tilespmem:v51+s12+$0x0], $0xffff  }
0x74: {  	v55 =	vadd.s32 $0x3800, v17;
	v18 =	vld.idx.msk [tilespmem:v18+s12+$0x0], $0xffff  }
0x75: {  	v56 =	vadd.s32 $0x3C00, v17;
	v19 =	vld.idx.msk [tilespmem:v19+s12+$0x0], $0xffff  }
0x76: {  	v21 =	vld.idx.msk [tilespmem:v52+s12+$0x0], $0xffff  }
0x77: {  	v22 =	vld.idx.msk [tilespmem:v53+s12+$0x0], $0xffff  }
0x78: {  	v23 =	vld.idx.msk [tilespmem:v54+s12+$0x0], $0xffff  }
0x79: {  	v24 =	vld.idx.msk [tilespmem:v55+s12+$0x0], $0xffff  }
0x7a: {  	v25 =	vld.idx.msk [tilespmem:v56+s12+$0x0], $0xffff;
	[tilespmem:s19+$0xAD20] =	vst v20  }
0x7b: {  	[tilespmem:s19+$0xA520] =	vst v18  }
0x7c: {  	[tilespmem:s19+$0xA920] =	vst v19  }
0x7d: {  	v57 =	vadd.s32 $0x4800, v17;
	[tilespmem:s19+$0xB120] =	vst v21  }
0x7e: {  	v58 =	vadd.s32 $0x4C00, v17;
	[tilespmem:s19+$0xB520] =	vst v22  }
0x7f: {  	v59 =	vadd.s32 $0x5000, v17;
	[tilespmem:s19+$0xB920] =	vst v23  }
0x80: {  	v60 =	vadd.s32 $0x5400, v17;
	[tilespmem:s19+$0xBD20] =	vst v24  }
0x81: {  	v61 =	vadd.s32 $0x5800, v17;
	[tilespmem:s19+$0xC120] =	vst v25  }
0x82: {  	v62 =	vadd.s32 $0x5C00, v17;
	v20 =	vld.idx.msk [tilespmem:v57+s12+$0x0], $0xffff  }
0x83: {  	v18 =	vadd.s32 $0x4000, v17;
	v21 =	vld.idx.msk [tilespmem:v58+s12+$0x0], $0xffff  }
0x84: {  	v19 =	vadd.s32 $0x4400, v17;
	v22 =	vld.idx.msk [tilespmem:v59+s12+$0x0], $0xffff  }
0x85: {  	v23 =	vld.idx.msk [tilespmem:v60+s12+$0x0], $0xffff  }
0x86: {  	v24 =	vld.idx.msk [tilespmem:v61+s12+$0x0], $0xffff  }
0x87: {  	v25 =	vld.idx.msk [tilespmem:v62+s12+$0x0], $0xffff  }
0x88: {  	v18 =	vld.idx.msk [tilespmem:v18+s12+$0x0], $0xffff  }
0x89: {  	v19 =	vld.idx.msk [tilespmem:v19+s12+$0x0], $0xffff;
	[tilespmem:s19+$0xCD20] =	vst v20  }
0x8a: {  	[tilespmem:s19+$0xD120] =	vst v21  }
0x8b: {  	[tilespmem:s19+$0xD520] =	vst v22  }
0x8c: {  	v63 =	vadd.s32 $0x6800, v17;
	[tilespmem:s19+$0xD920] =	vst v23  }
0x8d: {  	v28 =	vadd.s32 $0x6C00, v17;
	[tilespmem:s19+$0xDD20] =	vst v24  }
0x8e: {  	v29 =	vadd.s32 $0x7000, v17;
	[tilespmem:s19+$0xE120] =	vst v25  }
0x8f: {  	v30 =	vadd.s32 $0x7400, v17;
	[tilespmem:s19+$0xC520] =	vst v18  }
0x90: {  	v31 =	vadd.s32 $0x7800, v17;
	v32 =	vld [tilespmem:s19+$0x10];
	[tilespmem:s19+$0xC920] =	vst v19  }
0x91: {  	v18 =	vadd.s32 $0x6000, v17;
	v20 =	vld.idx.msk [tilespmem:v63+s12+$0x0], $0xffff  }
0x92: {  	v19 =	vadd.s32 $0x6400, v17;
	v21 =	vld.idx.msk [tilespmem:v28+s12+$0x0], $0xffff  }
0x93: {  	v17 =	vadd.s32 $0x7C00, v17;
	v22 =	vld.idx.msk [tilespmem:v29+s12+$0x0], $0xffff  }
0x94: {  	v23 =	vld.idx.msk [tilespmem:v30+s12+$0x0], $0xffff  }
0x95: {  	v24 =	vld.idx.msk [tilespmem:v31+s12+$0x0], $0xffff  }
0x96: {  	v18 =	vld.idx.msk [tilespmem:v18+s12+$0x0], $0xffff  }
0x97: {  	v19 =	vld.idx.msk [tilespmem:v19+s12+$0x0], $0xffff  }
0x98: {  	v17 =	vld.idx.msk [tilespmem:v17+s12+$0x0], $0xffff;
	[tilespmem:s19+$0xED20] =	vst v20  }
0x99: {  	[tilespmem:s19+$0xF120] =	vst v21  }
0x9a: {  	[tilespmem:s19+$0xF520] =	vst v22  }
0x9b: {  	[tilespmem:s19+$0xF920] =	vst v23  }
0x9c: {  	v33 =	vadd.s32 $0xC00, v32;
	[tilespmem:s19+$0xFD20] =	vst v24  }
0x9d: {  	v34 =	vadd.s32 $0x1400, v32;
	[tilespmem:s19+$0xE520] =	vst v18  }
0x9e: {  	v35 =	vadd.s32 $0x1800, v32;
	[tilespmem:s19+$0xE920] =	vst v19  }
0x9f: {  	v36 =	vadd.s32 $0x1C00, v32;
	[tilespmem:s19+$0x10120] =	vst v17  }
0xa0: {  	v18 =	vadd.s32 $0x400, v32;
	v21 =	vld.idx.msk [tilespmem:v32+s12+$0x0], $0xffff  }
0xa1: {  	v19 =	vadd.s32 $0x800, v32;
	v20 =	vld.idx.msk [tilespmem:v33+s12+$0x0], $0xffff  }
0xa2: {  	v17 =	vadd.s32 $0x1000, v32;
	v22 =	vld.idx.msk [tilespmem:v34+s12+$0x0], $0xffff  }
0xa3: {  	v23 =	vld.idx.msk [tilespmem:v35+s12+$0x0], $0xffff  }
0xa4: {  	v24 =	vld.idx.msk [tilespmem:v36+s12+$0x0], $0xffff  }
0xa5: {  	v18 =	vld.idx.msk [tilespmem:v18+s12+$0x0], $0xffff  }
0xa6: {  	v19 =	vld.idx.msk [tilespmem:v19+s12+$0x0], $0xffff  }
0xa7: {  	v17 =	vld.idx.msk [tilespmem:v17+s12+$0x0], $0xffff;
	[tilespmem:s19+$0x8530] =	vst v21  }
0xa8: {  	[tilespmem:s19+$0x9130] =	vst v20  }
0xa9: {  	[tilespmem:s19+$0x9930] =	vst v22  }
0xaa: {  	v37 =	vadd.s32 $0x2C00, v32;
	[tilespmem:s19+$0x9D30] =	vst v23  }
0xab: {  	v38 =	vadd.s32 $0x3000, v32;
	[tilespmem:s19+$0xA130] =	vst v24  }
0xac: {  	v39 =	vadd.s32 $0x3400, v32;
	[tilespmem:s19+$0x8930] =	vst v18  }
0xad: {  	v40 =	vadd.s32 $0x3800, v32;
	[tilespmem:s19+$0x8D30] =	vst v19  }
0xae: {  	v41 =	vadd.s32 $0x3C00, v32;
	[tilespmem:s19+$0x9530] =	vst v17  }
0xaf: {  	v18 =	vadd.s32 $0x2000, v32;
	v20 =	vld.idx.msk [tilespmem:v37+s12+$0x0], $0xffff  }
0xb0: {  	v17 =	vadd.s32 $0x2400, v32;
	v21 =	vld.idx.msk [tilespmem:v38+s12+$0x0], $0xffff  }
0xb1: {  	v19 =	vadd.s32 $0x2800, v32;
	v22 =	vld.idx.msk [tilespmem:v39+s12+$0x0], $0xffff  }
0xb2: {  	v23 =	vld.idx.msk [tilespmem:v40+s12+$0x0], $0xffff  }
0xb3: {  	v24 =	vld.idx.msk [tilespmem:v41+s12+$0x0], $0xffff  }
0xb4: {  	v18 =	vld.idx.msk [tilespmem:v18+s12+$0x0], $0xffff  }
0xb5: {  	v17 =	vld.idx.msk [tilespmem:v17+s12+$0x0], $0xffff  }
0xb6: {  	v19 =	vld.idx.msk [tilespmem:v19+s12+$0x0], $0xffff;
	[tilespmem:s19+$0xB130] =	vst v20  }
0xb7: {  	[tilespmem:s19+$0xB530] =	vst v21  }
0xb8: {  	[tilespmem:s19+$0xB930] =	vst v22  }
0xb9: {  	v42 =	vadd.s32 $0x4C00, v32;
	[tilespmem:s19+$0xBD30] =	vst v23  }
0xba: {  	v43 =	vadd.s32 $0x5000, v32;
	[tilespmem:s19+$0xC130] =	vst v24  }
0xbb: {  	v44 =	vadd.s32 $0x5400, v32;
	[tilespmem:s19+$0xA530] =	vst v18  }
0xbc: {  	v45 =	vadd.s32 $0x5800, v32;
	[tilespmem:s19+$0xA930] =	vst v17  }
0xbd: {  	v46 =	vadd.s32 $0x5C00, v32;
	[tilespmem:s19+$0xAD30] =	vst v19  }
0xbe: {  	v17 =	vadd.s32 $0x4000, v32;
	v20 =	vld.idx.msk [tilespmem:v42+s12+$0x0], $0xffff  }
0xbf: {  	v18 =	vadd.s32 $0x4400, v32;
	v21 =	vld.idx.msk [tilespmem:v43+s12+$0x0], $0xffff  }
0xc0: {  	v19 =	vadd.s32 $0x4800, v32;
	v22 =	vld.idx.msk [tilespmem:v44+s12+$0x0], $0xffff  }
0xc1: {  	v23 =	vld.idx.msk [tilespmem:v45+s12+$0x0], $0xffff  }
0xc2: {  	v24 =	vld.idx.msk [tilespmem:v46+s12+$0x0], $0xffff  }
0xc3: {  	v17 =	vld.idx.msk [tilespmem:v17+s12+$0x0], $0xffff  }
0xc4: {  	v18 =	vld.idx.msk [tilespmem:v18+s12+$0x0], $0xffff  }
0xc5: {  	v19 =	vld.idx.msk [tilespmem:v19+s12+$0x0], $0xffff;
	[tilespmem:s19+$0xD130] =	vst v20  }
0xc6: {  	[tilespmem:s19+$0xD530] =	vst v21  }
0xc7: {  	[tilespmem:s19+$0xD930] =	vst v22  }
0xc8: {  	v47 =	vadd.s32 $0x6C00, v32;
	[tilespmem:s19+$0xDD30] =	vst v23  }
0xc9: {  	v48 =	vadd.s32 $0x7000, v32;
	[tilespmem:s19+$0xE130] =	vst v24  }
0xca: {  	v49 =	vadd.s32 $0x7400, v32;
	[tilespmem:s19+$0xC530] =	vst v17  }
0xcb: {  	v50 =	vadd.s32 $0x7800, v32;
	[tilespmem:s19+$0xC930] =	vst v18  }
0xcc: {  	v52 =	vld [tilespmem:s19+$0x20];
	v51 =	vadd.s32 $0x7C00, v32;
	[tilespmem:s19+$0xCD30] =	vst v19  }
0xcd: {  	v17 =	vadd.s32 $0x6000, v32;
	v20 =	vld.idx.msk [tilespmem:v47+s12+$0x0], $0xffff  }
0xce: {  	v18 =	vadd.s32 $0x6400, v32;
	v21 =	vld.idx.msk [tilespmem:v48+s12+$0x0], $0xffff  }
0xcf: {  	v19 =	vadd.s32 $0x6800, v32;
	v22 =	vld.idx.msk [tilespmem:v49+s12+$0x0], $0xffff  }
0xd0: {  	v23 =	vld.idx.msk [tilespmem:v50+s12+$0x0], $0xffff  }
0xd1: {  	v24 =	vld.idx.msk [tilespmem:v51+s12+$0x0], $0xffff  }
0xd2: {  	v17 =	vld.idx.msk [tilespmem:v17+s12+$0x0], $0xffff  }
0xd3: {  	v18 =	vld.idx.msk [tilespmem:v18+s12+$0x0], $0xffff  }
0xd4: {  	v19 =	vld.idx.msk [tilespmem:v19+s12+$0x0], $0xffff;
	[tilespmem:s19+$0xF130] =	vst v20  }
0xd5: {  	[tilespmem:s19+$0xF530] =	vst v21  }
0xd6: {  	[tilespmem:s19+$0xF930] =	vst v22  }
0xd7: {  	[tilespmem:s19+$0xFD30] =	vst v23  }
0xd8: {  	v53 =	vadd.s32 $0x1000, v52;
	[tilespmem:s19+$0x10130] =	vst v24  }
0xd9: {  	v54 =	vadd.s32 $0x1400, v52;
	[tilespmem:s19+$0xE530] =	vst v17  }
0xda: {  	v55 =	vadd.s32 $0x1800, v52;
	[tilespmem:s19+$0xE930] =	vst v18  }
0xdb: {  	v56 =	vadd.s32 $0x1C00, v52;
	[tilespmem:s19+$0xED30] =	vst v19  }
0xdc: {  	v17 =	vadd.s32 $0x400, v52;
	v21 =	vld.idx.msk [tilespmem:v52+s12+$0x0], $0xffff  }
0xdd: {  	v18 =	vadd.s32 $0x800, v52;
	v20 =	vld.idx.msk [tilespmem:v53+s12+$0x0], $0xffff  }
0xde: {  	v19 =	vadd.s32 $0xC00, v52;
	v22 =	vld.idx.msk [tilespmem:v54+s12+$0x0], $0xffff  }
0xdf: {  	v23 =	vld.idx.msk [tilespmem:v55+s12+$0x0], $0xffff  }
0xe0: {  	v24 =	vld.idx.msk [tilespmem:v56+s12+$0x0], $0xffff  }
0xe1: {  	v17 =	vld.idx.msk [tilespmem:v17+s12+$0x0], $0xffff  }
0xe2: {  	v18 =	vld.idx.msk [tilespmem:v18+s12+$0x0], $0xffff  }
0xe3: {  	v19 =	vld.idx.msk [tilespmem:v19+s12+$0x0], $0xffff;
	[tilespmem:s19+$0x8540] =	vst v21  }
0xe4: {  	[tilespmem:s19+$0x9540] =	vst v20  }
0xe5: {  	[tilespmem:s19+$0x9940] =	vst v22  }
0xe6: {  	v57 =	vadd.s32 $0x2C00, v52;
	[tilespmem:s19+$0x9D40] =	vst v23  }
0xe7: {  	v58 =	vadd.s32 $0x3000, v52;
	[tilespmem:s19+$0xA140] =	vst v24  }
0xe8: {  	v59 =	vadd.s32 $0x3400, v52;
	[tilespmem:s19+$0x8940] =	vst v17  }
0xe9: {  	v60 =	vadd.s32 $0x3800, v52;
	[tilespmem:s19+$0x8D40] =	vst v18  }
0xea: {  	v61 =	vadd.s32 $0x3C00, v52;
	[tilespmem:s19+$0x9140] =	vst v19  }
0xeb: {  	v17 =	vadd.s32 $0x2000, v52;
	v20 =	vld.idx.msk [tilespmem:v57+s12+$0x0], $0xffff  }
0xec: {  	v18 =	vadd.s32 $0x2400, v52;
	v21 =	vld.idx.msk [tilespmem:v58+s12+$0x0], $0xffff  }
0xed: {  	v19 =	vadd.s32 $0x2800, v52;
	v22 =	vld.idx.msk [tilespmem:v59+s12+$0x0], $0xffff  }
0xee: {  	v23 =	vld.idx.msk [tilespmem:v60+s12+$0x0], $0xffff  }
0xef: {  	v24 =	vld.idx.msk [tilespmem:v61+s12+$0x0], $0xffff  }
0xf0: {  	v17 =	vld.idx.msk [tilespmem:v17+s12+$0x0], $0xffff  }
0xf1: {  	v18 =	vld.idx.msk [tilespmem:v18+s12+$0x0], $0xffff  }
0xf2: {  	v19 =	vld.idx.msk [tilespmem:v19+s12+$0x0], $0xffff;
	[tilespmem:s19+$0xB140] =	vst v20  }
0xf3: {  	[tilespmem:s19+$0xB540] =	vst v21  }
0xf4: {  	[tilespmem:s19+$0xB940] =	vst v22  }
0xf5: {  	v62 =	vadd.s32 $0x4C00, v52;
	[tilespmem:s19+$0xBD40] =	vst v23  }
0xf6: {  	v63 =	vadd.s32 $0x5000, v52;
	[tilespmem:s19+$0xC140] =	vst v24  }
0xf7: {  	v28 =	vadd.s32 $0x5400, v52;
	[tilespmem:s19+$0xA540] =	vst v17  }
0xf8: {  	v29 =	vadd.s32 $0x5800, v52;
	[tilespmem:s19+$0xA940] =	vst v18  }
0xf9: {  	v30 =	vadd.s32 $0x5C00, v52;
	[tilespmem:s19+$0xAD40] =	vst v19  }
0xfa: {  	v17 =	vadd.s32 $0x4000, v52;
	v20 =	vld.idx.msk [tilespmem:v62+s12+$0x0], $0xffff  }
0xfb: {  	v18 =	vadd.s32 $0x4400, v52;
	v21 =	vld.idx.msk [tilespmem:v63+s12+$0x0], $0xffff  }
0xfc: {  	v19 =	vadd.s32 $0x4800, v52;
	v22 =	vld.idx.msk [tilespmem:v28+s12+$0x0], $0xffff  }
0xfd: {  	v23 =	vld.idx.msk [tilespmem:v29+s12+$0x0], $0xffff  }
0xfe: {  	v24 =	vld.idx.msk [tilespmem:v30+s12+$0x0], $0xffff  }
0xff: {  	v17 =	vld.idx.msk [tilespmem:v17+s12+$0x0], $0xffff  }
0x100: {  	v18 =	vld.idx.msk [tilespmem:v18+s12+$0x0], $0xffff  }
0x101: {  	v19 =	vld.idx.msk [tilespmem:v19+s12+$0x0], $0xffff;
	[tilespmem:s19+$0xD140] =	vst v20  }
0x102: {  	[tilespmem:s19+$0xD540] =	vst v21  }
0x103: {  	[tilespmem:s19+$0xD940] =	vst v22  }
0x104: {  	v31 =	vadd.s32 $0x6C00, v52;
	[tilespmem:s19+$0xDD40] =	vst v23  }
0x105: {  	v32 =	vadd.s32 $0x7000, v52;
	[tilespmem:s19+$0xE140] =	vst v24  }
0x106: {  	v33 =	vadd.s32 $0x7400, v52;
	[tilespmem:s19+$0xC540] =	vst v17  }
0x107: {  	v34 =	vadd.s32 $0x7800, v52;
	[tilespmem:s19+$0xC940] =	vst v18  }
0x108: {  	v35 =	vadd.s32 $0x7C00, v52;
	v36 =	vld [tilespmem:s19+$0x30];
	[tilespmem:s19+$0xCD40] =	vst v19  }
0x109: {  	v17 =	vadd.s32 $0x6000, v52;
	v20 =	vld.idx.msk [tilespmem:v31+s12+$0x0], $0xffff  }
0x10a: {  	v18 =	vadd.s32 $0x6400, v52;
	v21 =	vld.idx.msk [tilespmem:v32+s12+$0x0], $0xffff  }
0x10b: {  	v19 =	vadd.s32 $0x6800, v52;
	v22 =	vld.idx.msk [tilespmem:v33+s12+$0x0], $0xffff  }
0x10c: {  	v23 =	vld.idx.msk [tilespmem:v34+s12+$0x0], $0xffff  }
0x10d: {  	v24 =	vld.idx.msk [tilespmem:v35+s12+$0x0], $0xffff  }
0x10e: {  	v17 =	vld.idx.msk [tilespmem:v17+s12+$0x0], $0xffff  }
0x10f: {  	v18 =	vld.idx.msk [tilespmem:v18+s12+$0x0], $0xffff  }
0x110: {  	v19 =	vld.idx.msk [tilespmem:v19+s12+$0x0], $0xffff;
	[tilespmem:s19+$0xF140] =	vst v20  }
0x111: {  	[tilespmem:s19+$0xF540] =	vst v21  }
0x112: {  	[tilespmem:s19+$0xF940] =	vst v22  }
0x113: {  	[tilespmem:s19+$0xFD40] =	vst v23  }
0x114: {  	v37 =	vadd.s32 $0x1000, v36;
	[tilespmem:s19+$0x10140] =	vst v24  }
0x115: {  	v38 =	vadd.s32 $0x1400, v36;
	[tilespmem:s19+$0xE540] =	vst v17  }
0x116: {  	v39 =	vadd.s32 $0x1800, v36;
	[tilespmem:s19+$0xE940] =	vst v18  }
0x117: {  	v40 =	vadd.s32 $0x1C00, v36;
	[tilespmem:s19+$0xED40] =	vst v19  }
0x118: {  	v17 =	vadd.s32 $0x400, v36;
	v21 =	vld.idx.msk [tilespmem:v36+s12+$0x0], $0xffff  }
0x119: {  	v18 =	vadd.s32 $0x800, v36;
	v20 =	vld.idx.msk [tilespmem:v37+s12+$0x0], $0xffff  }
0x11a: {  	v19 =	vadd.s32 $0xC00, v36;
	v22 =	vld.idx.msk [tilespmem:v38+s12+$0x0], $0xffff  }
0x11b: {  	v23 =	vld.idx.msk [tilespmem:v39+s12+$0x0], $0xffff  }
0x11c: {  	v24 =	vld.idx.msk [tilespmem:v40+s12+$0x0], $0xffff  }
0x11d: {  	v17 =	vld.idx.msk [tilespmem:v17+s12+$0x0], $0xffff  }
0x11e: {  	v18 =	vld.idx.msk [tilespmem:v18+s12+$0x0], $0xffff  }
0x11f: {  	v19 =	vld.idx.msk [tilespmem:v19+s12+$0x0], $0xffff;
	[tilespmem:s19+$0x8550] =	vst v21  }
0x120: {  	[tilespmem:s19+$0x9550] =	vst v20  }
0x121: {  	[tilespmem:s19+$0x9950] =	vst v22  }
0x122: {  	v41 =	vadd.s32 $0x2C00, v36;
	[tilespmem:s19+$0x9D50] =	vst v23  }
0x123: {  	v42 =	vadd.s32 $0x3000, v36;
	[tilespmem:s19+$0xA150] =	vst v24  }
0x124: {  	v43 =	vadd.s32 $0x3400, v36;
	[tilespmem:s19+$0x8950] =	vst v17  }
0x125: {  	v44 =	vadd.s32 $0x3800, v36;
	[tilespmem:s19+$0x8D50] =	vst v18  }
0x126: {  	v45 =	vadd.s32 $0x3C00, v36;
	[tilespmem:s19+$0x9150] =	vst v19  }
0x127: {  	v17 =	vadd.s32 $0x2000, v36;
	v20 =	vld.idx.msk [tilespmem:v41+s12+$0x0], $0xffff  }
0x128: {  	v18 =	vadd.s32 $0x2400, v36;
	v21 =	vld.idx.msk [tilespmem:v42+s12+$0x0], $0xffff  }
0x129: {  	v19 =	vadd.s32 $0x2800, v36;
	v22 =	vld.idx.msk [tilespmem:v43+s12+$0x0], $0xffff  }
0x12a: {  	v23 =	vld.idx.msk [tilespmem:v44+s12+$0x0], $0xffff  }
0x12b: {  	v24 =	vld.idx.msk [tilespmem:v45+s12+$0x0], $0xffff  }
0x12c: {  	v17 =	vld.idx.msk [tilespmem:v17+s12+$0x0], $0xffff  }
0x12d: {  	v18 =	vld.idx.msk [tilespmem:v18+s12+$0x0], $0xffff  }
0x12e: {  	v19 =	vld.idx.msk [tilespmem:v19+s12+$0x0], $0xffff;
	[tilespmem:s19+$0xB150] =	vst v20  }
0x12f: {  	[tilespmem:s19+$0xB550] =	vst v21  }
0x130: {  	[tilespmem:s19+$0xB950] =	vst v22  }
0x131: {  	v46 =	vadd.s32 $0x4C00, v36;
	[tilespmem:s19+$0xBD50] =	vst v23  }
0x132: {  	v47 =	vadd.s32 $0x5000, v36;
	[tilespmem:s19+$0xC150] =	vst v24  }
0x133: {  	v48 =	vadd.s32 $0x5400, v36;
	[tilespmem:s19+$0xA550] =	vst v17  }
0x134: {  	v49 =	vadd.s32 $0x5800, v36;
	[tilespmem:s19+$0xA950] =	vst v18  }
0x135: {  	v50 =	vadd.s32 $0x5C00, v36;
	[tilespmem:s19+$0xAD50] =	vst v19  }
0x136: {  	v17 =	vadd.s32 $0x4000, v36;
	v20 =	vld.idx.msk [tilespmem:v46+s12+$0x0], $0xffff  }
0x137: {  	v18 =	vadd.s32 $0x4400, v36;
	v21 =	vld.idx.msk [tilespmem:v47+s12+$0x0], $0xffff  }
0x138: {  	v19 =	vadd.s32 $0x4800, v36;
	v22 =	vld.idx.msk [tilespmem:v48+s12+$0x0], $0xffff  }
0x139: {  	v23 =	vld.idx.msk [tilespmem:v49+s12+$0x0], $0xffff  }
0x13a: {  	v24 =	vld.idx.msk [tilespmem:v50+s12+$0x0], $0xffff  }
0x13b: {  	v17 =	vld.idx.msk [tilespmem:v17+s12+$0x0], $0xffff  }
0x13c: {  	v18 =	vld.idx.msk [tilespmem:v18+s12+$0x0], $0xffff  }
0x13d: {  	v19 =	vld.idx.msk [tilespmem:v19+s12+$0x0], $0xffff;
	[tilespmem:s19+$0xD150] =	vst v20  }
0x13e: {  	[tilespmem:s19+$0xD550] =	vst v21  }
0x13f: {  	[tilespmem:s19+$0xD950] =	vst v22  }
0x140: {  	v51 =	vadd.s32 $0x6C00, v36;
	[tilespmem:s19+$0xDD50] =	vst v23  }
0x141: {  	v52 =	vadd.s32 $0x7000, v36;
	[tilespmem:s19+$0xE150] =	vst v24  }
0x142: {  	v53 =	vadd.s32 $0x7400, v36;
	[tilespmem:s19+$0xC550] =	vst v17  }
0x143: {  	v54 =	vadd.s32 $0x7800, v36;
	[tilespmem:s19+$0xC950] =	vst v18  }
0x144: {  	v55 =	vadd.s32 $0x7C00, v36;
	v56 =	vld [tilespmem:s19+$0x40];
	[tilespmem:s19+$0xCD50] =	vst v19  }
0x145: {  	v17 =	vadd.s32 $0x6000, v36;
	v20 =	vld.idx.msk [tilespmem:v51+s12+$0x0], $0xffff  }
0x146: {  	v18 =	vadd.s32 $0x6400, v36;
	v21 =	vld.idx.msk [tilespmem:v52+s12+$0x0], $0xffff  }
0x147: {  	v19 =	vadd.s32 $0x6800, v36;
	v22 =	vld.idx.msk [tilespmem:v53+s12+$0x0], $0xffff  }
0x148: {  	v23 =	vld.idx.msk [tilespmem:v54+s12+$0x0], $0xffff  }
0x149: {  	v24 =	vld.idx.msk [tilespmem:v55+s12+$0x0], $0xffff  }
0x14a: {  	v17 =	vld.idx.msk [tilespmem:v17+s12+$0x0], $0xffff  }
0x14b: {  	v18 =	vld.idx.msk [tilespmem:v18+s12+$0x0], $0xffff  }
0x14c: {  	v19 =	vld.idx.msk [tilespmem:v19+s12+$0x0], $0xffff;
	[tilespmem:s19+$0xF150] =	vst v20  }
0x14d: {  	[tilespmem:s19+$0xF550] =	vst v21  }
0x14e: {  	[tilespmem:s19+$0xF950] =	vst v22  }
0x14f: {  	[tilespmem:s19+$0xFD50] =	vst v23  }
0x150: {  	v57 =	vadd.s32 $0x1000, v56;
	[tilespmem:s19+$0x10150] =	vst v24  }
0x151: {  	v58 =	vadd.s32 $0x1400, v56;
	[tilespmem:s19+$0xE550] =	vst v17  }
0x152: {  	v59 =	vadd.s32 $0x1800, v56;
	[tilespmem:s19+$0xE950] =	vst v18  }
0x153: {  	v60 =	vadd.s32 $0x1C00, v56;
	[tilespmem:s19+$0xED50] =	vst v19  }
0x154: {  	v17 =	vadd.s32 $0x400, v56;
	v21 =	vld.idx.msk [tilespmem:v56+s12+$0x0], $0xffff  }
0x155: {  	v18 =	vadd.s32 $0x800, v56;
	v20 =	vld.idx.msk [tilespmem:v57+s12+$0x0], $0xffff  }
0x156: {  	v19 =	vadd.s32 $0xC00, v56;
	v22 =	vld.idx.msk [tilespmem:v58+s12+$0x0], $0xffff  }
0x157: {  	v23 =	vld.idx.msk [tilespmem:v59+s12+$0x0], $0xffff  }
0x158: {  	v24 =	vld.idx.msk [tilespmem:v60+s12+$0x0], $0xffff  }
0x159: {  	v17 =	vld.idx.msk [tilespmem:v17+s12+$0x0], $0xffff  }
0x15a: {  	v18 =	vld.idx.msk [tilespmem:v18+s12+$0x0], $0xffff  }
0x15b: {  	v19 =	vld.idx.msk [tilespmem:v19+s12+$0x0], $0xffff;
	[tilespmem:s19+$0x8560] =	vst v21  }
0x15c: {  	[tilespmem:s19+$0x9560] =	vst v20  }
0x15d: {  	[tilespmem:s19+$0x9960] =	vst v22  }
0x15e: {  	v61 =	vadd.s32 $0x2C00, v56;
	[tilespmem:s19+$0x9D60] =	vst v23  }
0x15f: {  	v62 =	vadd.s32 $0x3000, v56;
	[tilespmem:s19+$0xA160] =	vst v24  }
0x160: {  	v63 =	vadd.s32 $0x3400, v56;
	[tilespmem:s19+$0x8960] =	vst v17  }
0x161: {  	v28 =	vadd.s32 $0x3800, v56;
	[tilespmem:s19+$0x8D60] =	vst v18  }
0x162: {  	v29 =	vadd.s32 $0x3C00, v56;
	[tilespmem:s19+$0x9160] =	vst v19  }
0x163: {  	v17 =	vadd.s32 $0x2000, v56;
	v20 =	vld.idx.msk [tilespmem:v61+s12+$0x0], $0xffff  }
0x164: {  	v18 =	vadd.s32 $0x2400, v56;
	v21 =	vld.idx.msk [tilespmem:v62+s12+$0x0], $0xffff  }
0x165: {  	v19 =	vadd.s32 $0x2800, v56;
	v22 =	vld.idx.msk [tilespmem:v63+s12+$0x0], $0xffff  }
0x166: {  	v23 =	vld.idx.msk [tilespmem:v28+s12+$0x0], $0xffff  }
0x167: {  	v24 =	vld.idx.msk [tilespmem:v29+s12+$0x0], $0xffff  }
0x168: {  	v17 =	vld.idx.msk [tilespmem:v17+s12+$0x0], $0xffff  }
0x169: {  	v18 =	vld.idx.msk [tilespmem:v18+s12+$0x0], $0xffff  }
0x16a: {  	v19 =	vld.idx.msk [tilespmem:v19+s12+$0x0], $0xffff;
	[tilespmem:s19+$0xB160] =	vst v20  }
0x16b: {  	[tilespmem:s19+$0xB560] =	vst v21  }
0x16c: {  	[tilespmem:s19+$0xB960] =	vst v22  }
0x16d: {  	v30 =	vadd.s32 $0x4C00, v56;
	[tilespmem:s19+$0xBD60] =	vst v23  }
0x16e: {  	v31 =	vadd.s32 $0x5000, v56;
	[tilespmem:s19+$0xC160] =	vst v24  }
0x16f: {  	v32 =	vadd.s32 $0x5400, v56;
	[tilespmem:s19+$0xA560] =	vst v17  }
0x170: {  	v33 =	vadd.s32 $0x5800, v56;
	[tilespmem:s19+$0xA960] =	vst v18  }
0x171: {  	v34 =	vadd.s32 $0x5C00, v56;
	[tilespmem:s19+$0xAD60] =	vst v19  }
0x172: {  	v17 =	vadd.s32 $0x4000, v56;
	v20 =	vld.idx.msk [tilespmem:v30+s12+$0x0], $0xffff  }
0x173: {  	v18 =	vadd.s32 $0x4400, v56;
	v21 =	vld.idx.msk [tilespmem:v31+s12+$0x0], $0xffff  }
0x174: {  	v19 =	vadd.s32 $0x4800, v56;
	v22 =	vld.idx.msk [tilespmem:v32+s12+$0x0], $0xffff  }
0x175: {  	v23 =	vld.idx.msk [tilespmem:v33+s12+$0x0], $0xffff  }
0x176: {  	v24 =	vld.idx.msk [tilespmem:v34+s12+$0x0], $0xffff  }
0x177: {  	v17 =	vld.idx.msk [tilespmem:v17+s12+$0x0], $0xffff  }
0x178: {  	v18 =	vld.idx.msk [tilespmem:v18+s12+$0x0], $0xffff  }
0x179: {  	v19 =	vld.idx.msk [tilespmem:v19+s12+$0x0], $0xffff;
	[tilespmem:s19+$0xD160] =	vst v20  }
0x17a: {  	[tilespmem:s19+$0xD560] =	vst v21  }
0x17b: {  	[tilespmem:s19+$0xD960] =	vst v22  }
0x17c: {  	v35 =	vadd.s32 $0x6C00, v56;
	[tilespmem:s19+$0xDD60] =	vst v23  }
0x17d: {  	v36 =	vadd.s32 $0x7000, v56;
	[tilespmem:s19+$0xE160] =	vst v24  }
0x17e: {  	v37 =	vadd.s32 $0x7400, v56;
	[tilespmem:s19+$0xC560] =	vst v17  }
0x17f: {  	v38 =	vadd.s32 $0x7800, v56;
	[tilespmem:s19+$0xC960] =	vst v18  }
0x180: {  	v39 =	vadd.s32 $0x7C00, v56;
	v40 =	vld [tilespmem:s19+$0x50];
	[tilespmem:s19+$0xCD60] =	vst v19  }
0x181: {  	v17 =	vadd.s32 $0x6000, v56;
	v20 =	vld.idx.msk [tilespmem:v35+s12+$0x0], $0xffff  }
0x182: {  	v18 =	vadd.s32 $0x6400, v56;
	v21 =	vld.idx.msk [tilespmem:v36+s12+$0x0], $0xffff  }
0x183: {  	v19 =	vadd.s32 $0x6800, v56;
	v22 =	vld.idx.msk [tilespmem:v37+s12+$0x0], $0xffff  }
0x184: {  	v23 =	vld.idx.msk [tilespmem:v38+s12+$0x0], $0xffff  }
0x185: {  	v24 =	vld.idx.msk [tilespmem:v39+s12+$0x0], $0xffff  }
0x186: {  	v17 =	vld.idx.msk [tilespmem:v17+s12+$0x0], $0xffff  }
0x187: {  	v18 =	vld.idx.msk [tilespmem:v18+s12+$0x0], $0xffff  }
0x188: {  	v19 =	vld.idx.msk [tilespmem:v19+s12+$0x0], $0xffff;
	[tilespmem:s19+$0xF160] =	vst v20  }
0x189: {  	[tilespmem:s19+$0xF560] =	vst v21  }
0x18a: {  	[tilespmem:s19+$0xF960] =	vst v22  }
0x18b: {  	[tilespmem:s19+$0xFD60] =	vst v23  }
0x18c: {  	v41 =	vadd.s32 $0x1000, v40;
	[tilespmem:s19+$0x10160] =	vst v24  }
0x18d: {  	v42 =	vadd.s32 $0x1400, v40;
	[tilespmem:s19+$0xE560] =	vst v17  }
0x18e: {  	v43 =	vadd.s32 $0x1800, v40;
	[tilespmem:s19+$0xE960] =	vst v18  }
0x18f: {  	v44 =	vadd.s32 $0x1C00, v40;
	[tilespmem:s19+$0xED60] =	vst v19  }
0x190: {  	v17 =	vadd.s32 $0x400, v40;
	v21 =	vld.idx.msk [tilespmem:v40+s12+$0x0], $0xffff  }
0x191: {  	v18 =	vadd.s32 $0x800, v40;
	v20 =	vld.idx.msk [tilespmem:v41+s12+$0x0], $0xffff  }
0x192: {  	v19 =	vadd.s32 $0xC00, v40;
	v22 =	vld.idx.msk [tilespmem:v42+s12+$0x0], $0xffff  }
0x193: {  	v23 =	vld.idx.msk [tilespmem:v43+s12+$0x0], $0xffff  }
0x194: {  	v24 =	vld.idx.msk [tilespmem:v44+s12+$0x0], $0xffff  }
0x195: {  	v17 =	vld.idx.msk [tilespmem:v17+s12+$0x0], $0xffff  }
0x196: {  	v18 =	vld.idx.msk [tilespmem:v18+s12+$0x0], $0xffff  }
0x197: {  	v19 =	vld.idx.msk [tilespmem:v19+s12+$0x0], $0xffff;
	[tilespmem:s19+$0x8570] =	vst v21  }
0x198: {  	[tilespmem:s19+$0x9570] =	vst v20  }
0x199: {  	[tilespmem:s19+$0x9970] =	vst v22  }
0x19a: {  	v45 =	vadd.s32 $0x2C00, v40;
	[tilespmem:s19+$0x9D70] =	vst v23  }
0x19b: {  	v46 =	vadd.s32 $0x3000, v40;
	[tilespmem:s19+$0xA170] =	vst v24  }
0x19c: {  	v47 =	vadd.s32 $0x3400, v40;
	[tilespmem:s19+$0x8970] =	vst v17  }
0x19d: {  	v48 =	vadd.s32 $0x3800, v40;
	[tilespmem:s19+$0x8D70] =	vst v18  }
0x19e: {  	v49 =	vadd.s32 $0x3C00, v40;
	[tilespmem:s19+$0x9170] =	vst v19  }
0x19f: {  	v17 =	vadd.s32 $0x2000, v40;
	v20 =	vld.idx.msk [tilespmem:v45+s12+$0x0], $0xffff  }
0x1a0: {  	v18 =	vadd.s32 $0x2400, v40;
	v21 =	vld.idx.msk [tilespmem:v46+s12+$0x0], $0xffff  }
0x1a1: {  	v19 =	vadd.s32 $0x2800, v40;
	v22 =	vld.idx.msk [tilespmem:v47+s12+$0x0], $0xffff  }
0x1a2: {  	v23 =	vld.idx.msk [tilespmem:v48+s12+$0x0], $0xffff  }
0x1a3: {  	v24 =	vld.idx.msk [tilespmem:v49+s12+$0x0], $0xffff  }
0x1a4: {  	v17 =	vld.idx.msk [tilespmem:v17+s12+$0x0], $0xffff  }
0x1a5: {  	v18 =	vld.idx.msk [tilespmem:v18+s12+$0x0], $0xffff  }
0x1a6: {  	v19 =	vld.idx.msk [tilespmem:v19+s12+$0x0], $0xffff;
	[tilespmem:s19+$0xB170] =	vst v20  }
0x1a7: {  	[tilespmem:s19+$0xB570] =	vst v21  }
0x1a8: {  	[tilespmem:s19+$0xB970] =	vst v22  }
0x1a9: {  	v50 =	vadd.s32 $0x4C00, v40;
	[tilespmem:s19+$0xBD70] =	vst v23  }
0x1aa: {  	v51 =	vadd.s32 $0x5000, v40;
	[tilespmem:s19+$0xC170] =	vst v24  }
0x1ab: {  	v52 =	vadd.s32 $0x5400, v40;
	[tilespmem:s19+$0xA570] =	vst v17  }
0x1ac: {  	v53 =	vadd.s32 $0x5800, v40;
	[tilespmem:s19+$0xA970] =	vst v18  }
0x1ad: {  	v54 =	vadd.s32 $0x5C00, v40;
	[tilespmem:s19+$0xAD70] =	vst v19  }
0x1ae: {  	v17 =	vadd.s32 $0x4000, v40;
	v20 =	vld.idx.msk [tilespmem:v50+s12+$0x0], $0xffff  }
0x1af: {  	v18 =	vadd.s32 $0x4400, v40;
	v21 =	vld.idx.msk [tilespmem:v51+s12+$0x0], $0xffff  }
0x1b0: {  	v19 =	vadd.s32 $0x4800, v40;
	v22 =	vld.idx.msk [tilespmem:v52+s12+$0x0], $0xffff  }
0x1b1: {  	v23 =	vld.idx.msk [tilespmem:v53+s12+$0x0], $0xffff  }
0x1b2: {  	v24 =	vld.idx.msk [tilespmem:v54+s12+$0x0], $0xffff  }
0x1b3: {  	v17 =	vld.idx.msk [tilespmem:v17+s12+$0x0], $0xffff  }
0x1b4: {  	v18 =	vld.idx.msk [tilespmem:v18+s12+$0x0], $0xffff  }
0x1b5: {  	v19 =	vld.idx.msk [tilespmem:v19+s12+$0x0], $0xffff;
	[tilespmem:s19+$0xD170] =	vst v20  }
0x1b6: {  	[tilespmem:s19+$0xD570] =	vst v21  }
0x1b7: {  	[tilespmem:s19+$0xD970] =	vst v22  }
0x1b8: {  	v55 =	vadd.s32 $0x6C00, v40;
	[tilespmem:s19+$0xDD70] =	vst v23  }
0x1b9: {  	v56 =	vadd.s32 $0x7000, v40;
	[tilespmem:s19+$0xE170] =	vst v24  }
0x1ba: {  	v57 =	vadd.s32 $0x7400, v40;
	[tilespmem:s19+$0xC570] =	vst v17  }
0x1bb: {  	v58 =	vadd.s32 $0x7800, v40;
	[tilespmem:s19+$0xC970] =	vst v18  }
0x1bc: {  	v59 =	vadd.s32 $0x7C00, v40;
	v60 =	vld [tilespmem:s19+$0x60];
	[tilespmem:s19+$0xCD70] =	vst v19  }
0x1bd: {  	v17 =	vadd.s32 $0x6000, v40;
	v20 =	vld.idx.msk [tilespmem:v55+s12+$0x0], $0xffff  }
0x1be: {  	v18 =	vadd.s32 $0x6400, v40;
	v21 =	vld.idx.msk [tilespmem:v56+s12+$0x0], $0xffff  }
0x1bf: {  	v19 =	vadd.s32 $0x6800, v40;
	v22 =	vld.idx.msk [tilespmem:v57+s12+$0x0], $0xffff  }
0x1c0: {  	v23 =	vld.idx.msk [tilespmem:v58+s12+$0x0], $0xffff  }
0x1c1: {  	v24 =	vld.idx.msk [tilespmem:v59+s12+$0x0], $0xffff  }
0x1c2: {  	v17 =	vld.idx.msk [tilespmem:v17+s12+$0x0], $0xffff  }
0x1c3: {  	v18 =	vld.idx.msk [tilespmem:v18+s12+$0x0], $0xffff  }
0x1c4: {  	v19 =	vld.idx.msk [tilespmem:v19+s12+$0x0], $0xffff;
	[tilespmem:s19+$0xF170] =	vst v20  }
0x1c5: {  	[tilespmem:s19+$0xF570] =	vst v21  }
0x1c6: {  	[tilespmem:s19+$0xF970] =	vst v22  }
0x1c7: {  	[tilespmem:s19+$0xFD70] =	vst v23  }
0x1c8: {  	v61 =	vadd.s32 $0x1000, v60;
	[tilespmem:s19+$0x10170] =	vst v24  }
0x1c9: {  	v62 =	vadd.s32 $0x1400, v60;
	[tilespmem:s19+$0xE570] =	vst v17  }
0x1ca: {  	v63 =	vadd.s32 $0x1800, v60;
	[tilespmem:s19+$0xE970] =	vst v18  }
0x1cb: {  	v28 =	vadd.s32 $0x1C00, v60;
	[tilespmem:s19+$0xED70] =	vst v19  }
0x1cc: {  	v17 =	vadd.s32 $0x400, v60;
	v21 =	vld.idx.msk [tilespmem:v60+s12+$0x0], $0xffff  }
0x1cd: {  	v18 =	vadd.s32 $0x800, v60;
	v20 =	vld.idx.msk [tilespmem:v61+s12+$0x0], $0xffff  }
0x1ce: {  	v19 =	vadd.s32 $0xC00, v60;
	v22 =	vld.idx.msk [tilespmem:v62+s12+$0x0], $0xffff  }
0x1cf: {  	v23 =	vld.idx.msk [tilespmem:v63+s12+$0x0], $0xffff  }
0x1d0: {  	v24 =	vld.idx.msk [tilespmem:v28+s12+$0x0], $0xffff  }
0x1d1: {  	v17 =	vld.idx.msk [tilespmem:v17+s12+$0x0], $0xffff  }
0x1d2: {  	v18 =	vld.idx.msk [tilespmem:v18+s12+$0x0], $0xffff  }
0x1d3: {  	v19 =	vld.idx.msk [tilespmem:v19+s12+$0x0], $0xffff;
	[tilespmem:s19+$0x8580] =	vst v21  }
0x1d4: {  	[tilespmem:s19+$0x9580] =	vst v20  }
0x1d5: {  	[tilespmem:s19+$0x9980] =	vst v22  }
0x1d6: {  	v29 =	vadd.s32 $0x2C00, v60;
	[tilespmem:s19+$0x9D80] =	vst v23  }
0x1d7: {  	v30 =	vadd.s32 $0x3000, v60;
	[tilespmem:s19+$0xA180] =	vst v24  }
0x1d8: {  	v31 =	vadd.s32 $0x3400, v60;
	[tilespmem:s19+$0x8980] =	vst v17  }
0x1d9: {  	v32 =	vadd.s32 $0x3800, v60;
	[tilespmem:s19+$0x8D80] =	vst v18  }
0x1da: {  	v33 =	vadd.s32 $0x3C00, v60;
	[tilespmem:s19+$0x9180] =	vst v19  }
0x1db: {  	v17 =	vadd.s32 $0x2000, v60;
	v20 =	vld.idx.msk [tilespmem:v29+s12+$0x0], $0xffff  }
0x1dc: {  	v18 =	vadd.s32 $0x2400, v60;
	v21 =	vld.idx.msk [tilespmem:v30+s12+$0x0], $0xffff  }
0x1dd: {  	v19 =	vadd.s32 $0x2800, v60;
	v22 =	vld.idx.msk [tilespmem:v31+s12+$0x0], $0xffff  }
0x1de: {  	v23 =	vld.idx.msk [tilespmem:v32+s12+$0x0], $0xffff  }
0x1df: {  	v24 =	vld.idx.msk [tilespmem:v33+s12+$0x0], $0xffff  }
0x1e0: {  	v17 =	vld.idx.msk [tilespmem:v17+s12+$0x0], $0xffff  }
0x1e1: {  	v18 =	vld.idx.msk [tilespmem:v18+s12+$0x0], $0xffff  }
0x1e2: {  	v19 =	vld.idx.msk [tilespmem:v19+s12+$0x0], $0xffff;
	[tilespmem:s19+$0xB180] =	vst v20  }
0x1e3: {  	[tilespmem:s19+$0xB580] =	vst v21  }
0x1e4: {  	[tilespmem:s19+$0xB980] =	vst v22  }
0x1e5: {  	v34 =	vadd.s32 $0x4C00, v60;
	[tilespmem:s19+$0xBD80] =	vst v23  }
0x1e6: {  	v35 =	vadd.s32 $0x5000, v60;
	[tilespmem:s19+$0xC180] =	vst v24  }
0x1e7: {  	v36 =	vadd.s32 $0x5400, v60;
	[tilespmem:s19+$0xA580] =	vst v17  }
0x1e8: {  	v37 =	vadd.s32 $0x5800, v60;
	[tilespmem:s19+$0xA980] =	vst v18  }
0x1e9: {  	v38 =	vadd.s32 $0x5C00, v60;
	[tilespmem:s19+$0xAD80] =	vst v19  }
0x1ea: {  	v17 =	vadd.s32 $0x4000, v60;
	v20 =	vld.idx.msk [tilespmem:v34+s12+$0x0], $0xffff  }
0x1eb: {  	v18 =	vadd.s32 $0x4400, v60;
	v21 =	vld.idx.msk [tilespmem:v35+s12+$0x0], $0xffff  }
0x1ec: {  	v19 =	vadd.s32 $0x4800, v60;
	v22 =	vld.idx.msk [tilespmem:v36+s12+$0x0], $0xffff  }
0x1ed: {  	v23 =	vld.idx.msk [tilespmem:v37+s12+$0x0], $0xffff  }
0x1ee: {  	v24 =	vld.idx.msk [tilespmem:v38+s12+$0x0], $0xffff  }
0x1ef: {  	v17 =	vld.idx.msk [tilespmem:v17+s12+$0x0], $0xffff  }
0x1f0: {  	v18 =	vld.idx.msk [tilespmem:v18+s12+$0x0], $0xffff  }
0x1f1: {  	v19 =	vld.idx.msk [tilespmem:v19+s12+$0x0], $0xffff;
	[tilespmem:s19+$0xD180] =	vst v20  }
0x1f2: {  	[tilespmem:s19+$0xD580] =	vst v21  }
0x1f3: {  	[tilespmem:s19+$0xD980] =	vst v22  }
0x1f4: {  	v39 =	vadd.s32 $0x6C00, v60;
	[tilespmem:s19+$0xDD80] =	vst v23  }
0x1f5: {  	v40 =	vadd.s32 $0x7000, v60;
	[tilespmem:s19+$0xE180] =	vst v24  }
0x1f6: {  	v41 =	vadd.s32 $0x7400, v60;
	[tilespmem:s19+$0xC580] =	vst v17  }
0x1f7: {  	v42 =	vadd.s32 $0x7800, v60;
	[tilespmem:s19+$0xC980] =	vst v18  }
0x1f8: {  	v43 =	vadd.s32 $0x7C00, v60;
	v44 =	vld [tilespmem:s19+$0x70];
	[tilespmem:s19+$0xCD80] =	vst v19  }
0x1f9: {  	v17 =	vadd.s32 $0x6000, v60;
	v20 =	vld.idx.msk [tilespmem:v39+s12+$0x0], $0xffff  }
0x1fa: {  	v18 =	vadd.s32 $0x6400, v60;
	v21 =	vld.idx.msk [tilespmem:v40+s12+$0x0], $0xffff  }
0x1fb: {  	v19 =	vadd.s32 $0x6800, v60;
	v22 =	vld.idx.msk [tilespmem:v41+s12+$0x0], $0xffff  }
0x1fc: {  	v23 =	vld.idx.msk [tilespmem:v42+s12+$0x0], $0xffff  }
0x1fd: {  	v24 =	vld.idx.msk [tilespmem:v43+s12+$0x0], $0xffff  }
0x1fe: {  	v17 =	vld.idx.msk [tilespmem:v17+s12+$0x0], $0xffff  }
0x1ff: {  	v18 =	vld.idx.msk [tilespmem:v18+s12+$0x0], $0xffff  }
0x200: {  	v19 =	vld.idx.msk [tilespmem:v19+s12+$0x0], $0xffff;
	[tilespmem:s19+$0xF180] =	vst v20  }
0x201: {  	[tilespmem:s19+$0xF580] =	vst v21  }
0x202: {  	[tilespmem:s19+$0xF980] =	vst v22  }
0x203: {  	[tilespmem:s19+$0xFD80] =	vst v23  }
0x204: {  	v45 =	vadd.s32 $0x1000, v44;
	[tilespmem:s19+$0x10180] =	vst v24  }
0x205: {  	v46 =	vadd.s32 $0x1400, v44;
	[tilespmem:s19+$0xE580] =	vst v17  }
0x206: {  	v47 =	vadd.s32 $0x1800, v44;
	[tilespmem:s19+$0xE980] =	vst v18  }
0x207: {  	v48 =	vadd.s32 $0x1C00, v44;
	[tilespmem:s19+$0xED80] =	vst v19  }
0x208: {  	v17 =	vadd.s32 $0x400, v44;
	v21 =	vld.idx.msk [tilespmem:v44+s12+$0x0], $0xffff  }
0x209: {  	v18 =	vadd.s32 $0x800, v44;
	v20 =	vld.idx.msk [tilespmem:v45+s12+$0x0], $0xffff  }
0x20a: {  	v19 =	vadd.s32 $0xC00, v44;
	v22 =	vld.idx.msk [tilespmem:v46+s12+$0x0], $0xffff  }
0x20b: {  	v23 =	vld.idx.msk [tilespmem:v47+s12+$0x0], $0xffff  }
0x20c: {  	v24 =	vld.idx.msk [tilespmem:v48+s12+$0x0], $0xffff  }
0x20d: {  	v17 =	vld.idx.msk [tilespmem:v17+s12+$0x0], $0xffff  }
0x20e: {  	v18 =	vld.idx.msk [tilespmem:v18+s12+$0x0], $0xffff  }
0x20f: {  	v19 =	vld.idx.msk [tilespmem:v19+s12+$0x0], $0xffff;
	[tilespmem:s19+$0x8590] =	vst v21  }
0x210: {  	[tilespmem:s19+$0x9590] =	vst v20  }
0x211: {  	[tilespmem:s19+$0x9990] =	vst v22  }
0x212: {  	v49 =	vadd.s32 $0x2C00, v44;
	[tilespmem:s19+$0x9D90] =	vst v23  }
0x213: {  	v50 =	vadd.s32 $0x3000, v44;
	[tilespmem:s19+$0xA190] =	vst v24  }
0x214: {  	v51 =	vadd.s32 $0x3400, v44;
	[tilespmem:s19+$0x8990] =	vst v17  }
0x215: {  	v52 =	vadd.s32 $0x3800, v44;
	[tilespmem:s19+$0x8D90] =	vst v18  }
0x216: {  	v53 =	vadd.s32 $0x3C00, v44;
	[tilespmem:s19+$0x9190] =	vst v19  }
0x217: {  	v17 =	vadd.s32 $0x2000, v44;
	v20 =	vld.idx.msk [tilespmem:v49+s12+$0x0], $0xffff  }
0x218: {  	v18 =	vadd.s32 $0x2400, v44;
	v21 =	vld.idx.msk [tilespmem:v50+s12+$0x0], $0xffff  }
0x219: {  	v19 =	vadd.s32 $0x2800, v44;
	v22 =	vld.idx.msk [tilespmem:v51+s12+$0x0], $0xffff  }
0x21a: {  	v23 =	vld.idx.msk [tilespmem:v52+s12+$0x0], $0xffff  }
0x21b: {  	v24 =	vld.idx.msk [tilespmem:v53+s12+$0x0], $0xffff  }
0x21c: {  	v17 =	vld.idx.msk [tilespmem:v17+s12+$0x0], $0xffff  }
0x21d: {  	v18 =	vld.idx.msk [tilespmem:v18+s12+$0x0], $0xffff  }
0x21e: {  	v19 =	vld.idx.msk [tilespmem:v19+s12+$0x0], $0xffff;
	[tilespmem:s19+$0xB190] =	vst v20  }
0x21f: {  	[tilespmem:s19+$0xB590] =	vst v21  }
0x220: {  	[tilespmem:s19+$0xB990] =	vst v22  }
0x221: {  	v54 =	vadd.s32 $0x4C00, v44;
	[tilespmem:s19+$0xBD90] =	vst v23  }
0x222: {  	v55 =	vadd.s32 $0x5000, v44;
	[tilespmem:s19+$0xC190] =	vst v24  }
0x223: {  	v56 =	vadd.s32 $0x5400, v44;
	[tilespmem:s19+$0xA590] =	vst v17  }
0x224: {  	v57 =	vadd.s32 $0x5800, v44;
	[tilespmem:s19+$0xA990] =	vst v18  }
0x225: {  	v58 =	vadd.s32 $0x5C00, v44;
	[tilespmem:s19+$0xAD90] =	vst v19  }
0x226: {  	v17 =	vadd.s32 $0x4000, v44;
	v20 =	vld.idx.msk [tilespmem:v54+s12+$0x0], $0xffff  }
0x227: {  	v18 =	vadd.s32 $0x4400, v44;
	v21 =	vld.idx.msk [tilespmem:v55+s12+$0x0], $0xffff  }
0x228: {  	v19 =	vadd.s32 $0x4800, v44;
	v22 =	vld.idx.msk [tilespmem:v56+s12+$0x0], $0xffff  }
0x229: {  	v23 =	vld.idx.msk [tilespmem:v57+s12+$0x0], $0xffff  }
0x22a: {  	v24 =	vld.idx.msk [tilespmem:v58+s12+$0x0], $0xffff  }
0x22b: {  	v17 =	vld.idx.msk [tilespmem:v17+s12+$0x0], $0xffff  }
0x22c: {  	v18 =	vld.idx.msk [tilespmem:v18+s12+$0x0], $0xffff  }
0x22d: {  	v19 =	vld.idx.msk [tilespmem:v19+s12+$0x0], $0xffff;
	[tilespmem:s19+$0xD190] =	vst v20  }
0x22e: {  	[tilespmem:s19+$0xD590] =	vst v21  }
0x22f: {  	[tilespmem:s19+$0xD990] =	vst v22  }
0x230: {  	v59 =	vadd.s32 $0x6C00, v44;
	[tilespmem:s19+$0xDD90] =	vst v23  }
0x231: {  	v60 =	vadd.s32 $0x7000, v44;
	[tilespmem:s19+$0xE190] =	vst v24  }
0x232: {  	v61 =	vadd.s32 $0x7400, v44;
	[tilespmem:s19+$0xC590] =	vst v17  }
0x233: {  	v62 =	vadd.s32 $0x7800, v44;
	[tilespmem:s19+$0xC990] =	vst v18  }
0x234: {  	v63 =	vadd.s32 $0x7C00, v44;
	[tilespmem:s19+$0xCD90] =	vst v19  }
0x235: {  	v17 =	vadd.s32 $0x6000, v44;
	v20 =	vld.idx.msk [tilespmem:v59+s12+$0x0], $0xffff  }
0x236: {  	v18 =	vadd.s32 $0x6400, v44;
	v21 =	vld.idx.msk [tilespmem:v60+s12+$0x0], $0xffff  }
0x237: {  	v19 =	vadd.s32 $0x6800, v44;
	v22 =	vld.idx.msk [tilespmem:v61+s12+$0x0], $0xffff  }
0x238: {  	v23 =	vld.idx.msk [tilespmem:v62+s12+$0x0], $0xffff  }
0x239: {  	v24 =	vld.idx.msk [tilespmem:v63+s12+$0x0], $0xffff  }
0x23a: {  	v17 =	vld.idx.msk [tilespmem:v17+s12+$0x0], $0xffff  }
0x23b: {  	v18 =	vld.idx.msk [tilespmem:v18+s12+$0x0], $0xffff  }
0x23c: {  	v19 =	vld.idx.msk [tilespmem:v19+s12+$0x0], $0xffff;
	[tilespmem:s19+$0xF190] =	vst v20  }
0x23d: {  	[tilespmem:s19+$0xF590] =	vst v21  }
0x23e: {  	p0 =	sne.s32 s18, $0x7;
	[tilespmem:s19+$0xF990] =	vst v22  }
.Ltmp0:
0x23f: {  	[tilespmem:s19+$0xFD90] =	vst v23;
	(pc) =	sbr.rel @p0 .LBB2_2-.Ltmp0, $4  }
0x240: {  	[tilespmem:s19+$0x10190] =	vst v24  }
0x241: {  	[tilespmem:s19+$0xE590] =	vst v17  }
0x242: {  	[tilespmem:s19+$0xE990] =	vst v18  }
0x243: {  	s18 =	sadd.s32 $0x1, s18;
	[tilespmem:s19+$0xED90] =	vst v19  }
0x244: {  	s17 =	sadd.s32 $0x1, s17  }
0x245: {  	p0 =	sne.s32 s17, s7  }
.Ltmp1:
0x246: {  	_ = 	snop;
	(pc) =	sbr.rel @p0 .LBB2_1-.Ltmp1, $4  }
0x247: {  	[hbm4b:s6+s3] =	stream.linear.scatter [tilespmem:s16], [sflag:$0x2], $0x8000, $0x38;
	[tilespmem:$0x10520] =	vst v63  }
0x248: {  	_ =	swait.ge [sflag:s8], $0x8000  }
0x249: {  	[sflag:s8] =	ssyncset.done $0x0  }
0x24a: {  	[sflag:s8] =	ssyncadd.s32 $0xFFFF8000  }
0x24b: {  	_ =	sfence.sel $0x180000  }
0x24c: {  	[bflag:$0x0] =	sbarrier.arrive $0xFFFF  }
0x24d: {  	p0 =	sne.s32 s2, $0x0;
	_ =	strace $0x90000047  }
0x24e: {  	s0 =	sadd.s32 @!p0 $0x100000, s0;
	[bflag:$0x2] =	sbarrier.arrive $0xFFFF  }
0x24f: {  	[sflag:s0] =	ssyncadd.tile.s32 @!p0 $0x1;
	_ =	shalt  }
.Lfunc_end2:
_tile_overlayer_lowered:
.L_overlay_start_2:
0x250: {  	(tag) =	ssettag $0x2  }
0x251: {  	s0 =	rddreg [dreg:$0x0];
	s2 =	stileid.u32  }
0x252: {  	s1 =	rddreg [dreg:$0x1];
	p0 =	sne.s32 s2, $0x0  }
0x253: {  	s3 =	rddreg [dreg:$0x2];
	[bflag:$0x3] =	sbarrier.arrive $0xFFFF;
	s2 =	simm.s32 @!p0 $0x1C02  }
0x254: {  	[timem:s3], [sflag:s2] =	dma.local @!p0 [hbm:s0], s1  }
0x255: {  	s0 =	simm.s32 @!p0 $0x2  }
0x256: {  	_ =	swait.ge @!p0 [sflag:s0], s1  }
0x257: {  	s1 =	ssub.s32 @!p0 $0x0, s1;
	[sflag:s0] =	ssyncset.done @!p0 $0x0  }
0x258: {  	[sflag:s0] =	ssyncadd.s32 @!p0 s1  }
0x259: {  	[bflag:$0x3] =	sbarrier.arrive $0xFFFF  }
0x25a: {  	_ =	shalt  }

</sc_bundles>
